<compile_context>
chip_gen: v7x
topology: tpu7x:2x2x1
jax: 0.10.2.dev20260603
libtpu: 0.0.44.dev20260713+nightly
codegen_flags: <defaults>
</compile_context>

<pallas_src>
import functools

import jax
import jax.numpy as jnp
from jax import lax
from jax.experimental import pallas as pl
from jax.experimental.pallas import tpu as pltpu
from jax.experimental.pallas import tpu_sc as plsc

N = 50000
E = 800000
H = 64
NG = 16
N_OPS = 120

NSUB = 16
CH = 128
EPC = 128
SUB = EPC // CH
NCHB = 391
EP = NSUB * NCHB * EPC
EROWS = (EP + EPC) // CH
ACC_ROWS = 16 * 1600
ZSTRIPE = ACC_ROWS // NSUB
HALF0 = 25088
HALF1 = N - HALF0
TRASH = ACC_ROWS
DEGW = 16

@functools.lru_cache(maxsize=None)
def _sc_mesh():
    return plsc.VectorSubcoreMesh(core_axis_name="c", subcore_axis_name="s",
                                  num_cores=2, num_subcores=NSUB)


def _localize_dst(dst_v, base, half):
    for k in range(SUB):
        for j in range(CH // 16):
            d = dst_v[k, pl.ds(j * 16, 16)]
            loc = d - base
            ok = (loc >= 0) & (loc < half)
            dst_v[k, pl.ds(j * 16, 16)] = jnp.where(ok, loc, TRASH)


def _writeback(acc, out_hbm, c, s):
    @pl.when(c == 0)
    def _():
        pltpu.sync_copy(acc.at[pl.ds(s * 1568, 1568)],
                        out_hbm.at[pl.ds(s * 1568, 1568)])

    @pl.when((c == 1) & (s < 15))
    def _():
        pltpu.sync_copy(acc.at[pl.ds(s * 1560, 1560)],
                        out_hbm.at[pl.ds(HALF0 + s * 1560, 1560)])

    @pl.when((c == 1) & (s == 15))
    def _():
        pltpu.sync_copy(acc.at[pl.ds(15 * 1560, 1512)],
                        out_hbm.at[pl.ds(HALF0 + 15 * 1560, 1512)])


AEPC = 256
ANCH = 196
AEP = NSUB * ANCH * AEPC


def _sc_aggregate(y, src1d, dst1d):

    @functools.partial(
        pl.kernel, mesh=_sc_mesh(),
        out_type=jax.ShapeDtypeStruct((N, H), jnp.float32),
        compiler_params=pltpu.CompilerParams(use_tc_tiling_on_sc=False),
        scratch_types=[
            pltpu.VMEM((AEPC,), jnp.int32),
            pltpu.VMEM((AEPC,), jnp.int32),
            pltpu.VMEM((AEPC, H), jnp.float32),
            pltpu.VMEM_SHARED((TRASH + 8, H), jnp.float32),
            pltpu.SemaphoreType.DMA,
        ])
    def agg(y_hbm, src_hbm, dst_hbm, out_hbm, src_v, dst_v, rows_v, acc, sem):
        c = lax.axis_index("c")
        s = lax.axis_index("s")
        base = c * HALF0
        half = jnp.where(c == 0, HALF0, HALF1)
        zero16 = jnp.zeros((16,), jnp.float32)

        @pl.loop(0, AEPC)
        def _(r):
            for j in range(H // 16):
                rows_v[r, pl.ds(j * 16, 16)] = zero16

        for kk in range(ZSTRIPE // AEPC):
            pltpu.sync_copy(rows_v, acc.at[pl.ds(s * ZSTRIPE + kk * AEPC, AEPC)])
        _zrem = ZSTRIPE - (ZSTRIPE // AEPC) * AEPC
        if _zrem:
            pltpu.sync_copy(rows_v.at[pl.ds(0, _zrem)],
                            acc.at[pl.ds(s * ZSTRIPE + ZSTRIPE - _zrem, _zrem)])

        @pl.when(s == 0)
        def _():
            pltpu.sync_copy(rows_v.at[pl.ds(0, 8)], acc.at[pl.ds(ACC_ROWS, 8)])

        plsc.subcore_barrier()

        @pl.loop(0, ANCH)
        def _(i):
            off = (s * ANCH + i) * AEPC
            pltpu.sync_copy(src_hbm.at[pl.ds(off, AEPC)], src_v)
            pltpu.sync_copy(dst_hbm.at[pl.ds(off, AEPC)], dst_v)
            for j in range(AEPC // 16):
                d = dst_v[pl.ds(j * 16, 16)]
                loc = d - base
                ok = (loc >= 0) & (loc < half)
                dst_v[pl.ds(j * 16, 16)] = jnp.where(ok, loc, TRASH)
            pltpu.async_copy(y_hbm.at[src_v], rows_v, sem).wait()
            pltpu.sync_copy(rows_v, acc.at[dst_v], add=True)

        plsc.subcore_barrier()
        _writeback(acc, out_hbm, c, s)

    return agg(y, src1d, dst1d)


def _sc_degree(dst, ones_arr):

    @functools.partial(
        pl.kernel, mesh=_sc_mesh(),
        out_type=jax.ShapeDtypeStruct((N, DEGW), jnp.float32),
        compiler_params=pltpu.CompilerParams(use_tc_tiling_on_sc=False),
        scratch_types=[
            pltpu.VMEM((SUB, CH), jnp.int32),
            pltpu.VMEM((SUB, CH), jnp.int32),
            pltpu.VMEM((SUB, CH), jnp.int32),
            pltpu.VMEM((CH, DEGW), jnp.float32),
            pltpu.VMEM((CH, DEGW), jnp.float32),
            pltpu.VMEM_SHARED((TRASH + 8, DEGW), jnp.float32),
            pltpu.SemaphoreType.DMA,
            pltpu.SemaphoreType.DMA,
            pltpu.SemaphoreType.DMA,
            pltpu.SemaphoreType.DMA,
            pltpu.SemaphoreType.DMA,
            pltpu.SemaphoreType.DMA,
        ])
    def deg(dst_hbm, ones_hbm, out_hbm, d0, d1, d2, ones_v, zeros_v, acc,
            si0, si1, si2, ss0, ss1, ss2):
        c = lax.axis_index("c")
        s = lax.axis_index("s")
        base = c * HALF0
        half = jnp.where(c == 0, HALF0, HALF1)
        dstb, semi, sems = (d0, d1, d2), (si0, si1, si2), (ss0, ss1, ss2)
        zero16 = jnp.zeros((16,), jnp.float32)

        pltpu.sync_copy(ones_hbm, ones_v)

        @pl.loop(0, CH)
        def _(r):
            zeros_v[r, pl.ds(0, 16)] = zero16

        @pl.loop(0, ZSTRIPE // CH)
        def _(k):
            pltpu.sync_copy(zeros_v, acc.at[pl.ds(s * ZSTRIPE + k * CH, CH)])

        _zrem = ZSTRIPE - (ZSTRIPE // CH) * CH
        if _zrem:
            pltpu.sync_copy(zeros_v.at[pl.ds(0, _zrem)],
                            acc.at[pl.ds(s * ZSTRIPE + ZSTRIPE - _zrem, _zrem)])

        @pl.when(s == 0)
        def _():
            pltpu.sync_copy(zeros_v.at[pl.ds(0, 8)], acc.at[pl.ds(ACC_ROWS, 8)])

        plsc.subcore_barrier()

        def row0(cc):
            return (s * NCHB + cc) * SUB

        def issue_idx(cc, b):
            pltpu.async_copy(dst_hbm.at[pl.ds(row0(cc), SUB)], dstb[b], semi[b])

        def wait_idx(cc, b):
            pltpu.make_async_copy(dst_hbm.at[pl.ds(row0(cc), SUB)], dstb[b],
                                  semi[b]).wait()

        def issue_scatter(b):
            for k in range(SUB):
                pltpu.async_copy(ones_v, acc.at[dstb[b].at[k]], sems[b],
                                 add=True)

        def drain_scatter(b):
            for k in range(SUB):
                pltpu.make_async_copy(ones_v, acc.at[dstb[b].at[k]],
                                      sems[b]).wait()

        issue_idx(0, 0)
        wait_idx(0, 0)
        _localize_dst(dstb[0], base, half)
        issue_scatter(0)
        issue_idx(1, 1)

        @pl.loop(0, (NCHB - 1) // 3)
        def _(t):
            for k in range(3):
                cc = 3 * t + 1 + k
                b = (1 + k) % 3
                bn = (2 + k) % 3
                wait_idx(cc, b)

                @pl.when(cc >= 2)
                def _():
                    drain_scatter(bn)

                issue_idx(cc + 1, bn)
                _localize_dst(dstb[b], base, half)
                issue_scatter(b)

        drain_scatter((NCHB - 2) % 3)
        drain_scatter((NCHB - 1) % 3)
        wait_idx(NCHB, NCHB % 3)

        plsc.subcore_barrier()
        _writeback(acc, out_hbm, c, s)

    return deg(dst, ones_arr)



R = 400
NBLK = N // R

_F32 = jnp.float32


def _dot(a, b):
    return jnp.dot(a, b, preferred_element_type=_F32)


def _full(shape):
    return pl.BlockSpec(shape, lambda i: (0,) * len(shape))


def _rows(width):
    return pl.BlockSpec((R, width), lambda i: (i, 0))


def _d1(x, wp_ref, bp_ref, wl_ref):
    xp = jnp.maximum(_dot(x, wp_ref[...]) + bp_ref[...], 0.0)
    return _dot(xp, wl_ref[...])


def _d2(s_ref, d_ref, x, wr_ref, bl_ref):
    cnt = jnp.maximum(d_ref[...][:, 0:1], 1.0)
    o = s_ref[...] / cnt + bl_ref[...] + _dot(x, wr_ref[...])
    nrm = jnp.sqrt(jnp.sum(o * o, axis=1, keepdims=True))
    return o / jnp.maximum(nrm, 1e-12)


def _tc_k0(feat128, cfg, aux, W_feat, W_cfg, shape_emb, W_set,
           op_emb, W_op, bias, Wp, bp, Wl):
    def body(f_ref, c_ref, a_ref, wf_ref, wc_ref, se_ref, ws_ref, oe_ref,
             wo_ref, b_ref, wp_ref, bp_ref, wl_ref, x_ref, y_ref):
        x = _dot(f_ref[...], wf_ref[...])
        x += _dot(c_ref[...], wc_ref[...])
        Se = _dot(se_ref[...], ws_ref[...])
        Oe = _dot(oe_ref[...], wo_ref[...])
        aux_v = a_ref[...]
        sidx = aux_v[:, 0:1].astype(jnp.int32)
        oidx = aux_v[:, 1:2].astype(jnp.int32)
        oh_s = (lax.broadcasted_iota(jnp.int32, (R, 8), 1) == sidx).astype(_F32)
        x += _dot(oh_s, Se)
        oh_o = (lax.broadcasted_iota(jnp.int32, (R, N_OPS), 1) == oidx).astype(_F32)
        x += _dot(oh_o, Oe)
        x = jnp.maximum(x + b_ref[...], 0.0)
        x_ref[...] = x
        y_ref[...] = _d1(x, wp_ref, bp_ref, wl_ref)

    return pl.pallas_call(
        body,
        grid=(NBLK,),
        in_specs=[_rows(128), _rows(18), _rows(8), _full((128, 128)),
                  _full((18, 128)), _full((8, 4)), _full((4, 128)),
                  _full((N_OPS, 32)), _full((32, 128)), _full((1, 128)),
                  _full((128, 128)), _full((1, 128)), _full((128, H))],
        out_specs=(_rows(128), _rows(H)),
        out_shape=(jax.ShapeDtypeStruct((N, 128), _F32),
                   jax.ShapeDtypeStruct((N, H), _F32)),
    )(feat128, cfg, aux, W_feat, W_cfg, shape_emb, W_set, op_emb, W_op,
      bias, Wp, bp, Wl)


def _tc_fused(s, degs, x, Wr, bl, Wp, bp, Wl, ind):
    def body(s_ref, d_ref, x_ref, wr_ref, bl_ref, wp_ref, bp_ref, wl_ref,
             xn_ref, y_ref):
        xn = _d2(s_ref, d_ref, x_ref[...], wr_ref, bl_ref)
        xn_ref[...] = xn
        y_ref[...] = _d1(xn, wp_ref, bp_ref, wl_ref)

    return pl.pallas_call(
        body,
        grid=(NBLK,),
        in_specs=[_rows(H), _rows(DEGW), _rows(ind), _full((ind, H)),
                  _full((1, H)), _full((H, H)), _full((1, H)),
                  _full((H, H))],
        out_specs=(_rows(H), _rows(H)),
        out_shape=(jax.ShapeDtypeStruct((N, H), _F32),
                   jax.ShapeDtypeStruct((N, H), _F32)),
    )(s, degs, x, Wr, bl, Wp, bp, Wl)


def _tc_k3(s, degs, x, Wr, bl, aux, pp, ind):
    NEG = -3.4e38

    def body(s_ref, d_ref, x_ref, wr_ref, bl_ref, a_ref, pp_ref, o_ref,
             mx_ref, sm_ref, ct_ref):
        i = pl.program_id(0)

        @pl.when(i == 0)
        def _():
            mx_ref[...] = jnp.full((NG, H), NEG, _F32)
            sm_ref[...] = jnp.zeros((NG, H), _F32)
            ct_ref[...] = jnp.zeros((NG, 128), _F32)

        xv = _d2(s_ref, d_ref, x_ref[...], wr_ref, bl_ref)
        bidx = a_ref[...][:, 2:3].astype(jnp.int32)
        oh = (lax.broadcasted_iota(jnp.int32, (R, NG), 1) == bidx).astype(_F32)
        sm_ref[...] += lax.dot_general(oh, xv, (((0,), (0,)), ((), ())),
                                       preferred_element_type=_F32)
        ct_ref[...] += lax.dot_general(oh, jnp.ones((R, 128), _F32),
                                       (((0,), (0,)), ((), ())),
                                       preferred_element_type=_F32)
        for g in range(NG):
            m = bidx == g
            xm = jnp.where(m, xv, NEG)
            gm = jnp.max(xm, axis=0, keepdims=True)
            mx_ref[g:g + 1, :] = jnp.maximum(mx_ref[g:g + 1, :], gm)

        @pl.when(i == NBLK - 1)
        def _():
            cnt = jnp.maximum(ct_ref[...][:, 0:1], 1.0)
            xg = mx_ref[...] + sm_ref[...] / cnt
            nrm = jnp.sqrt(jnp.sum(xg * xg, axis=1, keepdims=True))
            xg = xg / nrm
            wt = pp_ref[...][0:1, 0:H]
            pb = pp_ref[...][1:2, 0:1]
            res = jnp.sum(xg * wt, axis=1, keepdims=True) + pb
            o_ref[...] = jnp.broadcast_to(res, (NG, 128))

    return pl.pallas_call(
        body,
        grid=(NBLK,),
        in_specs=[_rows(H), _rows(DEGW), _rows(ind), _full((ind, H)),
                  _full((1, H)), _rows(8), _full((8, 128))],
        out_specs=pl.BlockSpec((NG, 128), lambda i: (0, 0)),
        out_shape=jax.ShapeDtypeStruct((NG, 128), _F32),
        scratch_shapes=[pltpu.VMEM((NG, H), _F32), pltpu.VMEM((NG, H), _F32),
                        pltpu.VMEM((NG, 128), _F32)],
    )(s, degs, x, Wr, bl, aux, pp)


def kernel(node_feat, node_config_feat, node_opcode, edge_index, batch,
           op_emb, shape_emb, lin_W, lin_b,
           l0_Wp, l0_bp, l0_Wl, l0_bl, l0_Wr,
           l1_Wp, l1_bp, l1_Wl, l1_bl, l1_Wr,
           l2_Wp, l2_bp, l2_Wl, l2_bl, l2_Wr,
           post_W, post_b):
    src1d = jnp.concatenate([edge_index[0],
                             jnp.zeros((AEP - E,), jnp.int32)])
    dst1d = jnp.concatenate([edge_index[1],
                             jnp.full((AEP - E,), -1, jnp.int32)])
    npad = EP + EPC - E
    dst = jnp.concatenate([edge_index[1], jnp.full((npad,), -1, jnp.int32)])
    dst = dst.reshape(EROWS, CH)
    feat128 = node_feat[:, :128]
    aux = jnp.concatenate([
        node_feat[:, 128:129],
        node_opcode.astype(_F32)[:, None],
        batch.astype(_F32)[:, None],
        jnp.zeros((N, 5), _F32),
    ], axis=1)
    W_feat = lin_W[0:128]
    W_set = lin_W[128:132]
    W_op = lin_W[132:164]
    W_cfg = lin_W[164:182]
    bias = lin_b[None, :]
    pp = jnp.zeros((8, 128), _F32)
    pp = pp.at[0, 0:H].set(post_W[:, 0])
    pp = pp.at[1, 0].set(post_b[0])

    ones_arr = jnp.zeros((CH, DEGW), _F32).at[:, 0].set(1.0)
    degs = _sc_degree(dst, ones_arr)

    x0, y0 = _tc_k0(feat128, node_config_feat, aux, W_feat, W_cfg,
                    shape_emb, W_set, op_emb, W_op, bias,
                    l0_Wp, l0_bp[None, :], l0_Wl)
    s0 = _sc_aggregate(y0, src1d, dst1d)
    x1, y1 = _tc_fused(s0, degs, x0, l0_Wr, l0_bl[None, :],
                       l1_Wp, l1_bp[None, :], l1_Wl, 128)
    s1 = _sc_aggregate(y1, src1d, dst1d)
    x2, y2 = _tc_fused(s1, degs, x1, l1_Wr, l1_bl[None, :],
                       l2_Wp, l2_bp[None, :], l2_Wl, 64)
    s2 = _sc_aggregate(y2, src1d, dst1d)
    pooled = _tc_k3(s2, degs, x2, l2_Wr, l2_bl[None, :], aux, pp, 64)
    return pooled[:, :1]

# --- scband reference (transcript-rebuilt; emitter-appended) ---
"""Pipeline reference for scband-layout-early-join-gconv-32719060861510 (READ-ONLY COPY).

The authoritative reference and input builder live on the scoring server;
editing this copy changes nothing except your own understanding.
"""

import jax, jax.numpy as jnp
import numpy as np

N = 50000
E = 800000
NG = 16
N_OPS = 120
NODE_CONFIG_FEAT_DIM = 18
N_SHAPE_ELE_TYPES = 8
NODE_FEAT_DIM = 128
SHAPE_EMB = 4
OP_EMB = 32
H = 64
CAT_DIM = NODE_FEAT_DIM + SHAPE_EMB + OP_EMB + NODE_CONFIG_FEAT_DIM


def setup_inputs(seed: int = 0) -> dict:
    key = jax.random.key(seed)
    ks = jax.random.split(key, 40)
    feat = jax.random.normal(ks[0], (N, NODE_FEAT_DIM), dtype=jnp.float32)
    stype = jax.random.randint(ks[1], (N, 1), 0, N_SHAPE_ELE_TYPES).astype(jnp.float32)
    node_feat = jnp.concatenate([feat, stype], axis=1)
    node_config_feat = jax.random.normal(ks[2], (N, NODE_CONFIG_FEAT_DIM), dtype=jnp.float32)
    node_opcode = jax.random.randint(ks[3], (N,), 0, N_OPS)
    edge_index = jax.random.randint(ks[4], (2, E), 0, N)
    batch = jnp.sort(jax.random.randint(ks[5], (N,), 0, NG))

    def init(k, shape):
        return jax.random.normal(k, shape, dtype=jnp.float32) * 0.05

    params = {}
    params['op_emb'] = init(ks[6], (N_OPS, OP_EMB))
    params['shape_emb'] = init(ks[7], (N_SHAPE_ELE_TYPES, SHAPE_EMB))
    params['lin_W'] = init(ks[8], (CAT_DIM, 2 * H))
    params['lin_b'] = jnp.zeros((2 * H,), jnp.float32)
    dims = [2 * H, H, H]
    i = 9
    for l in range(3):
        ind = dims[l]
        params['l%d_Wp' % l] = init(ks[i], (ind, ind)); i += 1
        params['l%d_bp' % l] = jnp.zeros((ind,), jnp.float32)
        params['l%d_Wl' % l] = init(ks[i], (ind, H)); i += 1
        params['l%d_bl' % l] = jnp.zeros((H,), jnp.float32)
        params['l%d_Wr' % l] = init(ks[i], (ind, H)); i += 1
    params['post_W'] = init(ks[i], (H, 1))
    params['post_b'] = jnp.zeros((1,), jnp.float32)
    out = dict(node_feat=node_feat, node_config_feat=node_config_feat,
               node_opcode=node_opcode, edge_index=edge_index, batch=batch)
    out.update(params)
    return out


def _sage(x, src, dst, Wp, bp, Wl, bl, Wr):
    # PyG SAGEConv(project=True, normalize=True, aggr='mean')
    xp = jax.nn.relu(x @ Wp + bp)
    msgs = xp[src]
    s = jax.ops.segment_sum(msgs, dst, num_segments=N)
    cnt = jax.ops.segment_sum(jnp.ones((dst.shape[0], 1), jnp.float32), dst, num_segments=N)
    agg = s / jnp.maximum(cnt, 1.0)
    out = agg @ Wl + bl + x @ Wr
    nrm = jnp.linalg.norm(out, axis=-1, keepdims=True)
    return out / jnp.maximum(nrm, 1e-12)


def reference(node_feat, node_config_feat, node_opcode, edge_index, batch,
              op_emb, shape_emb, lin_W, lin_b,
              l0_Wp, l0_bp, l0_Wl, l0_bl, l0_Wr,
              l1_Wp, l1_bp, l1_Wl, l1_bl, l1_Wr,
              l2_Wp, l2_bp, l2_Wl, l2_bl, l2_Wr,
              post_W, post_b):
    stype_idx = node_feat[:, -1].astype(jnp.int32)
    x_set = shape_emb[stype_idx]
    x_op = op_emb[node_opcode]
    x = jnp.concatenate([node_feat[:, :-1], x_set, x_op, node_config_feat], axis=-1)
    x = jax.nn.relu(x @ lin_W + lin_b)
    src = edge_index[0]
    dst = edge_index[1]
    x = _sage(x, src, dst, l0_Wp, l0_bp, l0_Wl, l0_bl, l0_Wr)
    x = _sage(x, src, dst, l1_Wp, l1_bp, l1_Wl, l1_bl, l1_Wr)
    x = _sage(x, src, dst, l2_Wp, l2_bp, l2_Wl, l2_bl, l2_Wr)
    xmax = jax.ops.segment_max(x, batch, num_segments=NG)
    xsum = jax.ops.segment_sum(x, batch, num_segments=NG)
    cnt = jax.ops.segment_sum(jnp.ones((N, 1), jnp.float32), batch, num_segments=NG)
    xmean = xsum / jnp.maximum(cnt, 1.0)
    x_graph = xmax + xmean
    x_graph = x_graph / jnp.linalg.norm(x_graph, axis=-1, keepdims=True)
    x_graph = x_graph @ post_W + post_b
    # eval mode: output == x_graph; module returns (output, x_graph)
    return x_graph

if __name__ == "__main__":
    import jax
    _d = setup_inputs()
    print(jax.jit(kernel)(*tuple(_d.values())))

</pallas_src>

<mosaic_0001>
#map = affine_map<(d0, d1) -> (0, 0)>
#map1 = affine_map<(d0, d1) -> (0)>
module attributes {stable_mosaic.version = 14 : i64} {
  func.func @agg(%arg0: i32, %arg1: i32, %arg2: memref<50000x64xf32, #tpu.memory_space<hbm>>, %arg3: memref<802816xi32, #tpu.memory_space<hbm>>, %arg4: memref<802816xi32, #tpu.memory_space<hbm>>, %arg5: memref<50000x64xf32, #tpu.memory_space<hbm>>, %arg6: memref<256xi32, #tpu.memory_space<vmem>>, %arg7: memref<256xi32, #tpu.memory_space<vmem>>, %arg8: memref<256x64xf32, #tpu.memory_space<vmem>>, %arg9: memref<25608x64xf32, #tpu.memory_space<vmem_shared>>, %arg10: memref<!tpu.dma_semaphore, #tpu.memory_space<semaphore_mem>>) attributes {dimension_semantics = [#tpu.dimension_semantics<core_parallel>, #tpu.dimension_semantics<subcore_parallel>], iteration_bounds = array<i64: 2, 16>, scalar_prefetch = 0 : i64, scratch_operands = 5 : i64, tpu.core_type = #tpu.core_type<sc_vector_subcore>, window_params = [{transform_indices = #map}, {transform_indices = #map1}, {transform_indices = #map1}, {transform_indices = #map}]} {
    %mul3A = arith.constant 25088 : i32
    %mul3A_0 = arith.muli %arg0, %mul3A : i32
    %eq3A = arith.constant 0 : i32
    %eq3A_1 = arith.cmpi eq, %arg0, %eq3A : i32
    %jit3A = arith.constant 25088 : i32
    %jit3A_2 = arith.constant 24912 : i32
    %select_n3A = arith.select %eq3A_1, %jit3A, %jit3A_2 : i32
    %broadcast_in_dim3A = arith.constant 0.000000e+00 : f32
    %broadcast_in_dim3A_3 = vector.broadcast %broadcast_in_dim3A : f32 to vector<16xf32>
    %scan3A = arith.constant 0 : i32
    %scan3A_4 = arith.constant 256 : i32
    %scan3A_5 = arith.addi %scan3A, %scan3A_4 : i32
    %scan3A_6 = arith.constant 1 : i32
    scf.for %scan3A_64 = %scan3A to %scan3A_5 step %scan3A_6  : i32 {
      %mul3A_65 = arith.constant 1 : i32
      %mul3A_66 = arith.muli %scan3A_64, %mul3A_65 : i32
      %add3A_67 = arith.constant 0 : i32
      %add3A_68 = arith.addi %add3A_67, %mul3A_66 : i32
      %swap3A = arith.index_cast %add3A_68 : i32 to index
      %swap3A_69 = arith.constant 0 : index
      %swap3A_70 = tpu.vector_load %arg8[%swap3A, %swap3A_69] {strides = array<i32>} : memref<256x64xf32, #tpu.memory_space<vmem>>, vector<1x16xf32>,
      %swap3A_71 = vector.shape_cast %swap3A_70 : vector<1x16xf32> to vector<16xf32>
      %swap3A_72 = vector.shape_cast %broadcast_in_dim3A_3 : vector<16xf32> to vector<1x16xf32>
      tpu.vector_store %arg8[%swap3A, %swap3A_69], %swap3A_72 {strides = array<i32>} : memref<256x64xf32, #tpu.memory_space<vmem>>, vector<1x16xf32>,
      %swap3A_73 = arith.index_cast %add3A_68 : i32 to index
      %swap3A_74 = arith.constant 16 : index
      %swap3A_75 = tpu.vector_load %arg8[%swap3A_73, %swap3A_74] {strides = array<i32>} : memref<256x64xf32, #tpu.memory_space<vmem>>, vector<1x16xf32>,
      %swap3A_76 = vector.shape_cast %swap3A_75 : vector<1x16xf32> to vector<16xf32>
      %swap3A_77 = vector.shape_cast %broadcast_in_dim3A_3 : vector<16xf32> to vector<1x16xf32>
      tpu.vector_store %arg8[%swap3A_73, %swap3A_74], %swap3A_77 {strides = array<i32>} : memref<256x64xf32, #tpu.memory_space<vmem>>, vector<1x16xf32>,
      %swap3A_78 = arith.index_cast %add3A_68 : i32 to index
      %swap3A_79 = arith.constant 32 : index
      %swap3A_80 = tpu.vector_load %arg8[%swap3A_78, %swap3A_79] {strides = array<i32>} : memref<256x64xf32, #tpu.memory_space<vmem>>, vector<1x16xf32>,
      %swap3A_81 = vector.shape_cast %swap3A_80 : vector<1x16xf32> to vector<16xf32>
      %swap3A_82 = vector.shape_cast %broadcast_in_dim3A_3 : vector<16xf32> to vector<1x16xf32>
      tpu.vector_store %arg8[%swap3A_78, %swap3A_79], %swap3A_82 {strides = array<i32>} : memref<256x64xf32, #tpu.memory_space<vmem>>, vector<1x16xf32>,
      %swap3A_83 = arith.index_cast %add3A_68 : i32 to index
      %swap3A_84 = arith.constant 48 : index
      %swap3A_85 = tpu.vector_load %arg8[%swap3A_83, %swap3A_84] {strides = array<i32>} : memref<256x64xf32, #tpu.memory_space<vmem>>, vector<1x16xf32>,
      %swap3A_86 = vector.shape_cast %swap3A_85 : vector<1x16xf32> to vector<16xf32>
      %swap3A_87 = vector.shape_cast %broadcast_in_dim3A_3 : vector<16xf32> to vector<1x16xf32>
      tpu.vector_store %arg8[%swap3A_83, %swap3A_84], %swap3A_87 {strides = array<i32>} : memref<256x64xf32, #tpu.memory_space<vmem>>, vector<1x16xf32>,
    }
    %scan3A_7 = arith.constant 256 : i32
    %mul3A_8 = arith.constant 1600 : i32
    %mul3A_9 = arith.muli %arg1, %mul3A_8 : i32
    %add3A = arith.constant 0 : i32
    %add3A_10 = arith.addi %mul3A_9, %add3A : i32
    "tpu.region"() ({
      %run_scoped3A = tpu.sem_alloc : memref<!tpu.dma_semaphore, #tpu.memory_space<semaphore_mem>>
      %dma_start3A = arith.constant 0 : i32
      %dma_start3A_64 = tpu.memref_slice %arg9[%add3A_10, %dma_start3A] : memref<25608x64xf32, #tpu.memory_space<vmem_shared>> -> memref<256x64xf32, #tpu.memory_space<vmem_shared>>
      %dma_start3A_65 = arith.constant 0 : i32
      %dma_start3A_66 = tpu.memref_slice %arg9[%add3A_10, %dma_start3A_65] : memref<25608x64xf32, #tpu.memory_space<vmem_shared>> -> memref<256x64xf32, #tpu.memory_space<vmem_shared>>
      tpu.enqueue_dma source(%arg8 : memref<256x64xf32, #tpu.memory_space<vmem>>) target(%dma_start3A_66 : memref<256x64xf32, #tpu.memory_space<vmem_shared>>) target_semaphore(%run_scoped3A : memref<!tpu.dma_semaphore, #tpu.memory_space<semaphore_mem>>)
      %dma_wait3A = arith.constant 0 : i32
      %dma_wait3A_67 = tpu.memref_slice %arg9[%add3A_10, %dma_wait3A] : memref<25608x64xf32, #tpu.memory_space<vmem_shared>> -> memref<256x64xf32, #tpu.memory_space<vmem_shared>>
      %dma_wait3A_68 = arith.constant 0 : i32
      %dma_wait3A_69 = tpu.memref_slice %arg9[%add3A_10, %dma_wait3A_68] : memref<25608x64xf32, #tpu.memory_space<vmem_shared>> -> memref<256x64xf32, #tpu.memory_space<vmem_shared>>
      tpu.wait_dma2 semaphore(%run_scoped3A : memref<!tpu.dma_semaphore, #tpu.memory_space<semaphore_mem>>) src(%arg8 : memref<256x64xf32, #tpu.memory_space<vmem>>) dst(%dma_wait3A_69 : memref<256x64xf32, #tpu.memory_space<vmem_shared>>)
      tpu.yield
    }) : () -> ()
    %mul3A_11 = arith.constant 1600 : i32
    %mul3A_12 = arith.muli %arg1, %mul3A_11 : i32
    %add3A_13 = arith.constant 256 : i32
    %add3A_14 = arith.addi %mul3A_12, %add3A_13 : i32
    "tpu.region"() ({
      %run_scoped3A = tpu.sem_alloc : memref<!tpu.dma_semaphore, #tpu.memory_space<semaphore_mem>>
      %dma_start3A = arith.constant 0 : i32
      %dma_start3A_64 = tpu.memref_slice %arg9[%add3A_14, %dma_start3A] : memref<25608x64xf32, #tpu.memory_space<vmem_shared>> -> memref<256x64xf32, #tpu.memory_space<vmem_shared>>
      %dma_start3A_65 = arith.constant 0 : i32
      %dma_start3A_66 = tpu.memref_slice %arg9[%add3A_14, %dma_start3A_65] : memref<25608x64xf32, #tpu.memory_space<vmem_shared>> -> memref<256x64xf32, #tpu.memory_space<vmem_shared>>
      tpu.enqueue_dma source(%arg8 : memref<256x64xf32, #tpu.memory_space<vmem>>) target(%dma_start3A_66 : memref<256x64xf32, #tpu.memory_space<vmem_shared>>) target_semaphore(%run_scoped3A : memref<!tpu.dma_semaphore, #tpu.memory_space<semaphore_mem>>)
      %dma_wait3A = arith.constant 0 : i32
      %dma_wait3A_67 = tpu.memref_slice %arg9[%add3A_14, %dma_wait3A] : memref<25608x64xf32, #tpu.memory_space<vmem_shared>> -> memref<256x64xf32, #tpu.memory_space<vmem_shared>>
      %dma_wait3A_68 = arith.constant 0 : i32
      %dma_wait3A_69 = tpu.memref_slice %arg9[%add3A_14, %dma_wait3A_68] : memref<25608x64xf32, #tpu.memory_space<vmem_shared>> -> memref<256x64xf32, #tpu.memory_space<vmem_shared>>
      tpu.wait_dma2 semaphore(%run_scoped3A : memref<!tpu.dma_semaphore, #tpu.memory_space<semaphore_mem>>) src(%arg8 : memref<256x64xf32, #tpu.memory_space<vmem>>) dst(%dma_wait3A_69 : memref<256x64xf32, #tpu.memory_space<vmem_shared>>)
      tpu.yield
    }) : () -> ()
    %mul3A_15 = arith.constant 1600 : i32
    %mul3A_16 = arith.muli %arg1, %mul3A_15 : i32
    %add3A_17 = arith.constant 512 : i32
    %add3A_18 = arith.addi %mul3A_16, %add3A_17 : i32
    "tpu.region"() ({
      %run_scoped3A = tpu.sem_alloc : memref<!tpu.dma_semaphore, #tpu.memory_space<semaphore_mem>>
      %dma_start3A = arith.constant 0 : i32
      %dma_start3A_64 = tpu.memref_slice %arg9[%add3A_18, %dma_start3A] : memref<25608x64xf32, #tpu.memory_space<vmem_shared>> -> memref<256x64xf32, #tpu.memory_space<vmem_shared>>
      %dma_start3A_65 = arith.constant 0 : i32
      %dma_start3A_66 = tpu.memref_slice %arg9[%add3A_18, %dma_start3A_65] : memref<25608x64xf32, #tpu.memory_space<vmem_shared>> -> memref<256x64xf32, #tpu.memory_space<vmem_shared>>
      tpu.enqueue_dma source(%arg8 : memref<256x64xf32, #tpu.memory_space<vmem>>) target(%dma_start3A_66 : memref<256x64xf32, #tpu.memory_space<vmem_shared>>) target_semaphore(%run_scoped3A : memref<!tpu.dma_semaphore, #tpu.memory_space<semaphore_mem>>)
      %dma_wait3A = arith.constant 0 : i32
      %dma_wait3A_67 = tpu.memref_slice %arg9[%add3A_18, %dma_wait3A] : memref<25608x64xf32, #tpu.memory_space<vmem_shared>> -> memref<256x64xf32, #tpu.memory_space<vmem_shared>>
      %dma_wait3A_68 = arith.constant 0 : i32
      %dma_wait3A_69 = tpu.memref_slice %arg9[%add3A_18, %dma_wait3A_68] : memref<25608x64xf32, #tpu.memory_space<vmem_shared>> -> memref<256x64xf32, #tpu.memory_space<vmem_shared>>
      tpu.wait_dma2 semaphore(%run_scoped3A : memref<!tpu.dma_semaphore, #tpu.memory_space<semaphore_mem>>) src(%arg8 : memref<256x64xf32, #tpu.memory_space<vmem>>) dst(%dma_wait3A_69 : memref<256x64xf32, #tpu.memory_space<vmem_shared>>)
      tpu.yield
    }) : () -> ()
    %mul3A_19 = arith.constant 1600 : i32
    %mul3A_20 = arith.muli %arg1, %mul3A_19 : i32
    %add3A_21 = arith.constant 768 : i32
    %add3A_22 = arith.addi %mul3A_20, %add3A_21 : i32
    "tpu.region"() ({
      %run_scoped3A = tpu.sem_alloc : memref<!tpu.dma_semaphore, #tpu.memory_space<semaphore_mem>>
      %dma_start3A = arith.constant 0 : i32
      %dma_start3A_64 = tpu.memref_slice %arg9[%add3A_22, %dma_start3A] : memref<25608x64xf32, #tpu.memory_space<vmem_shared>> -> memref<256x64xf32, #tpu.memory_space<vmem_shared>>
      %dma_start3A_65 = arith.constant 0 : i32
      %dma_start3A_66 = tpu.memref_slice %arg9[%add3A_22, %dma_start3A_65] : memref<25608x64xf32, #tpu.memory_space<vmem_shared>> -> memref<256x64xf32, #tpu.memory_space<vmem_shared>>
      tpu.enqueue_dma source(%arg8 : memref<256x64xf32, #tpu.memory_space<vmem>>) target(%dma_start3A_66 : memref<256x64xf32, #tpu.memory_space<vmem_shared>>) target_semaphore(%run_scoped3A : memref<!tpu.dma_semaphore, #tpu.memory_space<semaphore_mem>>)
      %dma_wait3A = arith.constant 0 : i32
      %dma_wait3A_67 = tpu.memref_slice %arg9[%add3A_22, %dma_wait3A] : memref<25608x64xf32, #tpu.memory_space<vmem_shared>> -> memref<256x64xf32, #tpu.memory_space<vmem_shared>>
      %dma_wait3A_68 = arith.constant 0 : i32
      %dma_wait3A_69 = tpu.memref_slice %arg9[%add3A_22, %dma_wait3A_68] : memref<25608x64xf32, #tpu.memory_space<vmem_shared>> -> memref<256x64xf32, #tpu.memory_space<vmem_shared>>
      tpu.wait_dma2 semaphore(%run_scoped3A : memref<!tpu.dma_semaphore, #tpu.memory_space<semaphore_mem>>) src(%arg8 : memref<256x64xf32, #tpu.memory_space<vmem>>) dst(%dma_wait3A_69 : memref<256x64xf32, #tpu.memory_space<vmem_shared>>)
      tpu.yield
    }) : () -> ()
    %mul3A_23 = arith.constant 1600 : i32
    %mul3A_24 = arith.muli %arg1, %mul3A_23 : i32
    %add3A_25 = arith.constant 1024 : i32
    %add3A_26 = arith.addi %mul3A_24, %add3A_25 : i32
    "tpu.region"() ({
      %run_scoped3A = tpu.sem_alloc : memref<!tpu.dma_semaphore, #tpu.memory_space<semaphore_mem>>
      %dma_start3A = arith.constant 0 : i32
      %dma_start3A_64 = tpu.memref_slice %arg9[%add3A_26, %dma_start3A] : memref<25608x64xf32, #tpu.memory_space<vmem_shared>> -> memref<256x64xf32, #tpu.memory_space<vmem_shared>>
      %dma_start3A_65 = arith.constant 0 : i32
      %dma_start3A_66 = tpu.memref_slice %arg9[%add3A_26, %dma_start3A_65] : memref<25608x64xf32, #tpu.memory_space<vmem_shared>> -> memref<256x64xf32, #tpu.memory_space<vmem_shared>>
      tpu.enqueue_dma source(%arg8 : memref<256x64xf32, #tpu.memory_space<vmem>>) target(%dma_start3A_66 : memref<256x64xf32, #tpu.memory_space<vmem_shared>>) target_semaphore(%run_scoped3A : memref<!tpu.dma_semaphore, #tpu.memory_space<semaphore_mem>>)
      %dma_wait3A = arith.constant 0 : i32
      %dma_wait3A_67 = tpu.memref_slice %arg9[%add3A_26, %dma_wait3A] : memref<25608x64xf32, #tpu.memory_space<vmem_shared>> -> memref<256x64xf32, #tpu.memory_space<vmem_shared>>
      %dma_wait3A_68 = arith.constant 0 : i32
      %dma_wait3A_69 = tpu.memref_slice %arg9[%add3A_26, %dma_wait3A_68] : memref<25608x64xf32, #tpu.memory_space<vmem_shared>> -> memref<256x64xf32, #tpu.memory_space<vmem_shared>>
      tpu.wait_dma2 semaphore(%run_scoped3A : memref<!tpu.dma_semaphore, #tpu.memory_space<semaphore_mem>>) src(%arg8 : memref<256x64xf32, #tpu.memory_space<vmem>>) dst(%dma_wait3A_69 : memref<256x64xf32, #tpu.memory_space<vmem_shared>>)
      tpu.yield
    }) : () -> ()
    %mul3A_27 = arith.constant 1600 : i32
    %mul3A_28 = arith.muli %arg1, %mul3A_27 : i32
    %add3A_29 = arith.constant 1280 : i32
    %add3A_30 = arith.addi %mul3A_28, %add3A_29 : i32
    "tpu.region"() ({
      %run_scoped3A = tpu.sem_alloc : memref<!tpu.dma_semaphore, #tpu.memory_space<semaphore_mem>>
      %dma_start3A = arith.constant 0 : i32
      %dma_start3A_64 = tpu.memref_slice %arg9[%add3A_30, %dma_start3A] : memref<25608x64xf32, #tpu.memory_space<vmem_shared>> -> memref<256x64xf32, #tpu.memory_space<vmem_shared>>
      %dma_start3A_65 = arith.constant 0 : i32
      %dma_start3A_66 = tpu.memref_slice %arg9[%add3A_30, %dma_start3A_65] : memref<25608x64xf32, #tpu.memory_space<vmem_shared>> -> memref<256x64xf32, #tpu.memory_space<vmem_shared>>
      tpu.enqueue_dma source(%arg8 : memref<256x64xf32, #tpu.memory_space<vmem>>) target(%dma_start3A_66 : memref<256x64xf32, #tpu.memory_space<vmem_shared>>) target_semaphore(%run_scoped3A : memref<!tpu.dma_semaphore, #tpu.memory_space<semaphore_mem>>)
      %dma_wait3A = arith.constant 0 : i32
      %dma_wait3A_67 = tpu.memref_slice %arg9[%add3A_30, %dma_wait3A] : memref<25608x64xf32, #tpu.memory_space<vmem_shared>> -> memref<256x64xf32, #tpu.memory_space<vmem_shared>>
      %dma_wait3A_68 = arith.constant 0 : i32
      %dma_wait3A_69 = tpu.memref_slice %arg9[%add3A_30, %dma_wait3A_68] : memref<25608x64xf32, #tpu.memory_space<vmem_shared>> -> memref<256x64xf32, #tpu.memory_space<vmem_shared>>
      tpu.wait_dma2 semaphore(%run_scoped3A : memref<!tpu.dma_semaphore, #tpu.memory_space<semaphore_mem>>) src(%arg8 : memref<256x64xf32, #tpu.memory_space<vmem>>) dst(%dma_wait3A_69 : memref<256x64xf32, #tpu.memory_space<vmem_shared>>)
      tpu.yield
    }) : () -> ()
    %mul3A_31 = arith.constant 1600 : i32
    %mul3A_32 = arith.muli %arg1, %mul3A_31 : i32
    %add3A_33 = arith.constant 1600 : i32
    %add3A_34 = arith.addi %mul3A_32, %add3A_33 : i32
    %sub3A = arith.constant 64 : i32
    %sub3A_35 = arith.subi %add3A_34, %sub3A : i32
    "tpu.region"() ({
      %run_scoped3A = tpu.sem_alloc : memref<!tpu.dma_semaphore, #tpu.memory_space<semaphore_mem>>
      %dma_start3A = arith.constant 0 : i32
      %dma_start3A_64 = arith.constant 0 : i32
      %dma_start3A_65 = tpu.memref_slice %arg8[%dma_start3A, %dma_start3A_64] : memref<256x64xf32, #tpu.memory_space<vmem>> -> memref<64x64xf32, #tpu.memory_space<vmem>>
      %dma_start3A_66 = arith.constant 0 : i32
      %dma_start3A_67 = tpu.memref_slice %arg9[%sub3A_35, %dma_start3A_66] : memref<25608x64xf32, #tpu.memory_space<vmem_shared>> -> memref<64x64xf32, #tpu.memory_space<vmem_shared>>
      %dma_start3A_68 = arith.constant 0 : i32
      %dma_start3A_69 = tpu.memref_slice %arg9[%sub3A_35, %dma_start3A_68] : memref<25608x64xf32, #tpu.memory_space<vmem_shared>> -> memref<64x64xf32, #tpu.memory_space<vmem_shared>>
      %dma_start3A_70 = arith.constant 0 : i32
      %dma_start3A_71 = arith.constant 0 : i32
      %dma_start3A_72 = tpu.memref_slice %arg8[%dma_start3A_70, %dma_start3A_71] : memref<256x64xf32, #tpu.memory_space<vmem>> -> memref<64x64xf32, #tpu.memory_space<vmem>>
      tpu.enqueue_dma source(%dma_start3A_72 : memref<64x64xf32, #tpu.memory_space<vmem>>) target(%dma_start3A_69 : memref<64x64xf32, #tpu.memory_space<vmem_shared>>) target_semaphore(%run_scoped3A : memref<!tpu.dma_semaphore, #tpu.memory_space<semaphore_mem>>)
      %dma_wait3A = arith.constant 0 : i32
      %dma_wait3A_73 = arith.constant 0 : i32
      %dma_wait3A_74 = tpu.memref_slice %arg8[%dma_wait3A, %dma_wait3A_73] : memref<256x64xf32, #tpu.memory_space<vmem>> -> memref<64x64xf32, #tpu.memory_space<vmem>>
      %dma_wait3A_75 = arith.constant 0 : i32
      %dma_wait3A_76 = tpu.memref_slice %arg9[%sub3A_35, %dma_wait3A_75] : memref<25608x64xf32, #tpu.memory_space<vmem_shared>> -> memref<64x64xf32, #tpu.memory_space<vmem_shared>>
      %dma_wait3A_77 = arith.constant 0 : i32
      %dma_wait3A_78 = tpu.memref_slice %arg9[%sub3A_35, %dma_wait3A_77] : memref<25608x64xf32, #tpu.memory_space<vmem_shared>> -> memref<64x64xf32, #tpu.memory_space<vmem_shared>>
      %dma_wait3A_79 = arith.constant 0 : i32
      %dma_wait3A_80 = arith.constant 0 : i32
      %dma_wait3A_81 = tpu.memref_slice %arg8[%dma_wait3A_79, %dma_wait3A_80] : memref<256x64xf32, #tpu.memory_space<vmem>> -> memref<64x64xf32, #tpu.memory_space<vmem>>
      tpu.wait_dma2 semaphore(%run_scoped3A : memref<!tpu.dma_semaphore, #tpu.memory_space<semaphore_mem>>) src(%dma_wait3A_81 : memref<64x64xf32, #tpu.memory_space<vmem>>) dst(%dma_wait3A_78 : memref<64x64xf32, #tpu.memory_space<vmem_shared>>)
      tpu.yield
    }) : () -> ()
    %eq3A_36 = arith.constant 0 : i32
    %eq3A_37 = arith.cmpi eq, %arg1, %eq3A_36 : i32
    %convert_element_type3A = arith.extui %eq3A_37 : i1 to i32
    %cond3A = arith.constant 0 : i32
    %cond3A_38 = arith.cmpi ne, %convert_element_type3A, %cond3A : i32
    scf.if %cond3A_38 {
      "tpu.region"() ({
        %run_scoped3A = tpu.sem_alloc : memref<!tpu.dma_semaphore, #tpu.memory_space<semaphore_mem>>
        %dma_start3A = arith.constant 0 : i32
        %dma_start3A_64 = arith.constant 0 : i32
        %dma_start3A_65 = tpu.memref_slice %arg8[%dma_start3A, %dma_start3A_64] : memref<256x64xf32, #tpu.memory_space<vmem>> -> memref<8x64xf32, #tpu.memory_space<vmem>>
        %dma_start3A_66 = arith.constant 25600 : i32
        %dma_start3A_67 = arith.constant 0 : i32
        %dma_start3A_68 = tpu.memref_slice %arg9[%dma_start3A_66, %dma_start3A_67] : memref<25608x64xf32, #tpu.memory_space<vmem_shared>> -> memref<8x64xf32, #tpu.memory_space<vmem_shared>>
        %dma_start3A_69 = arith.constant 25600 : i32
        %dma_start3A_70 = arith.constant 0 : i32
        %dma_start3A_71 = tpu.memref_slice %arg9[%dma_start3A_69, %dma_start3A_70] : memref<25608x64xf32, #tpu.memory_space<vmem_shared>> -> memref<8x64xf32, #tpu.memory_space<vmem_shared>>
        %dma_start3A_72 = arith.constant 0 : i32
        %dma_start3A_73 = arith.constant 0 : i32
        %dma_start3A_74 = tpu.memref_slice %arg8[%dma_start3A_72, %dma_start3A_73] : memref<256x64xf32, #tpu.memory_space<vmem>> -> memref<8x64xf32, #tpu.memory_space<vmem>>
        tpu.enqueue_dma source(%dma_start3A_74 : memref<8x64xf32, #tpu.memory_space<vmem>>) target(%dma_start3A_71 : memref<8x64xf32, #tpu.memory_space<vmem_shared>>) target_semaphore(%run_scoped3A : memref<!tpu.dma_semaphore, #tpu.memory_space<semaphore_mem>>)
        %dma_wait3A = arith.constant 0 : i32
        %dma_wait3A_75 = arith.constant 0 : i32
        %dma_wait3A_76 = tpu.memref_slice %arg8[%dma_wait3A, %dma_wait3A_75] : memref<256x64xf32, #tpu.memory_space<vmem>> -> memref<8x64xf32, #tpu.memory_space<vmem>>
        %dma_wait3A_77 = arith.constant 25600 : i32
        %dma_wait3A_78 = arith.constant 0 : i32
        %dma_wait3A_79 = tpu.memref_slice %arg9[%dma_wait3A_77, %dma_wait3A_78] : memref<25608x64xf32, #tpu.memory_space<vmem_shared>> -> memref<8x64xf32, #tpu.memory_space<vmem_shared>>
        %dma_wait3A_80 = arith.constant 25600 : i32
        %dma_wait3A_81 = arith.constant 0 : i32
        %dma_wait3A_82 = tpu.memref_slice %arg9[%dma_wait3A_80, %dma_wait3A_81] : memref<25608x64xf32, #tpu.memory_space<vmem_shared>> -> memref<8x64xf32, #tpu.memory_space<vmem_shared>>
        %dma_wait3A_83 = arith.constant 0 : i32
        %dma_wait3A_84 = arith.constant 0 : i32
        %dma_wait3A_85 = tpu.memref_slice %arg8[%dma_wait3A_83, %dma_wait3A_84] : memref<256x64xf32, #tpu.memory_space<vmem>> -> memref<8x64xf32, #tpu.memory_space<vmem>>
        tpu.wait_dma2 semaphore(%run_scoped3A : memref<!tpu.dma_semaphore, #tpu.memory_space<semaphore_mem>>) src(%dma_wait3A_85 : memref<8x64xf32, #tpu.memory_space<vmem>>) dst(%dma_wait3A_82 : memref<8x64xf32, #tpu.memory_space<vmem_shared>>)
        tpu.yield
      }) : () -> ()
    } else {
    }
    %barrier3A = arith.constant 0 : index
    tpu.barrier barrier_id(%barrier3A)
    %scan3A_39 = arith.constant 0 : i32
    %scan3A_40 = arith.constant 196 : i32
    %scan3A_41 = arith.addi %scan3A_39, %scan3A_40 : i32
    %scan3A_42 = arith.constant 1 : i32
    scf.for %scan3A_64 = %scan3A_39 to %scan3A_41 step %scan3A_42  : i32 {
      %mul3A_65 = arith.constant 1 : i32
      %mul3A_66 = arith.muli %scan3A_64, %mul3A_65 : i32
      %add3A_67 = arith.constant 0 : i32
      %add3A_68 = arith.addi %add3A_67, %mul3A_66 : i32
      %mul3A_69 = arith.constant 196 : i32
      %mul3A_70 = arith.muli %arg1, %mul3A_69 : i32
      %add3A_71 = arith.addi %mul3A_70, %add3A_68 : i32
      %mul3A_72 = arith.constant 256 : i32
      %mul3A_73 = arith.muli %add3A_71, %mul3A_72 : i32
      "tpu.region"() ({
        %run_scoped3A = tpu.sem_alloc : memref<!tpu.dma_semaphore, #tpu.memory_space<semaphore_mem>>
        %dma_start3A_363 = tpu.memref_slice %arg3[%mul3A_73] : memref<802816xi32, #tpu.memory_space<hbm>> -> memref<256xi32, #tpu.memory_space<hbm>>
        %dma_start3A_364 = tpu.memref_slice %arg3[%mul3A_73] : memref<802816xi32, #tpu.memory_space<hbm>> -> memref<256xi32, #tpu.memory_space<hbm>>
        tpu.enqueue_dma source(%dma_start3A_364 : memref<256xi32, #tpu.memory_space<hbm>>) target(%arg6 : memref<256xi32, #tpu.memory_space<vmem>>) target_semaphore(%run_scoped3A : memref<!tpu.dma_semaphore, #tpu.memory_space<semaphore_mem>>)
        %dma_wait3A_365 = tpu.memref_slice %arg3[%mul3A_73] : memref<802816xi32, #tpu.memory_space<hbm>> -> memref<256xi32, #tpu.memory_space<hbm>>
        %dma_wait3A_366 = tpu.memref_slice %arg3[%mul3A_73] : memref<802816xi32, #tpu.memory_space<hbm>> -> memref<256xi32, #tpu.memory_space<hbm>>
        tpu.wait_dma2 semaphore(%run_scoped3A : memref<!tpu.dma_semaphore, #tpu.memory_space<semaphore_mem>>) src(%dma_wait3A_366 : memref<256xi32, #tpu.memory_space<hbm>>) dst(%arg6 : memref<256xi32, #tpu.memory_space<vmem>>)
        tpu.yield
      }) : () -> ()
      "tpu.region"() ({
        %run_scoped3A = tpu.sem_alloc : memref<!tpu.dma_semaphore, #tpu.memory_space<semaphore_mem>>
        %dma_start3A_363 = tpu.memref_slice %arg4[%mul3A_73] : memref<802816xi32, #tpu.memory_space<hbm>> -> memref<256xi32, #tpu.memory_space<hbm>>
        %dma_start3A_364 = tpu.memref_slice %arg4[%mul3A_73] : memref<802816xi32, #tpu.memory_space<hbm>> -> memref<256xi32, #tpu.memory_space<hbm>>
        tpu.enqueue_dma source(%dma_start3A_364 : memref<256xi32, #tpu.memory_space<hbm>>) target(%arg7 : memref<256xi32, #tpu.memory_space<vmem>>) target_semaphore(%run_scoped3A : memref<!tpu.dma_semaphore, #tpu.memory_space<semaphore_mem>>)
        %dma_wait3A_365 = tpu.memref_slice %arg4[%mul3A_73] : memref<802816xi32, #tpu.memory_space<hbm>> -> memref<256xi32, #tpu.memory_space<hbm>>
        %dma_wait3A_366 = tpu.memref_slice %arg4[%mul3A_73] : memref<802816xi32, #tpu.memory_space<hbm>> -> memref<256xi32, #tpu.memory_space<hbm>>
        tpu.wait_dma2 semaphore(%run_scoped3A : memref<!tpu.dma_semaphore, #tpu.memory_space<semaphore_mem>>) src(%dma_wait3A_366 : memref<256xi32, #tpu.memory_space<hbm>>) dst(%arg7 : memref<256xi32, #tpu.memory_space<vmem>>)
        tpu.yield
      }) : () -> ()
      %get3A = arith.constant 0 : index
      %get3A_74 = tpu.vector_load %arg7[%get3A] {strides = array<i32>} : memref<256xi32, #tpu.memory_space<vmem>>, vector<16xi32>,
      %get3A_75 = vector.shape_cast %get3A_74 : vector<16xi32> to vector<16xi32>
      %sub3A_76 = vector.broadcast %mul3A_0 : i32 to vector<16xi32>
      %sub3A_77 = arith.subi %get3A_75, %sub3A_76 : vector<16xi32>
      %ge3A = arith.constant 0 : i32
      %ge3A_78 = vector.broadcast %ge3A : i32 to vector<16xi32>
      %ge3A_79 = arith.cmpi sge, %sub3A_77, %ge3A_78 : vector<16xi32>
      %lt3A_80 = vector.broadcast %select_n3A : i32 to vector<16xi32>
      %lt3A_81 = arith.cmpi slt, %sub3A_77, %lt3A_80 : vector<16xi32>
      %and3A_82 = arith.andi %ge3A_79, %lt3A_81 : vector<16xi1>
      %jit3A_83 = arith.constant 25600 : i32
      %broadcast_in_dim3A_84 = vector.broadcast %jit3A_83 : i32 to vector<16xi32>
      %select_n3A_85 = arith.select %and3A_82, %sub3A_77, %broadcast_in_dim3A_84 : vector<16xi1>, vector<16xi32>
      %swap3A = arith.constant 0 : index
      %swap3A_86 = tpu.vector_load %arg7[%swap3A] {strides = array<i32>} : memref<256xi32, #tpu.memory_space<vmem>>, vector<16xi32>,
      %swap3A_87 = vector.shape_cast %swap3A_86 : vector<16xi32> to vector<16xi32>
      %swap3A_88 = vector.shape_cast %select_n3A_85 : vector<16xi32> to vector<16xi32>
      tpu.vector_store %arg7[%swap3A], %swap3A_88 {strides = array<i32>} : memref<256xi32, #tpu.memory_space<vmem>>, vector<16xi32>,
      %get3A_89 = arith.constant 16 : index
      %get3A_90 = tpu.vector_load %arg7[%get3A_89] {strides = array<i32>} : memref<256xi32, #tpu.memory_space<vmem>>, vector<16xi32>,
      %get3A_91 = vector.shape_cast %get3A_90 : vector<16xi32> to vector<16xi32>
      %sub3A_92 = vector.broadcast %mul3A_0 : i32 to vector<16xi32>
      %sub3A_93 = arith.subi %get3A_91, %sub3A_92 : vector<16xi32>
      %ge3A_94 = arith.constant 0 : i32
      %ge3A_95 = vector.broadcast %ge3A_94 : i32 to vector<16xi32>
      %ge3A_96 = arith.cmpi sge, %sub3A_93, %ge3A_95 : vector<16xi32>
      %lt3A_97 = vector.broadcast %select_n3A : i32 to vector<16xi32>
      %lt3A_98 = arith.cmpi slt, %sub3A_93, %lt3A_97 : vector<16xi32>
      %and3A_99 = arith.andi %ge3A_96, %lt3A_98 : vector<16xi1>
      %jit3A_100 = arith.constant 25600 : i32
      %broadcast_in_dim3A_101 = vector.broadcast %jit3A_100 : i32 to vector<16xi32>
      %select_n3A_102 = arith.select %and3A_99, %sub3A_93, %broadcast_in_dim3A_101 : vector<16xi1>, vector<16xi32>
      %swap3A_103 = arith.constant 16 : index
      %swap3A_104 = tpu.vector_load %arg7[%swap3A_103] {strides = array<i32>} : memref<256xi32, #tpu.memory_space<vmem>>, vector<16xi32>,
      %swap3A_105 = vector.shape_cast %swap3A_104 : vector<16xi32> to vector<16xi32>
      %swap3A_106 = vector.shape_cast %select_n3A_102 : vector<16xi32> to vector<16xi32>
      tpu.vector_store %arg7[%swap3A_103], %swap3A_106 {strides = array<i32>} : memref<256xi32, #tpu.memory_space<vmem>>, vector<16xi32>,
      %get3A_107 = arith.constant 32 : index
      %get3A_108 = tpu.vector_load %arg7[%get3A_107] {strides = array<i32>} : memref<256xi32, #tpu.memory_space<vmem>>, vector<16xi32>,
      %get3A_109 = vector.shape_cast %get3A_108 : vector<16xi32> to vector<16xi32>
      %sub3A_110 = vector.broadcast %mul3A_0 : i32 to vector<16xi32>
      %sub3A_111 = arith.subi %get3A_109, %sub3A_110 : vector<16xi32>
      %ge3A_112 = arith.constant 0 : i32
      %ge3A_113 = vector.broadcast %ge3A_112 : i32 to vector<16xi32>
      %ge3A_114 = arith.cmpi sge, %sub3A_111, %ge3A_113 : vector<16xi32>
      %lt3A_115 = vector.broadcast %select_n3A : i32 to vector<16xi32>
      %lt3A_116 = arith.cmpi slt, %sub3A_111, %lt3A_115 : vector<16xi32>
      %and3A_117 = arith.andi %ge3A_114, %lt3A_116 : vector<16xi1>
      %jit3A_118 = arith.constant 25600 : i32
      %broadcast_in_dim3A_119 = vector.broadcast %jit3A_118 : i32 to vector<16xi32>
      %select_n3A_120 = arith.select %and3A_117, %sub3A_111, %broadcast_in_dim3A_119 : vector<16xi1>, vector<16xi32>
      %swap3A_121 = arith.constant 32 : index
      %swap3A_122 = tpu.vector_load %arg7[%swap3A_121] {strides = array<i32>} : memref<256xi32, #tpu.memory_space<vmem>>, vector<16xi32>,
      %swap3A_123 = vector.shape_cast %swap3A_122 : vector<16xi32> to vector<16xi32>
      %swap3A_124 = vector.shape_cast %select_n3A_120 : vector<16xi32> to vector<16xi32>
      tpu.vector_store %arg7[%swap3A_121], %swap3A_124 {strides = array<i32>} : memref<256xi32, #tpu.memory_space<vmem>>, vector<16xi32>,
      %get3A_125 = arith.constant 48 : index
      %get3A_126 = tpu.vector_load %arg7[%get3A_125] {strides = array<i32>} : memref<256xi32, #tpu.memory_space<vmem>>, vector<16xi32>,
      %get3A_127 = vector.shape_cast %get3A_126 : vector<16xi32> to vector<16xi32>
      %sub3A_128 = vector.broadcast %mul3A_0 : i32 to vector<16xi32>
      %sub3A_129 = arith.subi %get3A_127, %sub3A_128 : vector<16xi32>
      %ge3A_130 = arith.constant 0 : i32
      %ge3A_131 = vector.broadcast %ge3A_130 : i32 to vector<16xi32>
      %ge3A_132 = arith.cmpi sge, %sub3A_129, %ge3A_131 : vector<16xi32>
      %lt3A_133 = vector.broadcast %select_n3A : i32 to vector<16xi32>
      %lt3A_134 = arith.cmpi slt, %sub3A_129, %lt3A_133 : vector<16xi32>
      %and3A_135 = arith.andi %ge3A_132, %lt3A_134 : vector<16xi1>
      %jit3A_136 = arith.constant 25600 : i32
      %broadcast_in_dim3A_137 = vector.broadcast %jit3A_136 : i32 to vector<16xi32>
      %select_n3A_138 = arith.select %and3A_135, %sub3A_129, %broadcast_in_dim3A_137 : vector<16xi1>, vector<16xi32>
      %swap3A_139 = arith.constant 48 : index
      %swap3A_140 = tpu.vector_load %arg7[%swap3A_139] {strides = array<i32>} : memref<256xi32, #tpu.memory_space<vmem>>, vector<16xi32>,
      %swap3A_141 = vector.shape_cast %swap3A_140 : vector<16xi32> to vector<16xi32>
      %swap3A_142 = vector.shape_cast %select_n3A_138 : vector<16xi32> to vector<16xi32>
      tpu.vector_store %arg7[%swap3A_139], %swap3A_142 {strides = array<i32>} : memref<256xi32, #tpu.memory_space<vmem>>, vector<16xi32>,
      %get3A_143 = arith.constant 64 : index
      %get3A_144 = tpu.vector_load %arg7[%get3A_143] {strides = array<i32>} : memref<256xi32, #tpu.memory_space<vmem>>, vector<16xi32>,
      %get3A_145 = vector.shape_cast %get3A_144 : vector<16xi32> to vector<16xi32>
      %sub3A_146 = vector.broadcast %mul3A_0 : i32 to vector<16xi32>
      %sub3A_147 = arith.subi %get3A_145, %sub3A_146 : vector<16xi32>
      %ge3A_148 = arith.constant 0 : i32
      %ge3A_149 = vector.broadcast %ge3A_148 : i32 to vector<16xi32>
      %ge3A_150 = arith.cmpi sge, %sub3A_147, %ge3A_149 : vector<16xi32>
      %lt3A_151 = vector.broadcast %select_n3A : i32 to vector<16xi32>
      %lt3A_152 = arith.cmpi slt, %sub3A_147, %lt3A_151 : vector<16xi32>
      %and3A_153 = arith.andi %ge3A_150, %lt3A_152 : vector<16xi1>
      %jit3A_154 = arith.constant 25600 : i32
      %broadcast_in_dim3A_155 = vector.broadcast %jit3A_154 : i32 to vector<16xi32>
      %select_n3A_156 = arith.select %and3A_153, %sub3A_147, %broadcast_in_dim3A_155 : vector<16xi1>, vector<16xi32>
      %swap3A_157 = arith.constant 64 : index
      %swap3A_158 = tpu.vector_load %arg7[%swap3A_157] {strides = array<i32>} : memref<256xi32, #tpu.memory_space<vmem>>, vector<16xi32>,
      %swap3A_159 = vector.shape_cast %swap3A_158 : vector<16xi32> to vector<16xi32>
      %swap3A_160 = vector.shape_cast %select_n3A_156 : vector<16xi32> to vector<16xi32>
      tpu.vector_store %arg7[%swap3A_157], %swap3A_160 {strides = array<i32>} : memref<256xi32, #tpu.memory_space<vmem>>, vector<16xi32>,
      %get3A_161 = arith.constant 80 : index
      %get3A_162 = tpu.vector_load %arg7[%get3A_161] {strides = array<i32>} : memref<256xi32, #tpu.memory_space<vmem>>, vector<16xi32>,
      %get3A_163 = vector.shape_cast %get3A_162 : vector<16xi32> to vector<16xi32>
      %sub3A_164 = vector.broadcast %mul3A_0 : i32 to vector<16xi32>
      %sub3A_165 = arith.subi %get3A_163, %sub3A_164 : vector<16xi32>
      %ge3A_166 = arith.constant 0 : i32
      %ge3A_167 = vector.broadcast %ge3A_166 : i32 to vector<16xi32>
      %ge3A_168 = arith.cmpi sge, %sub3A_165, %ge3A_167 : vector<16xi32>
      %lt3A_169 = vector.broadcast %select_n3A : i32 to vector<16xi32>
      %lt3A_170 = arith.cmpi slt, %sub3A_165, %lt3A_169 : vector<16xi32>
      %and3A_171 = arith.andi %ge3A_168, %lt3A_170 : vector<16xi1>
      %jit3A_172 = arith.constant 25600 : i32
      %broadcast_in_dim3A_173 = vector.broadcast %jit3A_172 : i32 to vector<16xi32>
      %select_n3A_174 = arith.select %and3A_171, %sub3A_165, %broadcast_in_dim3A_173 : vector<16xi1>, vector<16xi32>
      %swap3A_175 = arith.constant 80 : index
      %swap3A_176 = tpu.vector_load %arg7[%swap3A_175] {strides = array<i32>} : memref<256xi32, #tpu.memory_space<vmem>>, vector<16xi32>,
      %swap3A_177 = vector.shape_cast %swap3A_176 : vector<16xi32> to vector<16xi32>
      %swap3A_178 = vector.shape_cast %select_n3A_174 : vector<16xi32> to vector<16xi32>
      tpu.vector_store %arg7[%swap3A_175], %swap3A_178 {strides = array<i32>} : memref<256xi32, #tpu.memory_space<vmem>>, vector<16xi32>,
      %get3A_179 = arith.constant 96 : index
      %get3A_180 = tpu.vector_load %arg7[%get3A_179] {strides = array<i32>} : memref<256xi32, #tpu.memory_space<vmem>>, vector<16xi32>,
      %get3A_181 = vector.shape_cast %get3A_180 : vector<16xi32> to vector<16xi32>
      %sub3A_182 = vector.broadcast %mul3A_0 : i32 to vector<16xi32>
      %sub3A_183 = arith.subi %get3A_181, %sub3A_182 : vector<16xi32>
      %ge3A_184 = arith.constant 0 : i32
      %ge3A_185 = vector.broadcast %ge3A_184 : i32 to vector<16xi32>
      %ge3A_186 = arith.cmpi sge, %sub3A_183, %ge3A_185 : vector<16xi32>
      %lt3A_187 = vector.broadcast %select_n3A : i32 to vector<16xi32>
      %lt3A_188 = arith.cmpi slt, %sub3A_183, %lt3A_187 : vector<16xi32>
      %and3A_189 = arith.andi %ge3A_186, %lt3A_188 : vector<16xi1>
      %jit3A_190 = arith.constant 25600 : i32
      %broadcast_in_dim3A_191 = vector.broadcast %jit3A_190 : i32 to vector<16xi32>
      %select_n3A_192 = arith.select %and3A_189, %sub3A_183, %broadcast_in_dim3A_191 : vector<16xi1>, vector<16xi32>
      %swap3A_193 = arith.constant 96 : index
      %swap3A_194 = tpu.vector_load %arg7[%swap3A_193] {strides = array<i32>} : memref<256xi32, #tpu.memory_space<vmem>>, vector<16xi32>,
      %swap3A_195 = vector.shape_cast %swap3A_194 : vector<16xi32> to vector<16xi32>
      %swap3A_196 = vector.shape_cast %select_n3A_192 : vector<16xi32> to vector<16xi32>
      tpu.vector_store %arg7[%swap3A_193], %swap3A_196 {strides = array<i32>} : memref<256xi32, #tpu.memory_space<vmem>>, vector<16xi32>,
      %get3A_197 = arith.constant 112 : index
      %get3A_198 = tpu.vector_load %arg7[%get3A_197] {strides = array<i32>} : memref<256xi32, #tpu.memory_space<vmem>>, vector<16xi32>,
      %get3A_199 = vector.shape_cast %get3A_198 : vector<16xi32> to vector<16xi32>
      %sub3A_200 = vector.broadcast %mul3A_0 : i32 to vector<16xi32>
      %sub3A_201 = arith.subi %get3A_199, %sub3A_200 : vector<16xi32>
      %ge3A_202 = arith.constant 0 : i32
      %ge3A_203 = vector.broadcast %ge3A_202 : i32 to vector<16xi32>
      %ge3A_204 = arith.cmpi sge, %sub3A_201, %ge3A_203 : vector<16xi32>
      %lt3A_205 = vector.broadcast %select_n3A : i32 to vector<16xi32>
      %lt3A_206 = arith.cmpi slt, %sub3A_201, %lt3A_205 : vector<16xi32>
      %and3A_207 = arith.andi %ge3A_204, %lt3A_206 : vector<16xi1>
      %jit3A_208 = arith.constant 25600 : i32
      %broadcast_in_dim3A_209 = vector.broadcast %jit3A_208 : i32 to vector<16xi32>
      %select_n3A_210 = arith.select %and3A_207, %sub3A_201, %broadcast_in_dim3A_209 : vector<16xi1>, vector<16xi32>
      %swap3A_211 = arith.constant 112 : index
      %swap3A_212 = tpu.vector_load %arg7[%swap3A_211] {strides = array<i32>} : memref<256xi32, #tpu.memory_space<vmem>>, vector<16xi32>,
      %swap3A_213 = vector.shape_cast %swap3A_212 : vector<16xi32> to vector<16xi32>
      %swap3A_214 = vector.shape_cast %select_n3A_210 : vector<16xi32> to vector<16xi32>
      tpu.vector_store %arg7[%swap3A_211], %swap3A_214 {strides = array<i32>} : memref<256xi32, #tpu.memory_space<vmem>>, vector<16xi32>,
      %get3A_215 = arith.constant 128 : index
      %get3A_216 = tpu.vector_load %arg7[%get3A_215] {strides = array<i32>} : memref<256xi32, #tpu.memory_space<vmem>>, vector<16xi32>,
      %get3A_217 = vector.shape_cast %get3A_216 : vector<16xi32> to vector<16xi32>
      %sub3A_218 = vector.broadcast %mul3A_0 : i32 to vector<16xi32>
      %sub3A_219 = arith.subi %get3A_217, %sub3A_218 : vector<16xi32>
      %ge3A_220 = arith.constant 0 : i32
      %ge3A_221 = vector.broadcast %ge3A_220 : i32 to vector<16xi32>
      %ge3A_222 = arith.cmpi sge, %sub3A_219, %ge3A_221 : vector<16xi32>
      %lt3A_223 = vector.broadcast %select_n3A : i32 to vector<16xi32>
      %lt3A_224 = arith.cmpi slt, %sub3A_219, %lt3A_223 : vector<16xi32>
      %and3A_225 = arith.andi %ge3A_222, %lt3A_224 : vector<16xi1>
      %jit3A_226 = arith.constant 25600 : i32
      %broadcast_in_dim3A_227 = vector.broadcast %jit3A_226 : i32 to vector<16xi32>
      %select_n3A_228 = arith.select %and3A_225, %sub3A_219, %broadcast_in_dim3A_227 : vector<16xi1>, vector<16xi32>
      %swap3A_229 = arith.constant 128 : index
      %swap3A_230 = tpu.vector_load %arg7[%swap3A_229] {strides = array<i32>} : memref<256xi32, #tpu.memory_space<vmem>>, vector<16xi32>,
      %swap3A_231 = vector.shape_cast %swap3A_230 : vector<16xi32> to vector<16xi32>
      %swap3A_232 = vector.shape_cast %select_n3A_228 : vector<16xi32> to vector<16xi32>
      tpu.vector_store %arg7[%swap3A_229], %swap3A_232 {strides = array<i32>} : memref<256xi32, #tpu.memory_space<vmem>>, vector<16xi32>,
      %get3A_233 = arith.constant 144 : index
      %get3A_234 = tpu.vector_load %arg7[%get3A_233] {strides = array<i32>} : memref<256xi32, #tpu.memory_space<vmem>>, vector<16xi32>,
      %get3A_235 = vector.shape_cast %get3A_234 : vector<16xi32> to vector<16xi32>
      %sub3A_236 = vector.broadcast %mul3A_0 : i32 to vector<16xi32>
      %sub3A_237 = arith.subi %get3A_235, %sub3A_236 : vector<16xi32>
      %ge3A_238 = arith.constant 0 : i32
      %ge3A_239 = vector.broadcast %ge3A_238 : i32 to vector<16xi32>
      %ge3A_240 = arith.cmpi sge, %sub3A_237, %ge3A_239 : vector<16xi32>
      %lt3A_241 = vector.broadcast %select_n3A : i32 to vector<16xi32>
      %lt3A_242 = arith.cmpi slt, %sub3A_237, %lt3A_241 : vector<16xi32>
      %and3A_243 = arith.andi %ge3A_240, %lt3A_242 : vector<16xi1>
      %jit3A_244 = arith.constant 25600 : i32
      %broadcast_in_dim3A_245 = vector.broadcast %jit3A_244 : i32 to vector<16xi32>
      %select_n3A_246 = arith.select %and3A_243, %sub3A_237, %broadcast_in_dim3A_245 : vector<16xi1>, vector<16xi32>
      %swap3A_247 = arith.constant 144 : index
      %swap3A_248 = tpu.vector_load %arg7[%swap3A_247] {strides = array<i32>} : memref<256xi32, #tpu.memory_space<vmem>>, vector<16xi32>,
      %swap3A_249 = vector.shape_cast %swap3A_248 : vector<16xi32> to vector<16xi32>
      %swap3A_250 = vector.shape_cast %select_n3A_246 : vector<16xi32> to vector<16xi32>
      tpu.vector_store %arg7[%swap3A_247], %swap3A_250 {strides = array<i32>} : memref<256xi32, #tpu.memory_space<vmem>>, vector<16xi32>,
      %get3A_251 = arith.constant 160 : index
      %get3A_252 = tpu.vector_load %arg7[%get3A_251] {strides = array<i32>} : memref<256xi32, #tpu.memory_space<vmem>>, vector<16xi32>,
      %get3A_253 = vector.shape_cast %get3A_252 : vector<16xi32> to vector<16xi32>
      %sub3A_254 = vector.broadcast %mul3A_0 : i32 to vector<16xi32>
      %sub3A_255 = arith.subi %get3A_253, %sub3A_254 : vector<16xi32>
      %ge3A_256 = arith.constant 0 : i32
      %ge3A_257 = vector.broadcast %ge3A_256 : i32 to vector<16xi32>
      %ge3A_258 = arith.cmpi sge, %sub3A_255, %ge3A_257 : vector<16xi32>
      %lt3A_259 = vector.broadcast %select_n3A : i32 to vector<16xi32>
      %lt3A_260 = arith.cmpi slt, %sub3A_255, %lt3A_259 : vector<16xi32>
      %and3A_261 = arith.andi %ge3A_258, %lt3A_260 : vector<16xi1>
      %jit3A_262 = arith.constant 25600 : i32
      %broadcast_in_dim3A_263 = vector.broadcast %jit3A_262 : i32 to vector<16xi32>
      %select_n3A_264 = arith.select %and3A_261, %sub3A_255, %broadcast_in_dim3A_263 : vector<16xi1>, vector<16xi32>
      %swap3A_265 = arith.constant 160 : index
      %swap3A_266 = tpu.vector_load %arg7[%swap3A_265] {strides = array<i32>} : memref<256xi32, #tpu.memory_space<vmem>>, vector<16xi32>,
      %swap3A_267 = vector.shape_cast %swap3A_266 : vector<16xi32> to vector<16xi32>
      %swap3A_268 = vector.shape_cast %select_n3A_264 : vector<16xi32> to vector<16xi32>
      tpu.vector_store %arg7[%swap3A_265], %swap3A_268 {strides = array<i32>} : memref<256xi32, #tpu.memory_space<vmem>>, vector<16xi32>,
      %get3A_269 = arith.constant 176 : index
      %get3A_270 = tpu.vector_load %arg7[%get3A_269] {strides = array<i32>} : memref<256xi32, #tpu.memory_space<vmem>>, vector<16xi32>,
      %get3A_271 = vector.shape_cast %get3A_270 : vector<16xi32> to vector<16xi32>
      %sub3A_272 = vector.broadcast %mul3A_0 : i32 to vector<16xi32>
      %sub3A_273 = arith.subi %get3A_271, %sub3A_272 : vector<16xi32>
      %ge3A_274 = arith.constant 0 : i32
      %ge3A_275 = vector.broadcast %ge3A_274 : i32 to vector<16xi32>
      %ge3A_276 = arith.cmpi sge, %sub3A_273, %ge3A_275 : vector<16xi32>
      %lt3A_277 = vector.broadcast %select_n3A : i32 to vector<16xi32>
      %lt3A_278 = arith.cmpi slt, %sub3A_273, %lt3A_277 : vector<16xi32>
      %and3A_279 = arith.andi %ge3A_276, %lt3A_278 : vector<16xi1>
      %jit3A_280 = arith.constant 25600 : i32
      %broadcast_in_dim3A_281 = vector.broadcast %jit3A_280 : i32 to vector<16xi32>
      %select_n3A_282 = arith.select %and3A_279, %sub3A_273, %broadcast_in_dim3A_281 : vector<16xi1>, vector<16xi32>
      %swap3A_283 = arith.constant 176 : index
      %swap3A_284 = tpu.vector_load %arg7[%swap3A_283] {strides = array<i32>} : memref<256xi32, #tpu.memory_space<vmem>>, vector<16xi32>,
      %swap3A_285 = vector.shape_cast %swap3A_284 : vector<16xi32> to vector<16xi32>
      %swap3A_286 = vector.shape_cast %select_n3A_282 : vector<16xi32> to vector<16xi32>
      tpu.vector_store %arg7[%swap3A_283], %swap3A_286 {strides = array<i32>} : memref<256xi32, #tpu.memory_space<vmem>>, vector<16xi32>,
      %get3A_287 = arith.constant 192 : index
      %get3A_288 = tpu.vector_load %arg7[%get3A_287] {strides = array<i32>} : memref<256xi32, #tpu.memory_space<vmem>>, vector<16xi32>,
      %get3A_289 = vector.shape_cast %get3A_288 : vector<16xi32> to vector<16xi32>
      %sub3A_290 = vector.broadcast %mul3A_0 : i32 to vector<16xi32>
      %sub3A_291 = arith.subi %get3A_289, %sub3A_290 : vector<16xi32>
      %ge3A_292 = arith.constant 0 : i32
      %ge3A_293 = vector.broadcast %ge3A_292 : i32 to vector<16xi32>
      %ge3A_294 = arith.cmpi sge, %sub3A_291, %ge3A_293 : vector<16xi32>
      %lt3A_295 = vector.broadcast %select_n3A : i32 to vector<16xi32>
      %lt3A_296 = arith.cmpi slt, %sub3A_291, %lt3A_295 : vector<16xi32>
      %and3A_297 = arith.andi %ge3A_294, %lt3A_296 : vector<16xi1>
      %jit3A_298 = arith.constant 25600 : i32
      %broadcast_in_dim3A_299 = vector.broadcast %jit3A_298 : i32 to vector<16xi32>
      %select_n3A_300 = arith.select %and3A_297, %sub3A_291, %broadcast_in_dim3A_299 : vector<16xi1>, vector<16xi32>
      %swap3A_301 = arith.constant 192 : index
      %swap3A_302 = tpu.vector_load %arg7[%swap3A_301] {strides = array<i32>} : memref<256xi32, #tpu.memory_space<vmem>>, vector<16xi32>,
      %swap3A_303 = vector.shape_cast %swap3A_302 : vector<16xi32> to vector<16xi32>
      %swap3A_304 = vector.shape_cast %select_n3A_300 : vector<16xi32> to vector<16xi32>
      tpu.vector_store %arg7[%swap3A_301], %swap3A_304 {strides = array<i32>} : memref<256xi32, #tpu.memory_space<vmem>>, vector<16xi32>,
      %get3A_305 = arith.constant 208 : index
      %get3A_306 = tpu.vector_load %arg7[%get3A_305] {strides = array<i32>} : memref<256xi32, #tpu.memory_space<vmem>>, vector<16xi32>,
      %get3A_307 = vector.shape_cast %get3A_306 : vector<16xi32> to vector<16xi32>
      %sub3A_308 = vector.broadcast %mul3A_0 : i32 to vector<16xi32>
      %sub3A_309 = arith.subi %get3A_307, %sub3A_308 : vector<16xi32>
      %ge3A_310 = arith.constant 0 : i32
      %ge3A_311 = vector.broadcast %ge3A_310 : i32 to vector<16xi32>
      %ge3A_312 = arith.cmpi sge, %sub3A_309, %ge3A_311 : vector<16xi32>
      %lt3A_313 = vector.broadcast %select_n3A : i32 to vector<16xi32>
      %lt3A_314 = arith.cmpi slt, %sub3A_309, %lt3A_313 : vector<16xi32>
      %and3A_315 = arith.andi %ge3A_312, %lt3A_314 : vector<16xi1>
      %jit3A_316 = arith.constant 25600 : i32
      %broadcast_in_dim3A_317 = vector.broadcast %jit3A_316 : i32 to vector<16xi32>
      %select_n3A_318 = arith.select %and3A_315, %sub3A_309, %broadcast_in_dim3A_317 : vector<16xi1>, vector<16xi32>
      %swap3A_319 = arith.constant 208 : index
      %swap3A_320 = tpu.vector_load %arg7[%swap3A_319] {strides = array<i32>} : memref<256xi32, #tpu.memory_space<vmem>>, vector<16xi32>,
      %swap3A_321 = vector.shape_cast %swap3A_320 : vector<16xi32> to vector<16xi32>
      %swap3A_322 = vector.shape_cast %select_n3A_318 : vector<16xi32> to vector<16xi32>
      tpu.vector_store %arg7[%swap3A_319], %swap3A_322 {strides = array<i32>} : memref<256xi32, #tpu.memory_space<vmem>>, vector<16xi32>,
      %get3A_323 = arith.constant 224 : index
      %get3A_324 = tpu.vector_load %arg7[%get3A_323] {strides = array<i32>} : memref<256xi32, #tpu.memory_space<vmem>>, vector<16xi32>,
      %get3A_325 = vector.shape_cast %get3A_324 : vector<16xi32> to vector<16xi32>
      %sub3A_326 = vector.broadcast %mul3A_0 : i32 to vector<16xi32>
      %sub3A_327 = arith.subi %get3A_325, %sub3A_326 : vector<16xi32>
      %ge3A_328 = arith.constant 0 : i32
      %ge3A_329 = vector.broadcast %ge3A_328 : i32 to vector<16xi32>
      %ge3A_330 = arith.cmpi sge, %sub3A_327, %ge3A_329 : vector<16xi32>
      %lt3A_331 = vector.broadcast %select_n3A : i32 to vector<16xi32>
      %lt3A_332 = arith.cmpi slt, %sub3A_327, %lt3A_331 : vector<16xi32>
      %and3A_333 = arith.andi %ge3A_330, %lt3A_332 : vector<16xi1>
      %jit3A_334 = arith.constant 25600 : i32
      %broadcast_in_dim3A_335 = vector.broadcast %jit3A_334 : i32 to vector<16xi32>
      %select_n3A_336 = arith.select %and3A_333, %sub3A_327, %broadcast_in_dim3A_335 : vector<16xi1>, vector<16xi32>
      %swap3A_337 = arith.constant 224 : index
      %swap3A_338 = tpu.vector_load %arg7[%swap3A_337] {strides = array<i32>} : memref<256xi32, #tpu.memory_space<vmem>>, vector<16xi32>,
      %swap3A_339 = vector.shape_cast %swap3A_338 : vector<16xi32> to vector<16xi32>
      %swap3A_340 = vector.shape_cast %select_n3A_336 : vector<16xi32> to vector<16xi32>
      tpu.vector_store %arg7[%swap3A_337], %swap3A_340 {strides = array<i32>} : memref<256xi32, #tpu.memory_space<vmem>>, vector<16xi32>,
      %get3A_341 = arith.constant 240 : index
      %get3A_342 = tpu.vector_load %arg7[%get3A_341] {strides = array<i32>} : memref<256xi32, #tpu.memory_space<vmem>>, vector<16xi32>,
      %get3A_343 = vector.shape_cast %get3A_342 : vector<16xi32> to vector<16xi32>
      %sub3A_344 = vector.broadcast %mul3A_0 : i32 to vector<16xi32>
      %sub3A_345 = arith.subi %get3A_343, %sub3A_344 : vector<16xi32>
      %ge3A_346 = arith.constant 0 : i32
      %ge3A_347 = vector.broadcast %ge3A_346 : i32 to vector<16xi32>
      %ge3A_348 = arith.cmpi sge, %sub3A_345, %ge3A_347 : vector<16xi32>
      %lt3A_349 = vector.broadcast %select_n3A : i32 to vector<16xi32>
      %lt3A_350 = arith.cmpi slt, %sub3A_345, %lt3A_349 : vector<16xi32>
      %and3A_351 = arith.andi %ge3A_348, %lt3A_350 : vector<16xi1>
      %jit3A_352 = arith.constant 25600 : i32
      %broadcast_in_dim3A_353 = vector.broadcast %jit3A_352 : i32 to vector<16xi32>
      %select_n3A_354 = arith.select %and3A_351, %sub3A_345, %broadcast_in_dim3A_353 : vector<16xi1>, vector<16xi32>
      %swap3A_355 = arith.constant 240 : index
      %swap3A_356 = tpu.vector_load %arg7[%swap3A_355] {strides = array<i32>} : memref<256xi32, #tpu.memory_space<vmem>>, vector<16xi32>,
      %swap3A_357 = vector.shape_cast %swap3A_356 : vector<16xi32> to vector<16xi32>
      %swap3A_358 = vector.shape_cast %select_n3A_354 : vector<16xi32> to vector<16xi32>
      tpu.vector_store %arg7[%swap3A_355], %swap3A_358 {strides = array<i32>} : memref<256xi32, #tpu.memory_space<vmem>>, vector<16xi32>,
      %dma_start3A = arith.constant 0 : i32
      %dma_start3A_359 = arith.constant 0 : i32
      %dma_start3A_360 = tpu.memref_slice %arg2[%dma_start3A, %dma_start3A_359] : memref<50000x64xf32, #tpu.memory_space<hbm>> -> memref<50000x64xf32, #tpu.memory_space<hbm>>
      tpu.enqueue_indirect_dma source(%dma_start3A_360 : memref<50000x64xf32, #tpu.memory_space<hbm>>) target(%arg8 : memref<256x64xf32, #tpu.memory_space<vmem>>) offsets(%arg6 : memref<256xi32, #tpu.memory_space<vmem>>) semaphore(%arg10 : memref<!tpu.dma_semaphore, #tpu.memory_space<semaphore_mem>>)
      %dma_wait3A = arith.constant 0 : i32
      %dma_wait3A_361 = arith.constant 0 : i32
      %dma_wait3A_362 = tpu.memref_slice %arg2[%dma_wait3A, %dma_wait3A_361] : memref<50000x64xf32, #tpu.memory_space<hbm>> -> memref<50000x64xf32, #tpu.memory_space<hbm>>
      tpu.wait_indirect_dma semaphore(%arg10 : memref<!tpu.dma_semaphore, #tpu.memory_space<semaphore_mem>>) src(%dma_wait3A_362 : memref<50000x64xf32, #tpu.memory_space<hbm>>) dst(%arg8 : memref<256x64xf32, #tpu.memory_space<vmem>>)
      "tpu.region"() ({
        %run_scoped3A = tpu.sem_alloc : memref<!tpu.dma_semaphore, #tpu.memory_space<semaphore_mem>>
        %dma_start3A_363 = arith.constant 0 : i32
        %dma_start3A_364 = arith.constant 0 : i32
        %dma_start3A_365 = tpu.memref_slice %arg9[%dma_start3A_363, %dma_start3A_364] : memref<25608x64xf32, #tpu.memory_space<vmem_shared>> -> memref<25608x64xf32, #tpu.memory_space<vmem_shared>>
        tpu.enqueue_indirect_dma source(%arg8 : memref<256x64xf32, #tpu.memory_space<vmem>>) target(%dma_start3A_365 : memref<25608x64xf32, #tpu.memory_space<vmem_shared>>) offsets(%arg7 : memref<256xi32, #tpu.memory_space<vmem>>) semaphore(%run_scoped3A : memref<!tpu.dma_semaphore, #tpu.memory_space<semaphore_mem>>) {add = true}
        %dma_wait3A_366 = arith.constant 0 : i32
        %dma_wait3A_367 = arith.constant 0 : i32
        %dma_wait3A_368 = tpu.memref_slice %arg9[%dma_wait3A_366, %dma_wait3A_367] : memref<25608x64xf32, #tpu.memory_space<vmem_shared>> -> memref<25608x64xf32, #tpu.memory_space<vmem_shared>>
        tpu.wait_indirect_dma semaphore(%run_scoped3A : memref<!tpu.dma_semaphore, #tpu.memory_space<semaphore_mem>>) src(%arg8 : memref<256x64xf32, #tpu.memory_space<vmem>>) dst(%dma_wait3A_368 : memref<25608x64xf32, #tpu.memory_space<vmem_shared>>)
        tpu.yield
      }) : () -> ()
    }
    %scan3A_43 = arith.constant 196 : i32
    %barrier3A_44 = arith.constant 0 : index
    tpu.barrier barrier_id(%barrier3A_44)
    %eq3A_45 = arith.constant 0 : i32
    %eq3A_46 = arith.cmpi eq, %arg0, %eq3A_45 : i32
    %convert_element_type3A_47 = arith.extui %eq3A_46 : i1 to i32
    %cond3A_48 = arith.constant 0 : i32
    %cond3A_49 = arith.cmpi ne, %convert_element_type3A_47, %cond3A_48 : i32
    scf.if %cond3A_49 {
      %mul3A_64 = arith.constant 1568 : i32
      %mul3A_65 = arith.muli %arg1, %mul3A_64 : i32
      %mul3A_66 = arith.constant 1568 : i32
      %mul3A_67 = arith.muli %arg1, %mul3A_66 : i32
      "tpu.region"() ({
        %run_scoped3A = tpu.sem_alloc : memref<!tpu.dma_semaphore, #tpu.memory_space<semaphore_mem>>
        %dma_start3A = arith.constant 0 : i32
        %dma_start3A_68 = tpu.memref_slice %arg5[%mul3A_67, %dma_start3A] : memref<50000x64xf32, #tpu.memory_space<hbm>> -> memref<1568x64xf32, #tpu.memory_space<hbm>>
        %dma_start3A_69 = arith.constant 0 : i32
        %dma_start3A_70 = tpu.memref_slice %arg9[%mul3A_65, %dma_start3A_69] : memref<25608x64xf32, #tpu.memory_space<vmem_shared>> -> memref<1568x64xf32, #tpu.memory_space<vmem_shared>>
        tpu.enqueue_dma source(%dma_start3A_70 : memref<1568x64xf32, #tpu.memory_space<vmem_shared>>) target(%dma_start3A_68 : memref<1568x64xf32, #tpu.memory_space<hbm>>) target_semaphore(%run_scoped3A : memref<!tpu.dma_semaphore, #tpu.memory_space<semaphore_mem>>)
        %dma_wait3A = arith.constant 0 : i32
        %dma_wait3A_71 = tpu.memref_slice %arg5[%mul3A_67, %dma_wait3A] : memref<50000x64xf32, #tpu.memory_space<hbm>> -> memref<1568x64xf32, #tpu.memory_space<hbm>>
        %dma_wait3A_72 = arith.constant 0 : i32
        %dma_wait3A_73 = tpu.memref_slice %arg9[%mul3A_65, %dma_wait3A_72] : memref<25608x64xf32, #tpu.memory_space<vmem_shared>> -> memref<1568x64xf32, #tpu.memory_space<vmem_shared>>
        tpu.wait_dma2 semaphore(%run_scoped3A : memref<!tpu.dma_semaphore, #tpu.memory_space<semaphore_mem>>) src(%dma_wait3A_73 : memref<1568x64xf32, #tpu.memory_space<vmem_shared>>) dst(%dma_wait3A_71 : memref<1568x64xf32, #tpu.memory_space<hbm>>)
        tpu.yield
      }) : () -> ()
    } else {
    }
    %eq3A_50 = arith.constant 1 : i32
    %eq3A_51 = arith.cmpi eq, %arg0, %eq3A_50 : i32
    %lt3A = arith.constant 15 : i32
    %lt3A_52 = arith.cmpi slt, %arg1, %lt3A : i32
    %and3A = arith.andi %eq3A_51, %lt3A_52 : i1
    %convert_element_type3A_53 = arith.extui %and3A : i1 to i32
    %cond3A_54 = arith.constant 0 : i32
    %cond3A_55 = arith.cmpi ne, %convert_element_type3A_53, %cond3A_54 : i32
    scf.if %cond3A_55 {
      %mul3A_64 = arith.constant 1560 : i32
      %mul3A_65 = arith.muli %arg1, %mul3A_64 : i32
      %mul3A_66 = arith.constant 1560 : i32
      %mul3A_67 = arith.muli %arg1, %mul3A_66 : i32
      %add3A_68 = arith.constant 25088 : i32
      %add3A_69 = arith.addi %add3A_68, %mul3A_67 : i32
      "tpu.region"() ({
        %run_scoped3A = tpu.sem_alloc : memref<!tpu.dma_semaphore, #tpu.memory_space<semaphore_mem>>
        %dma_start3A = arith.constant 0 : i32
        %dma_start3A_70 = tpu.memref_slice %arg5[%add3A_69, %dma_start3A] : memref<50000x64xf32, #tpu.memory_space<hbm>> -> memref<1560x64xf32, #tpu.memory_space<hbm>>
        %dma_start3A_71 = arith.constant 0 : i32
        %dma_start3A_72 = tpu.memref_slice %arg9[%mul3A_65, %dma_start3A_71] : memref<25608x64xf32, #tpu.memory_space<vmem_shared>> -> memref<1560x64xf32, #tpu.memory_space<vmem_shared>>
        tpu.enqueue_dma source(%dma_start3A_72 : memref<1560x64xf32, #tpu.memory_space<vmem_shared>>) target(%dma_start3A_70 : memref<1560x64xf32, #tpu.memory_space<hbm>>) target_semaphore(%run_scoped3A : memref<!tpu.dma_semaphore, #tpu.memory_space<semaphore_mem>>)
        %dma_wait3A = arith.constant 0 : i32
        %dma_wait3A_73 = tpu.memref_slice %arg5[%add3A_69, %dma_wait3A] : memref<50000x64xf32, #tpu.memory_space<hbm>> -> memref<1560x64xf32, #tpu.memory_space<hbm>>
        %dma_wait3A_74 = arith.constant 0 : i32
        %dma_wait3A_75 = tpu.memref_slice %arg9[%mul3A_65, %dma_wait3A_74] : memref<25608x64xf32, #tpu.memory_space<vmem_shared>> -> memref<1560x64xf32, #tpu.memory_space<vmem_shared>>
        tpu.wait_dma2 semaphore(%run_scoped3A : memref<!tpu.dma_semaphore, #tpu.memory_space<semaphore_mem>>) src(%dma_wait3A_75 : memref<1560x64xf32, #tpu.memory_space<vmem_shared>>) dst(%dma_wait3A_73 : memref<1560x64xf32, #tpu.memory_space<hbm>>)
        tpu.yield
      }) : () -> ()
    } else {
    }
    %eq3A_56 = arith.constant 1 : i32
    %eq3A_57 = arith.cmpi eq, %arg0, %eq3A_56 : i32
    %eq3A_58 = arith.constant 15 : i32
    %eq3A_59 = arith.cmpi eq, %arg1, %eq3A_58 : i32
    %and3A_60 = arith.andi %eq3A_57, %eq3A_59 : i1
    %convert_element_type3A_61 = arith.extui %and3A_60 : i1 to i32
    %cond3A_62 = arith.constant 0 : i32
    %cond3A_63 = arith.cmpi ne, %convert_element_type3A_61, %cond3A_62 : i32
    scf.if %cond3A_63 {
      "tpu.region"() ({
        %run_scoped3A = tpu.sem_alloc : memref<!tpu.dma_semaphore, #tpu.memory_space<semaphore_mem>>
        %dma_start3A = arith.constant 48488 : i32
        %dma_start3A_64 = arith.constant 0 : i32
        %dma_start3A_65 = tpu.memref_slice %arg5[%dma_start3A, %dma_start3A_64] : memref<50000x64xf32, #tpu.memory_space<hbm>> -> memref<1512x64xf32, #tpu.memory_space<hbm>>
        %dma_start3A_66 = arith.constant 23400 : i32
        %dma_start3A_67 = arith.constant 0 : i32
        %dma_start3A_68 = tpu.memref_slice %arg9[%dma_start3A_66, %dma_start3A_67] : memref<25608x64xf32, #tpu.memory_space<vmem_shared>> -> memref<1512x64xf32, #tpu.memory_space<vmem_shared>>
        tpu.enqueue_dma source(%dma_start3A_68 : memref<1512x64xf32, #tpu.memory_space<vmem_shared>>) target(%dma_start3A_65 : memref<1512x64xf32, #tpu.memory_space<hbm>>) target_semaphore(%run_scoped3A : memref<!tpu.dma_semaphore, #tpu.memory_space<semaphore_mem>>)
        %dma_wait3A = arith.constant 48488 : i32
        %dma_wait3A_69 = arith.constant 0 : i32
        %dma_wait3A_70 = tpu.memref_slice %arg5[%dma_wait3A, %dma_wait3A_69] : memref<50000x64xf32, #tpu.memory_space<hbm>> -> memref<1512x64xf32, #tpu.memory_space<hbm>>
        %dma_wait3A_71 = arith.constant 23400 : i32
        %dma_wait3A_72 = arith.constant 0 : i32
        %dma_wait3A_73 = tpu.memref_slice %arg9[%dma_wait3A_71, %dma_wait3A_72] : memref<25608x64xf32, #tpu.memory_space<vmem_shared>> -> memref<1512x64xf32, #tpu.memory_space<vmem_shared>>
        tpu.wait_dma2 semaphore(%run_scoped3A : memref<!tpu.dma_semaphore, #tpu.memory_space<semaphore_mem>>) src(%dma_wait3A_73 : memref<1512x64xf32, #tpu.memory_space<vmem_shared>>) dst(%dma_wait3A_70 : memref<1512x64xf32, #tpu.memory_space<hbm>>)
        tpu.yield
      }) : () -> ()
    } else {
    }
    return
  }
}

#map = affine_map<(d0, d1) -> (0, 0)>
module attributes {stable_mosaic.version = 14 : i64} {
  func.func @deg(%arg0: i32, %arg1: i32, %arg2: memref<6257x128xi32, #tpu.memory_space<hbm>>, %arg3: memref<128x16xf32, #tpu.memory_space<hbm>>, %arg4: memref<50000x16xf32, #tpu.memory_space<hbm>>, %arg5: memref<1x128xi32, #tpu.memory_space<vmem>>, %arg6: memref<1x128xi32, #tpu.memory_space<vmem>>, %arg7: memref<1x128xi32, #tpu.memory_space<vmem>>, %arg8: memref<128x16xf32, #tpu.memory_space<vmem>>, %arg9: memref<128x16xf32, #tpu.memory_space<vmem>>, %arg10: memref<25608x16xf32, #tpu.memory_space<vmem_shared>>, %arg11: memref<!tpu.dma_semaphore, #tpu.memory_space<semaphore_mem>>, %arg12: memref<!tpu.dma_semaphore, #tpu.memory_space<semaphore_mem>>, %arg13: memref<!tpu.dma_semaphore, #tpu.memory_space<semaphore_mem>>, %arg14: memref<!tpu.dma_semaphore, #tpu.memory_space<semaphore_mem>>, %arg15: memref<!tpu.dma_semaphore, #tpu.memory_space<semaphore_mem>>, %arg16: memref<!tpu.dma_semaphore, #tpu.memory_space<semaphore_mem>>) attributes {dimension_semantics = [#tpu.dimension_semantics<core_parallel>, #tpu.dimension_semantics<subcore_parallel>], iteration_bounds = array<i64: 2, 16>, scalar_prefetch = 0 : i64, scratch_operands = 12 : i64, tpu.core_type = #tpu.core_type<sc_vector_subcore>, window_params = [{transform_indices = #map}, {transform_indices = #map}, {transform_indices = #map}]} {
    %mul3A = arith.constant 25088 : i32
    %mul3A_0 = arith.muli %arg0, %mul3A : i32
    %eq3A = arith.constant 0 : i32
    %eq3A_1 = arith.cmpi eq, %arg0, %eq3A : i32
    %jit3A = arith.constant 25088 : i32
    %jit3A_2 = arith.constant 24912 : i32
    %select_n3A = arith.select %eq3A_1, %jit3A, %jit3A_2 : i32
    %broadcast_in_dim3A = arith.constant 0.000000e+00 : f32
    %broadcast_in_dim3A_3 = vector.broadcast %broadcast_in_dim3A : f32 to vector<16xf32>
    "tpu.region"() ({
      %run_scoped3A = tpu.sem_alloc : memref<!tpu.dma_semaphore, #tpu.memory_space<semaphore_mem>>
      tpu.enqueue_dma source(%arg3 : memref<128x16xf32, #tpu.memory_space<hbm>>) target(%arg8 : memref<128x16xf32, #tpu.memory_space<vmem>>) target_semaphore(%run_scoped3A : memref<!tpu.dma_semaphore, #tpu.memory_space<semaphore_mem>>)
      tpu.wait_dma2 semaphore(%run_scoped3A : memref<!tpu.dma_semaphore, #tpu.memory_space<semaphore_mem>>) src(%arg3 : memref<128x16xf32, #tpu.memory_space<hbm>>) dst(%arg8 : memref<128x16xf32, #tpu.memory_space<vmem>>)
      tpu.yield
    }) : () -> ()
    %scan3A = arith.constant 0 : i32
    %scan3A_4 = arith.constant 128 : i32
    %scan3A_5 = arith.addi %scan3A, %scan3A_4 : i32
    %scan3A_6 = arith.constant 1 : i32
    scf.for %scan3A_277 = %scan3A to %scan3A_5 step %scan3A_6  : i32 {
      %mul3A_278 = arith.constant 1 : i32
      %mul3A_279 = arith.muli %scan3A_277, %mul3A_278 : i32
      %add3A_280 = arith.constant 0 : i32
      %add3A_281 = arith.addi %add3A_280, %mul3A_279 : i32
      %swap3A_282 = arith.index_cast %add3A_281 : i32 to index
      %swap3A_283 = arith.constant 0 : index
      %swap3A_284 = tpu.vector_load %arg9[%swap3A_282, %swap3A_283] {strides = array<i32>} : memref<128x16xf32, #tpu.memory_space<vmem>>, vector<1x16xf32>,
      %swap3A_285 = vector.shape_cast %swap3A_284 : vector<1x16xf32> to vector<16xf32>
      %swap3A_286 = vector.shape_cast %broadcast_in_dim3A_3 : vector<16xf32> to vector<1x16xf32>
      tpu.vector_store %arg9[%swap3A_282, %swap3A_283], %swap3A_286 {strides = array<i32>} : memref<128x16xf32, #tpu.memory_space<vmem>>, vector<1x16xf32>,
    }
    %scan3A_7 = arith.constant 128 : i32
    %scan3A_8 = arith.constant 0 : i32
    %scan3A_9 = arith.constant 12 : i32
    %scan3A_10 = arith.addi %scan3A_8, %scan3A_9 : i32
    %scan3A_11 = arith.constant 1 : i32
    scf.for %scan3A_277 = %scan3A_8 to %scan3A_10 step %scan3A_11  : i32 {
      %mul3A_278 = arith.constant 1 : i32
      %mul3A_279 = arith.muli %scan3A_277, %mul3A_278 : i32
      %add3A_280 = arith.constant 0 : i32
      %add3A_281 = arith.addi %add3A_280, %mul3A_279 : i32
      %mul3A_282 = arith.constant 1600 : i32
      %mul3A_283 = arith.muli %arg1, %mul3A_282 : i32
      %mul3A_284 = arith.constant 128 : i32
      %mul3A_285 = arith.muli %add3A_281, %mul3A_284 : i32
      %add3A_286 = arith.addi %mul3A_283, %mul3A_285 : i32
      "tpu.region"() ({
        %run_scoped3A = tpu.sem_alloc : memref<!tpu.dma_semaphore, #tpu.memory_space<semaphore_mem>>
        %dma_start3A_287 = arith.constant 0 : i32
        %dma_start3A_288 = tpu.memref_slice %arg10[%add3A_286, %dma_start3A_287] : memref<25608x16xf32, #tpu.memory_space<vmem_shared>> -> memref<128x16xf32, #tpu.memory_space<vmem_shared>>
        %dma_start3A_289 = arith.constant 0 : i32
        %dma_start3A_290 = tpu.memref_slice %arg10[%add3A_286, %dma_start3A_289] : memref<25608x16xf32, #tpu.memory_space<vmem_shared>> -> memref<128x16xf32, #tpu.memory_space<vmem_shared>>
        tpu.enqueue_dma source(%arg9 : memref<128x16xf32, #tpu.memory_space<vmem>>) target(%dma_start3A_290 : memref<128x16xf32, #tpu.memory_space<vmem_shared>>) target_semaphore(%run_scoped3A : memref<!tpu.dma_semaphore, #tpu.memory_space<semaphore_mem>>)
        %dma_wait3A_291 = arith.constant 0 : i32
        %dma_wait3A_292 = tpu.memref_slice %arg10[%add3A_286, %dma_wait3A_291] : memref<25608x16xf32, #tpu.memory_space<vmem_shared>> -> memref<128x16xf32, #tpu.memory_space<vmem_shared>>
        %dma_wait3A_293 = arith.constant 0 : i32
        %dma_wait3A_294 = tpu.memref_slice %arg10[%add3A_286, %dma_wait3A_293] : memref<25608x16xf32, #tpu.memory_space<vmem_shared>> -> memref<128x16xf32, #tpu.memory_space<vmem_shared>>
        tpu.wait_dma2 semaphore(%run_scoped3A : memref<!tpu.dma_semaphore, #tpu.memory_space<semaphore_mem>>) src(%arg9 : memref<128x16xf32, #tpu.memory_space<vmem>>) dst(%dma_wait3A_294 : memref<128x16xf32, #tpu.memory_space<vmem_shared>>)
        tpu.yield
      }) : () -> ()
    }
    %scan3A_12 = arith.constant 12 : i32
    %mul3A_13 = arith.constant 1600 : i32
    %mul3A_14 = arith.muli %arg1, %mul3A_13 : i32
    %add3A = arith.constant 1600 : i32
    %add3A_15 = arith.addi %mul3A_14, %add3A : i32
    %sub3A = arith.constant 64 : i32
    %sub3A_16 = arith.subi %add3A_15, %sub3A : i32
    "tpu.region"() ({
      %run_scoped3A = tpu.sem_alloc : memref<!tpu.dma_semaphore, #tpu.memory_space<semaphore_mem>>
      %dma_start3A_277 = arith.constant 0 : i32
      %dma_start3A_278 = arith.constant 0 : i32
      %dma_start3A_279 = tpu.memref_slice %arg9[%dma_start3A_277, %dma_start3A_278] : memref<128x16xf32, #tpu.memory_space<vmem>> -> memref<64x16xf32, #tpu.memory_space<vmem>>
      %dma_start3A_280 = arith.constant 0 : i32
      %dma_start3A_281 = tpu.memref_slice %arg10[%sub3A_16, %dma_start3A_280] : memref<25608x16xf32, #tpu.memory_space<vmem_shared>> -> memref<64x16xf32, #tpu.memory_space<vmem_shared>>
      %dma_start3A_282 = arith.constant 0 : i32
      %dma_start3A_283 = tpu.memref_slice %arg10[%sub3A_16, %dma_start3A_282] : memref<25608x16xf32, #tpu.memory_space<vmem_shared>> -> memref<64x16xf32, #tpu.memory_space<vmem_shared>>
      %dma_start3A_284 = arith.constant 0 : i32
      %dma_start3A_285 = arith.constant 0 : i32
      %dma_start3A_286 = tpu.memref_slice %arg9[%dma_start3A_284, %dma_start3A_285] : memref<128x16xf32, #tpu.memory_space<vmem>> -> memref<64x16xf32, #tpu.memory_space<vmem>>
      tpu.enqueue_dma source(%dma_start3A_286 : memref<64x16xf32, #tpu.memory_space<vmem>>) target(%dma_start3A_283 : memref<64x16xf32, #tpu.memory_space<vmem_shared>>) target_semaphore(%run_scoped3A : memref<!tpu.dma_semaphore, #tpu.memory_space<semaphore_mem>>)
      %dma_wait3A_287 = arith.constant 0 : i32
      %dma_wait3A_288 = arith.constant 0 : i32
      %dma_wait3A_289 = tpu.memref_slice %arg9[%dma_wait3A_287, %dma_wait3A_288] : memref<128x16xf32, #tpu.memory_space<vmem>> -> memref<64x16xf32, #tpu.memory_space<vmem>>
      %dma_wait3A_290 = arith.constant 0 : i32
      %dma_wait3A_291 = tpu.memref_slice %arg10[%sub3A_16, %dma_wait3A_290] : memref<25608x16xf32, #tpu.memory_space<vmem_shared>> -> memref<64x16xf32, #tpu.memory_space<vmem_shared>>
      %dma_wait3A_292 = arith.constant 0 : i32
      %dma_wait3A_293 = tpu.memref_slice %arg10[%sub3A_16, %dma_wait3A_292] : memref<25608x16xf32, #tpu.memory_space<vmem_shared>> -> memref<64x16xf32, #tpu.memory_space<vmem_shared>>
      %dma_wait3A_294 = arith.constant 0 : i32
      %dma_wait3A_295 = arith.constant 0 : i32
      %dma_wait3A_296 = tpu.memref_slice %arg9[%dma_wait3A_294, %dma_wait3A_295] : memref<128x16xf32, #tpu.memory_space<vmem>> -> memref<64x16xf32, #tpu.memory_space<vmem>>
      tpu.wait_dma2 semaphore(%run_scoped3A : memref<!tpu.dma_semaphore, #tpu.memory_space<semaphore_mem>>) src(%dma_wait3A_296 : memref<64x16xf32, #tpu.memory_space<vmem>>) dst(%dma_wait3A_293 : memref<64x16xf32, #tpu.memory_space<vmem_shared>>)
      tpu.yield
    }) : () -> ()
    %eq3A_17 = arith.constant 0 : i32
    %eq3A_18 = arith.cmpi eq, %arg1, %eq3A_17 : i32
    %convert_element_type3A = arith.extui %eq3A_18 : i1 to i32
    %cond3A = arith.constant 0 : i32
    %cond3A_19 = arith.cmpi ne, %convert_element_type3A, %cond3A : i32
    scf.if %cond3A_19 {
      "tpu.region"() ({
        %run_scoped3A = tpu.sem_alloc : memref<!tpu.dma_semaphore, #tpu.memory_space<semaphore_mem>>
        %dma_start3A_277 = arith.constant 0 : i32
        %dma_start3A_278 = arith.constant 0 : i32
        %dma_start3A_279 = tpu.memref_slice %arg9[%dma_start3A_277, %dma_start3A_278] : memref<128x16xf32, #tpu.memory_space<vmem>> -> memref<8x16xf32, #tpu.memory_space<vmem>>
        %dma_start3A_280 = arith.constant 25600 : i32
        %dma_start3A_281 = arith.constant 0 : i32
        %dma_start3A_282 = tpu.memref_slice %arg10[%dma_start3A_280, %dma_start3A_281] : memref<25608x16xf32, #tpu.memory_space<vmem_shared>> -> memref<8x16xf32, #tpu.memory_space<vmem_shared>>
        %dma_start3A_283 = arith.constant 25600 : i32
        %dma_start3A_284 = arith.constant 0 : i32
        %dma_start3A_285 = tpu.memref_slice %arg10[%dma_start3A_283, %dma_start3A_284] : memref<25608x16xf32, #tpu.memory_space<vmem_shared>> -> memref<8x16xf32, #tpu.memory_space<vmem_shared>>
        %dma_start3A_286 = arith.constant 0 : i32
        %dma_start3A_287 = arith.constant 0 : i32
        %dma_start3A_288 = tpu.memref_slice %arg9[%dma_start3A_286, %dma_start3A_287] : memref<128x16xf32, #tpu.memory_space<vmem>> -> memref<8x16xf32, #tpu.memory_space<vmem>>
        tpu.enqueue_dma source(%dma_start3A_288 : memref<8x16xf32, #tpu.memory_space<vmem>>) target(%dma_start3A_285 : memref<8x16xf32, #tpu.memory_space<vmem_shared>>) target_semaphore(%run_scoped3A : memref<!tpu.dma_semaphore, #tpu.memory_space<semaphore_mem>>)
        %dma_wait3A_289 = arith.constant 0 : i32
        %dma_wait3A_290 = arith.constant 0 : i32
        %dma_wait3A_291 = tpu.memref_slice %arg9[%dma_wait3A_289, %dma_wait3A_290] : memref<128x16xf32, #tpu.memory_space<vmem>> -> memref<8x16xf32, #tpu.memory_space<vmem>>
        %dma_wait3A_292 = arith.constant 25600 : i32
        %dma_wait3A_293 = arith.constant 0 : i32
        %dma_wait3A_294 = tpu.memref_slice %arg10[%dma_wait3A_292, %dma_wait3A_293] : memref<25608x16xf32, #tpu.memory_space<vmem_shared>> -> memref<8x16xf32, #tpu.memory_space<vmem_shared>>
        %dma_wait3A_295 = arith.constant 25600 : i32
        %dma_wait3A_296 = arith.constant 0 : i32
        %dma_wait3A_297 = tpu.memref_slice %arg10[%dma_wait3A_295, %dma_wait3A_296] : memref<25608x16xf32, #tpu.memory_space<vmem_shared>> -> memref<8x16xf32, #tpu.memory_space<vmem_shared>>
        %dma_wait3A_298 = arith.constant 0 : i32
        %dma_wait3A_299 = arith.constant 0 : i32
        %dma_wait3A_300 = tpu.memref_slice %arg9[%dma_wait3A_298, %dma_wait3A_299] : memref<128x16xf32, #tpu.memory_space<vmem>> -> memref<8x16xf32, #tpu.memory_space<vmem>>
        tpu.wait_dma2 semaphore(%run_scoped3A : memref<!tpu.dma_semaphore, #tpu.memory_space<semaphore_mem>>) src(%dma_wait3A_300 : memref<8x16xf32, #tpu.memory_space<vmem>>) dst(%dma_wait3A_297 : memref<8x16xf32, #tpu.memory_space<vmem_shared>>)
        tpu.yield
      }) : () -> ()
    } else {
    }
    %barrier3A = arith.constant 0 : index
    tpu.barrier barrier_id(%barrier3A)
    %mul3A_20 = arith.constant 391 : i32
    %mul3A_21 = arith.muli %arg1, %mul3A_20 : i32
    %add3A_22 = arith.constant 0 : i32
    %add3A_23 = arith.addi %mul3A_21, %add3A_22 : i32
    %mul3A_24 = arith.constant 1 : i32
    %mul3A_25 = arith.muli %add3A_23, %mul3A_24 : i32
    %dma_start3A = arith.constant 0 : i32
    %dma_start3A_26 = tpu.memref_slice %arg2[%mul3A_25, %dma_start3A] : memref<6257x128xi32, #tpu.memory_space<hbm>> -> memref<1x128xi32, #tpu.memory_space<hbm>>
    %dma_start3A_27 = arith.constant 0 : i32
    %dma_start3A_28 = tpu.memref_slice %arg2[%mul3A_25, %dma_start3A_27] : memref<6257x128xi32, #tpu.memory_space<hbm>> -> memref<1x128xi32, #tpu.memory_space<hbm>>
    tpu.enqueue_dma source(%dma_start3A_28 : memref<1x128xi32, #tpu.memory_space<hbm>>) target(%arg5 : memref<1x128xi32, #tpu.memory_space<vmem>>) target_semaphore(%arg11 : memref<!tpu.dma_semaphore, #tpu.memory_space<semaphore_mem>>)
    %mul3A_29 = arith.constant 391 : i32
    %mul3A_30 = arith.muli %arg1, %mul3A_29 : i32
    %add3A_31 = arith.constant 0 : i32
    %add3A_32 = arith.addi %mul3A_30, %add3A_31 : i32
    %mul3A_33 = arith.constant 1 : i32
    %mul3A_34 = arith.muli %add3A_32, %mul3A_33 : i32
    %dma_wait3A = arith.constant 0 : i32
    %dma_wait3A_35 = tpu.memref_slice %arg2[%mul3A_34, %dma_wait3A] : memref<6257x128xi32, #tpu.memory_space<hbm>> -> memref<1x128xi32, #tpu.memory_space<hbm>>
    %dma_wait3A_36 = arith.constant 0 : i32
    %dma_wait3A_37 = tpu.memref_slice %arg2[%mul3A_34, %dma_wait3A_36] : memref<6257x128xi32, #tpu.memory_space<hbm>> -> memref<1x128xi32, #tpu.memory_space<hbm>>
    tpu.wait_dma2 semaphore(%arg11 : memref<!tpu.dma_semaphore, #tpu.memory_space<semaphore_mem>>) src(%dma_wait3A_37 : memref<1x128xi32, #tpu.memory_space<hbm>>) dst(%arg5 : memref<1x128xi32, #tpu.memory_space<vmem>>)
    %get3A = arith.constant 0 : i32
    %get3A_38 = arith.index_cast %get3A : i32 to index
    %get3A_39 = arith.constant 0 : index
    %get3A_40 = tpu.vector_load %arg5[%get3A_38, %get3A_39] {strides = array<i32>} : memref<1x128xi32, #tpu.memory_space<vmem>>, vector<1x16xi32>,
    %get3A_41 = vector.shape_cast %get3A_40 : vector<1x16xi32> to vector<16xi32>
    %sub3A_42 = vector.broadcast %mul3A_0 : i32 to vector<16xi32>
    %sub3A_43 = arith.subi %get3A_41, %sub3A_42 : vector<16xi32>
    %ge3A = arith.constant 0 : i32
    %ge3A_44 = vector.broadcast %ge3A : i32 to vector<16xi32>
    %ge3A_45 = arith.cmpi sge, %sub3A_43, %ge3A_44 : vector<16xi32>
    %lt3A = vector.broadcast %select_n3A : i32 to vector<16xi32>
    %lt3A_46 = arith.cmpi slt, %sub3A_43, %lt3A : vector<16xi32>
    %and3A = arith.andi %ge3A_45, %lt3A_46 : vector<16xi1>
    %jit3A_47 = arith.constant 25600 : i32
    %broadcast_in_dim3A_48 = vector.broadcast %jit3A_47 : i32 to vector<16xi32>
    %select_n3A_49 = arith.select %and3A, %sub3A_43, %broadcast_in_dim3A_48 : vector<16xi1>, vector<16xi32>
    %swap3A = arith.constant 0 : i32
    %swap3A_50 = arith.index_cast %swap3A : i32 to index
    %swap3A_51 = arith.constant 0 : index
    %swap3A_52 = tpu.vector_load %arg5[%swap3A_50, %swap3A_51] {strides = array<i32>} : memref<1x128xi32, #tpu.memory_space<vmem>>, vector<1x16xi32>,
    %swap3A_53 = vector.shape_cast %swap3A_52 : vector<1x16xi32> to vector<16xi32>
    %swap3A_54 = vector.shape_cast %select_n3A_49 : vector<16xi32> to vector<1x16xi32>
    tpu.vector_store %arg5[%swap3A_50, %swap3A_51], %swap3A_54 {strides = array<i32>} : memref<1x128xi32, #tpu.memory_space<vmem>>, vector<1x16xi32>,
    %get3A_55 = arith.constant 0 : i32
    %get3A_56 = arith.index_cast %get3A_55 : i32 to index
    %get3A_57 = arith.constant 16 : index
    %get3A_58 = tpu.vector_load %arg5[%get3A_56, %get3A_57] {strides = array<i32>} : memref<1x128xi32, #tpu.memory_space<vmem>>, vector<1x16xi32>,
    %get3A_59 = vector.shape_cast %get3A_58 : vector<1x16xi32> to vector<16xi32>
    %sub3A_60 = vector.broadcast %mul3A_0 : i32 to vector<16xi32>
    %sub3A_61 = arith.subi %get3A_59, %sub3A_60 : vector<16xi32>
    %ge3A_62 = arith.constant 0 : i32
    %ge3A_63 = vector.broadcast %ge3A_62 : i32 to vector<16xi32>
    %ge3A_64 = arith.cmpi sge, %sub3A_61, %ge3A_63 : vector<16xi32>
    %lt3A_65 = vector.broadcast %select_n3A : i32 to vector<16xi32>
    %lt3A_66 = arith.cmpi slt, %sub3A_61, %lt3A_65 : vector<16xi32>
    %and3A_67 = arith.andi %ge3A_64, %lt3A_66 : vector<16xi1>
    %jit3A_68 = arith.constant 25600 : i32
    %broadcast_in_dim3A_69 = vector.broadcast %jit3A_68 : i32 to vector<16xi32>
    %select_n3A_70 = arith.select %and3A_67, %sub3A_61, %broadcast_in_dim3A_69 : vector<16xi1>, vector<16xi32>
    %swap3A_71 = arith.constant 0 : i32
    %swap3A_72 = arith.index_cast %swap3A_71 : i32 to index
    %swap3A_73 = arith.constant 16 : index
    %swap3A_74 = tpu.vector_load %arg5[%swap3A_72, %swap3A_73] {strides = array<i32>} : memref<1x128xi32, #tpu.memory_space<vmem>>, vector<1x16xi32>,
    %swap3A_75 = vector.shape_cast %swap3A_74 : vector<1x16xi32> to vector<16xi32>
    %swap3A_76 = vector.shape_cast %select_n3A_70 : vector<16xi32> to vector<1x16xi32>
    tpu.vector_store %arg5[%swap3A_72, %swap3A_73], %swap3A_76 {strides = array<i32>} : memref<1x128xi32, #tpu.memory_space<vmem>>, vector<1x16xi32>,
    %get3A_77 = arith.constant 0 : i32
    %get3A_78 = arith.index_cast %get3A_77 : i32 to index
    %get3A_79 = arith.constant 32 : index
    %get3A_80 = tpu.vector_load %arg5[%get3A_78, %get3A_79] {strides = array<i32>} : memref<1x128xi32, #tpu.memory_space<vmem>>, vector<1x16xi32>,
    %get3A_81 = vector.shape_cast %get3A_80 : vector<1x16xi32> to vector<16xi32>
    %sub3A_82 = vector.broadcast %mul3A_0 : i32 to vector<16xi32>
    %sub3A_83 = arith.subi %get3A_81, %sub3A_82 : vector<16xi32>
    %ge3A_84 = arith.constant 0 : i32
    %ge3A_85 = vector.broadcast %ge3A_84 : i32 to vector<16xi32>
    %ge3A_86 = arith.cmpi sge, %sub3A_83, %ge3A_85 : vector<16xi32>
    %lt3A_87 = vector.broadcast %select_n3A : i32 to vector<16xi32>
    %lt3A_88 = arith.cmpi slt, %sub3A_83, %lt3A_87 : vector<16xi32>
    %and3A_89 = arith.andi %ge3A_86, %lt3A_88 : vector<16xi1>
    %jit3A_90 = arith.constant 25600 : i32
    %broadcast_in_dim3A_91 = vector.broadcast %jit3A_90 : i32 to vector<16xi32>
    %select_n3A_92 = arith.select %and3A_89, %sub3A_83, %broadcast_in_dim3A_91 : vector<16xi1>, vector<16xi32>
    %swap3A_93 = arith.constant 0 : i32
    %swap3A_94 = arith.index_cast %swap3A_93 : i32 to index
    %swap3A_95 = arith.constant 32 : index
    %swap3A_96 = tpu.vector_load %arg5[%swap3A_94, %swap3A_95] {strides = array<i32>} : memref<1x128xi32, #tpu.memory_space<vmem>>, vector<1x16xi32>,
    %swap3A_97 = vector.shape_cast %swap3A_96 : vector<1x16xi32> to vector<16xi32>
    %swap3A_98 = vector.shape_cast %select_n3A_92 : vector<16xi32> to vector<1x16xi32>
    tpu.vector_store %arg5[%swap3A_94, %swap3A_95], %swap3A_98 {strides = array<i32>} : memref<1x128xi32, #tpu.memory_space<vmem>>, vector<1x16xi32>,
    %get3A_99 = arith.constant 0 : i32
    %get3A_100 = arith.index_cast %get3A_99 : i32 to index
    %get3A_101 = arith.constant 48 : index
    %get3A_102 = tpu.vector_load %arg5[%get3A_100, %get3A_101] {strides = array<i32>} : memref<1x128xi32, #tpu.memory_space<vmem>>, vector<1x16xi32>,
    %get3A_103 = vector.shape_cast %get3A_102 : vector<1x16xi32> to vector<16xi32>
    %sub3A_104 = vector.broadcast %mul3A_0 : i32 to vector<16xi32>
    %sub3A_105 = arith.subi %get3A_103, %sub3A_104 : vector<16xi32>
    %ge3A_106 = arith.constant 0 : i32
    %ge3A_107 = vector.broadcast %ge3A_106 : i32 to vector<16xi32>
    %ge3A_108 = arith.cmpi sge, %sub3A_105, %ge3A_107 : vector<16xi32>
    %lt3A_109 = vector.broadcast %select_n3A : i32 to vector<16xi32>
    %lt3A_110 = arith.cmpi slt, %sub3A_105, %lt3A_109 : vector<16xi32>
    %and3A_111 = arith.andi %ge3A_108, %lt3A_110 : vector<16xi1>
    %jit3A_112 = arith.constant 25600 : i32
    %broadcast_in_dim3A_113 = vector.broadcast %jit3A_112 : i32 to vector<16xi32>
    %select_n3A_114 = arith.select %and3A_111, %sub3A_105, %broadcast_in_dim3A_113 : vector<16xi1>, vector<16xi32>
    %swap3A_115 = arith.constant 0 : i32
    %swap3A_116 = arith.index_cast %swap3A_115 : i32 to index
    %swap3A_117 = arith.constant 48 : index
    %swap3A_118 = tpu.vector_load %arg5[%swap3A_116, %swap3A_117] {strides = array<i32>} : memref<1x128xi32, #tpu.memory_space<vmem>>, vector<1x16xi32>,
    %swap3A_119 = vector.shape_cast %swap3A_118 : vector<1x16xi32> to vector<16xi32>
    %swap3A_120 = vector.shape_cast %select_n3A_114 : vector<16xi32> to vector<1x16xi32>
    tpu.vector_store %arg5[%swap3A_116, %swap3A_117], %swap3A_120 {strides = array<i32>} : memref<1x128xi32, #tpu.memory_space<vmem>>, vector<1x16xi32>,
    %get3A_121 = arith.constant 0 : i32
    %get3A_122 = arith.index_cast %get3A_121 : i32 to index
    %get3A_123 = arith.constant 64 : index
    %get3A_124 = tpu.vector_load %arg5[%get3A_122, %get3A_123] {strides = array<i32>} : memref<1x128xi32, #tpu.memory_space<vmem>>, vector<1x16xi32>,
    %get3A_125 = vector.shape_cast %get3A_124 : vector<1x16xi32> to vector<16xi32>
    %sub3A_126 = vector.broadcast %mul3A_0 : i32 to vector<16xi32>
    %sub3A_127 = arith.subi %get3A_125, %sub3A_126 : vector<16xi32>
    %ge3A_128 = arith.constant 0 : i32
    %ge3A_129 = vector.broadcast %ge3A_128 : i32 to vector<16xi32>
    %ge3A_130 = arith.cmpi sge, %sub3A_127, %ge3A_129 : vector<16xi32>
    %lt3A_131 = vector.broadcast %select_n3A : i32 to vector<16xi32>
    %lt3A_132 = arith.cmpi slt, %sub3A_127, %lt3A_131 : vector<16xi32>
    %and3A_133 = arith.andi %ge3A_130, %lt3A_132 : vector<16xi1>
    %jit3A_134 = arith.constant 25600 : i32
    %broadcast_in_dim3A_135 = vector.broadcast %jit3A_134 : i32 to vector<16xi32>
    %select_n3A_136 = arith.select %and3A_133, %sub3A_127, %broadcast_in_dim3A_135 : vector<16xi1>, vector<16xi32>
    %swap3A_137 = arith.constant 0 : i32
    %swap3A_138 = arith.index_cast %swap3A_137 : i32 to index
    %swap3A_139 = arith.constant 64 : index
    %swap3A_140 = tpu.vector_load %arg5[%swap3A_138, %swap3A_139] {strides = array<i32>} : memref<1x128xi32, #tpu.memory_space<vmem>>, vector<1x16xi32>,
    %swap3A_141 = vector.shape_cast %swap3A_140 : vector<1x16xi32> to vector<16xi32>
    %swap3A_142 = vector.shape_cast %select_n3A_136 : vector<16xi32> to vector<1x16xi32>
    tpu.vector_store %arg5[%swap3A_138, %swap3A_139], %swap3A_142 {strides = array<i32>} : memref<1x128xi32, #tpu.memory_space<vmem>>, vector<1x16xi32>,
    %get3A_143 = arith.constant 0 : i32
    %get3A_144 = arith.index_cast %get3A_143 : i32 to index
    %get3A_145 = arith.constant 80 : index
    %get3A_146 = tpu.vector_load %arg5[%get3A_144, %get3A_145] {strides = array<i32>} : memref<1x128xi32, #tpu.memory_space<vmem>>, vector<1x16xi32>,
    %get3A_147 = vector.shape_cast %get3A_146 : vector<1x16xi32> to vector<16xi32>
    %sub3A_148 = vector.broadcast %mul3A_0 : i32 to vector<16xi32>
    %sub3A_149 = arith.subi %get3A_147, %sub3A_148 : vector<16xi32>
    %ge3A_150 = arith.constant 0 : i32
    %ge3A_151 = vector.broadcast %ge3A_150 : i32 to vector<16xi32>
    %ge3A_152 = arith.cmpi sge, %sub3A_149, %ge3A_151 : vector<16xi32>
    %lt3A_153 = vector.broadcast %select_n3A : i32 to vector<16xi32>
    %lt3A_154 = arith.cmpi slt, %sub3A_149, %lt3A_153 : vector<16xi32>
    %and3A_155 = arith.andi %ge3A_152, %lt3A_154 : vector<16xi1>
    %jit3A_156 = arith.constant 25600 : i32
    %broadcast_in_dim3A_157 = vector.broadcast %jit3A_156 : i32 to vector<16xi32>
    %select_n3A_158 = arith.select %and3A_155, %sub3A_149, %broadcast_in_dim3A_157 : vector<16xi1>, vector<16xi32>
    %swap3A_159 = arith.constant 0 : i32
    %swap3A_160 = arith.index_cast %swap3A_159 : i32 to index
    %swap3A_161 = arith.constant 80 : index
    %swap3A_162 = tpu.vector_load %arg5[%swap3A_160, %swap3A_161] {strides = array<i32>} : memref<1x128xi32, #tpu.memory_space<vmem>>, vector<1x16xi32>,
    %swap3A_163 = vector.shape_cast %swap3A_162 : vector<1x16xi32> to vector<16xi32>
    %swap3A_164 = vector.shape_cast %select_n3A_158 : vector<16xi32> to vector<1x16xi32>
    tpu.vector_store %arg5[%swap3A_160, %swap3A_161], %swap3A_164 {strides = array<i32>} : memref<1x128xi32, #tpu.memory_space<vmem>>, vector<1x16xi32>,
    %get3A_165 = arith.constant 0 : i32
    %get3A_166 = arith.index_cast %get3A_165 : i32 to index
    %get3A_167 = arith.constant 96 : index
    %get3A_168 = tpu.vector_load %arg5[%get3A_166, %get3A_167] {strides = array<i32>} : memref<1x128xi32, #tpu.memory_space<vmem>>, vector<1x16xi32>,
    %get3A_169 = vector.shape_cast %get3A_168 : vector<1x16xi32> to vector<16xi32>
    %sub3A_170 = vector.broadcast %mul3A_0 : i32 to vector<16xi32>
    %sub3A_171 = arith.subi %get3A_169, %sub3A_170 : vector<16xi32>
    %ge3A_172 = arith.constant 0 : i32
    %ge3A_173 = vector.broadcast %ge3A_172 : i32 to vector<16xi32>
    %ge3A_174 = arith.cmpi sge, %sub3A_171, %ge3A_173 : vector<16xi32>
    %lt3A_175 = vector.broadcast %select_n3A : i32 to vector<16xi32>
    %lt3A_176 = arith.cmpi slt, %sub3A_171, %lt3A_175 : vector<16xi32>
    %and3A_177 = arith.andi %ge3A_174, %lt3A_176 : vector<16xi1>
    %jit3A_178 = arith.constant 25600 : i32
    %broadcast_in_dim3A_179 = vector.broadcast %jit3A_178 : i32 to vector<16xi32>
    %select_n3A_180 = arith.select %and3A_177, %sub3A_171, %broadcast_in_dim3A_179 : vector<16xi1>, vector<16xi32>
    %swap3A_181 = arith.constant 0 : i32
    %swap3A_182 = arith.index_cast %swap3A_181 : i32 to index
    %swap3A_183 = arith.constant 96 : index
    %swap3A_184 = tpu.vector_load %arg5[%swap3A_182, %swap3A_183] {strides = array<i32>} : memref<1x128xi32, #tpu.memory_space<vmem>>, vector<1x16xi32>,
    %swap3A_185 = vector.shape_cast %swap3A_184 : vector<1x16xi32> to vector<16xi32>
    %swap3A_186 = vector.shape_cast %select_n3A_180 : vector<16xi32> to vector<1x16xi32>
    tpu.vector_store %arg5[%swap3A_182, %swap3A_183], %swap3A_186 {strides = array<i32>} : memref<1x128xi32, #tpu.memory_space<vmem>>, vector<1x16xi32>,
    %get3A_187 = arith.constant 0 : i32
    %get3A_188 = arith.index_cast %get3A_187 : i32 to index
    %get3A_189 = arith.constant 112 : index
    %get3A_190 = tpu.vector_load %arg5[%get3A_188, %get3A_189] {strides = array<i32>} : memref<1x128xi32, #tpu.memory_space<vmem>>, vector<1x16xi32>,
    %get3A_191 = vector.shape_cast %get3A_190 : vector<1x16xi32> to vector<16xi32>
    %sub3A_192 = vector.broadcast %mul3A_0 : i32 to vector<16xi32>
    %sub3A_193 = arith.subi %get3A_191, %sub3A_192 : vector<16xi32>
    %ge3A_194 = arith.constant 0 : i32
    %ge3A_195 = vector.broadcast %ge3A_194 : i32 to vector<16xi32>
    %ge3A_196 = arith.cmpi sge, %sub3A_193, %ge3A_195 : vector<16xi32>
    %lt3A_197 = vector.broadcast %select_n3A : i32 to vector<16xi32>
    %lt3A_198 = arith.cmpi slt, %sub3A_193, %lt3A_197 : vector<16xi32>
    %and3A_199 = arith.andi %ge3A_196, %lt3A_198 : vector<16xi1>
    %jit3A_200 = arith.constant 25600 : i32
    %broadcast_in_dim3A_201 = vector.broadcast %jit3A_200 : i32 to vector<16xi32>
    %select_n3A_202 = arith.select %and3A_199, %sub3A_193, %broadcast_in_dim3A_201 : vector<16xi1>, vector<16xi32>
    %swap3A_203 = arith.constant 0 : i32
    %swap3A_204 = arith.index_cast %swap3A_203 : i32 to index
    %swap3A_205 = arith.constant 112 : index
    %swap3A_206 = tpu.vector_load %arg5[%swap3A_204, %swap3A_205] {strides = array<i32>} : memref<1x128xi32, #tpu.memory_space<vmem>>, vector<1x16xi32>,
    %swap3A_207 = vector.shape_cast %swap3A_206 : vector<1x16xi32> to vector<16xi32>
    %swap3A_208 = vector.shape_cast %select_n3A_202 : vector<16xi32> to vector<1x16xi32>
    tpu.vector_store %arg5[%swap3A_204, %swap3A_205], %swap3A_208 {strides = array<i32>} : memref<1x128xi32, #tpu.memory_space<vmem>>, vector<1x16xi32>,
    %dma_start3A_209 = arith.constant 0 : i32
    %dma_start3A_210 = arith.constant 0 : i32
    %dma_start3A_211 = tpu.memref_slice %arg5[%dma_start3A_209, %dma_start3A_210] : memref<1x128xi32, #tpu.memory_space<vmem>> -> memref<1x128xi32, #tpu.memory_space<vmem>>
    %dma_start3A_212 = tpu.memref_squeeze %dma_start3A_211 : memref<1x128xi32, #tpu.memory_space<vmem>> -> memref<128xi32, #tpu.memory_space<vmem>>
    %dma_start3A_213 = arith.constant 0 : i32
    %dma_start3A_214 = arith.constant 0 : i32
    %dma_start3A_215 = tpu.memref_slice %arg10[%dma_start3A_213, %dma_start3A_214] : memref<25608x16xf32, #tpu.memory_space<vmem_shared>> -> memref<25608x16xf32, #tpu.memory_space<vmem_shared>>
    tpu.enqueue_indirect_dma source(%arg8 : memref<128x16xf32, #tpu.memory_space<vmem>>) target(%dma_start3A_215 : memref<25608x16xf32, #tpu.memory_space<vmem_shared>>) offsets(%dma_start3A_212 : memref<128xi32, #tpu.memory_space<vmem>>) semaphore(%arg14 : memref<!tpu.dma_semaphore, #tpu.memory_space<semaphore_mem>>) {add = true}
    %mul3A_216 = arith.constant 391 : i32
    %mul3A_217 = arith.muli %arg1, %mul3A_216 : i32
    %add3A_218 = arith.constant 1 : i32
    %add3A_219 = arith.addi %mul3A_217, %add3A_218 : i32
    %mul3A_220 = arith.constant 1 : i32
    %mul3A_221 = arith.muli %add3A_219, %mul3A_220 : i32
    %dma_start3A_222 = arith.constant 0 : i32
    %dma_start3A_223 = tpu.memref_slice %arg2[%mul3A_221, %dma_start3A_222] : memref<6257x128xi32, #tpu.memory_space<hbm>> -> memref<1x128xi32, #tpu.memory_space<hbm>>
    %dma_start3A_224 = arith.constant 0 : i32
    %dma_start3A_225 = tpu.memref_slice %arg2[%mul3A_221, %dma_start3A_224] : memref<6257x128xi32, #tpu.memory_space<hbm>> -> memref<1x128xi32, #tpu.memory_space<hbm>>
    tpu.enqueue_dma source(%dma_start3A_225 : memref<1x128xi32, #tpu.memory_space<hbm>>) target(%arg6 : memref<1x128xi32, #tpu.memory_space<vmem>>) target_semaphore(%arg12 : memref<!tpu.dma_semaphore, #tpu.memory_space<semaphore_mem>>)
    %scan3A_226 = arith.constant 0 : i32
    %scan3A_227 = arith.constant 130 : i32
    %scan3A_228 = arith.addi %scan3A_226, %scan3A_227 : i32
    %scan3A_229 = arith.constant 1 : i32
    scf.for %scan3A_277 = %scan3A_226 to %scan3A_228 step %scan3A_229  : i32 {
      %mul3A_278 = arith.constant 1 : i32
      %mul3A_279 = arith.muli %scan3A_277, %mul3A_278 : i32
      %add3A_280 = arith.constant 0 : i32
      %add3A_281 = arith.addi %add3A_280, %mul3A_279 : i32
      %mul3A_282 = arith.constant 3 : i32
      %mul3A_283 = arith.muli %mul3A_282, %add3A_281 : i32
      %add3A_284 = arith.constant 1 : i32
      %add3A_285 = arith.addi %mul3A_283, %add3A_284 : i32
      %add3A_286 = arith.constant 0 : i32
      %add3A_287 = arith.addi %add3A_285, %add3A_286 : i32
      %mul3A_288 = arith.constant 391 : i32
      %mul3A_289 = arith.muli %arg1, %mul3A_288 : i32
      %add3A_290 = arith.addi %mul3A_289, %add3A_287 : i32
      %mul3A_291 = arith.constant 1 : i32
      %mul3A_292 = arith.muli %add3A_290, %mul3A_291 : i32
      %dma_wait3A_293 = arith.constant 0 : i32
      %dma_wait3A_294 = tpu.memref_slice %arg2[%mul3A_292, %dma_wait3A_293] : memref<6257x128xi32, #tpu.memory_space<hbm>> -> memref<1x128xi32, #tpu.memory_space<hbm>>
      %dma_wait3A_295 = arith.constant 0 : i32
      %dma_wait3A_296 = tpu.memref_slice %arg2[%mul3A_292, %dma_wait3A_295] : memref<6257x128xi32, #tpu.memory_space<hbm>> -> memref<1x128xi32, #tpu.memory_space<hbm>>
      tpu.wait_dma2 semaphore(%arg12 : memref<!tpu.dma_semaphore, #tpu.memory_space<semaphore_mem>>) src(%dma_wait3A_296 : memref<1x128xi32, #tpu.memory_space<hbm>>) dst(%arg6 : memref<1x128xi32, #tpu.memory_space<vmem>>)
      %ge3A_297 = arith.constant 2 : i32
      %ge3A_298 = arith.cmpi sge, %add3A_287, %ge3A_297 : i32
      %convert_element_type3A_299 = arith.extui %ge3A_298 : i1 to i32
      %cond3A_300 = arith.constant 0 : i32
      %cond3A_301 = arith.cmpi ne, %convert_element_type3A_299, %cond3A_300 : i32
      scf.if %cond3A_301 {
        %dma_wait3A_924 = arith.constant 0 : i32
        %dma_wait3A_925 = arith.constant 0 : i32
        %dma_wait3A_926 = tpu.memref_slice %arg7[%dma_wait3A_924, %dma_wait3A_925] : memref<1x128xi32, #tpu.memory_space<vmem>> -> memref<1x128xi32, #tpu.memory_space<vmem>>
        %dma_wait3A_927 = tpu.memref_squeeze %dma_wait3A_926 : memref<1x128xi32, #tpu.memory_space<vmem>> -> memref<128xi32, #tpu.memory_space<vmem>>
        %dma_wait3A_928 = arith.constant 0 : i32
        %dma_wait3A_929 = arith.constant 0 : i32
        %dma_wait3A_930 = tpu.memref_slice %arg10[%dma_wait3A_928, %dma_wait3A_929] : memref<25608x16xf32, #tpu.memory_space<vmem_shared>> -> memref<25608x16xf32, #tpu.memory_space<vmem_shared>>
        tpu.wait_indirect_dma semaphore(%arg16 : memref<!tpu.dma_semaphore, #tpu.memory_space<semaphore_mem>>) src(%arg8 : memref<128x16xf32, #tpu.memory_space<vmem>>) dst(%dma_wait3A_930 : memref<25608x16xf32, #tpu.memory_space<vmem_shared>>)
      } else {
      }
      %add3A_302 = arith.constant 1 : i32
      %add3A_303 = arith.addi %add3A_287, %add3A_302 : i32
      %mul3A_304 = arith.constant 391 : i32
      %mul3A_305 = arith.muli %arg1, %mul3A_304 : i32
      %add3A_306 = arith.addi %mul3A_305, %add3A_303 : i32
      %mul3A_307 = arith.constant 1 : i32
      %mul3A_308 = arith.muli %add3A_306, %mul3A_307 : i32
      %dma_start3A_309 = arith.constant 0 : i32
      %dma_start3A_310 = tpu.memref_slice %arg2[%mul3A_308, %dma_start3A_309] : memref<6257x128xi32, #tpu.memory_space<hbm>> -> memref<1x128xi32, #tpu.memory_space<hbm>>
      %dma_start3A_311 = arith.constant 0 : i32
      %dma_start3A_312 = tpu.memref_slice %arg2[%mul3A_308, %dma_start3A_311] : memref<6257x128xi32, #tpu.memory_space<hbm>> -> memref<1x128xi32, #tpu.memory_space<hbm>>
      tpu.enqueue_dma source(%dma_start3A_312 : memref<1x128xi32, #tpu.memory_space<hbm>>) target(%arg7 : memref<1x128xi32, #tpu.memory_space<vmem>>) target_semaphore(%arg13 : memref<!tpu.dma_semaphore, #tpu.memory_space<semaphore_mem>>)
      %get3A_313 = arith.constant 0 : i32
      %get3A_314 = arith.index_cast %get3A_313 : i32 to index
      %get3A_315 = arith.constant 0 : index
      %get3A_316 = tpu.vector_load %arg6[%get3A_314, %get3A_315] {strides = array<i32>} : memref<1x128xi32, #tpu.memory_space<vmem>>, vector<1x16xi32>,
      %get3A_317 = vector.shape_cast %get3A_316 : vector<1x16xi32> to vector<16xi32>
      %sub3A_318 = vector.broadcast %mul3A_0 : i32 to vector<16xi32>
      %sub3A_319 = arith.subi %get3A_317, %sub3A_318 : vector<16xi32>
      %ge3A_320 = arith.constant 0 : i32
      %ge3A_321 = vector.broadcast %ge3A_320 : i32 to vector<16xi32>
      %ge3A_322 = arith.cmpi sge, %sub3A_319, %ge3A_321 : vector<16xi32>
      %lt3A_323 = vector.broadcast %select_n3A : i32 to vector<16xi32>
      %lt3A_324 = arith.cmpi slt, %sub3A_319, %lt3A_323 : vector<16xi32>
      %and3A_325 = arith.andi %ge3A_322, %lt3A_324 : vector<16xi1>
      %jit3A_326 = arith.constant 25600 : i32
      %broadcast_in_dim3A_327 = vector.broadcast %jit3A_326 : i32 to vector<16xi32>
      %select_n3A_328 = arith.select %and3A_325, %sub3A_319, %broadcast_in_dim3A_327 : vector<16xi1>, vector<16xi32>
      %swap3A_329 = arith.constant 0 : i32
      %swap3A_330 = arith.index_cast %swap3A_329 : i32 to index
      %swap3A_331 = arith.constant 0 : index
      %swap3A_332 = tpu.vector_load %arg6[%swap3A_330, %swap3A_331] {strides = array<i32>} : memref<1x128xi32, #tpu.memory_space<vmem>>, vector<1x16xi32>,
      %swap3A_333 = vector.shape_cast %swap3A_332 : vector<1x16xi32> to vector<16xi32>
      %swap3A_334 = vector.shape_cast %select_n3A_328 : vector<16xi32> to vector<1x16xi32>
      tpu.vector_store %arg6[%swap3A_330, %swap3A_331], %swap3A_334 {strides = array<i32>} : memref<1x128xi32, #tpu.memory_space<vmem>>, vector<1x16xi32>,
      %get3A_335 = arith.constant 0 : i32
      %get3A_336 = arith.index_cast %get3A_335 : i32 to index
      %get3A_337 = arith.constant 16 : index
      %get3A_338 = tpu.vector_load %arg6[%get3A_336, %get3A_337] {strides = array<i32>} : memref<1x128xi32, #tpu.memory_space<vmem>>, vector<1x16xi32>,
      %get3A_339 = vector.shape_cast %get3A_338 : vector<1x16xi32> to vector<16xi32>
      %sub3A_340 = vector.broadcast %mul3A_0 : i32 to vector<16xi32>
      %sub3A_341 = arith.subi %get3A_339, %sub3A_340 : vector<16xi32>
      %ge3A_342 = arith.constant 0 : i32
      %ge3A_343 = vector.broadcast %ge3A_342 : i32 to vector<16xi32>
      %ge3A_344 = arith.cmpi sge, %sub3A_341, %ge3A_343 : vector<16xi32>
      %lt3A_345 = vector.broadcast %select_n3A : i32 to vector<16xi32>
      %lt3A_346 = arith.cmpi slt, %sub3A_341, %lt3A_345 : vector<16xi32>
      %and3A_347 = arith.andi %ge3A_344, %lt3A_346 : vector<16xi1>
      %jit3A_348 = arith.constant 25600 : i32
      %broadcast_in_dim3A_349 = vector.broadcast %jit3A_348 : i32 to vector<16xi32>
      %select_n3A_350 = arith.select %and3A_347, %sub3A_341, %broadcast_in_dim3A_349 : vector<16xi1>, vector<16xi32>
      %swap3A_351 = arith.constant 0 : i32
      %swap3A_352 = arith.index_cast %swap3A_351 : i32 to index
      %swap3A_353 = arith.constant 16 : index
      %swap3A_354 = tpu.vector_load %arg6[%swap3A_352, %swap3A_353] {strides = array<i32>} : memref<1x128xi32, #tpu.memory_space<vmem>>, vector<1x16xi32>,
      %swap3A_355 = vector.shape_cast %swap3A_354 : vector<1x16xi32> to vector<16xi32>
      %swap3A_356 = vector.shape_cast %select_n3A_350 : vector<16xi32> to vector<1x16xi32>
      tpu.vector_store %arg6[%swap3A_352, %swap3A_353], %swap3A_356 {strides = array<i32>} : memref<1x128xi32, #tpu.memory_space<vmem>>, vector<1x16xi32>,
      %get3A_357 = arith.constant 0 : i32
      %get3A_358 = arith.index_cast %get3A_357 : i32 to index
      %get3A_359 = arith.constant 32 : index
      %get3A_360 = tpu.vector_load %arg6[%get3A_358, %get3A_359] {strides = array<i32>} : memref<1x128xi32, #tpu.memory_space<vmem>>, vector<1x16xi32>,
      %get3A_361 = vector.shape_cast %get3A_360 : vector<1x16xi32> to vector<16xi32>
      %sub3A_362 = vector.broadcast %mul3A_0 : i32 to vector<16xi32>
      %sub3A_363 = arith.subi %get3A_361, %sub3A_362 : vector<16xi32>
      %ge3A_364 = arith.constant 0 : i32
      %ge3A_365 = vector.broadcast %ge3A_364 : i32 to vector<16xi32>
      %ge3A_366 = arith.cmpi sge, %sub3A_363, %ge3A_365 : vector<16xi32>
      %lt3A_367 = vector.broadcast %select_n3A : i32 to vector<16xi32>
      %lt3A_368 = arith.cmpi slt, %sub3A_363, %lt3A_367 : vector<16xi32>
      %and3A_369 = arith.andi %ge3A_366, %lt3A_368 : vector<16xi1>
      %jit3A_370 = arith.constant 25600 : i32
      %broadcast_in_dim3A_371 = vector.broadcast %jit3A_370 : i32 to vector<16xi32>
      %select_n3A_372 = arith.select %and3A_369, %sub3A_363, %broadcast_in_dim3A_371 : vector<16xi1>, vector<16xi32>
      %swap3A_373 = arith.constant 0 : i32
      %swap3A_374 = arith.index_cast %swap3A_373 : i32 to index
      %swap3A_375 = arith.constant 32 : index
      %swap3A_376 = tpu.vector_load %arg6[%swap3A_374, %swap3A_375] {strides = array<i32>} : memref<1x128xi32, #tpu.memory_space<vmem>>, vector<1x16xi32>,
      %swap3A_377 = vector.shape_cast %swap3A_376 : vector<1x16xi32> to vector<16xi32>
      %swap3A_378 = vector.shape_cast %select_n3A_372 : vector<16xi32> to vector<1x16xi32>
      tpu.vector_store %arg6[%swap3A_374, %swap3A_375], %swap3A_378 {strides = array<i32>} : memref<1x128xi32, #tpu.memory_space<vmem>>, vector<1x16xi32>,
      %get3A_379 = arith.constant 0 : i32
      %get3A_380 = arith.index_cast %get3A_379 : i32 to index
      %get3A_381 = arith.constant 48 : index
      %get3A_382 = tpu.vector_load %arg6[%get3A_380, %get3A_381] {strides = array<i32>} : memref<1x128xi32, #tpu.memory_space<vmem>>, vector<1x16xi32>,
      %get3A_383 = vector.shape_cast %get3A_382 : vector<1x16xi32> to vector<16xi32>
      %sub3A_384 = vector.broadcast %mul3A_0 : i32 to vector<16xi32>
      %sub3A_385 = arith.subi %get3A_383, %sub3A_384 : vector<16xi32>
      %ge3A_386 = arith.constant 0 : i32
      %ge3A_387 = vector.broadcast %ge3A_386 : i32 to vector<16xi32>
      %ge3A_388 = arith.cmpi sge, %sub3A_385, %ge3A_387 : vector<16xi32>
      %lt3A_389 = vector.broadcast %select_n3A : i32 to vector<16xi32>
      %lt3A_390 = arith.cmpi slt, %sub3A_385, %lt3A_389 : vector<16xi32>
      %and3A_391 = arith.andi %ge3A_388, %lt3A_390 : vector<16xi1>
      %jit3A_392 = arith.constant 25600 : i32
      %broadcast_in_dim3A_393 = vector.broadcast %jit3A_392 : i32 to vector<16xi32>
      %select_n3A_394 = arith.select %and3A_391, %sub3A_385, %broadcast_in_dim3A_393 : vector<16xi1>, vector<16xi32>
      %swap3A_395 = arith.constant 0 : i32
      %swap3A_396 = arith.index_cast %swap3A_395 : i32 to index
      %swap3A_397 = arith.constant 48 : index
      %swap3A_398 = tpu.vector_load %arg6[%swap3A_396, %swap3A_397] {strides = array<i32>} : memref<1x128xi32, #tpu.memory_space<vmem>>, vector<1x16xi32>,
      %swap3A_399 = vector.shape_cast %swap3A_398 : vector<1x16xi32> to vector<16xi32>
      %swap3A_400 = vector.shape_cast %select_n3A_394 : vector<16xi32> to vector<1x16xi32>
      tpu.vector_store %arg6[%swap3A_396, %swap3A_397], %swap3A_400 {strides = array<i32>} : memref<1x128xi32, #tpu.memory_space<vmem>>, vector<1x16xi32>,
      %get3A_401 = arith.constant 0 : i32
      %get3A_402 = arith.index_cast %get3A_401 : i32 to index
      %get3A_403 = arith.constant 64 : index
      %get3A_404 = tpu.vector_load %arg6[%get3A_402, %get3A_403] {strides = array<i32>} : memref<1x128xi32, #tpu.memory_space<vmem>>, vector<1x16xi32>,
      %get3A_405 = vector.shape_cast %get3A_404 : vector<1x16xi32> to vector<16xi32>
      %sub3A_406 = vector.broadcast %mul3A_0 : i32 to vector<16xi32>
      %sub3A_407 = arith.subi %get3A_405, %sub3A_406 : vector<16xi32>
      %ge3A_408 = arith.constant 0 : i32
      %ge3A_409 = vector.broadcast %ge3A_408 : i32 to vector<16xi32>
      %ge3A_410 = arith.cmpi sge, %sub3A_407, %ge3A_409 : vector<16xi32>
      %lt3A_411 = vector.broadcast %select_n3A : i32 to vector<16xi32>
      %lt3A_412 = arith.cmpi slt, %sub3A_407, %lt3A_411 : vector<16xi32>
      %and3A_413 = arith.andi %ge3A_410, %lt3A_412 : vector<16xi1>
      %jit3A_414 = arith.constant 25600 : i32
      %broadcast_in_dim3A_415 = vector.broadcast %jit3A_414 : i32 to vector<16xi32>
      %select_n3A_416 = arith.select %and3A_413, %sub3A_407, %broadcast_in_dim3A_415 : vector<16xi1>, vector<16xi32>
      %swap3A_417 = arith.constant 0 : i32
      %swap3A_418 = arith.index_cast %swap3A_417 : i32 to index
      %swap3A_419 = arith.constant 64 : index
      %swap3A_420 = tpu.vector_load %arg6[%swap3A_418, %swap3A_419] {strides = array<i32>} : memref<1x128xi32, #tpu.memory_space<vmem>>, vector<1x16xi32>,
      %swap3A_421 = vector.shape_cast %swap3A_420 : vector<1x16xi32> to vector<16xi32>
      %swap3A_422 = vector.shape_cast %select_n3A_416 : vector<16xi32> to vector<1x16xi32>
      tpu.vector_store %arg6[%swap3A_418, %swap3A_419], %swap3A_422 {strides = array<i32>} : memref<1x128xi32, #tpu.memory_space<vmem>>, vector<1x16xi32>,
      %get3A_423 = arith.constant 0 : i32
      %get3A_424 = arith.index_cast %get3A_423 : i32 to index
      %get3A_425 = arith.constant 80 : index
      %get3A_426 = tpu.vector_load %arg6[%get3A_424, %get3A_425] {strides = array<i32>} : memref<1x128xi32, #tpu.memory_space<vmem>>, vector<1x16xi32>,
      %get3A_427 = vector.shape_cast %get3A_426 : vector<1x16xi32> to vector<16xi32>
      %sub3A_428 = vector.broadcast %mul3A_0 : i32 to vector<16xi32>
      %sub3A_429 = arith.subi %get3A_427, %sub3A_428 : vector<16xi32>
      %ge3A_430 = arith.constant 0 : i32
      %ge3A_431 = vector.broadcast %ge3A_430 : i32 to vector<16xi32>
      %ge3A_432 = arith.cmpi sge, %sub3A_429, %ge3A_431 : vector<16xi32>
      %lt3A_433 = vector.broadcast %select_n3A : i32 to vector<16xi32>
      %lt3A_434 = arith.cmpi slt, %sub3A_429, %lt3A_433 : vector<16xi32>
      %and3A_435 = arith.andi %ge3A_432, %lt3A_434 : vector<16xi1>
      %jit3A_436 = arith.constant 25600 : i32
      %broadcast_in_dim3A_437 = vector.broadcast %jit3A_436 : i32 to vector<16xi32>
      %select_n3A_438 = arith.select %and3A_435, %sub3A_429, %broadcast_in_dim3A_437 : vector<16xi1>, vector<16xi32>
      %swap3A_439 = arith.constant 0 : i32
      %swap3A_440 = arith.index_cast %swap3A_439 : i32 to index
      %swap3A_441 = arith.constant 80 : index
      %swap3A_442 = tpu.vector_load %arg6[%swap3A_440, %swap3A_441] {strides = array<i32>} : memref<1x128xi32, #tpu.memory_space<vmem>>, vector<1x16xi32>,
      %swap3A_443 = vector.shape_cast %swap3A_442 : vector<1x16xi32> to vector<16xi32>
      %swap3A_444 = vector.shape_cast %select_n3A_438 : vector<16xi32> to vector<1x16xi32>
      tpu.vector_store %arg6[%swap3A_440, %swap3A_441], %swap3A_444 {strides = array<i32>} : memref<1x128xi32, #tpu.memory_space<vmem>>, vector<1x16xi32>,
      %get3A_445 = arith.constant 0 : i32
      %get3A_446 = arith.index_cast %get3A_445 : i32 to index
      %get3A_447 = arith.constant 96 : index
      %get3A_448 = tpu.vector_load %arg6[%get3A_446, %get3A_447] {strides = array<i32>} : memref<1x128xi32, #tpu.memory_space<vmem>>, vector<1x16xi32>,
      %get3A_449 = vector.shape_cast %get3A_448 : vector<1x16xi32> to vector<16xi32>
      %sub3A_450 = vector.broadcast %mul3A_0 : i32 to vector<16xi32>
      %sub3A_451 = arith.subi %get3A_449, %sub3A_450 : vector<16xi32>
      %ge3A_452 = arith.constant 0 : i32
      %ge3A_453 = vector.broadcast %ge3A_452 : i32 to vector<16xi32>
      %ge3A_454 = arith.cmpi sge, %sub3A_451, %ge3A_453 : vector<16xi32>
      %lt3A_455 = vector.broadcast %select_n3A : i32 to vector<16xi32>
      %lt3A_456 = arith.cmpi slt, %sub3A_451, %lt3A_455 : vector<16xi32>
      %and3A_457 = arith.andi %ge3A_454, %lt3A_456 : vector<16xi1>
      %jit3A_458 = arith.constant 25600 : i32
      %broadcast_in_dim3A_459 = vector.broadcast %jit3A_458 : i32 to vector<16xi32>
      %select_n3A_460 = arith.select %and3A_457, %sub3A_451, %broadcast_in_dim3A_459 : vector<16xi1>, vector<16xi32>
      %swap3A_461 = arith.constant 0 : i32
      %swap3A_462 = arith.index_cast %swap3A_461 : i32 to index
      %swap3A_463 = arith.constant 96 : index
      %swap3A_464 = tpu.vector_load %arg6[%swap3A_462, %swap3A_463] {strides = array<i32>} : memref<1x128xi32, #tpu.memory_space<vmem>>, vector<1x16xi32>,
      %swap3A_465 = vector.shape_cast %swap3A_464 : vector<1x16xi32> to vector<16xi32>
      %swap3A_466 = vector.shape_cast %select_n3A_460 : vector<16xi32> to vector<1x16xi32>
      tpu.vector_store %arg6[%swap3A_462, %swap3A_463], %swap3A_466 {strides = array<i32>} : memref<1x128xi32, #tpu.memory_space<vmem>>, vector<1x16xi32>,
      %get3A_467 = arith.constant 0 : i32
      %get3A_468 = arith.index_cast %get3A_467 : i32 to index
      %get3A_469 = arith.constant 112 : index
      %get3A_470 = tpu.vector_load %arg6[%get3A_468, %get3A_469] {strides = array<i32>} : memref<1x128xi32, #tpu.memory_space<vmem>>, vector<1x16xi32>,
      %get3A_471 = vector.shape_cast %get3A_470 : vector<1x16xi32> to vector<16xi32>
      %sub3A_472 = vector.broadcast %mul3A_0 : i32 to vector<16xi32>
      %sub3A_473 = arith.subi %get3A_471, %sub3A_472 : vector<16xi32>
      %ge3A_474 = arith.constant 0 : i32
      %ge3A_475 = vector.broadcast %ge3A_474 : i32 to vector<16xi32>
      %ge3A_476 = arith.cmpi sge, %sub3A_473, %ge3A_475 : vector<16xi32>
      %lt3A_477 = vector.broadcast %select_n3A : i32 to vector<16xi32>
      %lt3A_478 = arith.cmpi slt, %sub3A_473, %lt3A_477 : vector<16xi32>
      %and3A_479 = arith.andi %ge3A_476, %lt3A_478 : vector<16xi1>
      %jit3A_480 = arith.constant 25600 : i32
      %broadcast_in_dim3A_481 = vector.broadcast %jit3A_480 : i32 to vector<16xi32>
      %select_n3A_482 = arith.select %and3A_479, %sub3A_473, %broadcast_in_dim3A_481 : vector<16xi1>, vector<16xi32>
      %swap3A_483 = arith.constant 0 : i32
      %swap3A_484 = arith.index_cast %swap3A_483 : i32 to index
      %swap3A_485 = arith.constant 112 : index
      %swap3A_486 = tpu.vector_load %arg6[%swap3A_484, %swap3A_485] {strides = array<i32>} : memref<1x128xi32, #tpu.memory_space<vmem>>, vector<1x16xi32>,
      %swap3A_487 = vector.shape_cast %swap3A_486 : vector<1x16xi32> to vector<16xi32>
      %swap3A_488 = vector.shape_cast %select_n3A_482 : vector<16xi32> to vector<1x16xi32>
      tpu.vector_store %arg6[%swap3A_484, %swap3A_485], %swap3A_488 {strides = array<i32>} : memref<1x128xi32, #tpu.memory_space<vmem>>, vector<1x16xi32>,
      %dma_start3A_489 = arith.constant 0 : i32
      %dma_start3A_490 = arith.constant 0 : i32
      %dma_start3A_491 = tpu.memref_slice %arg6[%dma_start3A_489, %dma_start3A_490] : memref<1x128xi32, #tpu.memory_space<vmem>> -> memref<1x128xi32, #tpu.memory_space<vmem>>
      %dma_start3A_492 = tpu.memref_squeeze %dma_start3A_491 : memref<1x128xi32, #tpu.memory_space<vmem>> -> memref<128xi32, #tpu.memory_space<vmem>>
      %dma_start3A_493 = arith.constant 0 : i32
      %dma_start3A_494 = arith.constant 0 : i32
      %dma_start3A_495 = tpu.memref_slice %arg10[%dma_start3A_493, %dma_start3A_494] : memref<25608x16xf32, #tpu.memory_space<vmem_shared>> -> memref<25608x16xf32, #tpu.memory_space<vmem_shared>>
      tpu.enqueue_indirect_dma source(%arg8 : memref<128x16xf32, #tpu.memory_space<vmem>>) target(%dma_start3A_495 : memref<25608x16xf32, #tpu.memory_space<vmem_shared>>) offsets(%dma_start3A_492 : memref<128xi32, #tpu.memory_space<vmem>>) semaphore(%arg15 : memref<!tpu.dma_semaphore, #tpu.memory_space<semaphore_mem>>) {add = true}
      %mul3A_496 = arith.constant 3 : i32
      %mul3A_497 = arith.muli %mul3A_496, %add3A_281 : i32
      %add3A_498 = arith.constant 1 : i32
      %add3A_499 = arith.addi %mul3A_497, %add3A_498 : i32
      %add3A_500 = arith.constant 1 : i32
      %add3A_501 = arith.addi %add3A_499, %add3A_500 : i32
      %mul3A_502 = arith.constant 391 : i32
      %mul3A_503 = arith.muli %arg1, %mul3A_502 : i32
      %add3A_504 = arith.addi %mul3A_503, %add3A_501 : i32
      %mul3A_505 = arith.constant 1 : i32
      %mul3A_506 = arith.muli %add3A_504, %mul3A_505 : i32
      %dma_wait3A_507 = arith.constant 0 : i32
      %dma_wait3A_508 = tpu.memref_slice %arg2[%mul3A_506, %dma_wait3A_507] : memref<6257x128xi32, #tpu.memory_space<hbm>> -> memref<1x128xi32, #tpu.memory_space<hbm>>
      %dma_wait3A_509 = arith.constant 0 : i32
      %dma_wait3A_510 = tpu.memref_slice %arg2[%mul3A_506, %dma_wait3A_509] : memref<6257x128xi32, #tpu.memory_space<hbm>> -> memref<1x128xi32, #tpu.memory_space<hbm>>
      tpu.wait_dma2 semaphore(%arg13 : memref<!tpu.dma_semaphore, #tpu.memory_space<semaphore_mem>>) src(%dma_wait3A_510 : memref<1x128xi32, #tpu.memory_space<hbm>>) dst(%arg7 : memref<1x128xi32, #tpu.memory_space<vmem>>)
      %ge3A_511 = arith.constant 2 : i32
      %ge3A_512 = arith.cmpi sge, %add3A_501, %ge3A_511 : i32
      %convert_element_type3A_513 = arith.extui %ge3A_512 : i1 to i32
      %cond3A_514 = arith.constant 0 : i32
      %cond3A_515 = arith.cmpi ne, %convert_element_type3A_513, %cond3A_514 : i32
      scf.if %cond3A_515 {
        %dma_wait3A_924 = arith.constant 0 : i32
        %dma_wait3A_925 = arith.constant 0 : i32
        %dma_wait3A_926 = tpu.memref_slice %arg5[%dma_wait3A_924, %dma_wait3A_925] : memref<1x128xi32, #tpu.memory_space<vmem>> -> memref<1x128xi32, #tpu.memory_space<vmem>>
        %dma_wait3A_927 = tpu.memref_squeeze %dma_wait3A_926 : memref<1x128xi32, #tpu.memory_space<vmem>> -> memref<128xi32, #tpu.memory_space<vmem>>
        %dma_wait3A_928 = arith.constant 0 : i32
        %dma_wait3A_929 = arith.constant 0 : i32
        %dma_wait3A_930 = tpu.memref_slice %arg10[%dma_wait3A_928, %dma_wait3A_929] : memref<25608x16xf32, #tpu.memory_space<vmem_shared>> -> memref<25608x16xf32, #tpu.memory_space<vmem_shared>>
        tpu.wait_indirect_dma semaphore(%arg14 : memref<!tpu.dma_semaphore, #tpu.memory_space<semaphore_mem>>) src(%arg8 : memref<128x16xf32, #tpu.memory_space<vmem>>) dst(%dma_wait3A_930 : memref<25608x16xf32, #tpu.memory_space<vmem_shared>>)
      } else {
      }
      %add3A_516 = arith.constant 1 : i32
      %add3A_517 = arith.addi %add3A_501, %add3A_516 : i32
      %mul3A_518 = arith.constant 391 : i32
      %mul3A_519 = arith.muli %arg1, %mul3A_518 : i32
      %add3A_520 = arith.addi %mul3A_519, %add3A_517 : i32
      %mul3A_521 = arith.constant 1 : i32
      %mul3A_522 = arith.muli %add3A_520, %mul3A_521 : i32
      %dma_start3A_523 = arith.constant 0 : i32
      %dma_start3A_524 = tpu.memref_slice %arg2[%mul3A_522, %dma_start3A_523] : memref<6257x128xi32, #tpu.memory_space<hbm>> -> memref<1x128xi32, #tpu.memory_space<hbm>>
      %dma_start3A_525 = arith.constant 0 : i32
      %dma_start3A_526 = tpu.memref_slice %arg2[%mul3A_522, %dma_start3A_525] : memref<6257x128xi32, #tpu.memory_space<hbm>> -> memref<1x128xi32, #tpu.memory_space<hbm>>
      tpu.enqueue_dma source(%dma_start3A_526 : memref<1x128xi32, #tpu.memory_space<hbm>>) target(%arg5 : memref<1x128xi32, #tpu.memory_space<vmem>>) target_semaphore(%arg11 : memref<!tpu.dma_semaphore, #tpu.memory_space<semaphore_mem>>)
      %get3A_527 = arith.constant 0 : i32
      %get3A_528 = arith.index_cast %get3A_527 : i32 to index
      %get3A_529 = arith.constant 0 : index
      %get3A_530 = tpu.vector_load %arg7[%get3A_528, %get3A_529] {strides = array<i32>} : memref<1x128xi32, #tpu.memory_space<vmem>>, vector<1x16xi32>,
      %get3A_531 = vector.shape_cast %get3A_530 : vector<1x16xi32> to vector<16xi32>
      %sub3A_532 = vector.broadcast %mul3A_0 : i32 to vector<16xi32>
      %sub3A_533 = arith.subi %get3A_531, %sub3A_532 : vector<16xi32>
      %ge3A_534 = arith.constant 0 : i32
      %ge3A_535 = vector.broadcast %ge3A_534 : i32 to vector<16xi32>
      %ge3A_536 = arith.cmpi sge, %sub3A_533, %ge3A_535 : vector<16xi32>
      %lt3A_537 = vector.broadcast %select_n3A : i32 to vector<16xi32>
      %lt3A_538 = arith.cmpi slt, %sub3A_533, %lt3A_537 : vector<16xi32>
      %and3A_539 = arith.andi %ge3A_536, %lt3A_538 : vector<16xi1>
      %jit3A_540 = arith.constant 25600 : i32
      %broadcast_in_dim3A_541 = vector.broadcast %jit3A_540 : i32 to vector<16xi32>
      %select_n3A_542 = arith.select %and3A_539, %sub3A_533, %broadcast_in_dim3A_541 : vector<16xi1>, vector<16xi32>
      %swap3A_543 = arith.constant 0 : i32
      %swap3A_544 = arith.index_cast %swap3A_543 : i32 to index
      %swap3A_545 = arith.constant 0 : index
      %swap3A_546 = tpu.vector_load %arg7[%swap3A_544, %swap3A_545] {strides = array<i32>} : memref<1x128xi32, #tpu.memory_space<vmem>>, vector<1x16xi32>,
      %swap3A_547 = vector.shape_cast %swap3A_546 : vector<1x16xi32> to vector<16xi32>
      %swap3A_548 = vector.shape_cast %select_n3A_542 : vector<16xi32> to vector<1x16xi32>
      tpu.vector_store %arg7[%swap3A_544, %swap3A_545], %swap3A_548 {strides = array<i32>} : memref<1x128xi32, #tpu.memory_space<vmem>>, vector<1x16xi32>,
      %get3A_549 = arith.constant 0 : i32
      %get3A_550 = arith.index_cast %get3A_549 : i32 to index
      %get3A_551 = arith.constant 16 : index
      %get3A_552 = tpu.vector_load %arg7[%get3A_550, %get3A_551] {strides = array<i32>} : memref<1x128xi32, #tpu.memory_space<vmem>>, vector<1x16xi32>,
      %get3A_553 = vector.shape_cast %get3A_552 : vector<1x16xi32> to vector<16xi32>
      %sub3A_554 = vector.broadcast %mul3A_0 : i32 to vector<16xi32>
      %sub3A_555 = arith.subi %get3A_553, %sub3A_554 : vector<16xi32>
      %ge3A_556 = arith.constant 0 : i32
      %ge3A_557 = vector.broadcast %ge3A_556 : i32 to vector<16xi32>
      %ge3A_558 = arith.cmpi sge, %sub3A_555, %ge3A_557 : vector<16xi32>
      %lt3A_559 = vector.broadcast %select_n3A : i32 to vector<16xi32>
      %lt3A_560 = arith.cmpi slt, %sub3A_555, %lt3A_559 : vector<16xi32>
      %and3A_561 = arith.andi %ge3A_558, %lt3A_560 : vector<16xi1>
      %jit3A_562 = arith.constant 25600 : i32
      %broadcast_in_dim3A_563 = vector.broadcast %jit3A_562 : i32 to vector<16xi32>
      %select_n3A_564 = arith.select %and3A_561, %sub3A_555, %broadcast_in_dim3A_563 : vector<16xi1>, vector<16xi32>
      %swap3A_565 = arith.constant 0 : i32
      %swap3A_566 = arith.index_cast %swap3A_565 : i32 to index
      %swap3A_567 = arith.constant 16 : index
      %swap3A_568 = tpu.vector_load %arg7[%swap3A_566, %swap3A_567] {strides = array<i32>} : memref<1x128xi32, #tpu.memory_space<vmem>>, vector<1x16xi32>,
      %swap3A_569 = vector.shape_cast %swap3A_568 : vector<1x16xi32> to vector<16xi32>
      %swap3A_570 = vector.shape_cast %select_n3A_564 : vector<16xi32> to vector<1x16xi32>
      tpu.vector_store %arg7[%swap3A_566, %swap3A_567], %swap3A_570 {strides = array<i32>} : memref<1x128xi32, #tpu.memory_space<vmem>>, vector<1x16xi32>,
      %get3A_571 = arith.constant 0 : i32
      %get3A_572 = arith.index_cast %get3A_571 : i32 to index
      %get3A_573 = arith.constant 32 : index
      %get3A_574 = tpu.vector_load %arg7[%get3A_572, %get3A_573] {strides = array<i32>} : memref<1x128xi32, #tpu.memory_space<vmem>>, vector<1x16xi32>,
      %get3A_575 = vector.shape_cast %get3A_574 : vector<1x16xi32> to vector<16xi32>
      %sub3A_576 = vector.broadcast %mul3A_0 : i32 to vector<16xi32>
      %sub3A_577 = arith.subi %get3A_575, %sub3A_576 : vector<16xi32>
      %ge3A_578 = arith.constant 0 : i32
      %ge3A_579 = vector.broadcast %ge3A_578 : i32 to vector<16xi32>
      %ge3A_580 = arith.cmpi sge, %sub3A_577, %ge3A_579 : vector<16xi32>
      %lt3A_581 = vector.broadcast %select_n3A : i32 to vector<16xi32>
      %lt3A_582 = arith.cmpi slt, %sub3A_577, %lt3A_581 : vector<16xi32>
      %and3A_583 = arith.andi %ge3A_580, %lt3A_582 : vector<16xi1>
      %jit3A_584 = arith.constant 25600 : i32
      %broadcast_in_dim3A_585 = vector.broadcast %jit3A_584 : i32 to vector<16xi32>
      %select_n3A_586 = arith.select %and3A_583, %sub3A_577, %broadcast_in_dim3A_585 : vector<16xi1>, vector<16xi32>
      %swap3A_587 = arith.constant 0 : i32
      %swap3A_588 = arith.index_cast %swap3A_587 : i32 to index
      %swap3A_589 = arith.constant 32 : index
      %swap3A_590 = tpu.vector_load %arg7[%swap3A_588, %swap3A_589] {strides = array<i32>} : memref<1x128xi32, #tpu.memory_space<vmem>>, vector<1x16xi32>,
      %swap3A_591 = vector.shape_cast %swap3A_590 : vector<1x16xi32> to vector<16xi32>
      %swap3A_592 = vector.shape_cast %select_n3A_586 : vector<16xi32> to vector<1x16xi32>
      tpu.vector_store %arg7[%swap3A_588, %swap3A_589], %swap3A_592 {strides = array<i32>} : memref<1x128xi32, #tpu.memory_space<vmem>>, vector<1x16xi32>,
      %get3A_593 = arith.constant 0 : i32
      %get3A_594 = arith.index_cast %get3A_593 : i32 to index
      %get3A_595 = arith.constant 48 : index
      %get3A_596 = tpu.vector_load %arg7[%get3A_594, %get3A_595] {strides = array<i32>} : memref<1x128xi32, #tpu.memory_space<vmem>>, vector<1x16xi32>,
      %get3A_597 = vector.shape_cast %get3A_596 : vector<1x16xi32> to vector<16xi32>
      %sub3A_598 = vector.broadcast %mul3A_0 : i32 to vector<16xi32>
      %sub3A_599 = arith.subi %get3A_597, %sub3A_598 : vector<16xi32>
      %ge3A_600 = arith.constant 0 : i32
      %ge3A_601 = vector.broadcast %ge3A_600 : i32 to vector<16xi32>
      %ge3A_602 = arith.cmpi sge, %sub3A_599, %ge3A_601 : vector<16xi32>
      %lt3A_603 = vector.broadcast %select_n3A : i32 to vector<16xi32>
      %lt3A_604 = arith.cmpi slt, %sub3A_599, %lt3A_603 : vector<16xi32>
      %and3A_605 = arith.andi %ge3A_602, %lt3A_604 : vector<16xi1>
      %jit3A_606 = arith.constant 25600 : i32
      %broadcast_in_dim3A_607 = vector.broadcast %jit3A_606 : i32 to vector<16xi32>
      %select_n3A_608 = arith.select %and3A_605, %sub3A_599, %broadcast_in_dim3A_607 : vector<16xi1>, vector<16xi32>
      %swap3A_609 = arith.constant 0 : i32
      %swap3A_610 = arith.index_cast %swap3A_609 : i32 to index
      %swap3A_611 = arith.constant 48 : index
      %swap3A_612 = tpu.vector_load %arg7[%swap3A_610, %swap3A_611] {strides = array<i32>} : memref<1x128xi32, #tpu.memory_space<vmem>>, vector<1x16xi32>,
      %swap3A_613 = vector.shape_cast %swap3A_612 : vector<1x16xi32> to vector<16xi32>
      %swap3A_614 = vector.shape_cast %select_n3A_608 : vector<16xi32> to vector<1x16xi32>
      tpu.vector_store %arg7[%swap3A_610, %swap3A_611], %swap3A_614 {strides = array<i32>} : memref<1x128xi32, #tpu.memory_space<vmem>>, vector<1x16xi32>,
      %get3A_615 = arith.constant 0 : i32
      %get3A_616 = arith.index_cast %get3A_615 : i32 to index
      %get3A_617 = arith.constant 64 : index
      %get3A_618 = tpu.vector_load %arg7[%get3A_616, %get3A_617] {strides = array<i32>} : memref<1x128xi32, #tpu.memory_space<vmem>>, vector<1x16xi32>,
      %get3A_619 = vector.shape_cast %get3A_618 : vector<1x16xi32> to vector<16xi32>
      %sub3A_620 = vector.broadcast %mul3A_0 : i32 to vector<16xi32>
      %sub3A_621 = arith.subi %get3A_619, %sub3A_620 : vector<16xi32>
      %ge3A_622 = arith.constant 0 : i32
      %ge3A_623 = vector.broadcast %ge3A_622 : i32 to vector<16xi32>
      %ge3A_624 = arith.cmpi sge, %sub3A_621, %ge3A_623 : vector<16xi32>
      %lt3A_625 = vector.broadcast %select_n3A : i32 to vector<16xi32>
      %lt3A_626 = arith.cmpi slt, %sub3A_621, %lt3A_625 : vector<16xi32>
      %and3A_627 = arith.andi %ge3A_624, %lt3A_626 : vector<16xi1>
      %jit3A_628 = arith.constant 25600 : i32
      %broadcast_in_dim3A_629 = vector.broadcast %jit3A_628 : i32 to vector<16xi32>
      %select_n3A_630 = arith.select %and3A_627, %sub3A_621, %broadcast_in_dim3A_629 : vector<16xi1>, vector<16xi32>
      %swap3A_631 = arith.constant 0 : i32
      %swap3A_632 = arith.index_cast %swap3A_631 : i32 to index
      %swap3A_633 = arith.constant 64 : index
      %swap3A_634 = tpu.vector_load %arg7[%swap3A_632, %swap3A_633] {strides = array<i32>} : memref<1x128xi32, #tpu.memory_space<vmem>>, vector<1x16xi32>,
      %swap3A_635 = vector.shape_cast %swap3A_634 : vector<1x16xi32> to vector<16xi32>
      %swap3A_636 = vector.shape_cast %select_n3A_630 : vector<16xi32> to vector<1x16xi32>
      tpu.vector_store %arg7[%swap3A_632, %swap3A_633], %swap3A_636 {strides = array<i32>} : memref<1x128xi32, #tpu.memory_space<vmem>>, vector<1x16xi32>,
      %get3A_637 = arith.constant 0 : i32
      %get3A_638 = arith.index_cast %get3A_637 : i32 to index
      %get3A_639 = arith.constant 80 : index
      %get3A_640 = tpu.vector_load %arg7[%get3A_638, %get3A_639] {strides = array<i32>} : memref<1x128xi32, #tpu.memory_space<vmem>>, vector<1x16xi32>,
      %get3A_641 = vector.shape_cast %get3A_640 : vector<1x16xi32> to vector<16xi32>
      %sub3A_642 = vector.broadcast %mul3A_0 : i32 to vector<16xi32>
      %sub3A_643 = arith.subi %get3A_641, %sub3A_642 : vector<16xi32>
      %ge3A_644 = arith.constant 0 : i32
      %ge3A_645 = vector.broadcast %ge3A_644 : i32 to vector<16xi32>
      %ge3A_646 = arith.cmpi sge, %sub3A_643, %ge3A_645 : vector<16xi32>
      %lt3A_647 = vector.broadcast %select_n3A : i32 to vector<16xi32>
      %lt3A_648 = arith.cmpi slt, %sub3A_643, %lt3A_647 : vector<16xi32>
      %and3A_649 = arith.andi %ge3A_646, %lt3A_648 : vector<16xi1>
      %jit3A_650 = arith.constant 25600 : i32
      %broadcast_in_dim3A_651 = vector.broadcast %jit3A_650 : i32 to vector<16xi32>
      %select_n3A_652 = arith.select %and3A_649, %sub3A_643, %broadcast_in_dim3A_651 : vector<16xi1>, vector<16xi32>
      %swap3A_653 = arith.constant 0 : i32
      %swap3A_654 = arith.index_cast %swap3A_653 : i32 to index
      %swap3A_655 = arith.constant 80 : index
      %swap3A_656 = tpu.vector_load %arg7[%swap3A_654, %swap3A_655] {strides = array<i32>} : memref<1x128xi32, #tpu.memory_space<vmem>>, vector<1x16xi32>,
      %swap3A_657 = vector.shape_cast %swap3A_656 : vector<1x16xi32> to vector<16xi32>
      %swap3A_658 = vector.shape_cast %select_n3A_652 : vector<16xi32> to vector<1x16xi32>
      tpu.vector_store %arg7[%swap3A_654, %swap3A_655], %swap3A_658 {strides = array<i32>} : memref<1x128xi32, #tpu.memory_space<vmem>>, vector<1x16xi32>,
      %get3A_659 = arith.constant 0 : i32
      %get3A_660 = arith.index_cast %get3A_659 : i32 to index
      %get3A_661 = arith.constant 96 : index
      %get3A_662 = tpu.vector_load %arg7[%get3A_660, %get3A_661] {strides = array<i32>} : memref<1x128xi32, #tpu.memory_space<vmem>>, vector<1x16xi32>,
      %get3A_663 = vector.shape_cast %get3A_662 : vector<1x16xi32> to vector<16xi32>
      %sub3A_664 = vector.broadcast %mul3A_0 : i32 to vector<16xi32>
      %sub3A_665 = arith.subi %get3A_663, %sub3A_664 : vector<16xi32>
      %ge3A_666 = arith.constant 0 : i32
      %ge3A_667 = vector.broadcast %ge3A_666 : i32 to vector<16xi32>
      %ge3A_668 = arith.cmpi sge, %sub3A_665, %ge3A_667 : vector<16xi32>
      %lt3A_669 = vector.broadcast %select_n3A : i32 to vector<16xi32>
      %lt3A_670 = arith.cmpi slt, %sub3A_665, %lt3A_669 : vector<16xi32>
      %and3A_671 = arith.andi %ge3A_668, %lt3A_670 : vector<16xi1>
      %jit3A_672 = arith.constant 25600 : i32
      %broadcast_in_dim3A_673 = vector.broadcast %jit3A_672 : i32 to vector<16xi32>
      %select_n3A_674 = arith.select %and3A_671, %sub3A_665, %broadcast_in_dim3A_673 : vector<16xi1>, vector<16xi32>
      %swap3A_675 = arith.constant 0 : i32
      %swap3A_676 = arith.index_cast %swap3A_675 : i32 to index
      %swap3A_677 = arith.constant 96 : index
      %swap3A_678 = tpu.vector_load %arg7[%swap3A_676, %swap3A_677] {strides = array<i32>} : memref<1x128xi32, #tpu.memory_space<vmem>>, vector<1x16xi32>,
      %swap3A_679 = vector.shape_cast %swap3A_678 : vector<1x16xi32> to vector<16xi32>
      %swap3A_680 = vector.shape_cast %select_n3A_674 : vector<16xi32> to vector<1x16xi32>
      tpu.vector_store %arg7[%swap3A_676, %swap3A_677], %swap3A_680 {strides = array<i32>} : memref<1x128xi32, #tpu.memory_space<vmem>>, vector<1x16xi32>,
      %get3A_681 = arith.constant 0 : i32
      %get3A_682 = arith.index_cast %get3A_681 : i32 to index
      %get3A_683 = arith.constant 112 : index
      %get3A_684 = tpu.vector_load %arg7[%get3A_682, %get3A_683] {strides = array<i32>} : memref<1x128xi32, #tpu.memory_space<vmem>>, vector<1x16xi32>,
      %get3A_685 = vector.shape_cast %get3A_684 : vector<1x16xi32> to vector<16xi32>
      %sub3A_686 = vector.broadcast %mul3A_0 : i32 to vector<16xi32>
      %sub3A_687 = arith.subi %get3A_685, %sub3A_686 : vector<16xi32>
      %ge3A_688 = arith.constant 0 : i32
      %ge3A_689 = vector.broadcast %ge3A_688 : i32 to vector<16xi32>
      %ge3A_690 = arith.cmpi sge, %sub3A_687, %ge3A_689 : vector<16xi32>
      %lt3A_691 = vector.broadcast %select_n3A : i32 to vector<16xi32>
      %lt3A_692 = arith.cmpi slt, %sub3A_687, %lt3A_691 : vector<16xi32>
      %and3A_693 = arith.andi %ge3A_690, %lt3A_692 : vector<16xi1>
      %jit3A_694 = arith.constant 25600 : i32
      %broadcast_in_dim3A_695 = vector.broadcast %jit3A_694 : i32 to vector<16xi32>
      %select_n3A_696 = arith.select %and3A_693, %sub3A_687, %broadcast_in_dim3A_695 : vector<16xi1>, vector<16xi32>
      %swap3A_697 = arith.constant 0 : i32
      %swap3A_698 = arith.index_cast %swap3A_697 : i32 to index
      %swap3A_699 = arith.constant 112 : index
      %swap3A_700 = tpu.vector_load %arg7[%swap3A_698, %swap3A_699] {strides = array<i32>} : memref<1x128xi32, #tpu.memory_space<vmem>>, vector<1x16xi32>,
      %swap3A_701 = vector.shape_cast %swap3A_700 : vector<1x16xi32> to vector<16xi32>
      %swap3A_702 = vector.shape_cast %select_n3A_696 : vector<16xi32> to vector<1x16xi32>
      tpu.vector_store %arg7[%swap3A_698, %swap3A_699], %swap3A_702 {strides = array<i32>} : memref<1x128xi32, #tpu.memory_space<vmem>>, vector<1x16xi32>,
      %dma_start3A_703 = arith.constant 0 : i32
      %dma_start3A_704 = arith.constant 0 : i32
      %dma_start3A_705 = tpu.memref_slice %arg7[%dma_start3A_703, %dma_start3A_704] : memref<1x128xi32, #tpu.memory_space<vmem>> -> memref<1x128xi32, #tpu.memory_space<vmem>>
      %dma_start3A_706 = tpu.memref_squeeze %dma_start3A_705 : memref<1x128xi32, #tpu.memory_space<vmem>> -> memref<128xi32, #tpu.memory_space<vmem>>
      %dma_start3A_707 = arith.constant 0 : i32
      %dma_start3A_708 = arith.constant 0 : i32
      %dma_start3A_709 = tpu.memref_slice %arg10[%dma_start3A_707, %dma_start3A_708] : memref<25608x16xf32, #tpu.memory_space<vmem_shared>> -> memref<25608x16xf32, #tpu.memory_space<vmem_shared>>
      tpu.enqueue_indirect_dma source(%arg8 : memref<128x16xf32, #tpu.memory_space<vmem>>) target(%dma_start3A_709 : memref<25608x16xf32, #tpu.memory_space<vmem_shared>>) offsets(%dma_start3A_706 : memref<128xi32, #tpu.memory_space<vmem>>) semaphore(%arg16 : memref<!tpu.dma_semaphore, #tpu.memory_space<semaphore_mem>>) {add = true}
      %mul3A_710 = arith.constant 3 : i32
      %mul3A_711 = arith.muli %mul3A_710, %add3A_281 : i32
      %add3A_712 = arith.constant 1 : i32
      %add3A_713 = arith.addi %mul3A_711, %add3A_712 : i32
      %add3A_714 = arith.constant 2 : i32
      %add3A_715 = arith.addi %add3A_713, %add3A_714 : i32
      %mul3A_716 = arith.constant 391 : i32
      %mul3A_717 = arith.muli %arg1, %mul3A_716 : i32
      %add3A_718 = arith.addi %mul3A_717, %add3A_715 : i32
      %mul3A_719 = arith.constant 1 : i32
      %mul3A_720 = arith.muli %add3A_718, %mul3A_719 : i32
      %dma_wait3A_721 = arith.constant 0 : i32
      %dma_wait3A_722 = tpu.memref_slice %arg2[%mul3A_720, %dma_wait3A_721] : memref<6257x128xi32, #tpu.memory_space<hbm>> -> memref<1x128xi32, #tpu.memory_space<hbm>>
      %dma_wait3A_723 = arith.constant 0 : i32
      %dma_wait3A_724 = tpu.memref_slice %arg2[%mul3A_720, %dma_wait3A_723] : memref<6257x128xi32, #tpu.memory_space<hbm>> -> memref<1x128xi32, #tpu.memory_space<hbm>>
      tpu.wait_dma2 semaphore(%arg11 : memref<!tpu.dma_semaphore, #tpu.memory_space<semaphore_mem>>) src(%dma_wait3A_724 : memref<1x128xi32, #tpu.memory_space<hbm>>) dst(%arg5 : memref<1x128xi32, #tpu.memory_space<vmem>>)
      %ge3A_725 = arith.constant 2 : i32
      %ge3A_726 = arith.cmpi sge, %add3A_715, %ge3A_725 : i32
      %convert_element_type3A_727 = arith.extui %ge3A_726 : i1 to i32
      %cond3A_728 = arith.constant 0 : i32
      %cond3A_729 = arith.cmpi ne, %convert_element_type3A_727, %cond3A_728 : i32
      scf.if %cond3A_729 {
        %dma_wait3A_924 = arith.constant 0 : i32
        %dma_wait3A_925 = arith.constant 0 : i32
        %dma_wait3A_926 = tpu.memref_slice %arg6[%dma_wait3A_924, %dma_wait3A_925] : memref<1x128xi32, #tpu.memory_space<vmem>> -> memref<1x128xi32, #tpu.memory_space<vmem>>
        %dma_wait3A_927 = tpu.memref_squeeze %dma_wait3A_926 : memref<1x128xi32, #tpu.memory_space<vmem>> -> memref<128xi32, #tpu.memory_space<vmem>>
        %dma_wait3A_928 = arith.constant 0 : i32
        %dma_wait3A_929 = arith.constant 0 : i32
        %dma_wait3A_930 = tpu.memref_slice %arg10[%dma_wait3A_928, %dma_wait3A_929] : memref<25608x16xf32, #tpu.memory_space<vmem_shared>> -> memref<25608x16xf32, #tpu.memory_space<vmem_shared>>
        tpu.wait_indirect_dma semaphore(%arg15 : memref<!tpu.dma_semaphore, #tpu.memory_space<semaphore_mem>>) src(%arg8 : memref<128x16xf32, #tpu.memory_space<vmem>>) dst(%dma_wait3A_930 : memref<25608x16xf32, #tpu.memory_space<vmem_shared>>)
      } else {
      }
      %add3A_730 = arith.constant 1 : i32
      %add3A_731 = arith.addi %add3A_715, %add3A_730 : i32
      %mul3A_732 = arith.constant 391 : i32
      %mul3A_733 = arith.muli %arg1, %mul3A_732 : i32
      %add3A_734 = arith.addi %mul3A_733, %add3A_731 : i32
      %mul3A_735 = arith.constant 1 : i32
      %mul3A_736 = arith.muli %add3A_734, %mul3A_735 : i32
      %dma_start3A_737 = arith.constant 0 : i32
      %dma_start3A_738 = tpu.memref_slice %arg2[%mul3A_736, %dma_start3A_737] : memref<6257x128xi32, #tpu.memory_space<hbm>> -> memref<1x128xi32, #tpu.memory_space<hbm>>
      %dma_start3A_739 = arith.constant 0 : i32
      %dma_start3A_740 = tpu.memref_slice %arg2[%mul3A_736, %dma_start3A_739] : memref<6257x128xi32, #tpu.memory_space<hbm>> -> memref<1x128xi32, #tpu.memory_space<hbm>>
      tpu.enqueue_dma source(%dma_start3A_740 : memref<1x128xi32, #tpu.memory_space<hbm>>) target(%arg6 : memref<1x128xi32, #tpu.memory_space<vmem>>) target_semaphore(%arg12 : memref<!tpu.dma_semaphore, #tpu.memory_space<semaphore_mem>>)
      %get3A_741 = arith.constant 0 : i32
      %get3A_742 = arith.index_cast %get3A_741 : i32 to index
      %get3A_743 = arith.constant 0 : index
      %get3A_744 = tpu.vector_load %arg5[%get3A_742, %get3A_743] {strides = array<i32>} : memref<1x128xi32, #tpu.memory_space<vmem>>, vector<1x16xi32>,
      %get3A_745 = vector.shape_cast %get3A_744 : vector<1x16xi32> to vector<16xi32>
      %sub3A_746 = vector.broadcast %mul3A_0 : i32 to vector<16xi32>
      %sub3A_747 = arith.subi %get3A_745, %sub3A_746 : vector<16xi32>
      %ge3A_748 = arith.constant 0 : i32
      %ge3A_749 = vector.broadcast %ge3A_748 : i32 to vector<16xi32>
      %ge3A_750 = arith.cmpi sge, %sub3A_747, %ge3A_749 : vector<16xi32>
      %lt3A_751 = vector.broadcast %select_n3A : i32 to vector<16xi32>
      %lt3A_752 = arith.cmpi slt, %sub3A_747, %lt3A_751 : vector<16xi32>
      %and3A_753 = arith.andi %ge3A_750, %lt3A_752 : vector<16xi1>
      %jit3A_754 = arith.constant 25600 : i32
      %broadcast_in_dim3A_755 = vector.broadcast %jit3A_754 : i32 to vector<16xi32>
      %select_n3A_756 = arith.select %and3A_753, %sub3A_747, %broadcast_in_dim3A_755 : vector<16xi1>, vector<16xi32>
      %swap3A_757 = arith.constant 0 : i32
      %swap3A_758 = arith.index_cast %swap3A_757 : i32 to index
      %swap3A_759 = arith.constant 0 : index
      %swap3A_760 = tpu.vector_load %arg5[%swap3A_758, %swap3A_759] {strides = array<i32>} : memref<1x128xi32, #tpu.memory_space<vmem>>, vector<1x16xi32>,
      %swap3A_761 = vector.shape_cast %swap3A_760 : vector<1x16xi32> to vector<16xi32>
      %swap3A_762 = vector.shape_cast %select_n3A_756 : vector<16xi32> to vector<1x16xi32>
      tpu.vector_store %arg5[%swap3A_758, %swap3A_759], %swap3A_762 {strides = array<i32>} : memref<1x128xi32, #tpu.memory_space<vmem>>, vector<1x16xi32>,
      %get3A_763 = arith.constant 0 : i32
      %get3A_764 = arith.index_cast %get3A_763 : i32 to index
      %get3A_765 = arith.constant 16 : index
      %get3A_766 = tpu.vector_load %arg5[%get3A_764, %get3A_765] {strides = array<i32>} : memref<1x128xi32, #tpu.memory_space<vmem>>, vector<1x16xi32>,
      %get3A_767 = vector.shape_cast %get3A_766 : vector<1x16xi32> to vector<16xi32>
      %sub3A_768 = vector.broadcast %mul3A_0 : i32 to vector<16xi32>
      %sub3A_769 = arith.subi %get3A_767, %sub3A_768 : vector<16xi32>
      %ge3A_770 = arith.constant 0 : i32
      %ge3A_771 = vector.broadcast %ge3A_770 : i32 to vector<16xi32>
      %ge3A_772 = arith.cmpi sge, %sub3A_769, %ge3A_771 : vector<16xi32>
      %lt3A_773 = vector.broadcast %select_n3A : i32 to vector<16xi32>
      %lt3A_774 = arith.cmpi slt, %sub3A_769, %lt3A_773 : vector<16xi32>
      %and3A_775 = arith.andi %ge3A_772, %lt3A_774 : vector<16xi1>
      %jit3A_776 = arith.constant 25600 : i32
      %broadcast_in_dim3A_777 = vector.broadcast %jit3A_776 : i32 to vector<16xi32>
      %select_n3A_778 = arith.select %and3A_775, %sub3A_769, %broadcast_in_dim3A_777 : vector<16xi1>, vector<16xi32>
      %swap3A_779 = arith.constant 0 : i32
      %swap3A_780 = arith.index_cast %swap3A_779 : i32 to index
      %swap3A_781 = arith.constant 16 : index
      %swap3A_782 = tpu.vector_load %arg5[%swap3A_780, %swap3A_781] {strides = array<i32>} : memref<1x128xi32, #tpu.memory_space<vmem>>, vector<1x16xi32>,
      %swap3A_783 = vector.shape_cast %swap3A_782 : vector<1x16xi32> to vector<16xi32>
      %swap3A_784 = vector.shape_cast %select_n3A_778 : vector<16xi32> to vector<1x16xi32>
      tpu.vector_store %arg5[%swap3A_780, %swap3A_781], %swap3A_784 {strides = array<i32>} : memref<1x128xi32, #tpu.memory_space<vmem>>, vector<1x16xi32>,
      %get3A_785 = arith.constant 0 : i32
      %get3A_786 = arith.index_cast %get3A_785 : i32 to index
      %get3A_787 = arith.constant 32 : index
      %get3A_788 = tpu.vector_load %arg5[%get3A_786, %get3A_787] {strides = array<i32>} : memref<1x128xi32, #tpu.memory_space<vmem>>, vector<1x16xi32>,
      %get3A_789 = vector.shape_cast %get3A_788 : vector<1x16xi32> to vector<16xi32>
      %sub3A_790 = vector.broadcast %mul3A_0 : i32 to vector<16xi32>
      %sub3A_791 = arith.subi %get3A_789, %sub3A_790 : vector<16xi32>
      %ge3A_792 = arith.constant 0 : i32
      %ge3A_793 = vector.broadcast %ge3A_792 : i32 to vector<16xi32>
      %ge3A_794 = arith.cmpi sge, %sub3A_791, %ge3A_793 : vector<16xi32>
      %lt3A_795 = vector.broadcast %select_n3A : i32 to vector<16xi32>
      %lt3A_796 = arith.cmpi slt, %sub3A_791, %lt3A_795 : vector<16xi32>
      %and3A_797 = arith.andi %ge3A_794, %lt3A_796 : vector<16xi1>
      %jit3A_798 = arith.constant 25600 : i32
      %broadcast_in_dim3A_799 = vector.broadcast %jit3A_798 : i32 to vector<16xi32>
      %select_n3A_800 = arith.select %and3A_797, %sub3A_791, %broadcast_in_dim3A_799 : vector<16xi1>, vector<16xi32>
      %swap3A_801 = arith.constant 0 : i32
      %swap3A_802 = arith.index_cast %swap3A_801 : i32 to index
      %swap3A_803 = arith.constant 32 : index
      %swap3A_804 = tpu.vector_load %arg5[%swap3A_802, %swap3A_803] {strides = array<i32>} : memref<1x128xi32, #tpu.memory_space<vmem>>, vector<1x16xi32>,
      %swap3A_805 = vector.shape_cast %swap3A_804 : vector<1x16xi32> to vector<16xi32>
      %swap3A_806 = vector.shape_cast %select_n3A_800 : vector<16xi32> to vector<1x16xi32>
      tpu.vector_store %arg5[%swap3A_802, %swap3A_803], %swap3A_806 {strides = array<i32>} : memref<1x128xi32, #tpu.memory_space<vmem>>, vector<1x16xi32>,
      %get3A_807 = arith.constant 0 : i32
      %get3A_808 = arith.index_cast %get3A_807 : i32 to index
      %get3A_809 = arith.constant 48 : index
      %get3A_810 = tpu.vector_load %arg5[%get3A_808, %get3A_809] {strides = array<i32>} : memref<1x128xi32, #tpu.memory_space<vmem>>, vector<1x16xi32>,
      %get3A_811 = vector.shape_cast %get3A_810 : vector<1x16xi32> to vector<16xi32>
      %sub3A_812 = vector.broadcast %mul3A_0 : i32 to vector<16xi32>
      %sub3A_813 = arith.subi %get3A_811, %sub3A_812 : vector<16xi32>
      %ge3A_814 = arith.constant 0 : i32
      %ge3A_815 = vector.broadcast %ge3A_814 : i32 to vector<16xi32>
      %ge3A_816 = arith.cmpi sge, %sub3A_813, %ge3A_815 : vector<16xi32>
      %lt3A_817 = vector.broadcast %select_n3A : i32 to vector<16xi32>
      %lt3A_818 = arith.cmpi slt, %sub3A_813, %lt3A_817 : vector<16xi32>
      %and3A_819 = arith.andi %ge3A_816, %lt3A_818 : vector<16xi1>
      %jit3A_820 = arith.constant 25600 : i32
      %broadcast_in_dim3A_821 = vector.broadcast %jit3A_820 : i32 to vector<16xi32>
      %select_n3A_822 = arith.select %and3A_819, %sub3A_813, %broadcast_in_dim3A_821 : vector<16xi1>, vector<16xi32>
      %swap3A_823 = arith.constant 0 : i32
      %swap3A_824 = arith.index_cast %swap3A_823 : i32 to index
      %swap3A_825 = arith.constant 48 : index
      %swap3A_826 = tpu.vector_load %arg5[%swap3A_824, %swap3A_825] {strides = array<i32>} : memref<1x128xi32, #tpu.memory_space<vmem>>, vector<1x16xi32>,
      %swap3A_827 = vector.shape_cast %swap3A_826 : vector<1x16xi32> to vector<16xi32>
      %swap3A_828 = vector.shape_cast %select_n3A_822 : vector<16xi32> to vector<1x16xi32>
      tpu.vector_store %arg5[%swap3A_824, %swap3A_825], %swap3A_828 {strides = array<i32>} : memref<1x128xi32, #tpu.memory_space<vmem>>, vector<1x16xi32>,
      %get3A_829 = arith.constant 0 : i32
      %get3A_830 = arith.index_cast %get3A_829 : i32 to index
      %get3A_831 = arith.constant 64 : index
      %get3A_832 = tpu.vector_load %arg5[%get3A_830, %get3A_831] {strides = array<i32>} : memref<1x128xi32, #tpu.memory_space<vmem>>, vector<1x16xi32>,
      %get3A_833 = vector.shape_cast %get3A_832 : vector<1x16xi32> to vector<16xi32>
      %sub3A_834 = vector.broadcast %mul3A_0 : i32 to vector<16xi32>
      %sub3A_835 = arith.subi %get3A_833, %sub3A_834 : vector<16xi32>
      %ge3A_836 = arith.constant 0 : i32
      %ge3A_837 = vector.broadcast %ge3A_836 : i32 to vector<16xi32>
      %ge3A_838 = arith.cmpi sge, %sub3A_835, %ge3A_837 : vector<16xi32>
      %lt3A_839 = vector.broadcast %select_n3A : i32 to vector<16xi32>
      %lt3A_840 = arith.cmpi slt, %sub3A_835, %lt3A_839 : vector<16xi32>
      %and3A_841 = arith.andi %ge3A_838, %lt3A_840 : vector<16xi1>
      %jit3A_842 = arith.constant 25600 : i32
      %broadcast_in_dim3A_843 = vector.broadcast %jit3A_842 : i32 to vector<16xi32>
      %select_n3A_844 = arith.select %and3A_841, %sub3A_835, %broadcast_in_dim3A_843 : vector<16xi1>, vector<16xi32>
      %swap3A_845 = arith.constant 0 : i32
      %swap3A_846 = arith.index_cast %swap3A_845 : i32 to index
      %swap3A_847 = arith.constant 64 : index
      %swap3A_848 = tpu.vector_load %arg5[%swap3A_846, %swap3A_847] {strides = array<i32>} : memref<1x128xi32, #tpu.memory_space<vmem>>, vector<1x16xi32>,
      %swap3A_849 = vector.shape_cast %swap3A_848 : vector<1x16xi32> to vector<16xi32>
      %swap3A_850 = vector.shape_cast %select_n3A_844 : vector<16xi32> to vector<1x16xi32>
      tpu.vector_store %arg5[%swap3A_846, %swap3A_847], %swap3A_850 {strides = array<i32>} : memref<1x128xi32, #tpu.memory_space<vmem>>, vector<1x16xi32>,
      %get3A_851 = arith.constant 0 : i32
      %get3A_852 = arith.index_cast %get3A_851 : i32 to index
      %get3A_853 = arith.constant 80 : index
      %get3A_854 = tpu.vector_load %arg5[%get3A_852, %get3A_853] {strides = array<i32>} : memref<1x128xi32, #tpu.memory_space<vmem>>, vector<1x16xi32>,
      %get3A_855 = vector.shape_cast %get3A_854 : vector<1x16xi32> to vector<16xi32>
      %sub3A_856 = vector.broadcast %mul3A_0 : i32 to vector<16xi32>
      %sub3A_857 = arith.subi %get3A_855, %sub3A_856 : vector<16xi32>
      %ge3A_858 = arith.constant 0 : i32
      %ge3A_859 = vector.broadcast %ge3A_858 : i32 to vector<16xi32>
      %ge3A_860 = arith.cmpi sge, %sub3A_857, %ge3A_859 : vector<16xi32>
      %lt3A_861 = vector.broadcast %select_n3A : i32 to vector<16xi32>
      %lt3A_862 = arith.cmpi slt, %sub3A_857, %lt3A_861 : vector<16xi32>
      %and3A_863 = arith.andi %ge3A_860, %lt3A_862 : vector<16xi1>
      %jit3A_864 = arith.constant 25600 : i32
      %broadcast_in_dim3A_865 = vector.broadcast %jit3A_864 : i32 to vector<16xi32>
      %select_n3A_866 = arith.select %and3A_863, %sub3A_857, %broadcast_in_dim3A_865 : vector<16xi1>, vector<16xi32>
      %swap3A_867 = arith.constant 0 : i32
      %swap3A_868 = arith.index_cast %swap3A_867 : i32 to index
      %swap3A_869 = arith.constant 80 : index
      %swap3A_870 = tpu.vector_load %arg5[%swap3A_868, %swap3A_869] {strides = array<i32>} : memref<1x128xi32, #tpu.memory_space<vmem>>, vector<1x16xi32>,
      %swap3A_871 = vector.shape_cast %swap3A_870 : vector<1x16xi32> to vector<16xi32>
      %swap3A_872 = vector.shape_cast %select_n3A_866 : vector<16xi32> to vector<1x16xi32>
      tpu.vector_store %arg5[%swap3A_868, %swap3A_869], %swap3A_872 {strides = array<i32>} : memref<1x128xi32, #tpu.memory_space<vmem>>, vector<1x16xi32>,
      %get3A_873 = arith.constant 0 : i32
      %get3A_874 = arith.index_cast %get3A_873 : i32 to index
      %get3A_875 = arith.constant 96 : index
      %get3A_876 = tpu.vector_load %arg5[%get3A_874, %get3A_875] {strides = array<i32>} : memref<1x128xi32, #tpu.memory_space<vmem>>, vector<1x16xi32>,
      %get3A_877 = vector.shape_cast %get3A_876 : vector<1x16xi32> to vector<16xi32>
      %sub3A_878 = vector.broadcast %mul3A_0 : i32 to vector<16xi32>
      %sub3A_879 = arith.subi %get3A_877, %sub3A_878 : vector<16xi32>
      %ge3A_880 = arith.constant 0 : i32
      %ge3A_881 = vector.broadcast %ge3A_880 : i32 to vector<16xi32>
      %ge3A_882 = arith.cmpi sge, %sub3A_879, %ge3A_881 : vector<16xi32>
      %lt3A_883 = vector.broadcast %select_n3A : i32 to vector<16xi32>
      %lt3A_884 = arith.cmpi slt, %sub3A_879, %lt3A_883 : vector<16xi32>
      %and3A_885 = arith.andi %ge3A_882, %lt3A_884 : vector<16xi1>
      %jit3A_886 = arith.constant 25600 : i32
      %broadcast_in_dim3A_887 = vector.broadcast %jit3A_886 : i32 to vector<16xi32>
      %select_n3A_888 = arith.select %and3A_885, %sub3A_879, %broadcast_in_dim3A_887 : vector<16xi1>, vector<16xi32>
      %swap3A_889 = arith.constant 0 : i32
      %swap3A_890 = arith.index_cast %swap3A_889 : i32 to index
      %swap3A_891 = arith.constant 96 : index
      %swap3A_892 = tpu.vector_load %arg5[%swap3A_890, %swap3A_891] {strides = array<i32>} : memref<1x128xi32, #tpu.memory_space<vmem>>, vector<1x16xi32>,
      %swap3A_893 = vector.shape_cast %swap3A_892 : vector<1x16xi32> to vector<16xi32>
      %swap3A_894 = vector.shape_cast %select_n3A_888 : vector<16xi32> to vector<1x16xi32>
      tpu.vector_store %arg5[%swap3A_890, %swap3A_891], %swap3A_894 {strides = array<i32>} : memref<1x128xi32, #tpu.memory_space<vmem>>, vector<1x16xi32>,
      %get3A_895 = arith.constant 0 : i32
      %get3A_896 = arith.index_cast %get3A_895 : i32 to index
      %get3A_897 = arith.constant 112 : index
      %get3A_898 = tpu.vector_load %arg5[%get3A_896, %get3A_897] {strides = array<i32>} : memref<1x128xi32, #tpu.memory_space<vmem>>, vector<1x16xi32>,
      %get3A_899 = vector.shape_cast %get3A_898 : vector<1x16xi32> to vector<16xi32>
      %sub3A_900 = vector.broadcast %mul3A_0 : i32 to vector<16xi32>
      %sub3A_901 = arith.subi %get3A_899, %sub3A_900 : vector<16xi32>
      %ge3A_902 = arith.constant 0 : i32
      %ge3A_903 = vector.broadcast %ge3A_902 : i32 to vector<16xi32>
      %ge3A_904 = arith.cmpi sge, %sub3A_901, %ge3A_903 : vector<16xi32>
      %lt3A_905 = vector.broadcast %select_n3A : i32 to vector<16xi32>
      %lt3A_906 = arith.cmpi slt, %sub3A_901, %lt3A_905 : vector<16xi32>
      %and3A_907 = arith.andi %ge3A_904, %lt3A_906 : vector<16xi1>
      %jit3A_908 = arith.constant 25600 : i32
      %broadcast_in_dim3A_909 = vector.broadcast %jit3A_908 : i32 to vector<16xi32>
      %select_n3A_910 = arith.select %and3A_907, %sub3A_901, %broadcast_in_dim3A_909 : vector<16xi1>, vector<16xi32>
      %swap3A_911 = arith.constant 0 : i32
      %swap3A_912 = arith.index_cast %swap3A_911 : i32 to index
      %swap3A_913 = arith.constant 112 : index
      %swap3A_914 = tpu.vector_load %arg5[%swap3A_912, %swap3A_913] {strides = array<i32>} : memref<1x128xi32, #tpu.memory_space<vmem>>, vector<1x16xi32>,
      %swap3A_915 = vector.shape_cast %swap3A_914 : vector<1x16xi32> to vector<16xi32>
      %swap3A_916 = vector.shape_cast %select_n3A_910 : vector<16xi32> to vector<1x16xi32>
      tpu.vector_store %arg5[%swap3A_912, %swap3A_913], %swap3A_916 {strides = array<i32>} : memref<1x128xi32, #tpu.memory_space<vmem>>, vector<1x16xi32>,
      %dma_start3A_917 = arith.constant 0 : i32
      %dma_start3A_918 = arith.constant 0 : i32
      %dma_start3A_919 = tpu.memref_slice %arg5[%dma_start3A_917, %dma_start3A_918] : memref<1x128xi32, #tpu.memory_space<vmem>> -> memref<1x128xi32, #tpu.memory_space<vmem>>
      %dma_start3A_920 = tpu.memref_squeeze %dma_start3A_919 : memref<1x128xi32, #tpu.memory_space<vmem>> -> memref<128xi32, #tpu.memory_space<vmem>>
      %dma_start3A_921 = arith.constant 0 : i32
      %dma_start3A_922 = arith.constant 0 : i32
      %dma_start3A_923 = tpu.memref_slice %arg10[%dma_start3A_921, %dma_start3A_922] : memref<25608x16xf32, #tpu.memory_space<vmem_shared>> -> memref<25608x16xf32, #tpu.memory_space<vmem_shared>>
      tpu.enqueue_indirect_dma source(%arg8 : memref<128x16xf32, #tpu.memory_space<vmem>>) target(%dma_start3A_923 : memref<25608x16xf32, #tpu.memory_space<vmem_shared>>) offsets(%dma_start3A_920 : memref<128xi32, #tpu.memory_space<vmem>>) semaphore(%arg14 : memref<!tpu.dma_semaphore, #tpu.memory_space<semaphore_mem>>) {add = true}
    }
    %scan3A_230 = arith.constant 130 : i32
    %dma_wait3A_231 = arith.constant 0 : i32
    %dma_wait3A_232 = arith.constant 0 : i32
    %dma_wait3A_233 = tpu.memref_slice %arg7[%dma_wait3A_231, %dma_wait3A_232] : memref<1x128xi32, #tpu.memory_space<vmem>> -> memref<1x128xi32, #tpu.memory_space<vmem>>
    %dma_wait3A_234 = tpu.memref_squeeze %dma_wait3A_233 : memref<1x128xi32, #tpu.memory_space<vmem>> -> memref<128xi32, #tpu.memory_space<vmem>>
    %dma_wait3A_235 = arith.constant 0 : i32
    %dma_wait3A_236 = arith.constant 0 : i32
    %dma_wait3A_237 = tpu.memref_slice %arg10[%dma_wait3A_235, %dma_wait3A_236] : memref<25608x16xf32, #tpu.memory_space<vmem_shared>> -> memref<25608x16xf32, #tpu.memory_space<vmem_shared>>
    tpu.wait_indirect_dma semaphore(%arg16 : memref<!tpu.dma_semaphore, #tpu.memory_space<semaphore_mem>>) src(%arg8 : memref<128x16xf32, #tpu.memory_space<vmem>>) dst(%dma_wait3A_237 : memref<25608x16xf32, #tpu.memory_space<vmem_shared>>)
    %dma_wait3A_238 = arith.constant 0 : i32
    %dma_wait3A_239 = arith.constant 0 : i32
    %dma_wait3A_240 = tpu.memref_slice %arg5[%dma_wait3A_238, %dma_wait3A_239] : memref<1x128xi32, #tpu.memory_space<vmem>> -> memref<1x128xi32, #tpu.memory_space<vmem>>
    %dma_wait3A_241 = tpu.memref_squeeze %dma_wait3A_240 : memref<1x128xi32, #tpu.memory_space<vmem>> -> memref<128xi32, #tpu.memory_space<vmem>>
    %dma_wait3A_242 = arith.constant 0 : i32
    %dma_wait3A_243 = arith.constant 0 : i32
    %dma_wait3A_244 = tpu.memref_slice %arg10[%dma_wait3A_242, %dma_wait3A_243] : memref<25608x16xf32, #tpu.memory_space<vmem_shared>> -> memref<25608x16xf32, #tpu.memory_space<vmem_shared>>
    tpu.wait_indirect_dma semaphore(%arg14 : memref<!tpu.dma_semaphore, #tpu.memory_space<semaphore_mem>>) src(%arg8 : memref<128x16xf32, #tpu.memory_space<vmem>>) dst(%dma_wait3A_244 : memref<25608x16xf32, #tpu.memory_space<vmem_shared>>)
    %mul3A_245 = arith.constant 391 : i32
    %mul3A_246 = arith.muli %arg1, %mul3A_245 : i32
    %add3A_247 = arith.constant 391 : i32
    %add3A_248 = arith.addi %mul3A_246, %add3A_247 : i32
    %mul3A_249 = arith.constant 1 : i32
    %mul3A_250 = arith.muli %add3A_248, %mul3A_249 : i32
    %dma_wait3A_251 = arith.constant 0 : i32
    %dma_wait3A_252 = tpu.memref_slice %arg2[%mul3A_250, %dma_wait3A_251] : memref<6257x128xi32, #tpu.memory_space<hbm>> -> memref<1x128xi32, #tpu.memory_space<hbm>>
    %dma_wait3A_253 = arith.constant 0 : i32
    %dma_wait3A_254 = tpu.memref_slice %arg2[%mul3A_250, %dma_wait3A_253] : memref<6257x128xi32, #tpu.memory_space<hbm>> -> memref<1x128xi32, #tpu.memory_space<hbm>>
    tpu.wait_dma2 semaphore(%arg12 : memref<!tpu.dma_semaphore, #tpu.memory_space<semaphore_mem>>) src(%dma_wait3A_254 : memref<1x128xi32, #tpu.memory_space<hbm>>) dst(%arg6 : memref<1x128xi32, #tpu.memory_space<vmem>>)
    %barrier3A_255 = arith.constant 0 : index
    tpu.barrier barrier_id(%barrier3A_255)
    %eq3A_256 = arith.constant 0 : i32
    %eq3A_257 = arith.cmpi eq, %arg0, %eq3A_256 : i32
    %convert_element_type3A_258 = arith.extui %eq3A_257 : i1 to i32
    %cond3A_259 = arith.constant 0 : i32
    %cond3A_260 = arith.cmpi ne, %convert_element_type3A_258, %cond3A_259 : i32
    scf.if %cond3A_260 {
      %mul3A_277 = arith.constant 1568 : i32
      %mul3A_278 = arith.muli %arg1, %mul3A_277 : i32
      %mul3A_279 = arith.constant 1568 : i32
      %mul3A_280 = arith.muli %arg1, %mul3A_279 : i32
      "tpu.region"() ({
        %run_scoped3A = tpu.sem_alloc : memref<!tpu.dma_semaphore, #tpu.memory_space<semaphore_mem>>
        %dma_start3A_281 = arith.constant 0 : i32
        %dma_start3A_282 = tpu.memref_slice %arg4[%mul3A_280, %dma_start3A_281] : memref<50000x16xf32, #tpu.memory_space<hbm>> -> memref<1568x16xf32, #tpu.memory_space<hbm>>
        %dma_start3A_283 = arith.constant 0 : i32
        %dma_start3A_284 = tpu.memref_slice %arg10[%mul3A_278, %dma_start3A_283] : memref<25608x16xf32, #tpu.memory_space<vmem_shared>> -> memref<1568x16xf32, #tpu.memory_space<vmem_shared>>
        tpu.enqueue_dma source(%dma_start3A_284 : memref<1568x16xf32, #tpu.memory_space<vmem_shared>>) target(%dma_start3A_282 : memref<1568x16xf32, #tpu.memory_space<hbm>>) target_semaphore(%run_scoped3A : memref<!tpu.dma_semaphore, #tpu.memory_space<semaphore_mem>>)
        %dma_wait3A_285 = arith.constant 0 : i32
        %dma_wait3A_286 = tpu.memref_slice %arg4[%mul3A_280, %dma_wait3A_285] : memref<50000x16xf32, #tpu.memory_space<hbm>> -> memref<1568x16xf32, #tpu.memory_space<hbm>>
        %dma_wait3A_287 = arith.constant 0 : i32
        %dma_wait3A_288 = tpu.memref_slice %arg10[%mul3A_278, %dma_wait3A_287] : memref<25608x16xf32, #tpu.memory_space<vmem_shared>> -> memref<1568x16xf32, #tpu.memory_space<vmem_shared>>
        tpu.wait_dma2 semaphore(%run_scoped3A : memref<!tpu.dma_semaphore, #tpu.memory_space<semaphore_mem>>) src(%dma_wait3A_288 : memref<1568x16xf32, #tpu.memory_space<vmem_shared>>) dst(%dma_wait3A_286 : memref<1568x16xf32, #tpu.memory_space<hbm>>)
        tpu.yield
      }) : () -> ()
    } else {
    }
    %eq3A_261 = arith.constant 1 : i32
    %eq3A_262 = arith.cmpi eq, %arg0, %eq3A_261 : i32
    %lt3A_263 = arith.constant 15 : i32
    %lt3A_264 = arith.cmpi slt, %arg1, %lt3A_263 : i32
    %and3A_265 = arith.andi %eq3A_262, %lt3A_264 : i1
    %convert_element_type3A_266 = arith.extui %and3A_265 : i1 to i32
    %cond3A_267 = arith.constant 0 : i32
    %cond3A_268 = arith.cmpi ne, %convert_element_type3A_266, %cond3A_267 : i32
    scf.if %cond3A_268 {
      %mul3A_277 = arith.constant 1560 : i32
      %mul3A_278 = arith.muli %arg1, %mul3A_277 : i32
      %mul3A_279 = arith.constant 1560 : i32
      %mul3A_280 = arith.muli %arg1, %mul3A_279 : i32
      %add3A_281 = arith.constant 25088 : i32
      %add3A_282 = arith.addi %add3A_281, %mul3A_280 : i32
      "tpu.region"() ({
        %run_scoped3A = tpu.sem_alloc : memref<!tpu.dma_semaphore, #tpu.memory_space<semaphore_mem>>
        %dma_start3A_283 = arith.constant 0 : i32
        %dma_start3A_284 = tpu.memref_slice %arg4[%add3A_282, %dma_start3A_283] : memref<50000x16xf32, #tpu.memory_space<hbm>> -> memref<1560x16xf32, #tpu.memory_space<hbm>>
        %dma_start3A_285 = arith.constant 0 : i32
        %dma_start3A_286 = tpu.memref_slice %arg10[%mul3A_278, %dma_start3A_285] : memref<25608x16xf32, #tpu.memory_space<vmem_shared>> -> memref<1560x16xf32, #tpu.memory_space<vmem_shared>>
        tpu.enqueue_dma source(%dma_start3A_286 : memref<1560x16xf32, #tpu.memory_space<vmem_shared>>) target(%dma_start3A_284 : memref<1560x16xf32, #tpu.memory_space<hbm>>) target_semaphore(%run_scoped3A : memref<!tpu.dma_semaphore, #tpu.memory_space<semaphore_mem>>)
        %dma_wait3A_287 = arith.constant 0 : i32
        %dma_wait3A_288 = tpu.memref_slice %arg4[%add3A_282, %dma_wait3A_287] : memref<50000x16xf32, #tpu.memory_space<hbm>> -> memref<1560x16xf32, #tpu.memory_space<hbm>>
        %dma_wait3A_289 = arith.constant 0 : i32
        %dma_wait3A_290 = tpu.memref_slice %arg10[%mul3A_278, %dma_wait3A_289] : memref<25608x16xf32, #tpu.memory_space<vmem_shared>> -> memref<1560x16xf32, #tpu.memory_space<vmem_shared>>
        tpu.wait_dma2 semaphore(%run_scoped3A : memref<!tpu.dma_semaphore, #tpu.memory_space<semaphore_mem>>) src(%dma_wait3A_290 : memref<1560x16xf32, #tpu.memory_space<vmem_shared>>) dst(%dma_wait3A_288 : memref<1560x16xf32, #tpu.memory_space<hbm>>)
        tpu.yield
      }) : () -> ()
    } else {
    }
    %eq3A_269 = arith.constant 1 : i32
    %eq3A_270 = arith.cmpi eq, %arg0, %eq3A_269 : i32
    %eq3A_271 = arith.constant 15 : i32
    %eq3A_272 = arith.cmpi eq, %arg1, %eq3A_271 : i32
    %and3A_273 = arith.andi %eq3A_270, %eq3A_272 : i1
    %convert_element_type3A_274 = arith.extui %and3A_273 : i1 to i32
    %cond3A_275 = arith.constant 0 : i32
    %cond3A_276 = arith.cmpi ne, %convert_element_type3A_274, %cond3A_275 : i32
    scf.if %cond3A_276 {
      "tpu.region"() ({
        %run_scoped3A = tpu.sem_alloc : memref<!tpu.dma_semaphore, #tpu.memory_space<semaphore_mem>>
        %dma_start3A_277 = arith.constant 48488 : i32
        %dma_start3A_278 = arith.constant 0 : i32
        %dma_start3A_279 = tpu.memref_slice %arg4[%dma_start3A_277, %dma_start3A_278] : memref<50000x16xf32, #tpu.memory_space<hbm>> -> memref<1512x16xf32, #tpu.memory_space<hbm>>
        %dma_start3A_280 = arith.constant 23400 : i32
        %dma_start3A_281 = arith.constant 0 : i32
        %dma_start3A_282 = tpu.memref_slice %arg10[%dma_start3A_280, %dma_start3A_281] : memref<25608x16xf32, #tpu.memory_space<vmem_shared>> -> memref<1512x16xf32, #tpu.memory_space<vmem_shared>>
        tpu.enqueue_dma source(%dma_start3A_282 : memref<1512x16xf32, #tpu.memory_space<vmem_shared>>) target(%dma_start3A_279 : memref<1512x16xf32, #tpu.memory_space<hbm>>) target_semaphore(%run_scoped3A : memref<!tpu.dma_semaphore, #tpu.memory_space<semaphore_mem>>)
        %dma_wait3A_283 = arith.constant 48488 : i32
        %dma_wait3A_284 = arith.constant 0 : i32
        %dma_wait3A_285 = tpu.memref_slice %arg4[%dma_wait3A_283, %dma_wait3A_284] : memref<50000x16xf32, #tpu.memory_space<hbm>> -> memref<1512x16xf32, #tpu.memory_space<hbm>>
        %dma_wait3A_286 = arith.constant 23400 : i32
        %dma_wait3A_287 = arith.constant 0 : i32
        %dma_wait3A_288 = tpu.memref_slice %arg10[%dma_wait3A_286, %dma_wait3A_287] : memref<25608x16xf32, #tpu.memory_space<vmem_shared>> -> memref<1512x16xf32, #tpu.memory_space<vmem_shared>>
        tpu.wait_dma2 semaphore(%run_scoped3A : memref<!tpu.dma_semaphore, #tpu.memory_space<semaphore_mem>>) src(%dma_wait3A_288 : memref<1512x16xf32, #tpu.memory_space<vmem_shared>>) dst(%dma_wait3A_285 : memref<1512x16xf32, #tpu.memory_space<hbm>>)
        tpu.yield
      }) : () -> ()
    } else {
    }
    return
  }
}

#map = affine_map<(d0, d1) -> (0, 0)>
#map1 = affine_map<(d0, d1) -> (0)>
module attributes {stable_mosaic.version = 14 : i64} {
  func.func @agg(%arg0: i32, %arg1: i32, %arg2: memref<50000x64xf32, #tpu.memory_space<hbm>>, %arg3: memref<802816xi32, #tpu.memory_space<hbm>>, %arg4: memref<802816xi32, #tpu.memory_space<hbm>>, %arg5: memref<50000x64xf32, #tpu.memory_space<hbm>>, %arg6: memref<256xi32, #tpu.memory_space<vmem>>, %arg7: memref<256xi32, #tpu.memory_space<vmem>>, %arg8: memref<256x64xf32, #tpu.memory_space<vmem>>, %arg9: memref<25608x64xf32, #tpu.memory_space<vmem_shared>>, %arg10: memref<!tpu.dma_semaphore, #tpu.memory_space<semaphore_mem>>) attributes {dimension_semantics = [#tpu.dimension_semantics<core_parallel>, #tpu.dimension_semantics<subcore_parallel>], iteration_bounds = array<i64: 2, 16>, scalar_prefetch = 0 : i64, scratch_operands = 5 : i64, tpu.core_type = #tpu.core_type<sc_vector_subcore>, window_params = [{transform_indices = #map}, {transform_indices = #map1}, {transform_indices = #map1}, {transform_indices = #map}]} {
    %mul3A = arith.constant 25088 : i32
    %mul3A_0 = arith.muli %arg0, %mul3A : i32
    %eq3A = arith.constant 0 : i32
    %eq3A_1 = arith.cmpi eq, %arg0, %eq3A : i32
    %jit3A = arith.constant 25088 : i32
    %jit3A_2 = arith.constant 24912 : i32
    %select_n3A = arith.select %eq3A_1, %jit3A, %jit3A_2 : i32
    %broadcast_in_dim3A = arith.constant 0.000000e+00 : f32
    %broadcast_in_dim3A_3 = vector.broadcast %broadcast_in_dim3A : f32 to vector<16xf32>
    %scan3A = arith.constant 0 : i32
    %scan3A_4 = arith.constant 256 : i32
    %scan3A_5 = arith.addi %scan3A, %scan3A_4 : i32
    %scan3A_6 = arith.constant 1 : i32
    scf.for %scan3A_64 = %scan3A to %scan3A_5 step %scan3A_6  : i32 {
      %mul3A_65 = arith.constant 1 : i32
      %mul3A_66 = arith.muli %scan3A_64, %mul3A_65 : i32
      %add3A_67 = arith.constant 0 : i32
      %add3A_68 = arith.addi %add3A_67, %mul3A_66 : i32
      %swap3A = arith.index_cast %add3A_68 : i32 to index
      %swap3A_69 = arith.constant 0 : index
      %swap3A_70 = tpu.vector_load %arg8[%swap3A, %swap3A_69] {strides = array<i32>} : memref<256x64xf32, #tpu.memory_space<vmem>>, vector<1x16xf32>,
      %swap3A_71 = vector.shape_cast %swap3A_70 : vector<1x16xf32> to vector<16xf32>
      %swap3A_72 = vector.shape_cast %broadcast_in_dim3A_3 : vector<16xf32> to vector<1x16xf32>
      tpu.vector_store %arg8[%swap3A, %swap3A_69], %swap3A_72 {strides = array<i32>} : memref<256x64xf32, #tpu.memory_space<vmem>>, vector<1x16xf32>,
      %swap3A_73 = arith.index_cast %add3A_68 : i32 to index
      %swap3A_74 = arith.constant 16 : index
      %swap3A_75 = tpu.vector_load %arg8[%swap3A_73, %swap3A_74] {strides = array<i32>} : memref<256x64xf32, #tpu.memory_space<vmem>>, vector<1x16xf32>,
      %swap3A_76 = vector.shape_cast %swap3A_75 : vector<1x16xf32> to vector<16xf32>
      %swap3A_77 = vector.shape_cast %broadcast_in_dim3A_3 : vector<16xf32> to vector<1x16xf32>
      tpu.vector_store %arg8[%swap3A_73, %swap3A_74], %swap3A_77 {strides = array<i32>} : memref<256x64xf32, #tpu.memory_space<vmem>>, vector<1x16xf32>,
      %swap3A_78 = arith.index_cast %add3A_68 : i32 to index
      %swap3A_79 = arith.constant 32 : index
      %swap3A_80 = tpu.vector_load %arg8[%swap3A_78, %swap3A_79] {strides = array<i32>} : memref<256x64xf32, #tpu.memory_space<vmem>>, vector<1x16xf32>,
      %swap3A_81 = vector.shape_cast %swap3A_80 : vector<1x16xf32> to vector<16xf32>
      %swap3A_82 = vector.shape_cast %broadcast_in_dim3A_3 : vector<16xf32> to vector<1x16xf32>
      tpu.vector_store %arg8[%swap3A_78, %swap3A_79], %swap3A_82 {strides = array<i32>} : memref<256x64xf32, #tpu.memory_space<vmem>>, vector<1x16xf32>,
      %swap3A_83 = arith.index_cast %add3A_68 : i32 to index
      %swap3A_84 = arith.constant 48 : index
      %swap3A_85 = tpu.vector_load %arg8[%swap3A_83, %swap3A_84] {strides = array<i32>} : memref<256x64xf32, #tpu.memory_space<vmem>>, vector<1x16xf32>,
      %swap3A_86 = vector.shape_cast %swap3A_85 : vector<1x16xf32> to vector<16xf32>
      %swap3A_87 = vector.shape_cast %broadcast_in_dim3A_3 : vector<16xf32> to vector<1x16xf32>
      tpu.vector_store %arg8[%swap3A_83, %swap3A_84], %swap3A_87 {strides = array<i32>} : memref<256x64xf32, #tpu.memory_space<vmem>>, vector<1x16xf32>,
    }
    %scan3A_7 = arith.constant 256 : i32
    %mul3A_8 = arith.constant 1600 : i32
    %mul3A_9 = arith.muli %arg1, %mul3A_8 : i32
    %add3A = arith.constant 0 : i32
    %add3A_10 = arith.addi %mul3A_9, %add3A : i32
    "tpu.region"() ({
      %run_scoped3A = tpu.sem_alloc : memref<!tpu.dma_semaphore, #tpu.memory_space<semaphore_mem>>
      %dma_start3A = arith.constant 0 : i32
      %dma_start3A_64 = tpu.memref_slice %arg9[%add3A_10, %dma_start3A] : memref<25608x64xf32, #tpu.memory_space<vmem_shared>> -> memref<256x64xf32, #tpu.memory_space<vmem_shared>>
      %dma_start3A_65 = arith.constant 0 : i32
      %dma_start3A_66 = tpu.memref_slice %arg9[%add3A_10, %dma_start3A_65] : memref<25608x64xf32, #tpu.memory_space<vmem_shared>> -> memref<256x64xf32, #tpu.memory_space<vmem_shared>>
      tpu.enqueue_dma source(%arg8 : memref<256x64xf32, #tpu.memory_space<vmem>>) target(%dma_start3A_66 : memref<256x64xf32, #tpu.memory_space<vmem_shared>>) target_semaphore(%run_scoped3A : memref<!tpu.dma_semaphore, #tpu.memory_space<semaphore_mem>>)
      %dma_wait3A = arith.constant 0 : i32
      %dma_wait3A_67 = tpu.memref_slice %arg9[%add3A_10, %dma_wait3A] : memref<25608x64xf32, #tpu.memory_space<vmem_shared>> -> memref<256x64xf32, #tpu.memory_space<vmem_shared>>
      %dma_wait3A_68 = arith.constant 0 : i32
      %dma_wait3A_69 = tpu.memref_slice %arg9[%add3A_10, %dma_wait3A_68] : memref<25608x64xf32, #tpu.memory_space<vmem_shared>> -> memref<256x64xf32, #tpu.memory_space<vmem_shared>>
      tpu.wait_dma2 semaphore(%run_scoped3A : memref<!tpu.dma_semaphore, #tpu.memory_space<semaphore_mem>>) src(%arg8 : memref<256x64xf32, #tpu.memory_space<vmem>>) dst(%dma_wait3A_69 : memref<256x64xf32, #tpu.memory_space<vmem_shared>>)
      tpu.yield
    }) : () -> ()
    %mul3A_11 = arith.constant 1600 : i32
    %mul3A_12 = arith.muli %arg1, %mul3A_11 : i32
    %add3A_13 = arith.constant 256 : i32
    %add3A_14 = arith.addi %mul3A_12, %add3A_13 : i32
    "tpu.region"() ({
      %run_scoped3A = tpu.sem_alloc : memref<!tpu.dma_semaphore, #tpu.memory_space<semaphore_mem>>
      %dma_start3A = arith.constant 0 : i32
      %dma_start3A_64 = tpu.memref_slice %arg9[%add3A_14, %dma_start3A] : memref<25608x64xf32, #tpu.memory_space<vmem_shared>> -> memref<256x64xf32, #tpu.memory_space<vmem_shared>>
      %dma_start3A_65 = arith.constant 0 : i32
      %dma_start3A_66 = tpu.memref_slice %arg9[%add3A_14, %dma_start3A_65] : memref<25608x64xf32, #tpu.memory_space<vmem_shared>> -> memref<256x64xf32, #tpu.memory_space<vmem_shared>>
      tpu.enqueue_dma source(%arg8 : memref<256x64xf32, #tpu.memory_space<vmem>>) target(%dma_start3A_66 : memref<256x64xf32, #tpu.memory_space<vmem_shared>>) target_semaphore(%run_scoped3A : memref<!tpu.dma_semaphore, #tpu.memory_space<semaphore_mem>>)
      %dma_wait3A = arith.constant 0 : i32
      %dma_wait3A_67 = tpu.memref_slice %arg9[%add3A_14, %dma_wait3A] : memref<25608x64xf32, #tpu.memory_space<vmem_shared>> -> memref<256x64xf32, #tpu.memory_space<vmem_shared>>
      %dma_wait3A_68 = arith.constant 0 : i32
      %dma_wait3A_69 = tpu.memref_slice %arg9[%add3A_14, %dma_wait3A_68] : memref<25608x64xf32, #tpu.memory_space<vmem_shared>> -> memref<256x64xf32, #tpu.memory_space<vmem_shared>>
      tpu.wait_dma2 semaphore(%run_scoped3A : memref<!tpu.dma_semaphore, #tpu.memory_space<semaphore_mem>>) src(%arg8 : memref<256x64xf32, #tpu.memory_space<vmem>>) dst(%dma_wait3A_69 : memref<256x64xf32, #tpu.memory_space<vmem_shared>>)
      tpu.yield
    }) : () -> ()
    %mul3A_15 = arith.constant 1600 : i32
    %mul3A_16 = arith.muli %arg1, %mul3A_15 : i32
    %add3A_17 = arith.constant 512 : i32
    %add3A_18 = arith.addi %mul3A_16, %add3A_17 : i32
    "tpu.region"() ({
      %run_scoped3A = tpu.sem_alloc : memref<!tpu.dma_semaphore, #tpu.memory_space<semaphore_mem>>
      %dma_start3A = arith.constant 0 : i32
      %dma_start3A_64 = tpu.memref_slice %arg9[%add3A_18, %dma_start3A] : memref<25608x64xf32, #tpu.memory_space<vmem_shared>> -> memref<256x64xf32, #tpu.memory_space<vmem_shared>>
      %dma_start3A_65 = arith.constant 0 : i32
      %dma_start3A_66 = tpu.memref_slice %arg9[%add3A_18, %dma_start3A_65] : memref<25608x64xf32, #tpu.memory_space<vmem_shared>> -> memref<256x64xf32, #tpu.memory_space<vmem_shared>>
      tpu.enqueue_dma source(%arg8 : memref<256x64xf32, #tpu.memory_space<vmem>>) target(%dma_start3A_66 : memref<256x64xf32, #tpu.memory_space<vmem_shared>>) target_semaphore(%run_scoped3A : memref<!tpu.dma_semaphore, #tpu.memory_space<semaphore_mem>>)
      %dma_wait3A = arith.constant 0 : i32
      %dma_wait3A_67 = tpu.memref_slice %arg9[%add3A_18, %dma_wait3A] : memref<25608x64xf32, #tpu.memory_space<vmem_shared>> -> memref<256x64xf32, #tpu.memory_space<vmem_shared>>
      %dma_wait3A_68 = arith.constant 0 : i32
      %dma_wait3A_69 = tpu.memref_slice %arg9[%add3A_18, %dma_wait3A_68] : memref<25608x64xf32, #tpu.memory_space<vmem_shared>> -> memref<256x64xf32, #tpu.memory_space<vmem_shared>>
      tpu.wait_dma2 semaphore(%run_scoped3A : memref<!tpu.dma_semaphore, #tpu.memory_space<semaphore_mem>>) src(%arg8 : memref<256x64xf32, #tpu.memory_space<vmem>>) dst(%dma_wait3A_69 : memref<256x64xf32, #tpu.memory_space<vmem_shared>>)
      tpu.yield
    }) : () -> ()
    %mul3A_19 = arith.constant 1600 : i32
    %mul3A_20 = arith.muli %arg1, %mul3A_19 : i32
    %add3A_21 = arith.constant 768 : i32
    %add3A_22 = arith.addi %mul3A_20, %add3A_21 : i32
    "tpu.region"() ({
      %run_scoped3A = tpu.sem_alloc : memref<!tpu.dma_semaphore, #tpu.memory_space<semaphore_mem>>
      %dma_start3A = arith.constant 0 : i32
      %dma_start3A_64 = tpu.memref_slice %arg9[%add3A_22, %dma_start3A] : memref<25608x64xf32, #tpu.memory_space<vmem_shared>> -> memref<256x64xf32, #tpu.memory_space<vmem_shared>>
      %dma_start3A_65 = arith.constant 0 : i32
      %dma_start3A_66 = tpu.memref_slice %arg9[%add3A_22, %dma_start3A_65] : memref<25608x64xf32, #tpu.memory_space<vmem_shared>> -> memref<256x64xf32, #tpu.memory_space<vmem_shared>>
      tpu.enqueue_dma source(%arg8 : memref<256x64xf32, #tpu.memory_space<vmem>>) target(%dma_start3A_66 : memref<256x64xf32, #tpu.memory_space<vmem_shared>>) target_semaphore(%run_scoped3A : memref<!tpu.dma_semaphore, #tpu.memory_space<semaphore_mem>>)
      %dma_wait3A = arith.constant 0 : i32
      %dma_wait3A_67 = tpu.memref_slice %arg9[%add3A_22, %dma_wait3A] : memref<25608x64xf32, #tpu.memory_space<vmem_shared>> -> memref<256x64xf32, #tpu.memory_space<vmem_shared>>
      %dma_wait3A_68 = arith.constant 0 : i32
      %dma_wait3A_69 = tpu.memref_slice %arg9[%add3A_22, %dma_wait3A_68] : memref<25608x64xf32, #tpu.memory_space<vmem_shared>> -> memref<256x64xf32, #tpu.memory_space<vmem_shared>>
      tpu.wait_dma2 semaphore(%run_scoped3A : memref<!tpu.dma_semaphore, #tpu.memory_space<semaphore_mem>>) src(%arg8 : memref<256x64xf32, #tpu.memory_space<vmem>>) dst(%dma_wait3A_69 : memref<256x64xf32, #tpu.memory_space<vmem_shared>>)
      tpu.yield
    }) : () -> ()
    %mul3A_23 = arith.constant 1600 : i32
    %mul3A_24 = arith.muli %arg1, %mul3A_23 : i32
    %add3A_25 = arith.constant 1024 : i32
    %add3A_26 = arith.addi %mul3A_24, %add3A_25 : i32
    "tpu.region"() ({
      %run_scoped3A = tpu.sem_alloc : memref<!tpu.dma_semaphore, #tpu.memory_space<semaphore_mem>>
      %dma_start3A = arith.constant 0 : i32
      %dma_start3A_64 = tpu.memref_slice %arg9[%add3A_26, %dma_start3A] : memref<25608x64xf32, #tpu.memory_space<vmem_shared>> -> memref<256x64xf32, #tpu.memory_space<vmem_shared>>
      %dma_start3A_65 = arith.constant 0 : i32
      %dma_start3A_66 = tpu.memref_slice %arg9[%add3A_26, %dma_start3A_65] : memref<25608x64xf32, #tpu.memory_space<vmem_shared>> -> memref<256x64xf32, #tpu.memory_space<vmem_shared>>
      tpu.enqueue_dma source(%arg8 : memref<256x64xf32, #tpu.memory_space<vmem>>) target(%dma_start3A_66 : memref<256x64xf32, #tpu.memory_space<vmem_shared>>) target_semaphore(%run_scoped3A : memref<!tpu.dma_semaphore, #tpu.memory_space<semaphore_mem>>)
      %dma_wait3A = arith.constant 0 : i32
      %dma_wait3A_67 = tpu.memref_slice %arg9[%add3A_26, %dma_wait3A] : memref<25608x64xf32, #tpu.memory_space<vmem_shared>> -> memref<256x64xf32, #tpu.memory_space<vmem_shared>>
      %dma_wait3A_68 = arith.constant 0 : i32
      %dma_wait3A_69 = tpu.memref_slice %arg9[%add3A_26, %dma_wait3A_68] : memref<25608x64xf32, #tpu.memory_space<vmem_shared>> -> memref<256x64xf32, #tpu.memory_space<vmem_shared>>
      tpu.wait_dma2 semaphore(%run_scoped3A : memref<!tpu.dma_semaphore, #tpu.memory_space<semaphore_mem>>) src(%arg8 : memref<256x64xf32, #tpu.memory_space<vmem>>) dst(%dma_wait3A_69 : memref<256x64xf32, #tpu.memory_space<vmem_shared>>)
      tpu.yield
    }) : () -> ()
    %mul3A_27 = arith.constant 1600 : i32
    %mul3A_28 = arith.muli %arg1, %mul3A_27 : i32
    %add3A_29 = arith.constant 1280 : i32
    %add3A_30 = arith.addi %mul3A_28, %add3A_29 : i32
    "tpu.region"() ({
      %run_scoped3A = tpu.sem_alloc : memref<!tpu.dma_semaphore, #tpu.memory_space<semaphore_mem>>
      %dma_start3A = arith.constant 0 : i32
      %dma_start3A_64 = tpu.memref_slice %arg9[%add3A_30, %dma_start3A] : memref<25608x64xf32, #tpu.memory_space<vmem_shared>> -> memref<256x64xf32, #tpu.memory_space<vmem_shared>>
      %dma_start3A_65 = arith.constant 0 : i32
      %dma_start3A_66 = tpu.memref_slice %arg9[%add3A_30, %dma_start3A_65] : memref<25608x64xf32, #tpu.memory_space<vmem_shared>> -> memref<256x64xf32, #tpu.memory_space<vmem_shared>>
      tpu.enqueue_dma source(%arg8 : memref<256x64xf32, #tpu.memory_space<vmem>>) target(%dma_start3A_66 : memref<256x64xf32, #tpu.memory_space<vmem_shared>>) target_semaphore(%run_scoped3A : memref<!tpu.dma_semaphore, #tpu.memory_space<semaphore_mem>>)
      %dma_wait3A = arith.constant 0 : i32
      %dma_wait3A_67 = tpu.memref_slice %arg9[%add3A_30, %dma_wait3A] : memref<25608x64xf32, #tpu.memory_space<vmem_shared>> -> memref<256x64xf32, #tpu.memory_space<vmem_shared>>
      %dma_wait3A_68 = arith.constant 0 : i32
      %dma_wait3A_69 = tpu.memref_slice %arg9[%add3A_30, %dma_wait3A_68] : memref<25608x64xf32, #tpu.memory_space<vmem_shared>> -> memref<256x64xf32, #tpu.memory_space<vmem_shared>>
      tpu.wait_dma2 semaphore(%run_scoped3A : memref<!tpu.dma_semaphore, #tpu.memory_space<semaphore_mem>>) src(%arg8 : memref<256x64xf32, #tpu.memory_space<vmem>>) dst(%dma_wait3A_69 : memref<256x64xf32, #tpu.memory_space<vmem_shared>>)
      tpu.yield
    }) : () -> ()
    %mul3A_31 = arith.constant 1600 : i32
    %mul3A_32 = arith.muli %arg1, %mul3A_31 : i32
    %add3A_33 = arith.constant 1600 : i32
    %add3A_34 = arith.addi %mul3A_32, %add3A_33 : i32
    %sub3A = arith.constant 64 : i32
    %sub3A_35 = arith.subi %add3A_34, %sub3A : i32
    "tpu.region"() ({
      %run_scoped3A = tpu.sem_alloc : memref<!tpu.dma_semaphore, #tpu.memory_space<semaphore_mem>>
      %dma_start3A = arith.constant 0 : i32
      %dma_start3A_64 = arith.constant 0 : i32
      %dma_start3A_65 = tpu.memref_slice %arg8[%dma_start3A, %dma_start3A_64] : memref<256x64xf32, #tpu.memory_space<vmem>> -> memref<64x64xf32, #tpu.memory_space<vmem>>
      %dma_start3A_66 = arith.constant 0 : i32
      %dma_start3A_67 = tpu.memref_slice %arg9[%sub3A_35, %dma_start3A_66] : memref<25608x64xf32, #tpu.memory_space<vmem_shared>> -> memref<64x64xf32, #tpu.memory_space<vmem_shared>>
      %dma_start3A_68 = arith.constant 0 : i32
      %dma_start3A_69 = tpu.memref_slice %arg9[%sub3A_35, %dma_start3A_68] : memref<25608x64xf32, #tpu.memory_space<vmem_shared>> -> memref<64x64xf32, #tpu.memory_space<vmem_shared>>
      %dma_start3A_70 = arith.constant 0 : i32
      %dma_start3A_71 = arith.constant 0 : i32
      %dma_start3A_72 = tpu.memref_slice %arg8[%dma_start3A_70, %dma_start3A_71] : memref<256x64xf32, #tpu.memory_space<vmem>> -> memref<64x64xf32, #tpu.memory_space<vmem>>
      tpu.enqueue_dma source(%dma_start3A_72 : memref<64x64xf32, #tpu.memory_space<vmem>>) target(%dma_start3A_69 : memref<64x64xf32, #tpu.memory_space<vmem_shared>>) target_semaphore(%run_scoped3A : memref<!tpu.dma_semaphore, #tpu.memory_space<semaphore_mem>>)
      %dma_wait3A = arith.constant 0 : i32
      %dma_wait3A_73 = arith.constant 0 : i32
      %dma_wait3A_74 = tpu.memref_slice %arg8[%dma_wait3A, %dma_wait3A_73] : memref<256x64xf32, #tpu.memory_space<vmem>> -> memref<64x64xf32, #tpu.memory_space<vmem>>
      %dma_wait3A_75 = arith.constant 0 : i32
      %dma_wait3A_76 = tpu.memref_slice %arg9[%sub3A_35, %dma_wait3A_75] : memref<25608x64xf32, #tpu.memory_space<vmem_shared>> -> memref<64x64xf32, #tpu.memory_space<vmem_shared>>
      %dma_wait3A_77 = arith.constant 0 : i32
      %dma_wait3A_78 = tpu.memref_slice %arg9[%sub3A_35, %dma_wait3A_77] : memref<25608x64xf32, #tpu.memory_space<vmem_shared>> -> memref<64x64xf32, #tpu.memory_space<vmem_shared>>
      %dma_wait3A_79 = arith.constant 0 : i32
      %dma_wait3A_80 = arith.constant 0 : i32
      %dma_wait3A_81 = tpu.memref_slice %arg8[%dma_wait3A_79, %dma_wait3A_80] : memref<256x64xf32, #tpu.memory_space<vmem>> -> memref<64x64xf32, #tpu.memory_space<vmem>>
      tpu.wait_dma2 semaphore(%run_scoped3A : memref<!tpu.dma_semaphore, #tpu.memory_space<semaphore_mem>>) src(%dma_wait3A_81 : memref<64x64xf32, #tpu.memory_space<vmem>>) dst(%dma_wait3A_78 : memref<64x64xf32, #tpu.memory_space<vmem_shared>>)
      tpu.yield
    }) : () -> ()
    %eq3A_36 = arith.constant 0 : i32
    %eq3A_37 = arith.cmpi eq, %arg1, %eq3A_36 : i32
    %convert_element_type3A = arith.extui %eq3A_37 : i1 to i32
    %cond3A = arith.constant 0 : i32
    %cond3A_38 = arith.cmpi ne, %convert_element_type3A, %cond3A : i32
    scf.if %cond3A_38 {
      "tpu.region"() ({
        %run_scoped3A = tpu.sem_alloc : memref<!tpu.dma_semaphore, #tpu.memory_space<semaphore_mem>>
        %dma_start3A = arith.constant 0 : i32
        %dma_start3A_64 = arith.constant 0 : i32
        %dma_start3A_65 = tpu.memref_slice %arg8[%dma_start3A, %dma_start3A_64] : memref<256x64xf32, #tpu.memory_space<vmem>> -> memref<8x64xf32, #tpu.memory_space<vmem>>
        %dma_start3A_66 = arith.constant 25600 : i32
        %dma_start3A_67 = arith.constant 0 : i32
        %dma_start3A_68 = tpu.memref_slice %arg9[%dma_start3A_66, %dma_start3A_67] : memref<25608x64xf32, #tpu.memory_space<vmem_shared>> -> memref<8x64xf32, #tpu.memory_space<vmem_shared>>
        %dma_start3A_69 = arith.constant 25600 : i32
        %dma_start3A_70 = arith.constant 0 : i32
        %dma_start3A_71 = tpu.memref_slice %arg9[%dma_start3A_69, %dma_start3A_70] : memref<25608x64xf32, #tpu.memory_space<vmem_shared>> -> memref<8x64xf32, #tpu.memory_space<vmem_shared>>
        %dma_start3A_72 = arith.constant 0 : i32
        %dma_start3A_73 = arith.constant 0 : i32
        %dma_start3A_74 = tpu.memref_slice %arg8[%dma_start3A_72, %dma_start3A_73] : memref<256x64xf32, #tpu.memory_space<vmem>> -> memref<8x64xf32, #tpu.memory_space<vmem>>
        tpu.enqueue_dma source(%dma_start3A_74 : memref<8x64xf32, #tpu.memory_space<vmem>>) target(%dma_start3A_71 : memref<8x64xf32, #tpu.memory_space<vmem_shared>>) target_semaphore(%run_scoped3A : memref<!tpu.dma_semaphore, #tpu.memory_space<semaphore_mem>>)
        %dma_wait3A = arith.constant 0 : i32
        %dma_wait3A_75 = arith.constant 0 : i32
        %dma_wait3A_76 = tpu.memref_slice %arg8[%dma_wait3A, %dma_wait3A_75] : memref<256x64xf32, #tpu.memory_space<vmem>> -> memref<8x64xf32, #tpu.memory_space<vmem>>
        %dma_wait3A_77 = arith.constant 25600 : i32
        %dma_wait3A_78 = arith.constant 0 : i32
        %dma_wait3A_79 = tpu.memref_slice %arg9[%dma_wait3A_77, %dma_wait3A_78] : memref<25608x64xf32, #tpu.memory_space<vmem_shared>> -> memref<8x64xf32, #tpu.memory_space<vmem_shared>>
        %dma_wait3A_80 = arith.constant 25600 : i32
        %dma_wait3A_81 = arith.constant 0 : i32
        %dma_wait3A_82 = tpu.memref_slice %arg9[%dma_wait3A_80, %dma_wait3A_81] : memref<25608x64xf32, #tpu.memory_space<vmem_shared>> -> memref<8x64xf32, #tpu.memory_space<vmem_shared>>
        %dma_wait3A_83 = arith.constant 0 : i32
        %dma_wait3A_84 = arith.constant 0 : i32
        %dma_wait3A_85 = tpu.memref_slice %arg8[%dma_wait3A_83, %dma_wait3A_84] : memref<256x64xf32, #tpu.memory_space<vmem>> -> memref<8x64xf32, #tpu.memory_space<vmem>>
        tpu.wait_dma2 semaphore(%run_scoped3A : memref<!tpu.dma_semaphore, #tpu.memory_space<semaphore_mem>>) src(%dma_wait3A_85 : memref<8x64xf32, #tpu.memory_space<vmem>>) dst(%dma_wait3A_82 : memref<8x64xf32, #tpu.memory_space<vmem_shared>>)
        tpu.yield
      }) : () -> ()
    } else {
    }
    %barrier3A = arith.constant 0 : index
    tpu.barrier barrier_id(%barrier3A)
    %scan3A_39 = arith.constant 0 : i32
    %scan3A_40 = arith.constant 196 : i32
    %scan3A_41 = arith.addi %scan3A_39, %scan3A_40 : i32
    %scan3A_42 = arith.constant 1 : i32
    scf.for %scan3A_64 = %scan3A_39 to %scan3A_41 step %scan3A_42  : i32 {
      %mul3A_65 = arith.constant 1 : i32
      %mul3A_66 = arith.muli %scan3A_64, %mul3A_65 : i32
      %add3A_67 = arith.constant 0 : i32
      %add3A_68 = arith.addi %add3A_67, %mul3A_66 : i32
      %mul3A_69 = arith.constant 196 : i32
      %mul3A_70 = arith.muli %arg1, %mul3A_69 : i32
      %add3A_71 = arith.addi %mul3A_70, %add3A_68 : i32
      %mul3A_72 = arith.constant 256 : i32
      %mul3A_73 = arith.muli %add3A_71, %mul3A_72 : i32
      "tpu.region"() ({
        %run_scoped3A = tpu.sem_alloc : memref<!tpu.dma_semaphore, #tpu.memory_space<semaphore_mem>>
        %dma_start3A_363 = tpu.memref_slice %arg3[%mul3A_73] : memref<802816xi32, #tpu.memory_space<hbm>> -> memref<256xi32, #tpu.memory_space<hbm>>
        %dma_start3A_364 = tpu.memref_slice %arg3[%mul3A_73] : memref<802816xi32, #tpu.memory_space<hbm>> -> memref<256xi32, #tpu.memory_space<hbm>>
        tpu.enqueue_dma source(%dma_start3A_364 : memref<256xi32, #tpu.memory_space<hbm>>) target(%arg6 : memref<256xi32, #tpu.memory_space<vmem>>) target_semaphore(%run_scoped3A : memref<!tpu.dma_semaphore, #tpu.memory_space<semaphore_mem>>)
        %dma_wait3A_365 = tpu.memref_slice %arg3[%mul3A_73] : memref<802816xi32, #tpu.memory_space<hbm>> -> memref<256xi32, #tpu.memory_space<hbm>>
        %dma_wait3A_366 = tpu.memref_slice %arg3[%mul3A_73] : memref<802816xi32, #tpu.memory_space<hbm>> -> memref<256xi32, #tpu.memory_space<hbm>>
        tpu.wait_dma2 semaphore(%run_scoped3A : memref<!tpu.dma_semaphore, #tpu.memory_space<semaphore_mem>>) src(%dma_wait3A_366 : memref<256xi32, #tpu.memory_space<hbm>>) dst(%arg6 : memref<256xi32, #tpu.memory_space<vmem>>)
        tpu.yield
      }) : () -> ()
      "tpu.region"() ({
        %run_scoped3A = tpu.sem_alloc : memref<!tpu.dma_semaphore, #tpu.memory_space<semaphore_mem>>
        %dma_start3A_363 = tpu.memref_slice %arg4[%mul3A_73] : memref<802816xi32, #tpu.memory_space<hbm>> -> memref<256xi32, #tpu.memory_space<hbm>>
        %dma_start3A_364 = tpu.memref_slice %arg4[%mul3A_73] : memref<802816xi32, #tpu.memory_space<hbm>> -> memref<256xi32, #tpu.memory_space<hbm>>
        tpu.enqueue_dma source(%dma_start3A_364 : memref<256xi32, #tpu.memory_space<hbm>>) target(%arg7 : memref<256xi32, #tpu.memory_space<vmem>>) target_semaphore(%run_scoped3A : memref<!tpu.dma_semaphore, #tpu.memory_space<semaphore_mem>>)
        %dma_wait3A_365 = tpu.memref_slice %arg4[%mul3A_73] : memref<802816xi32, #tpu.memory_space<hbm>> -> memref<256xi32, #tpu.memory_space<hbm>>
        %dma_wait3A_366 = tpu.memref_slice %arg4[%mul3A_73] : memref<802816xi32, #tpu.memory_space<hbm>> -> memref<256xi32, #tpu.memory_space<hbm>>
        tpu.wait_dma2 semaphore(%run_scoped3A : memref<!tpu.dma_semaphore, #tpu.memory_space<semaphore_mem>>) src(%dma_wait3A_366 : memref<256xi32, #tpu.memory_space<hbm>>) dst(%arg7 : memref<256xi32, #tpu.memory_space<vmem>>)
        tpu.yield
      }) : () -> ()
      %get3A = arith.constant 0 : index
      %get3A_74 = tpu.vector_load %arg7[%get3A] {strides = array<i32>} : memref<256xi32, #tpu.memory_space<vmem>>, vector<16xi32>,
      %get3A_75 = vector.shape_cast %get3A_74 : vector<16xi32> to vector<16xi32>
      %sub3A_76 = vector.broadcast %mul3A_0 : i32 to vector<16xi32>
      %sub3A_77 = arith.subi %get3A_75, %sub3A_76 : vector<16xi32>
      %ge3A = arith.constant 0 : i32
      %ge3A_78 = vector.broadcast %ge3A : i32 to vector<16xi32>
      %ge3A_79 = arith.cmpi sge, %sub3A_77, %ge3A_78 : vector<16xi32>
      %lt3A_80 = vector.broadcast %select_n3A : i32 to vector<16xi32>
      %lt3A_81 = arith.cmpi slt, %sub3A_77, %lt3A_80 : vector<16xi32>
      %and3A_82 = arith.andi %ge3A_79, %lt3A_81 : vector<16xi1>
      %jit3A_83 = arith.constant 25600 : i32
      %broadcast_in_dim3A_84 = vector.broadcast %jit3A_83 : i32 to vector<16xi32>
      %select_n3A_85 = arith.select %and3A_82, %sub3A_77, %broadcast_in_dim3A_84 : vector<16xi1>, vector<16xi32>
      %swap3A = arith.constant 0 : index
      %swap3A_86 = tpu.vector_load %arg7[%swap3A] {strides = array<i32>} : memref<256xi32, #tpu.memory_space<vmem>>, vector<16xi32>,
      %swap3A_87 = vector.shape_cast %swap3A_86 : vector<16xi32> to vector<16xi32>
      %swap3A_88 = vector.shape_cast %select_n3A_85 : vector<16xi32> to vector<16xi32>
      tpu.vector_store %arg7[%swap3A], %swap3A_88 {strides = array<i32>} : memref<256xi32, #tpu.memory_space<vmem>>, vector<16xi32>,
      %get3A_89 = arith.constant 16 : index
      %get3A_90 = tpu.vector_load %arg7[%get3A_89] {strides = array<i32>} : memref<256xi32, #tpu.memory_space<vmem>>, vector<16xi32>,
      %get3A_91 = vector.shape_cast %get3A_90 : vector<16xi32> to vector<16xi32>
      %sub3A_92 = vector.broadcast %mul3A_0 : i32 to vector<16xi32>
      %sub3A_93 = arith.subi %get3A_91, %sub3A_92 : vector<16xi32>
      %ge3A_94 = arith.constant 0 : i32
      %ge3A_95 = vector.broadcast %ge3A_94 : i32 to vector<16xi32>
      %ge3A_96 = arith.cmpi sge, %sub3A_93, %ge3A_95 : vector<16xi32>
      %lt3A_97 = vector.broadcast %select_n3A : i32 to vector<16xi32>
      %lt3A_98 = arith.cmpi slt, %sub3A_93, %lt3A_97 : vector<16xi32>
      %and3A_99 = arith.andi %ge3A_96, %lt3A_98 : vector<16xi1>
      %jit3A_100 = arith.constant 25600 : i32
      %broadcast_in_dim3A_101 = vector.broadcast %jit3A_100 : i32 to vector<16xi32>
      %select_n3A_102 = arith.select %and3A_99, %sub3A_93, %broadcast_in_dim3A_101 : vector<16xi1>, vector<16xi32>
      %swap3A_103 = arith.constant 16 : index
      %swap3A_104 = tpu.vector_load %arg7[%swap3A_103] {strides = array<i32>} : memref<256xi32, #tpu.memory_space<vmem>>, vector<16xi32>,
      %swap3A_105 = vector.shape_cast %swap3A_104 : vector<16xi32> to vector<16xi32>
      %swap3A_106 = vector.shape_cast %select_n3A_102 : vector<16xi32> to vector<16xi32>
      tpu.vector_store %arg7[%swap3A_103], %swap3A_106 {strides = array<i32>} : memref<256xi32, #tpu.memory_space<vmem>>, vector<16xi32>,
      %get3A_107 = arith.constant 32 : index
      %get3A_108 = tpu.vector_load %arg7[%get3A_107] {strides = array<i32>} : memref<256xi32, #tpu.memory_space<vmem>>, vector<16xi32>,
      %get3A_109 = vector.shape_cast %get3A_108 : vector<16xi32> to vector<16xi32>
      %sub3A_110 = vector.broadcast %mul3A_0 : i32 to vector<16xi32>
      %sub3A_111 = arith.subi %get3A_109, %sub3A_110 : vector<16xi32>
      %ge3A_112 = arith.constant 0 : i32
      %ge3A_113 = vector.broadcast %ge3A_112 : i32 to vector<16xi32>
      %ge3A_114 = arith.cmpi sge, %sub3A_111, %ge3A_113 : vector<16xi32>
      %lt3A_115 = vector.broadcast %select_n3A : i32 to vector<16xi32>
      %lt3A_116 = arith.cmpi slt, %sub3A_111, %lt3A_115 : vector<16xi32>
      %and3A_117 = arith.andi %ge3A_114, %lt3A_116 : vector<16xi1>
      %jit3A_118 = arith.constant 25600 : i32
      %broadcast_in_dim3A_119 = vector.broadcast %jit3A_118 : i32 to vector<16xi32>
      %select_n3A_120 = arith.select %and3A_117, %sub3A_111, %broadcast_in_dim3A_119 : vector<16xi1>, vector<16xi32>
      %swap3A_121 = arith.constant 32 : index
      %swap3A_122 = tpu.vector_load %arg7[%swap3A_121] {strides = array<i32>} : memref<256xi32, #tpu.memory_space<vmem>>, vector<16xi32>,
      %swap3A_123 = vector.shape_cast %swap3A_122 : vector<16xi32> to vector<16xi32>
      %swap3A_124 = vector.shape_cast %select_n3A_120 : vector<16xi32> to vector<16xi32>
      tpu.vector_store %arg7[%swap3A_121], %swap3A_124 {strides = array<i32>} : memref<256xi32, #tpu.memory_space<vmem>>, vector<16xi32>,
      %get3A_125 = arith.constant 48 : index
      %get3A_126 = tpu.vector_load %arg7[%get3A_125] {strides = array<i32>} : memref<256xi32, #tpu.memory_space<vmem>>, vector<16xi32>,
      %get3A_127 = vector.shape_cast %get3A_126 : vector<16xi32> to vector<16xi32>
      %sub3A_128 = vector.broadcast %mul3A_0 : i32 to vector<16xi32>
      %sub3A_129 = arith.subi %get3A_127, %sub3A_128 : vector<16xi32>
      %ge3A_130 = arith.constant 0 : i32
      %ge3A_131 = vector.broadcast %ge3A_130 : i32 to vector<16xi32>
      %ge3A_132 = arith.cmpi sge, %sub3A_129, %ge3A_131 : vector<16xi32>
      %lt3A_133 = vector.broadcast %select_n3A : i32 to vector<16xi32>
      %lt3A_134 = arith.cmpi slt, %sub3A_129, %lt3A_133 : vector<16xi32>
      %and3A_135 = arith.andi %ge3A_132, %lt3A_134 : vector<16xi1>
      %jit3A_136 = arith.constant 25600 : i32
      %broadcast_in_dim3A_137 = vector.broadcast %jit3A_136 : i32 to vector<16xi32>
      %select_n3A_138 = arith.select %and3A_135, %sub3A_129, %broadcast_in_dim3A_137 : vector<16xi1>, vector<16xi32>
      %swap3A_139 = arith.constant 48 : index
      %swap3A_140 = tpu.vector_load %arg7[%swap3A_139] {strides = array<i32>} : memref<256xi32, #tpu.memory_space<vmem>>, vector<16xi32>,
      %swap3A_141 = vector.shape_cast %swap3A_140 : vector<16xi32> to vector<16xi32>
      %swap3A_142 = vector.shape_cast %select_n3A_138 : vector<16xi32> to vector<16xi32>
      tpu.vector_store %arg7[%swap3A_139], %swap3A_142 {strides = array<i32>} : memref<256xi32, #tpu.memory_space<vmem>>, vector<16xi32>,
      %get3A_143 = arith.constant 64 : index
      %get3A_144 = tpu.vector_load %arg7[%get3A_143] {strides = array<i32>} : memref<256xi32, #tpu.memory_space<vmem>>, vector<16xi32>,
      %get3A_145 = vector.shape_cast %get3A_144 : vector<16xi32> to vector<16xi32>
      %sub3A_146 = vector.broadcast %mul3A_0 : i32 to vector<16xi32>
      %sub3A_147 = arith.subi %get3A_145, %sub3A_146 : vector<16xi32>
      %ge3A_148 = arith.constant 0 : i32
      %ge3A_149 = vector.broadcast %ge3A_148 : i32 to vector<16xi32>
      %ge3A_150 = arith.cmpi sge, %sub3A_147, %ge3A_149 : vector<16xi32>
      %lt3A_151 = vector.broadcast %select_n3A : i32 to vector<16xi32>
      %lt3A_152 = arith.cmpi slt, %sub3A_147, %lt3A_151 : vector<16xi32>
      %and3A_153 = arith.andi %ge3A_150, %lt3A_152 : vector<16xi1>
      %jit3A_154 = arith.constant 25600 : i32
      %broadcast_in_dim3A_155 = vector.broadcast %jit3A_154 : i32 to vector<16xi32>
      %select_n3A_156 = arith.select %and3A_153, %sub3A_147, %broadcast_in_dim3A_155 : vector<16xi1>, vector<16xi32>
      %swap3A_157 = arith.constant 64 : index
      %swap3A_158 = tpu.vector_load %arg7[%swap3A_157] {strides = array<i32>} : memref<256xi32, #tpu.memory_space<vmem>>, vector<16xi32>,
      %swap3A_159 = vector.shape_cast %swap3A_158 : vector<16xi32> to vector<16xi32>
      %swap3A_160 = vector.shape_cast %select_n3A_156 : vector<16xi32> to vector<16xi32>
      tpu.vector_store %arg7[%swap3A_157], %swap3A_160 {strides = array<i32>} : memref<256xi32, #tpu.memory_space<vmem>>, vector<16xi32>,
      %get3A_161 = arith.constant 80 : index
      %get3A_162 = tpu.vector_load %arg7[%get3A_161] {strides = array<i32>} : memref<256xi32, #tpu.memory_space<vmem>>, vector<16xi32>,
      %get3A_163 = vector.shape_cast %get3A_162 : vector<16xi32> to vector<16xi32>
      %sub3A_164 = vector.broadcast %mul3A_0 : i32 to vector<16xi32>
      %sub3A_165 = arith.subi %get3A_163, %sub3A_164 : vector<16xi32>
      %ge3A_166 = arith.constant 0 : i32
      %ge3A_167 = vector.broadcast %ge3A_166 : i32 to vector<16xi32>
      %ge3A_168 = arith.cmpi sge, %sub3A_165, %ge3A_167 : vector<16xi32>
      %lt3A_169 = vector.broadcast %select_n3A : i32 to vector<16xi32>
      %lt3A_170 = arith.cmpi slt, %sub3A_165, %lt3A_169 : vector<16xi32>
      %and3A_171 = arith.andi %ge3A_168, %lt3A_170 : vector<16xi1>
      %jit3A_172 = arith.constant 25600 : i32
      %broadcast_in_dim3A_173 = vector.broadcast %jit3A_172 : i32 to vector<16xi32>
      %select_n3A_174 = arith.select %and3A_171, %sub3A_165, %broadcast_in_dim3A_173 : vector<16xi1>, vector<16xi32>
      %swap3A_175 = arith.constant 80 : index
      %swap3A_176 = tpu.vector_load %arg7[%swap3A_175] {strides = array<i32>} : memref<256xi32, #tpu.memory_space<vmem>>, vector<16xi32>,
      %swap3A_177 = vector.shape_cast %swap3A_176 : vector<16xi32> to vector<16xi32>
      %swap3A_178 = vector.shape_cast %select_n3A_174 : vector<16xi32> to vector<16xi32>
      tpu.vector_store %arg7[%swap3A_175], %swap3A_178 {strides = array<i32>} : memref<256xi32, #tpu.memory_space<vmem>>, vector<16xi32>,
      %get3A_179 = arith.constant 96 : index
      %get3A_180 = tpu.vector_load %arg7[%get3A_179] {strides = array<i32>} : memref<256xi32, #tpu.memory_space<vmem>>, vector<16xi32>,
      %get3A_181 = vector.shape_cast %get3A_180 : vector<16xi32> to vector<16xi32>
      %sub3A_182 = vector.broadcast %mul3A_0 : i32 to vector<16xi32>
      %sub3A_183 = arith.subi %get3A_181, %sub3A_182 : vector<16xi32>
      %ge3A_184 = arith.constant 0 : i32
      %ge3A_185 = vector.broadcast %ge3A_184 : i32 to vector<16xi32>
      %ge3A_186 = arith.cmpi sge, %sub3A_183, %ge3A_185 : vector<16xi32>
      %lt3A_187 = vector.broadcast %select_n3A : i32 to vector<16xi32>
      %lt3A_188 = arith.cmpi slt, %sub3A_183, %lt3A_187 : vector<16xi32>
      %and3A_189 = arith.andi %ge3A_186, %lt3A_188 : vector<16xi1>
      %jit3A_190 = arith.constant 25600 : i32
      %broadcast_in_dim3A_191 = vector.broadcast %jit3A_190 : i32 to vector<16xi32>
      %select_n3A_192 = arith.select %and3A_189, %sub3A_183, %broadcast_in_dim3A_191 : vector<16xi1>, vector<16xi32>
      %swap3A_193 = arith.constant 96 : index
      %swap3A_194 = tpu.vector_load %arg7[%swap3A_193] {strides = array<i32>} : memref<256xi32, #tpu.memory_space<vmem>>, vector<16xi32>,
      %swap3A_195 = vector.shape_cast %swap3A_194 : vector<16xi32> to vector<16xi32>
      %swap3A_196 = vector.shape_cast %select_n3A_192 : vector<16xi32> to vector<16xi32>
      tpu.vector_store %arg7[%swap3A_193], %swap3A_196 {strides = array<i32>} : memref<256xi32, #tpu.memory_space<vmem>>, vector<16xi32>,
      %get3A_197 = arith.constant 112 : index
      %get3A_198 = tpu.vector_load %arg7[%get3A_197] {strides = array<i32>} : memref<256xi32, #tpu.memory_space<vmem>>, vector<16xi32>,
      %get3A_199 = vector.shape_cast %get3A_198 : vector<16xi32> to vector<16xi32>
      %sub3A_200 = vector.broadcast %mul3A_0 : i32 to vector<16xi32>
      %sub3A_201 = arith.subi %get3A_199, %sub3A_200 : vector<16xi32>
      %ge3A_202 = arith.constant 0 : i32
      %ge3A_203 = vector.broadcast %ge3A_202 : i32 to vector<16xi32>
      %ge3A_204 = arith.cmpi sge, %sub3A_201, %ge3A_203 : vector<16xi32>
      %lt3A_205 = vector.broadcast %select_n3A : i32 to vector<16xi32>
      %lt3A_206 = arith.cmpi slt, %sub3A_201, %lt3A_205 : vector<16xi32>
      %and3A_207 = arith.andi %ge3A_204, %lt3A_206 : vector<16xi1>
      %jit3A_208 = arith.constant 25600 : i32
      %broadcast_in_dim3A_209 = vector.broadcast %jit3A_208 : i32 to vector<16xi32>
      %select_n3A_210 = arith.select %and3A_207, %sub3A_201, %broadcast_in_dim3A_209 : vector<16xi1>, vector<16xi32>
      %swap3A_211 = arith.constant 112 : index
      %swap3A_212 = tpu.vector_load %arg7[%swap3A_211] {strides = array<i32>} : memref<256xi32, #tpu.memory_space<vmem>>, vector<16xi32>,
      %swap3A_213 = vector.shape_cast %swap3A_212 : vector<16xi32> to vector<16xi32>
      %swap3A_214 = vector.shape_cast %select_n3A_210 : vector<16xi32> to vector<16xi32>
      tpu.vector_store %arg7[%swap3A_211], %swap3A_214 {strides = array<i32>} : memref<256xi32, #tpu.memory_space<vmem>>, vector<16xi32>,
      %get3A_215 = arith.constant 128 : index
      %get3A_216 = tpu.vector_load %arg7[%get3A_215] {strides = array<i32>} : memref<256xi32, #tpu.memory_space<vmem>>, vector<16xi32>,
      %get3A_217 = vector.shape_cast %get3A_216 : vector<16xi32> to vector<16xi32>
      %sub3A_218 = vector.broadcast %mul3A_0 : i32 to vector<16xi32>
      %sub3A_219 = arith.subi %get3A_217, %sub3A_218 : vector<16xi32>
      %ge3A_220 = arith.constant 0 : i32
      %ge3A_221 = vector.broadcast %ge3A_220 : i32 to vector<16xi32>
      %ge3A_222 = arith.cmpi sge, %sub3A_219, %ge3A_221 : vector<16xi32>
      %lt3A_223 = vector.broadcast %select_n3A : i32 to vector<16xi32>
      %lt3A_224 = arith.cmpi slt, %sub3A_219, %lt3A_223 : vector<16xi32>
      %and3A_225 = arith.andi %ge3A_222, %lt3A_224 : vector<16xi1>
      %jit3A_226 = arith.constant 25600 : i32
      %broadcast_in_dim3A_227 = vector.broadcast %jit3A_226 : i32 to vector<16xi32>
      %select_n3A_228 = arith.select %and3A_225, %sub3A_219, %broadcast_in_dim3A_227 : vector<16xi1>, vector<16xi32>
      %swap3A_229 = arith.constant 128 : index
      %swap3A_230 = tpu.vector_load %arg7[%swap3A_229] {strides = array<i32>} : memref<256xi32, #tpu.memory_space<vmem>>, vector<16xi32>,
      %swap3A_231 = vector.shape_cast %swap3A_230 : vector<16xi32> to vector<16xi32>
      %swap3A_232 = vector.shape_cast %select_n3A_228 : vector<16xi32> to vector<16xi32>
      tpu.vector_store %arg7[%swap3A_229], %swap3A_232 {strides = array<i32>} : memref<256xi32, #tpu.memory_space<vmem>>, vector<16xi32>,
      %get3A_233 = arith.constant 144 : index
      %get3A_234 = tpu.vector_load %arg7[%get3A_233] {strides = array<i32>} : memref<256xi32, #tpu.memory_space<vmem>>, vector<16xi32>,
      %get3A_235 = vector.shape_cast %get3A_234 : vector<16xi32> to vector<16xi32>
      %sub3A_236 = vector.broadcast %mul3A_0 : i32 to vector<16xi32>
      %sub3A_237 = arith.subi %get3A_235, %sub3A_236 : vector<16xi32>
      %ge3A_238 = arith.constant 0 : i32
      %ge3A_239 = vector.broadcast %ge3A_238 : i32 to vector<16xi32>
      %ge3A_240 = arith.cmpi sge, %sub3A_237, %ge3A_239 : vector<16xi32>
      %lt3A_241 = vector.broadcast %select_n3A : i32 to vector<16xi32>
      %lt3A_242 = arith.cmpi slt, %sub3A_237, %lt3A_241 : vector<16xi32>
      %and3A_243 = arith.andi %ge3A_240, %lt3A_242 : vector<16xi1>
      %jit3A_244 = arith.constant 25600 : i32
      %broadcast_in_dim3A_245 = vector.broadcast %jit3A_244 : i32 to vector<16xi32>
      %select_n3A_246 = arith.select %and3A_243, %sub3A_237, %broadcast_in_dim3A_245 : vector<16xi1>, vector<16xi32>
      %swap3A_247 = arith.constant 144 : index
      %swap3A_248 = tpu.vector_load %arg7[%swap3A_247] {strides = array<i32>} : memref<256xi32, #tpu.memory_space<vmem>>, vector<16xi32>,
      %swap3A_249 = vector.shape_cast %swap3A_248 : vector<16xi32> to vector<16xi32>
      %swap3A_250 = vector.shape_cast %select_n3A_246 : vector<16xi32> to vector<16xi32>
      tpu.vector_store %arg7[%swap3A_247], %swap3A_250 {strides = array<i32>} : memref<256xi32, #tpu.memory_space<vmem>>, vector<16xi32>,
      %get3A_251 = arith.constant 160 : index
      %get3A_252 = tpu.vector_load %arg7[%get3A_251] {strides = array<i32>} : memref<256xi32, #tpu.memory_space<vmem>>, vector<16xi32>,
      %get3A_253 = vector.shape_cast %get3A_252 : vector<16xi32> to vector<16xi32>
      %sub3A_254 = vector.broadcast %mul3A_0 : i32 to vector<16xi32>
      %sub3A_255 = arith.subi %get3A_253, %sub3A_254 : vector<16xi32>
      %ge3A_256 = arith.constant 0 : i32
      %ge3A_257 = vector.broadcast %ge3A_256 : i32 to vector<16xi32>
      %ge3A_258 = arith.cmpi sge, %sub3A_255, %ge3A_257 : vector<16xi32>
      %lt3A_259 = vector.broadcast %select_n3A : i32 to vector<16xi32>
      %lt3A_260 = arith.cmpi slt, %sub3A_255, %lt3A_259 : vector<16xi32>
      %and3A_261 = arith.andi %ge3A_258, %lt3A_260 : vector<16xi1>
      %jit3A_262 = arith.constant 25600 : i32
      %broadcast_in_dim3A_263 = vector.broadcast %jit3A_262 : i32 to vector<16xi32>
      %select_n3A_264 = arith.select %and3A_261, %sub3A_255, %broadcast_in_dim3A_263 : vector<16xi1>, vector<16xi32>
      %swap3A_265 = arith.constant 160 : index
      %swap3A_266 = tpu.vector_load %arg7[%swap3A_265] {strides = array<i32>} : memref<256xi32, #tpu.memory_space<vmem>>, vector<16xi32>,
      %swap3A_267 = vector.shape_cast %swap3A_266 : vector<16xi32> to vector<16xi32>
      %swap3A_268 = vector.shape_cast %select_n3A_264 : vector<16xi32> to vector<16xi32>
      tpu.vector_store %arg7[%swap3A_265], %swap3A_268 {strides = array<i32>} : memref<256xi32, #tpu.memory_space<vmem>>, vector<16xi32>,
      %get3A_269 = arith.constant 176 : index
      %get3A_270 = tpu.vector_load %arg7[%get3A_269] {strides = array<i32>} : memref<256xi32, #tpu.memory_space<vmem>>, vector<16xi32>,
      %get3A_271 = vector.shape_cast %get3A_270 : vector<16xi32> to vector<16xi32>
      %sub3A_272 = vector.broadcast %mul3A_0 : i32 to vector<16xi32>
      %sub3A_273 = arith.subi %get3A_271, %sub3A_272 : vector<16xi32>
      %ge3A_274 = arith.constant 0 : i32
      %ge3A_275 = vector.broadcast %ge3A_274 : i32 to vector<16xi32>
      %ge3A_276 = arith.cmpi sge, %sub3A_273, %ge3A_275 : vector<16xi32>
      %lt3A_277 = vector.broadcast %select_n3A : i32 to vector<16xi32>
      %lt3A_278 = arith.cmpi slt, %sub3A_273, %lt3A_277 : vector<16xi32>
      %and3A_279 = arith.andi %ge3A_276, %lt3A_278 : vector<16xi1>
      %jit3A_280 = arith.constant 25600 : i32
      %broadcast_in_dim3A_281 = vector.broadcast %jit3A_280 : i32 to vector<16xi32>
      %select_n3A_282 = arith.select %and3A_279, %sub3A_273, %broadcast_in_dim3A_281 : vector<16xi1>, vector<16xi32>
      %swap3A_283 = arith.constant 176 : index
      %swap3A_284 = tpu.vector_load %arg7[%swap3A_283] {strides = array<i32>} : memref<256xi32, #tpu.memory_space<vmem>>, vector<16xi32>,
      %swap3A_285 = vector.shape_cast %swap3A_284 : vector<16xi32> to vector<16xi32>
      %swap3A_286 = vector.shape_cast %select_n3A_282 : vector<16xi32> to vector<16xi32>
      tpu.vector_store %arg7[%swap3A_283], %swap3A_286 {strides = array<i32>} : memref<256xi32, #tpu.memory_space<vmem>>, vector<16xi32>,
      %get3A_287 = arith.constant 192 : index
      %get3A_288 = tpu.vector_load %arg7[%get3A_287] {strides = array<i32>} : memref<256xi32, #tpu.memory_space<vmem>>, vector<16xi32>,
      %get3A_289 = vector.shape_cast %get3A_288 : vector<16xi32> to vector<16xi32>
      %sub3A_290 = vector.broadcast %mul3A_0 : i32 to vector<16xi32>
      %sub3A_291 = arith.subi %get3A_289, %sub3A_290 : vector<16xi32>
      %ge3A_292 = arith.constant 0 : i32
      %ge3A_293 = vector.broadcast %ge3A_292 : i32 to vector<16xi32>
      %ge3A_294 = arith.cmpi sge, %sub3A_291, %ge3A_293 : vector<16xi32>
      %lt3A_295 = vector.broadcast %select_n3A : i32 to vector<16xi32>
      %lt3A_296 = arith.cmpi slt, %sub3A_291, %lt3A_295 : vector<16xi32>
      %and3A_297 = arith.andi %ge3A_294, %lt3A_296 : vector<16xi1>
      %jit3A_298 = arith.constant 25600 : i32
      %broadcast_in_dim3A_299 = vector.broadcast %jit3A_298 : i32 to vector<16xi32>
      %select_n3A_300 = arith.select %and3A_297, %sub3A_291, %broadcast_in_dim3A_299 : vector<16xi1>, vector<16xi32>
      %swap3A_301 = arith.constant 192 : index
      %swap3A_302 = tpu.vector_load %arg7[%swap3A_301] {strides = array<i32>} : memref<256xi32, #tpu.memory_space<vmem>>, vector<16xi32>,
      %swap3A_303 = vector.shape_cast %swap3A_302 : vector<16xi32> to vector<16xi32>
      %swap3A_304 = vector.shape_cast %select_n3A_300 : vector<16xi32> to vector<16xi32>
      tpu.vector_store %arg7[%swap3A_301], %swap3A_304 {strides = array<i32>} : memref<256xi32, #tpu.memory_space<vmem>>, vector<16xi32>,
      %get3A_305 = arith.constant 208 : index
      %get3A_306 = tpu.vector_load %arg7[%get3A_305] {strides = array<i32>} : memref<256xi32, #tpu.memory_space<vmem>>, vector<16xi32>,
      %get3A_307 = vector.shape_cast %get3A_306 : vector<16xi32> to vector<16xi32>
      %sub3A_308 = vector.broadcast %mul3A_0 : i32 to vector<16xi32>
      %sub3A_309 = arith.subi %get3A_307, %sub3A_308 : vector<16xi32>
      %ge3A_310 = arith.constant 0 : i32
      %ge3A_311 = vector.broadcast %ge3A_310 : i32 to vector<16xi32>
      %ge3A_312 = arith.cmpi sge, %sub3A_309, %ge3A_311 : vector<16xi32>
      %lt3A_313 = vector.broadcast %select_n3A : i32 to vector<16xi32>
      %lt3A_314 = arith.cmpi slt, %sub3A_309, %lt3A_313 : vector<16xi32>
      %and3A_315 = arith.andi %ge3A_312, %lt3A_314 : vector<16xi1>
      %jit3A_316 = arith.constant 25600 : i32
      %broadcast_in_dim3A_317 = vector.broadcast %jit3A_316 : i32 to vector<16xi32>
      %select_n3A_318 = arith.select %and3A_315, %sub3A_309, %broadcast_in_dim3A_317 : vector<16xi1>, vector<16xi32>
      %swap3A_319 = arith.constant 208 : index
      %swap3A_320 = tpu.vector_load %arg7[%swap3A_319] {strides = array<i32>} : memref<256xi32, #tpu.memory_space<vmem>>, vector<16xi32>,
      %swap3A_321 = vector.shape_cast %swap3A_320 : vector<16xi32> to vector<16xi32>
      %swap3A_322 = vector.shape_cast %select_n3A_318 : vector<16xi32> to vector<16xi32>
      tpu.vector_store %arg7[%swap3A_319], %swap3A_322 {strides = array<i32>} : memref<256xi32, #tpu.memory_space<vmem>>, vector<16xi32>,
      %get3A_323 = arith.constant 224 : index
      %get3A_324 = tpu.vector_load %arg7[%get3A_323] {strides = array<i32>} : memref<256xi32, #tpu.memory_space<vmem>>, vector<16xi32>,
      %get3A_325 = vector.shape_cast %get3A_324 : vector<16xi32> to vector<16xi32>
      %sub3A_326 = vector.broadcast %mul3A_0 : i32 to vector<16xi32>
      %sub3A_327 = arith.subi %get3A_325, %sub3A_326 : vector<16xi32>
      %ge3A_328 = arith.constant 0 : i32
      %ge3A_329 = vector.broadcast %ge3A_328 : i32 to vector<16xi32>
      %ge3A_330 = arith.cmpi sge, %sub3A_327, %ge3A_329 : vector<16xi32>
      %lt3A_331 = vector.broadcast %select_n3A : i32 to vector<16xi32>
      %lt3A_332 = arith.cmpi slt, %sub3A_327, %lt3A_331 : vector<16xi32>
      %and3A_333 = arith.andi %ge3A_330, %lt3A_332 : vector<16xi1>
      %jit3A_334 = arith.constant 25600 : i32
      %broadcast_in_dim3A_335 = vector.broadcast %jit3A_334 : i32 to vector<16xi32>
      %select_n3A_336 = arith.select %and3A_333, %sub3A_327, %broadcast_in_dim3A_335 : vector<16xi1>, vector<16xi32>
      %swap3A_337 = arith.constant 224 : index
      %swap3A_338 = tpu.vector_load %arg7[%swap3A_337] {strides = array<i32>} : memref<256xi32, #tpu.memory_space<vmem>>, vector<16xi32>,
      %swap3A_339 = vector.shape_cast %swap3A_338 : vector<16xi32> to vector<16xi32>
      %swap3A_340 = vector.shape_cast %select_n3A_336 : vector<16xi32> to vector<16xi32>
      tpu.vector_store %arg7[%swap3A_337], %swap3A_340 {strides = array<i32>} : memref<256xi32, #tpu.memory_space<vmem>>, vector<16xi32>,
      %get3A_341 = arith.constant 240 : index
      %get3A_342 = tpu.vector_load %arg7[%get3A_341] {strides = array<i32>} : memref<256xi32, #tpu.memory_space<vmem>>, vector<16xi32>,
      %get3A_343 = vector.shape_cast %get3A_342 : vector<16xi32> to vector<16xi32>
      %sub3A_344 = vector.broadcast %mul3A_0 : i32 to vector<16xi32>
      %sub3A_345 = arith.subi %get3A_343, %sub3A_344 : vector<16xi32>
      %ge3A_346 = arith.constant 0 : i32
      %ge3A_347 = vector.broadcast %ge3A_346 : i32 to vector<16xi32>
      %ge3A_348 = arith.cmpi sge, %sub3A_345, %ge3A_347 : vector<16xi32>
      %lt3A_349 = vector.broadcast %select_n3A : i32 to vector<16xi32>
      %lt3A_350 = arith.cmpi slt, %sub3A_345, %lt3A_349 : vector<16xi32>
      %and3A_351 = arith.andi %ge3A_348, %lt3A_350 : vector<16xi1>
      %jit3A_352 = arith.constant 25600 : i32
      %broadcast_in_dim3A_353 = vector.broadcast %jit3A_352 : i32 to vector<16xi32>
      %select_n3A_354 = arith.select %and3A_351, %sub3A_345, %broadcast_in_dim3A_353 : vector<16xi1>, vector<16xi32>
      %swap3A_355 = arith.constant 240 : index
      %swap3A_356 = tpu.vector_load %arg7[%swap3A_355] {strides = array<i32>} : memref<256xi32, #tpu.memory_space<vmem>>, vector<16xi32>,
      %swap3A_357 = vector.shape_cast %swap3A_356 : vector<16xi32> to vector<16xi32>
      %swap3A_358 = vector.shape_cast %select_n3A_354 : vector<16xi32> to vector<16xi32>
      tpu.vector_store %arg7[%swap3A_355], %swap3A_358 {strides = array<i32>} : memref<256xi32, #tpu.memory_space<vmem>>, vector<16xi32>,
      %dma_start3A = arith.constant 0 : i32
      %dma_start3A_359 = arith.constant 0 : i32
      %dma_start3A_360 = tpu.memref_slice %arg2[%dma_start3A, %dma_start3A_359] : memref<50000x64xf32, #tpu.memory_space<hbm>> -> memref<50000x64xf32, #tpu.memory_space<hbm>>
      tpu.enqueue_indirect_dma source(%dma_start3A_360 : memref<50000x64xf32, #tpu.memory_space<hbm>>) target(%arg8 : memref<256x64xf32, #tpu.memory_space<vmem>>) offsets(%arg6 : memref<256xi32, #tpu.memory_space<vmem>>) semaphore(%arg10 : memref<!tpu.dma_semaphore, #tpu.memory_space<semaphore_mem>>)
      %dma_wait3A = arith.constant 0 : i32
      %dma_wait3A_361 = arith.constant 0 : i32
      %dma_wait3A_362 = tpu.memref_slice %arg2[%dma_wait3A, %dma_wait3A_361] : memref<50000x64xf32, #tpu.memory_space<hbm>> -> memref<50000x64xf32, #tpu.memory_space<hbm>>
      tpu.wait_indirect_dma semaphore(%arg10 : memref<!tpu.dma_semaphore, #tpu.memory_space<semaphore_mem>>) src(%dma_wait3A_362 : memref<50000x64xf32, #tpu.memory_space<hbm>>) dst(%arg8 : memref<256x64xf32, #tpu.memory_space<vmem>>)
      "tpu.region"() ({
        %run_scoped3A = tpu.sem_alloc : memref<!tpu.dma_semaphore, #tpu.memory_space<semaphore_mem>>
        %dma_start3A_363 = arith.constant 0 : i32
        %dma_start3A_364 = arith.constant 0 : i32
        %dma_start3A_365 = tpu.memref_slice %arg9[%dma_start3A_363, %dma_start3A_364] : memref<25608x64xf32, #tpu.memory_space<vmem_shared>> -> memref<25608x64xf32, #tpu.memory_space<vmem_shared>>
        tpu.enqueue_indirect_dma source(%arg8 : memref<256x64xf32, #tpu.memory_space<vmem>>) target(%dma_start3A_365 : memref<25608x64xf32, #tpu.memory_space<vmem_shared>>) offsets(%arg7 : memref<256xi32, #tpu.memory_space<vmem>>) semaphore(%run_scoped3A : memref<!tpu.dma_semaphore, #tpu.memory_space<semaphore_mem>>) {add = true}
        %dma_wait3A_366 = arith.constant 0 : i32
        %dma_wait3A_367 = arith.constant 0 : i32
        %dma_wait3A_368 = tpu.memref_slice %arg9[%dma_wait3A_366, %dma_wait3A_367] : memref<25608x64xf32, #tpu.memory_space<vmem_shared>> -> memref<25608x64xf32, #tpu.memory_space<vmem_shared>>
        tpu.wait_indirect_dma semaphore(%run_scoped3A : memref<!tpu.dma_semaphore, #tpu.memory_space<semaphore_mem>>) src(%arg8 : memref<256x64xf32, #tpu.memory_space<vmem>>) dst(%dma_wait3A_368 : memref<25608x64xf32, #tpu.memory_space<vmem_shared>>)
        tpu.yield
      }) : () -> ()
    }
    %scan3A_43 = arith.constant 196 : i32
    %barrier3A_44 = arith.constant 0 : index
    tpu.barrier barrier_id(%barrier3A_44)
    %eq3A_45 = arith.constant 0 : i32
    %eq3A_46 = arith.cmpi eq, %arg0, %eq3A_45 : i32
    %convert_element_type3A_47 = arith.extui %eq3A_46 : i1 to i32
    %cond3A_48 = arith.constant 0 : i32
    %cond3A_49 = arith.cmpi ne, %convert_element_type3A_47, %cond3A_48 : i32
    scf.if %cond3A_49 {
      %mul3A_64 = arith.constant 1568 : i32
      %mul3A_65 = arith.muli %arg1, %mul3A_64 : i32
      %mul3A_66 = arith.constant 1568 : i32
      %mul3A_67 = arith.muli %arg1, %mul3A_66 : i32
      "tpu.region"() ({
        %run_scoped3A = tpu.sem_alloc : memref<!tpu.dma_semaphore, #tpu.memory_space<semaphore_mem>>
        %dma_start3A = arith.constant 0 : i32
        %dma_start3A_68 = tpu.memref_slice %arg5[%mul3A_67, %dma_start3A] : memref<50000x64xf32, #tpu.memory_space<hbm>> -> memref<1568x64xf32, #tpu.memory_space<hbm>>
        %dma_start3A_69 = arith.constant 0 : i32
        %dma_start3A_70 = tpu.memref_slice %arg9[%mul3A_65, %dma_start3A_69] : memref<25608x64xf32, #tpu.memory_space<vmem_shared>> -> memref<1568x64xf32, #tpu.memory_space<vmem_shared>>
        tpu.enqueue_dma source(%dma_start3A_70 : memref<1568x64xf32, #tpu.memory_space<vmem_shared>>) target(%dma_start3A_68 : memref<1568x64xf32, #tpu.memory_space<hbm>>) target_semaphore(%run_scoped3A : memref<!tpu.dma_semaphore, #tpu.memory_space<semaphore_mem>>)
        %dma_wait3A = arith.constant 0 : i32
        %dma_wait3A_71 = tpu.memref_slice %arg5[%mul3A_67, %dma_wait3A] : memref<50000x64xf32, #tpu.memory_space<hbm>> -> memref<1568x64xf32, #tpu.memory_space<hbm>>
        %dma_wait3A_72 = arith.constant 0 : i32
        %dma_wait3A_73 = tpu.memref_slice %arg9[%mul3A_65, %dma_wait3A_72] : memref<25608x64xf32, #tpu.memory_space<vmem_shared>> -> memref<1568x64xf32, #tpu.memory_space<vmem_shared>>
        tpu.wait_dma2 semaphore(%run_scoped3A : memref<!tpu.dma_semaphore, #tpu.memory_space<semaphore_mem>>) src(%dma_wait3A_73 : memref<1568x64xf32, #tpu.memory_space<vmem_shared>>) dst(%dma_wait3A_71 : memref<1568x64xf32, #tpu.memory_space<hbm>>)
        tpu.yield
      }) : () -> ()
    } else {
    }
    %eq3A_50 = arith.constant 1 : i32
    %eq3A_51 = arith.cmpi eq, %arg0, %eq3A_50 : i32
    %lt3A = arith.constant 15 : i32
    %lt3A_52 = arith.cmpi slt, %arg1, %lt3A : i32
    %and3A = arith.andi %eq3A_51, %lt3A_52 : i1
    %convert_element_type3A_53 = arith.extui %and3A : i1 to i32
    %cond3A_54 = arith.constant 0 : i32
    %cond3A_55 = arith.cmpi ne, %convert_element_type3A_53, %cond3A_54 : i32
    scf.if %cond3A_55 {
      %mul3A_64 = arith.constant 1560 : i32
      %mul3A_65 = arith.muli %arg1, %mul3A_64 : i32
      %mul3A_66 = arith.constant 1560 : i32
      %mul3A_67 = arith.muli %arg1, %mul3A_66 : i32
      %add3A_68 = arith.constant 25088 : i32
      %add3A_69 = arith.addi %add3A_68, %mul3A_67 : i32
      "tpu.region"() ({
        %run_scoped3A = tpu.sem_alloc : memref<!tpu.dma_semaphore, #tpu.memory_space<semaphore_mem>>
        %dma_start3A = arith.constant 0 : i32
        %dma_start3A_70 = tpu.memref_slice %arg5[%add3A_69, %dma_start3A] : memref<50000x64xf32, #tpu.memory_space<hbm>> -> memref<1560x64xf32, #tpu.memory_space<hbm>>
        %dma_start3A_71 = arith.constant 0 : i32
        %dma_start3A_72 = tpu.memref_slice %arg9[%mul3A_65, %dma_start3A_71] : memref<25608x64xf32, #tpu.memory_space<vmem_shared>> -> memref<1560x64xf32, #tpu.memory_space<vmem_shared>>
        tpu.enqueue_dma source(%dma_start3A_72 : memref<1560x64xf32, #tpu.memory_space<vmem_shared>>) target(%dma_start3A_70 : memref<1560x64xf32, #tpu.memory_space<hbm>>) target_semaphore(%run_scoped3A : memref<!tpu.dma_semaphore, #tpu.memory_space<semaphore_mem>>)
        %dma_wait3A = arith.constant 0 : i32
        %dma_wait3A_73 = tpu.memref_slice %arg5[%add3A_69, %dma_wait3A] : memref<50000x64xf32, #tpu.memory_space<hbm>> -> memref<1560x64xf32, #tpu.memory_space<hbm>>
        %dma_wait3A_74 = arith.constant 0 : i32
        %dma_wait3A_75 = tpu.memref_slice %arg9[%mul3A_65, %dma_wait3A_74] : memref<25608x64xf32, #tpu.memory_space<vmem_shared>> -> memref<1560x64xf32, #tpu.memory_space<vmem_shared>>
        tpu.wait_dma2 semaphore(%run_scoped3A : memref<!tpu.dma_semaphore, #tpu.memory_space<semaphore_mem>>) src(%dma_wait3A_75 : memref<1560x64xf32, #tpu.memory_space<vmem_shared>>) dst(%dma_wait3A_73 : memref<1560x64xf32, #tpu.memory_space<hbm>>)
        tpu.yield
      }) : () -> ()
    } else {
    }
    %eq3A_56 = arith.constant 1 : i32
    %eq3A_57 = arith.cmpi eq, %arg0, %eq3A_56 : i32
    %eq3A_58 = arith.constant 15 : i32
    %eq3A_59 = arith.cmpi eq, %arg1, %eq3A_58 : i32
    %and3A_60 = arith.andi %eq3A_57, %eq3A_59 : i1
    %convert_element_type3A_61 = arith.extui %and3A_60 : i1 to i32
    %cond3A_62 = arith.constant 0 : i32
    %cond3A_63 = arith.cmpi ne, %convert_element_type3A_61, %cond3A_62 : i32
    scf.if %cond3A_63 {
      "tpu.region"() ({
        %run_scoped3A = tpu.sem_alloc : memref<!tpu.dma_semaphore, #tpu.memory_space<semaphore_mem>>
        %dma_start3A = arith.constant 48488 : i32
        %dma_start3A_64 = arith.constant 0 : i32
        %dma_start3A_65 = tpu.memref_slice %arg5[%dma_start3A, %dma_start3A_64] : memref<50000x64xf32, #tpu.memory_space<hbm>> -> memref<1512x64xf32, #tpu.memory_space<hbm>>
        %dma_start3A_66 = arith.constant 23400 : i32
        %dma_start3A_67 = arith.constant 0 : i32
        %dma_start3A_68 = tpu.memref_slice %arg9[%dma_start3A_66, %dma_start3A_67] : memref<25608x64xf32, #tpu.memory_space<vmem_shared>> -> memref<1512x64xf32, #tpu.memory_space<vmem_shared>>
        tpu.enqueue_dma source(%dma_start3A_68 : memref<1512x64xf32, #tpu.memory_space<vmem_shared>>) target(%dma_start3A_65 : memref<1512x64xf32, #tpu.memory_space<hbm>>) target_semaphore(%run_scoped3A : memref<!tpu.dma_semaphore, #tpu.memory_space<semaphore_mem>>)
        %dma_wait3A = arith.constant 48488 : i32
        %dma_wait3A_69 = arith.constant 0 : i32
        %dma_wait3A_70 = tpu.memref_slice %arg5[%dma_wait3A, %dma_wait3A_69] : memref<50000x64xf32, #tpu.memory_space<hbm>> -> memref<1512x64xf32, #tpu.memory_space<hbm>>
        %dma_wait3A_71 = arith.constant 23400 : i32
        %dma_wait3A_72 = arith.constant 0 : i32
        %dma_wait3A_73 = tpu.memref_slice %arg9[%dma_wait3A_71, %dma_wait3A_72] : memref<25608x64xf32, #tpu.memory_space<vmem_shared>> -> memref<1512x64xf32, #tpu.memory_space<vmem_shared>>
        tpu.wait_dma2 semaphore(%run_scoped3A : memref<!tpu.dma_semaphore, #tpu.memory_space<semaphore_mem>>) src(%dma_wait3A_73 : memref<1512x64xf32, #tpu.memory_space<vmem_shared>>) dst(%dma_wait3A_70 : memref<1512x64xf32, #tpu.memory_space<hbm>>)
        tpu.yield
      }) : () -> ()
    } else {
    }
    return
  }
}

#map = affine_map<(d0, d1) -> (0, 0)>
#map1 = affine_map<(d0, d1) -> (0)>
module attributes {stable_mosaic.version = 14 : i64} {
  func.func @agg(%arg0: i32, %arg1: i32, %arg2: memref<50000x64xf32, #tpu.memory_space<hbm>>, %arg3: memref<802816xi32, #tpu.memory_space<hbm>>, %arg4: memref<802816xi32, #tpu.memory_space<hbm>>, %arg5: memref<50000x64xf32, #tpu.memory_space<hbm>>, %arg6: memref<256xi32, #tpu.memory_space<vmem>>, %arg7: memref<256xi32, #tpu.memory_space<vmem>>, %arg8: memref<256x64xf32, #tpu.memory_space<vmem>>, %arg9: memref<25608x64xf32, #tpu.memory_space<vmem_shared>>, %arg10: memref<!tpu.dma_semaphore, #tpu.memory_space<semaphore_mem>>) attributes {dimension_semantics = [#tpu.dimension_semantics<core_parallel>, #tpu.dimension_semantics<subcore_parallel>], iteration_bounds = array<i64: 2, 16>, scalar_prefetch = 0 : i64, scratch_operands = 5 : i64, tpu.core_type = #tpu.core_type<sc_vector_subcore>, window_params = [{transform_indices = #map}, {transform_indices = #map1}, {transform_indices = #map1}, {transform_indices = #map}]} {
    %mul3A = arith.constant 25088 : i32
    %mul3A_0 = arith.muli %arg0, %mul3A : i32
    %eq3A = arith.constant 0 : i32
    %eq3A_1 = arith.cmpi eq, %arg0, %eq3A : i32
    %jit3A = arith.constant 25088 : i32
    %jit3A_2 = arith.constant 24912 : i32
    %select_n3A = arith.select %eq3A_1, %jit3A, %jit3A_2 : i32
    %broadcast_in_dim3A = arith.constant 0.000000e+00 : f32
    %broadcast_in_dim3A_3 = vector.broadcast %broadcast_in_dim3A : f32 to vector<16xf32>
    %scan3A = arith.constant 0 : i32
    %scan3A_4 = arith.constant 256 : i32
    %scan3A_5 = arith.addi %scan3A, %scan3A_4 : i32
    %scan3A_6 = arith.constant 1 : i32
    scf.for %scan3A_64 = %scan3A to %scan3A_5 step %scan3A_6  : i32 {
      %mul3A_65 = arith.constant 1 : i32
      %mul3A_66 = arith.muli %scan3A_64, %mul3A_65 : i32
      %add3A_67 = arith.constant 0 : i32
      %add3A_68 = arith.addi %add3A_67, %mul3A_66 : i32
      %swap3A = arith.index_cast %add3A_68 : i32 to index
      %swap3A_69 = arith.constant 0 : index
      %swap3A_70 = tpu.vector_load %arg8[%swap3A, %swap3A_69] {strides = array<i32>} : memref<256x64xf32, #tpu.memory_space<vmem>>, vector<1x16xf32>,
      %swap3A_71 = vector.shape_cast %swap3A_70 : vector<1x16xf32> to vector<16xf32>
      %swap3A_72 = vector.shape_cast %broadcast_in_dim3A_3 : vector<16xf32> to vector<1x16xf32>
      tpu.vector_store %arg8[%swap3A, %swap3A_69], %swap3A_72 {strides = array<i32>} : memref<256x64xf32, #tpu.memory_space<vmem>>, vector<1x16xf32>,
      %swap3A_73 = arith.index_cast %add3A_68 : i32 to index
      %swap3A_74 = arith.constant 16 : index
      %swap3A_75 = tpu.vector_load %arg8[%swap3A_73, %swap3A_74] {strides = array<i32>} : memref<256x64xf32, #tpu.memory_space<vmem>>, vector<1x16xf32>,
      %swap3A_76 = vector.shape_cast %swap3A_75 : vector<1x16xf32> to vector<16xf32>
      %swap3A_77 = vector.shape_cast %broadcast_in_dim3A_3 : vector<16xf32> to vector<1x16xf32>
      tpu.vector_store %arg8[%swap3A_73, %swap3A_74], %swap3A_77 {strides = array<i32>} : memref<256x64xf32, #tpu.memory_space<vmem>>, vector<1x16xf32>,
      %swap3A_78 = arith.index_cast %add3A_68 : i32 to index
      %swap3A_79 = arith.constant 32 : index
      %swap3A_80 = tpu.vector_load %arg8[%swap3A_78, %swap3A_79] {strides = array<i32>} : memref<256x64xf32, #tpu.memory_space<vmem>>, vector<1x16xf32>,
      %swap3A_81 = vector.shape_cast %swap3A_80 : vector<1x16xf32> to vector<16xf32>
      %swap3A_82 = vector.shape_cast %broadcast_in_dim3A_3 : vector<16xf32> to vector<1x16xf32>
      tpu.vector_store %arg8[%swap3A_78, %swap3A_79], %swap3A_82 {strides = array<i32>} : memref<256x64xf32, #tpu.memory_space<vmem>>, vector<1x16xf32>,
      %swap3A_83 = arith.index_cast %add3A_68 : i32 to index
      %swap3A_84 = arith.constant 48 : index
      %swap3A_85 = tpu.vector_load %arg8[%swap3A_83, %swap3A_84] {strides = array<i32>} : memref<256x64xf32, #tpu.memory_space<vmem>>, vector<1x16xf32>,
      %swap3A_86 = vector.shape_cast %swap3A_85 : vector<1x16xf32> to vector<16xf32>
      %swap3A_87 = vector.shape_cast %broadcast_in_dim3A_3 : vector<16xf32> to vector<1x16xf32>
      tpu.vector_store %arg8[%swap3A_83, %swap3A_84], %swap3A_87 {strides = array<i32>} : memref<256x64xf32, #tpu.memory_space<vmem>>, vector<1x16xf32>,
    }
    %scan3A_7 = arith.constant 256 : i32
    %mul3A_8 = arith.constant 1600 : i32
    %mul3A_9 = arith.muli %arg1, %mul3A_8 : i32
    %add3A = arith.constant 0 : i32
    %add3A_10 = arith.addi %mul3A_9, %add3A : i32
    "tpu.region"() ({
      %run_scoped3A = tpu.sem_alloc : memref<!tpu.dma_semaphore, #tpu.memory_space<semaphore_mem>>
      %dma_start3A = arith.constant 0 : i32
      %dma_start3A_64 = tpu.memref_slice %arg9[%add3A_10, %dma_start3A] : memref<25608x64xf32, #tpu.memory_space<vmem_shared>> -> memref<256x64xf32, #tpu.memory_space<vmem_shared>>
      %dma_start3A_65 = arith.constant 0 : i32
      %dma_start3A_66 = tpu.memref_slice %arg9[%add3A_10, %dma_start3A_65] : memref<25608x64xf32, #tpu.memory_space<vmem_shared>> -> memref<256x64xf32, #tpu.memory_space<vmem_shared>>
      tpu.enqueue_dma source(%arg8 : memref<256x64xf32, #tpu.memory_space<vmem>>) target(%dma_start3A_66 : memref<256x64xf32, #tpu.memory_space<vmem_shared>>) target_semaphore(%run_scoped3A : memref<!tpu.dma_semaphore, #tpu.memory_space<semaphore_mem>>)
      %dma_wait3A = arith.constant 0 : i32
      %dma_wait3A_67 = tpu.memref_slice %arg9[%add3A_10, %dma_wait3A] : memref<25608x64xf32, #tpu.memory_space<vmem_shared>> -> memref<256x64xf32, #tpu.memory_space<vmem_shared>>
      %dma_wait3A_68 = arith.constant 0 : i32
      %dma_wait3A_69 = tpu.memref_slice %arg9[%add3A_10, %dma_wait3A_68] : memref<25608x64xf32, #tpu.memory_space<vmem_shared>> -> memref<256x64xf32, #tpu.memory_space<vmem_shared>>
      tpu.wait_dma2 semaphore(%run_scoped3A : memref<!tpu.dma_semaphore, #tpu.memory_space<semaphore_mem>>) src(%arg8 : memref<256x64xf32, #tpu.memory_space<vmem>>) dst(%dma_wait3A_69 : memref<256x64xf32, #tpu.memory_space<vmem_shared>>)
      tpu.yield
    }) : () -> ()
    %mul3A_11 = arith.constant 1600 : i32
    %mul3A_12 = arith.muli %arg1, %mul3A_11 : i32
    %add3A_13 = arith.constant 256 : i32
    %add3A_14 = arith.addi %mul3A_12, %add3A_13 : i32
    "tpu.region"() ({
      %run_scoped3A = tpu.sem_alloc : memref<!tpu.dma_semaphore, #tpu.memory_space<semaphore_mem>>
      %dma_start3A = arith.constant 0 : i32
      %dma_start3A_64 = tpu.memref_slice %arg9[%add3A_14, %dma_start3A] : memref<25608x64xf32, #tpu.memory_space<vmem_shared>> -> memref<256x64xf32, #tpu.memory_space<vmem_shared>>
      %dma_start3A_65 = arith.constant 0 : i32
      %dma_start3A_66 = tpu.memref_slice %arg9[%add3A_14, %dma_start3A_65] : memref<25608x64xf32, #tpu.memory_space<vmem_shared>> -> memref<256x64xf32, #tpu.memory_space<vmem_shared>>
      tpu.enqueue_dma source(%arg8 : memref<256x64xf32, #tpu.memory_space<vmem>>) target(%dma_start3A_66 : memref<256x64xf32, #tpu.memory_space<vmem_shared>>) target_semaphore(%run_scoped3A : memref<!tpu.dma_semaphore, #tpu.memory_space<semaphore_mem>>)
      %dma_wait3A = arith.constant 0 : i32
      %dma_wait3A_67 = tpu.memref_slice %arg9[%add3A_14, %dma_wait3A] : memref<25608x64xf32, #tpu.memory_space<vmem_shared>> -> memref<256x64xf32, #tpu.memory_space<vmem_shared>>
      %dma_wait3A_68 = arith.constant 0 : i32
      %dma_wait3A_69 = tpu.memref_slice %arg9[%add3A_14, %dma_wait3A_68] : memref<25608x64xf32, #tpu.memory_space<vmem_shared>> -> memref<256x64xf32, #tpu.memory_space<vmem_shared>>
      tpu.wait_dma2 semaphore(%run_scoped3A : memref<!tpu.dma_semaphore, #tpu.memory_space<semaphore_mem>>) src(%arg8 : memref<256x64xf32, #tpu.memory_space<vmem>>) dst(%dma_wait3A_69 : memref<256x64xf32, #tpu.memory_space<vmem_shared>>)
      tpu.yield
    }) : () -> ()
    %mul3A_15 = arith.constant 1600 : i32
    %mul3A_16 = arith.muli %arg1, %mul3A_15 : i32
    %add3A_17 = arith.constant 512 : i32
    %add3A_18 = arith.addi %mul3A_16, %add3A_17 : i32
    "tpu.region"() ({
      %run_scoped3A = tpu.sem_alloc : memref<!tpu.dma_semaphore, #tpu.memory_space<semaphore_mem>>
      %dma_start3A = arith.constant 0 : i32
      %dma_start3A_64 = tpu.memref_slice %arg9[%add3A_18, %dma_start3A] : memref<25608x64xf32, #tpu.memory_space<vmem_shared>> -> memref<256x64xf32, #tpu.memory_space<vmem_shared>>
      %dma_start3A_65 = arith.constant 0 : i32
      %dma_start3A_66 = tpu.memref_slice %arg9[%add3A_18, %dma_start3A_65] : memref<25608x64xf32, #tpu.memory_space<vmem_shared>> -> memref<256x64xf32, #tpu.memory_space<vmem_shared>>
      tpu.enqueue_dma source(%arg8 : memref<256x64xf32, #tpu.memory_space<vmem>>) target(%dma_start3A_66 : memref<256x64xf32, #tpu.memory_space<vmem_shared>>) target_semaphore(%run_scoped3A : memref<!tpu.dma_semaphore, #tpu.memory_space<semaphore_mem>>)
      %dma_wait3A = arith.constant 0 : i32
      %dma_wait3A_67 = tpu.memref_slice %arg9[%add3A_18, %dma_wait3A] : memref<25608x64xf32, #tpu.memory_space<vmem_shared>> -> memref<256x64xf32, #tpu.memory_space<vmem_shared>>
      %dma_wait3A_68 = arith.constant 0 : i32
      %dma_wait3A_69 = tpu.memref_slice %arg9[%add3A_18, %dma_wait3A_68] : memref<25608x64xf32, #tpu.memory_space<vmem_shared>> -> memref<256x64xf32, #tpu.memory_space<vmem_shared>>
      tpu.wait_dma2 semaphore(%run_scoped3A : memref<!tpu.dma_semaphore, #tpu.memory_space<semaphore_mem>>) src(%arg8 : memref<256x64xf32, #tpu.memory_space<vmem>>) dst(%dma_wait3A_69 : memref<256x64xf32, #tpu.memory_space<vmem_shared>>)
      tpu.yield
    }) : () -> ()
    %mul3A_19 = arith.constant 1600 : i32
    %mul3A_20 = arith.muli %arg1, %mul3A_19 : i32
    %add3A_21 = arith.constant 768 : i32
    %add3A_22 = arith.addi %mul3A_20, %add3A_21 : i32
    "tpu.region"() ({
      %run_scoped3A = tpu.sem_alloc : memref<!tpu.dma_semaphore, #tpu.memory_space<semaphore_mem>>
      %dma_start3A = arith.constant 0 : i32
      %dma_start3A_64 = tpu.memref_slice %arg9[%add3A_22, %dma_start3A] : memref<25608x64xf32, #tpu.memory_space<vmem_shared>> -> memref<256x64xf32, #tpu.memory_space<vmem_shared>>
      %dma_start3A_65 = arith.constant 0 : i32
      %dma_start3A_66 = tpu.memref_slice %arg9[%add3A_22, %dma_start3A_65] : memref<25608x64xf32, #tpu.memory_space<vmem_shared>> -> memref<256x64xf32, #tpu.memory_space<vmem_shared>>
      tpu.enqueue_dma source(%arg8 : memref<256x64xf32, #tpu.memory_space<vmem>>) target(%dma_start3A_66 : memref<256x64xf32, #tpu.memory_space<vmem_shared>>) target_semaphore(%run_scoped3A : memref<!tpu.dma_semaphore, #tpu.memory_space<semaphore_mem>>)
      %dma_wait3A = arith.constant 0 : i32
      %dma_wait3A_67 = tpu.memref_slice %arg9[%add3A_22, %dma_wait3A] : memref<25608x64xf32, #tpu.memory_space<vmem_shared>> -> memref<256x64xf32, #tpu.memory_space<vmem_shared>>
      %dma_wait3A_68 = arith.constant 0 : i32
      %dma_wait3A_69 = tpu.memref_slice %arg9[%add3A_22, %dma_wait3A_68] : memref<25608x64xf32, #tpu.memory_space<vmem_shared>> -> memref<256x64xf32, #tpu.memory_space<vmem_shared>>
      tpu.wait_dma2 semaphore(%run_scoped3A : memref<!tpu.dma_semaphore, #tpu.memory_space<semaphore_mem>>) src(%arg8 : memref<256x64xf32, #tpu.memory_space<vmem>>) dst(%dma_wait3A_69 : memref<256x64xf32, #tpu.memory_space<vmem_shared>>)
      tpu.yield
    }) : () -> ()
    %mul3A_23 = arith.constant 1600 : i32
    %mul3A_24 = arith.muli %arg1, %mul3A_23 : i32
    %add3A_25 = arith.constant 1024 : i32
    %add3A_26 = arith.addi %mul3A_24, %add3A_25 : i32
    "tpu.region"() ({
      %run_scoped3A = tpu.sem_alloc : memref<!tpu.dma_semaphore, #tpu.memory_space<semaphore_mem>>
      %dma_start3A = arith.constant 0 : i32
      %dma_start3A_64 = tpu.memref_slice %arg9[%add3A_26, %dma_start3A] : memref<25608x64xf32, #tpu.memory_space<vmem_shared>> -> memref<256x64xf32, #tpu.memory_space<vmem_shared>>
      %dma_start3A_65 = arith.constant 0 : i32
      %dma_start3A_66 = tpu.memref_slice %arg9[%add3A_26, %dma_start3A_65] : memref<25608x64xf32, #tpu.memory_space<vmem_shared>> -> memref<256x64xf32, #tpu.memory_space<vmem_shared>>
      tpu.enqueue_dma source(%arg8 : memref<256x64xf32, #tpu.memory_space<vmem>>) target(%dma_start3A_66 : memref<256x64xf32, #tpu.memory_space<vmem_shared>>) target_semaphore(%run_scoped3A : memref<!tpu.dma_semaphore, #tpu.memory_space<semaphore_mem>>)
      %dma_wait3A = arith.constant 0 : i32
      %dma_wait3A_67 = tpu.memref_slice %arg9[%add3A_26, %dma_wait3A] : memref<25608x64xf32, #tpu.memory_space<vmem_shared>> -> memref<256x64xf32, #tpu.memory_space<vmem_shared>>
      %dma_wait3A_68 = arith.constant 0 : i32
      %dma_wait3A_69 = tpu.memref_slice %arg9[%add3A_26, %dma_wait3A_68] : memref<25608x64xf32, #tpu.memory_space<vmem_shared>> -> memref<256x64xf32, #tpu.memory_space<vmem_shared>>
      tpu.wait_dma2 semaphore(%run_scoped3A : memref<!tpu.dma_semaphore, #tpu.memory_space<semaphore_mem>>) src(%arg8 : memref<256x64xf32, #tpu.memory_space<vmem>>) dst(%dma_wait3A_69 : memref<256x64xf32, #tpu.memory_space<vmem_shared>>)
      tpu.yield
    }) : () -> ()
    %mul3A_27 = arith.constant 1600 : i32
    %mul3A_28 = arith.muli %arg1, %mul3A_27 : i32
    %add3A_29 = arith.constant 1280 : i32
    %add3A_30 = arith.addi %mul3A_28, %add3A_29 : i32
    "tpu.region"() ({
      %run_scoped3A = tpu.sem_alloc : memref<!tpu.dma_semaphore, #tpu.memory_space<semaphore_mem>>
      %dma_start3A = arith.constant 0 : i32
      %dma_start3A_64 = tpu.memref_slice %arg9[%add3A_30, %dma_start3A] : memref<25608x64xf32, #tpu.memory_space<vmem_shared>> -> memref<256x64xf32, #tpu.memory_space<vmem_shared>>
      %dma_start3A_65 = arith.constant 0 : i32
      %dma_start3A_66 = tpu.memref_slice %arg9[%add3A_30, %dma_start3A_65] : memref<25608x64xf32, #tpu.memory_space<vmem_shared>> -> memref<256x64xf32, #tpu.memory_space<vmem_shared>>
      tpu.enqueue_dma source(%arg8 : memref<256x64xf32, #tpu.memory_space<vmem>>) target(%dma_start3A_66 : memref<256x64xf32, #tpu.memory_space<vmem_shared>>) target_semaphore(%run_scoped3A : memref<!tpu.dma_semaphore, #tpu.memory_space<semaphore_mem>>)
      %dma_wait3A = arith.constant 0 : i32
      %dma_wait3A_67 = tpu.memref_slice %arg9[%add3A_30, %dma_wait3A] : memref<25608x64xf32, #tpu.memory_space<vmem_shared>> -> memref<256x64xf32, #tpu.memory_space<vmem_shared>>
      %dma_wait3A_68 = arith.constant 0 : i32
      %dma_wait3A_69 = tpu.memref_slice %arg9[%add3A_30, %dma_wait3A_68] : memref<25608x64xf32, #tpu.memory_space<vmem_shared>> -> memref<256x64xf32, #tpu.memory_space<vmem_shared>>
      tpu.wait_dma2 semaphore(%run_scoped3A : memref<!tpu.dma_semaphore, #tpu.memory_space<semaphore_mem>>) src(%arg8 : memref<256x64xf32, #tpu.memory_space<vmem>>) dst(%dma_wait3A_69 : memref<256x64xf32, #tpu.memory_space<vmem_shared>>)
      tpu.yield
    }) : () -> ()
    %mul3A_31 = arith.constant 1600 : i32
    %mul3A_32 = arith.muli %arg1, %mul3A_31 : i32
    %add3A_33 = arith.constant 1600 : i32
    %add3A_34 = arith.addi %mul3A_32, %add3A_33 : i32
    %sub3A = arith.constant 64 : i32
    %sub3A_35 = arith.subi %add3A_34, %sub3A : i32
    "tpu.region"() ({
      %run_scoped3A = tpu.sem_alloc : memref<!tpu.dma_semaphore, #tpu.memory_space<semaphore_mem>>
      %dma_start3A = arith.constant 0 : i32
      %dma_start3A_64 = arith.constant 0 : i32
      %dma_start3A_65 = tpu.memref_slice %arg8[%dma_start3A, %dma_start3A_64] : memref<256x64xf32, #tpu.memory_space<vmem>> -> memref<64x64xf32, #tpu.memory_space<vmem>>
      %dma_start3A_66 = arith.constant 0 : i32
      %dma_start3A_67 = tpu.memref_slice %arg9[%sub3A_35, %dma_start3A_66] : memref<25608x64xf32, #tpu.memory_space<vmem_shared>> -> memref<64x64xf32, #tpu.memory_space<vmem_shared>>
      %dma_start3A_68 = arith.constant 0 : i32
      %dma_start3A_69 = tpu.memref_slice %arg9[%sub3A_35, %dma_start3A_68] : memref<25608x64xf32, #tpu.memory_space<vmem_shared>> -> memref<64x64xf32, #tpu.memory_space<vmem_shared>>
      %dma_start3A_70 = arith.constant 0 : i32
      %dma_start3A_71 = arith.constant 0 : i32
      %dma_start3A_72 = tpu.memref_slice %arg8[%dma_start3A_70, %dma_start3A_71] : memref<256x64xf32, #tpu.memory_space<vmem>> -> memref<64x64xf32, #tpu.memory_space<vmem>>
      tpu.enqueue_dma source(%dma_start3A_72 : memref<64x64xf32, #tpu.memory_space<vmem>>) target(%dma_start3A_69 : memref<64x64xf32, #tpu.memory_space<vmem_shared>>) target_semaphore(%run_scoped3A : memref<!tpu.dma_semaphore, #tpu.memory_space<semaphore_mem>>)
      %dma_wait3A = arith.constant 0 : i32
      %dma_wait3A_73 = arith.constant 0 : i32
      %dma_wait3A_74 = tpu.memref_slice %arg8[%dma_wait3A, %dma_wait3A_73] : memref<256x64xf32, #tpu.memory_space<vmem>> -> memref<64x64xf32, #tpu.memory_space<vmem>>
      %dma_wait3A_75 = arith.constant 0 : i32
      %dma_wait3A_76 = tpu.memref_slice %arg9[%sub3A_35, %dma_wait3A_75] : memref<25608x64xf32, #tpu.memory_space<vmem_shared>> -> memref<64x64xf32, #tpu.memory_space<vmem_shared>>
      %dma_wait3A_77 = arith.constant 0 : i32
      %dma_wait3A_78 = tpu.memref_slice %arg9[%sub3A_35, %dma_wait3A_77] : memref<25608x64xf32, #tpu.memory_space<vmem_shared>> -> memref<64x64xf32, #tpu.memory_space<vmem_shared>>
      %dma_wait3A_79 = arith.constant 0 : i32
      %dma_wait3A_80 = arith.constant 0 : i32
      %dma_wait3A_81 = tpu.memref_slice %arg8[%dma_wait3A_79, %dma_wait3A_80] : memref<256x64xf32, #tpu.memory_space<vmem>> -> memref<64x64xf32, #tpu.memory_space<vmem>>
      tpu.wait_dma2 semaphore(%run_scoped3A : memref<!tpu.dma_semaphore, #tpu.memory_space<semaphore_mem>>) src(%dma_wait3A_81 : memref<64x64xf32, #tpu.memory_space<vmem>>) dst(%dma_wait3A_78 : memref<64x64xf32, #tpu.memory_space<vmem_shared>>)
      tpu.yield
    }) : () -> ()
    %eq3A_36 = arith.constant 0 : i32
    %eq3A_37 = arith.cmpi eq, %arg1, %eq3A_36 : i32
    %convert_element_type3A = arith.extui %eq3A_37 : i1 to i32
    %cond3A = arith.constant 0 : i32
    %cond3A_38 = arith.cmpi ne, %convert_element_type3A, %cond3A : i32
    scf.if %cond3A_38 {
      "tpu.region"() ({
        %run_scoped3A = tpu.sem_alloc : memref<!tpu.dma_semaphore, #tpu.memory_space<semaphore_mem>>
        %dma_start3A = arith.constant 0 : i32
        %dma_start3A_64 = arith.constant 0 : i32
        %dma_start3A_65 = tpu.memref_slice %arg8[%dma_start3A, %dma_start3A_64] : memref<256x64xf32, #tpu.memory_space<vmem>> -> memref<8x64xf32, #tpu.memory_space<vmem>>
        %dma_start3A_66 = arith.constant 25600 : i32
        %dma_start3A_67 = arith.constant 0 : i32
        %dma_start3A_68 = tpu.memref_slice %arg9[%dma_start3A_66, %dma_start3A_67] : memref<25608x64xf32, #tpu.memory_space<vmem_shared>> -> memref<8x64xf32, #tpu.memory_space<vmem_shared>>
        %dma_start3A_69 = arith.constant 25600 : i32
        %dma_start3A_70 = arith.constant 0 : i32
        %dma_start3A_71 = tpu.memref_slice %arg9[%dma_start3A_69, %dma_start3A_70] : memref<25608x64xf32, #tpu.memory_space<vmem_shared>> -> memref<8x64xf32, #tpu.memory_space<vmem_shared>>
        %dma_start3A_72 = arith.constant 0 : i32
        %dma_start3A_73 = arith.constant 0 : i32
        %dma_start3A_74 = tpu.memref_slice %arg8[%dma_start3A_72, %dma_start3A_73] : memref<256x64xf32, #tpu.memory_space<vmem>> -> memref<8x64xf32, #tpu.memory_space<vmem>>
        tpu.enqueue_dma source(%dma_start3A_74 : memref<8x64xf32, #tpu.memory_space<vmem>>) target(%dma_start3A_71 : memref<8x64xf32, #tpu.memory_space<vmem_shared>>) target_semaphore(%run_scoped3A : memref<!tpu.dma_semaphore, #tpu.memory_space<semaphore_mem>>)
        %dma_wait3A = arith.constant 0 : i32
        %dma_wait3A_75 = arith.constant 0 : i32
        %dma_wait3A_76 = tpu.memref_slice %arg8[%dma_wait3A, %dma_wait3A_75] : memref<256x64xf32, #tpu.memory_space<vmem>> -> memref<8x64xf32, #tpu.memory_space<vmem>>
        %dma_wait3A_77 = arith.constant 25600 : i32
        %dma_wait3A_78 = arith.constant 0 : i32
        %dma_wait3A_79 = tpu.memref_slice %arg9[%dma_wait3A_77, %dma_wait3A_78] : memref<25608x64xf32, #tpu.memory_space<vmem_shared>> -> memref<8x64xf32, #tpu.memory_space<vmem_shared>>
        %dma_wait3A_80 = arith.constant 25600 : i32
        %dma_wait3A_81 = arith.constant 0 : i32
        %dma_wait3A_82 = tpu.memref_slice %arg9[%dma_wait3A_80, %dma_wait3A_81] : memref<25608x64xf32, #tpu.memory_space<vmem_shared>> -> memref<8x64xf32, #tpu.memory_space<vmem_shared>>
        %dma_wait3A_83 = arith.constant 0 : i32
        %dma_wait3A_84 = arith.constant 0 : i32
        %dma_wait3A_85 = tpu.memref_slice %arg8[%dma_wait3A_83, %dma_wait3A_84] : memref<256x64xf32, #tpu.memory_space<vmem>> -> memref<8x64xf32, #tpu.memory_space<vmem>>
        tpu.wait_dma2 semaphore(%run_scoped3A : memref<!tpu.dma_semaphore, #tpu.memory_space<semaphore_mem>>) src(%dma_wait3A_85 : memref<8x64xf32, #tpu.memory_space<vmem>>) dst(%dma_wait3A_82 : memref<8x64xf32, #tpu.memory_space<vmem_shared>>)
        tpu.yield
      }) : () -> ()
    } else {
    }
    %barrier3A = arith.constant 0 : index
    tpu.barrier barrier_id(%barrier3A)
    %scan3A_39 = arith.constant 0 : i32
    %scan3A_40 = arith.constant 196 : i32
    %scan3A_41 = arith.addi %scan3A_39, %scan3A_40 : i32
    %scan3A_42 = arith.constant 1 : i32
    scf.for %scan3A_64 = %scan3A_39 to %scan3A_41 step %scan3A_42  : i32 {
      %mul3A_65 = arith.constant 1 : i32
      %mul3A_66 = arith.muli %scan3A_64, %mul3A_65 : i32
      %add3A_67 = arith.constant 0 : i32
      %add3A_68 = arith.addi %add3A_67, %mul3A_66 : i32
      %mul3A_69 = arith.constant 196 : i32
      %mul3A_70 = arith.muli %arg1, %mul3A_69 : i32
      %add3A_71 = arith.addi %mul3A_70, %add3A_68 : i32
      %mul3A_72 = arith.constant 256 : i32
      %mul3A_73 = arith.muli %add3A_71, %mul3A_72 : i32
      "tpu.region"() ({
        %run_scoped3A = tpu.sem_alloc : memref<!tpu.dma_semaphore, #tpu.memory_space<semaphore_mem>>
        %dma_start3A_363 = tpu.memref_slice %arg3[%mul3A_73] : memref<802816xi32, #tpu.memory_space<hbm>> -> memref<256xi32, #tpu.memory_space<hbm>>
        %dma_start3A_364 = tpu.memref_slice %arg3[%mul3A_73] : memref<802816xi32, #tpu.memory_space<hbm>> -> memref<256xi32, #tpu.memory_space<hbm>>
        tpu.enqueue_dma source(%dma_start3A_364 : memref<256xi32, #tpu.memory_space<hbm>>) target(%arg6 : memref<256xi32, #tpu.memory_space<vmem>>) target_semaphore(%run_scoped3A : memref<!tpu.dma_semaphore, #tpu.memory_space<semaphore_mem>>)
        %dma_wait3A_365 = tpu.memref_slice %arg3[%mul3A_73] : memref<802816xi32, #tpu.memory_space<hbm>> -> memref<256xi32, #tpu.memory_space<hbm>>
        %dma_wait3A_366 = tpu.memref_slice %arg3[%mul3A_73] : memref<802816xi32, #tpu.memory_space<hbm>> -> memref<256xi32, #tpu.memory_space<hbm>>
        tpu.wait_dma2 semaphore(%run_scoped3A : memref<!tpu.dma_semaphore, #tpu.memory_space<semaphore_mem>>) src(%dma_wait3A_366 : memref<256xi32, #tpu.memory_space<hbm>>) dst(%arg6 : memref<256xi32, #tpu.memory_space<vmem>>)
        tpu.yield
      }) : () -> ()
      "tpu.region"() ({
        %run_scoped3A = tpu.sem_alloc : memref<!tpu.dma_semaphore, #tpu.memory_space<semaphore_mem>>
        %dma_start3A_363 = tpu.memref_slice %arg4[%mul3A_73] : memref<802816xi32, #tpu.memory_space<hbm>> -> memref<256xi32, #tpu.memory_space<hbm>>
        %dma_start3A_364 = tpu.memref_slice %arg4[%mul3A_73] : memref<802816xi32, #tpu.memory_space<hbm>> -> memref<256xi32, #tpu.memory_space<hbm>>
        tpu.enqueue_dma source(%dma_start3A_364 : memref<256xi32, #tpu.memory_space<hbm>>) target(%arg7 : memref<256xi32, #tpu.memory_space<vmem>>) target_semaphore(%run_scoped3A : memref<!tpu.dma_semaphore, #tpu.memory_space<semaphore_mem>>)
        %dma_wait3A_365 = tpu.memref_slice %arg4[%mul3A_73] : memref<802816xi32, #tpu.memory_space<hbm>> -> memref<256xi32, #tpu.memory_space<hbm>>
        %dma_wait3A_366 = tpu.memref_slice %arg4[%mul3A_73] : memref<802816xi32, #tpu.memory_space<hbm>> -> memref<256xi32, #tpu.memory_space<hbm>>
        tpu.wait_dma2 semaphore(%run_scoped3A : memref<!tpu.dma_semaphore, #tpu.memory_space<semaphore_mem>>) src(%dma_wait3A_366 : memref<256xi32, #tpu.memory_space<hbm>>) dst(%arg7 : memref<256xi32, #tpu.memory_space<vmem>>)
        tpu.yield
      }) : () -> ()
      %get3A = arith.constant 0 : index
      %get3A_74 = tpu.vector_load %arg7[%get3A] {strides = array<i32>} : memref<256xi32, #tpu.memory_space<vmem>>, vector<16xi32>,
      %get3A_75 = vector.shape_cast %get3A_74 : vector<16xi32> to vector<16xi32>
      %sub3A_76 = vector.broadcast %mul3A_0 : i32 to vector<16xi32>
      %sub3A_77 = arith.subi %get3A_75, %sub3A_76 : vector<16xi32>
      %ge3A = arith.constant 0 : i32
      %ge3A_78 = vector.broadcast %ge3A : i32 to vector<16xi32>
      %ge3A_79 = arith.cmpi sge, %sub3A_77, %ge3A_78 : vector<16xi32>
      %lt3A_80 = vector.broadcast %select_n3A : i32 to vector<16xi32>
      %lt3A_81 = arith.cmpi slt, %sub3A_77, %lt3A_80 : vector<16xi32>
      %and3A_82 = arith.andi %ge3A_79, %lt3A_81 : vector<16xi1>
      %jit3A_83 = arith.constant 25600 : i32
      %broadcast_in_dim3A_84 = vector.broadcast %jit3A_83 : i32 to vector<16xi32>
      %select_n3A_85 = arith.select %and3A_82, %sub3A_77, %broadcast_in_dim3A_84 : vector<16xi1>, vector<16xi32>
      %swap3A = arith.constant 0 : index
      %swap3A_86 = tpu.vector_load %arg7[%swap3A] {strides = array<i32>} : memref<256xi32, #tpu.memory_space<vmem>>, vector<16xi32>,
      %swap3A_87 = vector.shape_cast %swap3A_86 : vector<16xi32> to vector<16xi32>
      %swap3A_88 = vector.shape_cast %select_n3A_85 : vector<16xi32> to vector<16xi32>
      tpu.vector_store %arg7[%swap3A], %swap3A_88 {strides = array<i32>} : memref<256xi32, #tpu.memory_space<vmem>>, vector<16xi32>,
      %get3A_89 = arith.constant 16 : index
      %get3A_90 = tpu.vector_load %arg7[%get3A_89] {strides = array<i32>} : memref<256xi32, #tpu.memory_space<vmem>>, vector<16xi32>,
      %get3A_91 = vector.shape_cast %get3A_90 : vector<16xi32> to vector<16xi32>
      %sub3A_92 = vector.broadcast %mul3A_0 : i32 to vector<16xi32>
      %sub3A_93 = arith.subi %get3A_91, %sub3A_92 : vector<16xi32>
      %ge3A_94 = arith.constant 0 : i32
      %ge3A_95 = vector.broadcast %ge3A_94 : i32 to vector<16xi32>
      %ge3A_96 = arith.cmpi sge, %sub3A_93, %ge3A_95 : vector<16xi32>
      %lt3A_97 = vector.broadcast %select_n3A : i32 to vector<16xi32>
      %lt3A_98 = arith.cmpi slt, %sub3A_93, %lt3A_97 : vector<16xi32>
      %and3A_99 = arith.andi %ge3A_96, %lt3A_98 : vector<16xi1>
      %jit3A_100 = arith.constant 25600 : i32
      %broadcast_in_dim3A_101 = vector.broadcast %jit3A_100 : i32 to vector<16xi32>
      %select_n3A_102 = arith.select %and3A_99, %sub3A_93, %broadcast_in_dim3A_101 : vector<16xi1>, vector<16xi32>
      %swap3A_103 = arith.constant 16 : index
      %swap3A_104 = tpu.vector_load %arg7[%swap3A_103] {strides = array<i32>} : memref<256xi32, #tpu.memory_space<vmem>>, vector<16xi32>,
      %swap3A_105 = vector.shape_cast %swap3A_104 : vector<16xi32> to vector<16xi32>
      %swap3A_106 = vector.shape_cast %select_n3A_102 : vector<16xi32> to vector<16xi32>
      tpu.vector_store %arg7[%swap3A_103], %swap3A_106 {strides = array<i32>} : memref<256xi32, #tpu.memory_space<vmem>>, vector<16xi32>,
      %get3A_107 = arith.constant 32 : index
      %get3A_108 = tpu.vector_load %arg7[%get3A_107] {strides = array<i32>} : memref<256xi32, #tpu.memory_space<vmem>>, vector<16xi32>,
      %get3A_109 = vector.shape_cast %get3A_108 : vector<16xi32> to vector<16xi32>
      %sub3A_110 = vector.broadcast %mul3A_0 : i32 to vector<16xi32>
      %sub3A_111 = arith.subi %get3A_109, %sub3A_110 : vector<16xi32>
      %ge3A_112 = arith.constant 0 : i32
      %ge3A_113 = vector.broadcast %ge3A_112 : i32 to vector<16xi32>
      %ge3A_114 = arith.cmpi sge, %sub3A_111, %ge3A_113 : vector<16xi32>
      %lt3A_115 = vector.broadcast %select_n3A : i32 to vector<16xi32>
      %lt3A_116 = arith.cmpi slt, %sub3A_111, %lt3A_115 : vector<16xi32>
      %and3A_117 = arith.andi %ge3A_114, %lt3A_116 : vector<16xi1>
      %jit3A_118 = arith.constant 25600 : i32
      %broadcast_in_dim3A_119 = vector.broadcast %jit3A_118 : i32 to vector<16xi32>
      %select_n3A_120 = arith.select %and3A_117, %sub3A_111, %broadcast_in_dim3A_119 : vector<16xi1>, vector<16xi32>
      %swap3A_121 = arith.constant 32 : index
      %swap3A_122 = tpu.vector_load %arg7[%swap3A_121] {strides = array<i32>} : memref<256xi32, #tpu.memory_space<vmem>>, vector<16xi32>,
      %swap3A_123 = vector.shape_cast %swap3A_122 : vector<16xi32> to vector<16xi32>
      %swap3A_124 = vector.shape_cast %select_n3A_120 : vector<16xi32> to vector<16xi32>
      tpu.vector_store %arg7[%swap3A_121], %swap3A_124 {strides = array<i32>} : memref<256xi32, #tpu.memory_space<vmem>>, vector<16xi32>,
      %get3A_125 = arith.constant 48 : index
      %get3A_126 = tpu.vector_load %arg7[%get3A_125] {strides = array<i32>} : memref<256xi32, #tpu.memory_space<vmem>>, vector<16xi32>,
      %get3A_127 = vector.shape_cast %get3A_126 : vector<16xi32> to vector<16xi32>
      %sub3A_128 = vector.broadcast %mul3A_0 : i32 to vector<16xi32>
      %sub3A_129 = arith.subi %get3A_127, %sub3A_128 : vector<16xi32>
      %ge3A_130 = arith.constant 0 : i32
      %ge3A_131 = vector.broadcast %ge3A_130 : i32 to vector<16xi32>
      %ge3A_132 = arith.cmpi sge, %sub3A_129, %ge3A_131 : vector<16xi32>
      %lt3A_133 = vector.broadcast %select_n3A : i32 to vector<16xi32>
      %lt3A_134 = arith.cmpi slt, %sub3A_129, %lt3A_133 : vector<16xi32>
      %and3A_135 = arith.andi %ge3A_132, %lt3A_134 : vector<16xi1>
      %jit3A_136 = arith.constant 25600 : i32
      %broadcast_in_dim3A_137 = vector.broadcast %jit3A_136 : i32 to vector<16xi32>
      %select_n3A_138 = arith.select %and3A_135, %sub3A_129, %broadcast_in_dim3A_137 : vector<16xi1>, vector<16xi32>
      %swap3A_139 = arith.constant 48 : index
      %swap3A_140 = tpu.vector_load %arg7[%swap3A_139] {strides = array<i32>} : memref<256xi32, #tpu.memory_space<vmem>>, vector<16xi32>,
      %swap3A_141 = vector.shape_cast %swap3A_140 : vector<16xi32> to vector<16xi32>
      %swap3A_142 = vector.shape_cast %select_n3A_138 : vector<16xi32> to vector<16xi32>
      tpu.vector_store %arg7[%swap3A_139], %swap3A_142 {strides = array<i32>} : memref<256xi32, #tpu.memory_space<vmem>>, vector<16xi32>,
      %get3A_143 = arith.constant 64 : index
      %get3A_144 = tpu.vector_load %arg7[%get3A_143] {strides = array<i32>} : memref<256xi32, #tpu.memory_space<vmem>>, vector<16xi32>,
      %get3A_145 = vector.shape_cast %get3A_144 : vector<16xi32> to vector<16xi32>
      %sub3A_146 = vector.broadcast %mul3A_0 : i32 to vector<16xi32>
      %sub3A_147 = arith.subi %get3A_145, %sub3A_146 : vector<16xi32>
      %ge3A_148 = arith.constant 0 : i32
      %ge3A_149 = vector.broadcast %ge3A_148 : i32 to vector<16xi32>
      %ge3A_150 = arith.cmpi sge, %sub3A_147, %ge3A_149 : vector<16xi32>
      %lt3A_151 = vector.broadcast %select_n3A : i32 to vector<16xi32>
      %lt3A_152 = arith.cmpi slt, %sub3A_147, %lt3A_151 : vector<16xi32>
      %and3A_153 = arith.andi %ge3A_150, %lt3A_152 : vector<16xi1>
      %jit3A_154 = arith.constant 25600 : i32
      %broadcast_in_dim3A_155 = vector.broadcast %jit3A_154 : i32 to vector<16xi32>
      %select_n3A_156 = arith.select %and3A_153, %sub3A_147, %broadcast_in_dim3A_155 : vector<16xi1>, vector<16xi32>
      %swap3A_157 = arith.constant 64 : index
      %swap3A_158 = tpu.vector_load %arg7[%swap3A_157] {strides = array<i32>} : memref<256xi32, #tpu.memory_space<vmem>>, vector<16xi32>,
      %swap3A_159 = vector.shape_cast %swap3A_158 : vector<16xi32> to vector<16xi32>
      %swap3A_160 = vector.shape_cast %select_n3A_156 : vector<16xi32> to vector<16xi32>
      tpu.vector_store %arg7[%swap3A_157], %swap3A_160 {strides = array<i32>} : memref<256xi32, #tpu.memory_space<vmem>>, vector<16xi32>,
      %get3A_161 = arith.constant 80 : index
      %get3A_162 = tpu.vector_load %arg7[%get3A_161] {strides = array<i32>} : memref<256xi32, #tpu.memory_space<vmem>>, vector<16xi32>,
      %get3A_163 = vector.shape_cast %get3A_162 : vector<16xi32> to vector<16xi32>
      %sub3A_164 = vector.broadcast %mul3A_0 : i32 to vector<16xi32>
      %sub3A_165 = arith.subi %get3A_163, %sub3A_164 : vector<16xi32>
      %ge3A_166 = arith.constant 0 : i32
      %ge3A_167 = vector.broadcast %ge3A_166 : i32 to vector<16xi32>
      %ge3A_168 = arith.cmpi sge, %sub3A_165, %ge3A_167 : vector<16xi32>
      %lt3A_169 = vector.broadcast %select_n3A : i32 to vector<16xi32>
      %lt3A_170 = arith.cmpi slt, %sub3A_165, %lt3A_169 : vector<16xi32>
      %and3A_171 = arith.andi %ge3A_168, %lt3A_170 : vector<16xi1>
      %jit3A_172 = arith.constant 25600 : i32
      %broadcast_in_dim3A_173 = vector.broadcast %jit3A_172 : i32 to vector<16xi32>
      %select_n3A_174 = arith.select %and3A_171, %sub3A_165, %broadcast_in_dim3A_173 : vector<16xi1>, vector<16xi32>
      %swap3A_175 = arith.constant 80 : index
      %swap3A_176 = tpu.vector_load %arg7[%swap3A_175] {strides = array<i32>} : memref<256xi32, #tpu.memory_space<vmem>>, vector<16xi32>,
      %swap3A_177 = vector.shape_cast %swap3A_176 : vector<16xi32> to vector<16xi32>
      %swap3A_178 = vector.shape_cast %select_n3A_174 : vector<16xi32> to vector<16xi32>
      tpu.vector_store %arg7[%swap3A_175], %swap3A_178 {strides = array<i32>} : memref<256xi32, #tpu.memory_space<vmem>>, vector<16xi32>,
      %get3A_179 = arith.constant 96 : index
      %get3A_180 = tpu.vector_load %arg7[%get3A_179] {strides = array<i32>} : memref<256xi32, #tpu.memory_space<vmem>>, vector<16xi32>,
      %get3A_181 = vector.shape_cast %get3A_180 : vector<16xi32> to vector<16xi32>
      %sub3A_182 = vector.broadcast %mul3A_0 : i32 to vector<16xi32>
      %sub3A_183 = arith.subi %get3A_181, %sub3A_182 : vector<16xi32>
      %ge3A_184 = arith.constant 0 : i32
      %ge3A_185 = vector.broadcast %ge3A_184 : i32 to vector<16xi32>
      %ge3A_186 = arith.cmpi sge, %sub3A_183, %ge3A_185 : vector<16xi32>
      %lt3A_187 = vector.broadcast %select_n3A : i32 to vector<16xi32>
      %lt3A_188 = arith.cmpi slt, %sub3A_183, %lt3A_187 : vector<16xi32>
      %and3A_189 = arith.andi %ge3A_186, %lt3A_188 : vector<16xi1>
      %jit3A_190 = arith.constant 25600 : i32
      %broadcast_in_dim3A_191 = vector.broadcast %jit3A_190 : i32 to vector<16xi32>
      %select_n3A_192 = arith.select %and3A_189, %sub3A_183, %broadcast_in_dim3A_191 : vector<16xi1>, vector<16xi32>
      %swap3A_193 = arith.constant 96 : index
      %swap3A_194 = tpu.vector_load %arg7[%swap3A_193] {strides = array<i32>} : memref<256xi32, #tpu.memory_space<vmem>>, vector<16xi32>,
      %swap3A_195 = vector.shape_cast %swap3A_194 : vector<16xi32> to vector<16xi32>
      %swap3A_196 = vector.shape_cast %select_n3A_192 : vector<16xi32> to vector<16xi32>
      tpu.vector_store %arg7[%swap3A_193], %swap3A_196 {strides = array<i32>} : memref<256xi32, #tpu.memory_space<vmem>>, vector<16xi32>,
      %get3A_197 = arith.constant 112 : index
      %get3A_198 = tpu.vector_load %arg7[%get3A_197] {strides = array<i32>} : memref<256xi32, #tpu.memory_space<vmem>>, vector<16xi32>,
      %get3A_199 = vector.shape_cast %get3A_198 : vector<16xi32> to vector<16xi32>
      %sub3A_200 = vector.broadcast %mul3A_0 : i32 to vector<16xi32>
      %sub3A_201 = arith.subi %get3A_199, %sub3A_200 : vector<16xi32>
      %ge3A_202 = arith.constant 0 : i32
      %ge3A_203 = vector.broadcast %ge3A_202 : i32 to vector<16xi32>
      %ge3A_204 = arith.cmpi sge, %sub3A_201, %ge3A_203 : vector<16xi32>
      %lt3A_205 = vector.broadcast %select_n3A : i32 to vector<16xi32>
      %lt3A_206 = arith.cmpi slt, %sub3A_201, %lt3A_205 : vector<16xi32>
      %and3A_207 = arith.andi %ge3A_204, %lt3A_206 : vector<16xi1>
      %jit3A_208 = arith.constant 25600 : i32
      %broadcast_in_dim3A_209 = vector.broadcast %jit3A_208 : i32 to vector<16xi32>
      %select_n3A_210 = arith.select %and3A_207, %sub3A_201, %broadcast_in_dim3A_209 : vector<16xi1>, vector<16xi32>
      %swap3A_211 = arith.constant 112 : index
      %swap3A_212 = tpu.vector_load %arg7[%swap3A_211] {strides = array<i32>} : memref<256xi32, #tpu.memory_space<vmem>>, vector<16xi32>,
      %swap3A_213 = vector.shape_cast %swap3A_212 : vector<16xi32> to vector<16xi32>
      %swap3A_214 = vector.shape_cast %select_n3A_210 : vector<16xi32> to vector<16xi32>
      tpu.vector_store %arg7[%swap3A_211], %swap3A_214 {strides = array<i32>} : memref<256xi32, #tpu.memory_space<vmem>>, vector<16xi32>,
      %get3A_215 = arith.constant 128 : index
      %get3A_216 = tpu.vector_load %arg7[%get3A_215] {strides = array<i32>} : memref<256xi32, #tpu.memory_space<vmem>>, vector<16xi32>,
      %get3A_217 = vector.shape_cast %get3A_216 : vector<16xi32> to vector<16xi32>
      %sub3A_218 = vector.broadcast %mul3A_0 : i32 to vector<16xi32>
      %sub3A_219 = arith.subi %get3A_217, %sub3A_218 : vector<16xi32>
      %ge3A_220 = arith.constant 0 : i32
      %ge3A_221 = vector.broadcast %ge3A_220 : i32 to vector<16xi32>
      %ge3A_222 = arith.cmpi sge, %sub3A_219, %ge3A_221 : vector<16xi32>
      %lt3A_223 = vector.broadcast %select_n3A : i32 to vector<16xi32>
      %lt3A_224 = arith.cmpi slt, %sub3A_219, %lt3A_223 : vector<16xi32>
      %and3A_225 = arith.andi %ge3A_222, %lt3A_224 : vector<16xi1>
      %jit3A_226 = arith.constant 25600 : i32
      %broadcast_in_dim3A_227 = vector.broadcast %jit3A_226 : i32 to vector<16xi32>
      %select_n3A_228 = arith.select %and3A_225, %sub3A_219, %broadcast_in_dim3A_227 : vector<16xi1>, vector<16xi32>
      %swap3A_229 = arith.constant 128 : index
      %swap3A_230 = tpu.vector_load %arg7[%swap3A_229] {strides = array<i32>} : memref<256xi32, #tpu.memory_space<vmem>>, vector<16xi32>,
      %swap3A_231 = vector.shape_cast %swap3A_230 : vector<16xi32> to vector<16xi32>
      %swap3A_232 = vector.shape_cast %select_n3A_228 : vector<16xi32> to vector<16xi32>
      tpu.vector_store %arg7[%swap3A_229], %swap3A_232 {strides = array<i32>} : memref<256xi32, #tpu.memory_space<vmem>>, vector<16xi32>,
      %get3A_233 = arith.constant 144 : index
      %get3A_234 = tpu.vector_load %arg7[%get3A_233] {strides = array<i32>} : memref<256xi32, #tpu.memory_space<vmem>>, vector<16xi32>,
      %get3A_235 = vector.shape_cast %get3A_234 : vector<16xi32> to vector<16xi32>
      %sub3A_236 = vector.broadcast %mul3A_0 : i32 to vector<16xi32>
      %sub3A_237 = arith.subi %get3A_235, %sub3A_236 : vector<16xi32>
      %ge3A_238 = arith.constant 0 : i32
      %ge3A_239 = vector.broadcast %ge3A_238 : i32 to vector<16xi32>
      %ge3A_240 = arith.cmpi sge, %sub3A_237, %ge3A_239 : vector<16xi32>
      %lt3A_241 = vector.broadcast %select_n3A : i32 to vector<16xi32>
      %lt3A_242 = arith.cmpi slt, %sub3A_237, %lt3A_241 : vector<16xi32>
      %and3A_243 = arith.andi %ge3A_240, %lt3A_242 : vector<16xi1>
      %jit3A_244 = arith.constant 25600 : i32
      %broadcast_in_dim3A_245 = vector.broadcast %jit3A_244 : i32 to vector<16xi32>
      %select_n3A_246 = arith.select %and3A_243, %sub3A_237, %broadcast_in_dim3A_245 : vector<16xi1>, vector<16xi32>
      %swap3A_247 = arith.constant 144 : index
      %swap3A_248 = tpu.vector_load %arg7[%swap3A_247] {strides = array<i32>} : memref<256xi32, #tpu.memory_space<vmem>>, vector<16xi32>,
      %swap3A_249 = vector.shape_cast %swap3A_248 : vector<16xi32> to vector<16xi32>
      %swap3A_250 = vector.shape_cast %select_n3A_246 : vector<16xi32> to vector<16xi32>
      tpu.vector_store %arg7[%swap3A_247], %swap3A_250 {strides = array<i32>} : memref<256xi32, #tpu.memory_space<vmem>>, vector<16xi32>,
      %get3A_251 = arith.constant 160 : index
      %get3A_252 = tpu.vector_load %arg7[%get3A_251] {strides = array<i32>} : memref<256xi32, #tpu.memory_space<vmem>>, vector<16xi32>,
      %get3A_253 = vector.shape_cast %get3A_252 : vector<16xi32> to vector<16xi32>
      %sub3A_254 = vector.broadcast %mul3A_0 : i32 to vector<16xi32>
      %sub3A_255 = arith.subi %get3A_253, %sub3A_254 : vector<16xi32>
      %ge3A_256 = arith.constant 0 : i32
      %ge3A_257 = vector.broadcast %ge3A_256 : i32 to vector<16xi32>
      %ge3A_258 = arith.cmpi sge, %sub3A_255, %ge3A_257 : vector<16xi32>
      %lt3A_259 = vector.broadcast %select_n3A : i32 to vector<16xi32>
      %lt3A_260 = arith.cmpi slt, %sub3A_255, %lt3A_259 : vector<16xi32>
      %and3A_261 = arith.andi %ge3A_258, %lt3A_260 : vector<16xi1>
      %jit3A_262 = arith.constant 25600 : i32
      %broadcast_in_dim3A_263 = vector.broadcast %jit3A_262 : i32 to vector<16xi32>
      %select_n3A_264 = arith.select %and3A_261, %sub3A_255, %broadcast_in_dim3A_263 : vector<16xi1>, vector<16xi32>
      %swap3A_265 = arith.constant 160 : index
      %swap3A_266 = tpu.vector_load %arg7[%swap3A_265] {strides = array<i32>} : memref<256xi32, #tpu.memory_space<vmem>>, vector<16xi32>,
      %swap3A_267 = vector.shape_cast %swap3A_266 : vector<16xi32> to vector<16xi32>
      %swap3A_268 = vector.shape_cast %select_n3A_264 : vector<16xi32> to vector<16xi32>
      tpu.vector_store %arg7[%swap3A_265], %swap3A_268 {strides = array<i32>} : memref<256xi32, #tpu.memory_space<vmem>>, vector<16xi32>,
      %get3A_269 = arith.constant 176 : index
      %get3A_270 = tpu.vector_load %arg7[%get3A_269] {strides = array<i32>} : memref<256xi32, #tpu.memory_space<vmem>>, vector<16xi32>,
      %get3A_271 = vector.shape_cast %get3A_270 : vector<16xi32> to vector<16xi32>
      %sub3A_272 = vector.broadcast %mul3A_0 : i32 to vector<16xi32>
      %sub3A_273 = arith.subi %get3A_271, %sub3A_272 : vector<16xi32>
      %ge3A_274 = arith.constant 0 : i32
      %ge3A_275 = vector.broadcast %ge3A_274 : i32 to vector<16xi32>
      %ge3A_276 = arith.cmpi sge, %sub3A_273, %ge3A_275 : vector<16xi32>
      %lt3A_277 = vector.broadcast %select_n3A : i32 to vector<16xi32>
      %lt3A_278 = arith.cmpi slt, %sub3A_273, %lt3A_277 : vector<16xi32>
      %and3A_279 = arith.andi %ge3A_276, %lt3A_278 : vector<16xi1>
      %jit3A_280 = arith.constant 25600 : i32
      %broadcast_in_dim3A_281 = vector.broadcast %jit3A_280 : i32 to vector<16xi32>
      %select_n3A_282 = arith.select %and3A_279, %sub3A_273, %broadcast_in_dim3A_281 : vector<16xi1>, vector<16xi32>
      %swap3A_283 = arith.constant 176 : index
      %swap3A_284 = tpu.vector_load %arg7[%swap3A_283] {strides = array<i32>} : memref<256xi32, #tpu.memory_space<vmem>>, vector<16xi32>,
      %swap3A_285 = vector.shape_cast %swap3A_284 : vector<16xi32> to vector<16xi32>
      %swap3A_286 = vector.shape_cast %select_n3A_282 : vector<16xi32> to vector<16xi32>
      tpu.vector_store %arg7[%swap3A_283], %swap3A_286 {strides = array<i32>} : memref<256xi32, #tpu.memory_space<vmem>>, vector<16xi32>,
      %get3A_287 = arith.constant 192 : index
      %get3A_288 = tpu.vector_load %arg7[%get3A_287] {strides = array<i32>} : memref<256xi32, #tpu.memory_space<vmem>>, vector<16xi32>,
      %get3A_289 = vector.shape_cast %get3A_288 : vector<16xi32> to vector<16xi32>
      %sub3A_290 = vector.broadcast %mul3A_0 : i32 to vector<16xi32>
      %sub3A_291 = arith.subi %get3A_289, %sub3A_290 : vector<16xi32>
      %ge3A_292 = arith.constant 0 : i32
      %ge3A_293 = vector.broadcast %ge3A_292 : i32 to vector<16xi32>
      %ge3A_294 = arith.cmpi sge, %sub3A_291, %ge3A_293 : vector<16xi32>
      %lt3A_295 = vector.broadcast %select_n3A : i32 to vector<16xi32>
      %lt3A_296 = arith.cmpi slt, %sub3A_291, %lt3A_295 : vector<16xi32>
      %and3A_297 = arith.andi %ge3A_294, %lt3A_296 : vector<16xi1>
      %jit3A_298 = arith.constant 25600 : i32
      %broadcast_in_dim3A_299 = vector.broadcast %jit3A_298 : i32 to vector<16xi32>
      %select_n3A_300 = arith.select %and3A_297, %sub3A_291, %broadcast_in_dim3A_299 : vector<16xi1>, vector<16xi32>
      %swap3A_301 = arith.constant 192 : index
      %swap3A_302 = tpu.vector_load %arg7[%swap3A_301] {strides = array<i32>} : memref<256xi32, #tpu.memory_space<vmem>>, vector<16xi32>,
      %swap3A_303 = vector.shape_cast %swap3A_302 : vector<16xi32> to vector<16xi32>
      %swap3A_304 = vector.shape_cast %select_n3A_300 : vector<16xi32> to vector<16xi32>
      tpu.vector_store %arg7[%swap3A_301], %swap3A_304 {strides = array<i32>} : memref<256xi32, #tpu.memory_space<vmem>>, vector<16xi32>,
      %get3A_305 = arith.constant 208 : index
      %get3A_306 = tpu.vector_load %arg7[%get3A_305] {strides = array<i32>} : memref<256xi32, #tpu.memory_space<vmem>>, vector<16xi32>,
      %get3A_307 = vector.shape_cast %get3A_306 : vector<16xi32> to vector<16xi32>
      %sub3A_308 = vector.broadcast %mul3A_0 : i32 to vector<16xi32>
      %sub3A_309 = arith.subi %get3A_307, %sub3A_308 : vector<16xi32>
      %ge3A_310 = arith.constant 0 : i32
      %ge3A_311 = vector.broadcast %ge3A_310 : i32 to vector<16xi32>
      %ge3A_312 = arith.cmpi sge, %sub3A_309, %ge3A_311 : vector<16xi32>
      %lt3A_313 = vector.broadcast %select_n3A : i32 to vector<16xi32>
      %lt3A_314 = arith.cmpi slt, %sub3A_309, %lt3A_313 : vector<16xi32>
      %and3A_315 = arith.andi %ge3A_312, %lt3A_314 : vector<16xi1>
      %jit3A_316 = arith.constant 25600 : i32
      %broadcast_in_dim3A_317 = vector.broadcast %jit3A_316 : i32 to vector<16xi32>
      %select_n3A_318 = arith.select %and3A_315, %sub3A_309, %broadcast_in_dim3A_317 : vector<16xi1>, vector<16xi32>
      %swap3A_319 = arith.constant 208 : index
      %swap3A_320 = tpu.vector_load %arg7[%swap3A_319] {strides = array<i32>} : memref<256xi32, #tpu.memory_space<vmem>>, vector<16xi32>,
      %swap3A_321 = vector.shape_cast %swap3A_320 : vector<16xi32> to vector<16xi32>
      %swap3A_322 = vector.shape_cast %select_n3A_318 : vector<16xi32> to vector<16xi32>
      tpu.vector_store %arg7[%swap3A_319], %swap3A_322 {strides = array<i32>} : memref<256xi32, #tpu.memory_space<vmem>>, vector<16xi32>,
      %get3A_323 = arith.constant 224 : index
      %get3A_324 = tpu.vector_load %arg7[%get3A_323] {strides = array<i32>} : memref<256xi32, #tpu.memory_space<vmem>>, vector<16xi32>,
      %get3A_325 = vector.shape_cast %get3A_324 : vector<16xi32> to vector<16xi32>
      %sub3A_326 = vector.broadcast %mul3A_0 : i32 to vector<16xi32>
      %sub3A_327 = arith.subi %get3A_325, %sub3A_326 : vector<16xi32>
      %ge3A_328 = arith.constant 0 : i32
      %ge3A_329 = vector.broadcast %ge3A_328 : i32 to vector<16xi32>
      %ge3A_330 = arith.cmpi sge, %sub3A_327, %ge3A_329 : vector<16xi32>
      %lt3A_331 = vector.broadcast %select_n3A : i32 to vector<16xi32>
      %lt3A_332 = arith.cmpi slt, %sub3A_327, %lt3A_331 : vector<16xi32>
      %and3A_333 = arith.andi %ge3A_330, %lt3A_332 : vector<16xi1>
      %jit3A_334 = arith.constant 25600 : i32
      %broadcast_in_dim3A_335 = vector.broadcast %jit3A_334 : i32 to vector<16xi32>
      %select_n3A_336 = arith.select %and3A_333, %sub3A_327, %broadcast_in_dim3A_335 : vector<16xi1>, vector<16xi32>
      %swap3A_337 = arith.constant 224 : index
      %swap3A_338 = tpu.vector_load %arg7[%swap3A_337] {strides = array<i32>} : memref<256xi32, #tpu.memory_space<vmem>>, vector<16xi32>,
      %swap3A_339 = vector.shape_cast %swap3A_338 : vector<16xi32> to vector<16xi32>
      %swap3A_340 = vector.shape_cast %select_n3A_336 : vector<16xi32> to vector<16xi32>
      tpu.vector_store %arg7[%swap3A_337], %swap3A_340 {strides = array<i32>} : memref<256xi32, #tpu.memory_space<vmem>>, vector<16xi32>,
      %get3A_341 = arith.constant 240 : index
      %get3A_342 = tpu.vector_load %arg7[%get3A_341] {strides = array<i32>} : memref<256xi32, #tpu.memory_space<vmem>>, vector<16xi32>,
      %get3A_343 = vector.shape_cast %get3A_342 : vector<16xi32> to vector<16xi32>
      %sub3A_344 = vector.broadcast %mul3A_0 : i32 to vector<16xi32>
      %sub3A_345 = arith.subi %get3A_343, %sub3A_344 : vector<16xi32>
      %ge3A_346 = arith.constant 0 : i32
      %ge3A_347 = vector.broadcast %ge3A_346 : i32 to vector<16xi32>
      %ge3A_348 = arith.cmpi sge, %sub3A_345, %ge3A_347 : vector<16xi32>
      %lt3A_349 = vector.broadcast %select_n3A : i32 to vector<16xi32>
      %lt3A_350 = arith.cmpi slt, %sub3A_345, %lt3A_349 : vector<16xi32>
      %and3A_351 = arith.andi %ge3A_348, %lt3A_350 : vector<16xi1>
      %jit3A_352 = arith.constant 25600 : i32
      %broadcast_in_dim3A_353 = vector.broadcast %jit3A_352 : i32 to vector<16xi32>
      %select_n3A_354 = arith.select %and3A_351, %sub3A_345, %broadcast_in_dim3A_353 : vector<16xi1>, vector<16xi32>
      %swap3A_355 = arith.constant 240 : index
      %swap3A_356 = tpu.vector_load %arg7[%swap3A_355] {strides = array<i32>} : memref<256xi32, #tpu.memory_space<vmem>>, vector<16xi32>,
      %swap3A_357 = vector.shape_cast %swap3A_356 : vector<16xi32> to vector<16xi32>
      %swap3A_358 = vector.shape_cast %select_n3A_354 : vector<16xi32> to vector<16xi32>
      tpu.vector_store %arg7[%swap3A_355], %swap3A_358 {strides = array<i32>} : memref<256xi32, #tpu.memory_space<vmem>>, vector<16xi32>,
      %dma_start3A = arith.constant 0 : i32
      %dma_start3A_359 = arith.constant 0 : i32
      %dma_start3A_360 = tpu.memref_slice %arg2[%dma_start3A, %dma_start3A_359] : memref<50000x64xf32, #tpu.memory_space<hbm>> -> memref<50000x64xf32, #tpu.memory_space<hbm>>
      tpu.enqueue_indirect_dma source(%dma_start3A_360 : memref<50000x64xf32, #tpu.memory_space<hbm>>) target(%arg8 : memref<256x64xf32, #tpu.memory_space<vmem>>) offsets(%arg6 : memref<256xi32, #tpu.memory_space<vmem>>) semaphore(%arg10 : memref<!tpu.dma_semaphore, #tpu.memory_space<semaphore_mem>>)
      %dma_wait3A = arith.constant 0 : i32
      %dma_wait3A_361 = arith.constant 0 : i32
      %dma_wait3A_362 = tpu.memref_slice %arg2[%dma_wait3A, %dma_wait3A_361] : memref<50000x64xf32, #tpu.memory_space<hbm>> -> memref<50000x64xf32, #tpu.memory_space<hbm>>
      tpu.wait_indirect_dma semaphore(%arg10 : memref<!tpu.dma_semaphore, #tpu.memory_space<semaphore_mem>>) src(%dma_wait3A_362 : memref<50000x64xf32, #tpu.memory_space<hbm>>) dst(%arg8 : memref<256x64xf32, #tpu.memory_space<vmem>>)
      "tpu.region"() ({
        %run_scoped3A = tpu.sem_alloc : memref<!tpu.dma_semaphore, #tpu.memory_space<semaphore_mem>>
        %dma_start3A_363 = arith.constant 0 : i32
        %dma_start3A_364 = arith.constant 0 : i32
        %dma_start3A_365 = tpu.memref_slice %arg9[%dma_start3A_363, %dma_start3A_364] : memref<25608x64xf32, #tpu.memory_space<vmem_shared>> -> memref<25608x64xf32, #tpu.memory_space<vmem_shared>>
        tpu.enqueue_indirect_dma source(%arg8 : memref<256x64xf32, #tpu.memory_space<vmem>>) target(%dma_start3A_365 : memref<25608x64xf32, #tpu.memory_space<vmem_shared>>) offsets(%arg7 : memref<256xi32, #tpu.memory_space<vmem>>) semaphore(%run_scoped3A : memref<!tpu.dma_semaphore, #tpu.memory_space<semaphore_mem>>) {add = true}
        %dma_wait3A_366 = arith.constant 0 : i32
        %dma_wait3A_367 = arith.constant 0 : i32
        %dma_wait3A_368 = tpu.memref_slice %arg9[%dma_wait3A_366, %dma_wait3A_367] : memref<25608x64xf32, #tpu.memory_space<vmem_shared>> -> memref<25608x64xf32, #tpu.memory_space<vmem_shared>>
        tpu.wait_indirect_dma semaphore(%run_scoped3A : memref<!tpu.dma_semaphore, #tpu.memory_space<semaphore_mem>>) src(%arg8 : memref<256x64xf32, #tpu.memory_space<vmem>>) dst(%dma_wait3A_368 : memref<25608x64xf32, #tpu.memory_space<vmem_shared>>)
        tpu.yield
      }) : () -> ()
    }
    %scan3A_43 = arith.constant 196 : i32
    %barrier3A_44 = arith.constant 0 : index
    tpu.barrier barrier_id(%barrier3A_44)
    %eq3A_45 = arith.constant 0 : i32
    %eq3A_46 = arith.cmpi eq, %arg0, %eq3A_45 : i32
    %convert_element_type3A_47 = arith.extui %eq3A_46 : i1 to i32
    %cond3A_48 = arith.constant 0 : i32
    %cond3A_49 = arith.cmpi ne, %convert_element_type3A_47, %cond3A_48 : i32
    scf.if %cond3A_49 {
      %mul3A_64 = arith.constant 1568 : i32
      %mul3A_65 = arith.muli %arg1, %mul3A_64 : i32
      %mul3A_66 = arith.constant 1568 : i32
      %mul3A_67 = arith.muli %arg1, %mul3A_66 : i32
      "tpu.region"() ({
        %run_scoped3A = tpu.sem_alloc : memref<!tpu.dma_semaphore, #tpu.memory_space<semaphore_mem>>
        %dma_start3A = arith.constant 0 : i32
        %dma_start3A_68 = tpu.memref_slice %arg5[%mul3A_67, %dma_start3A] : memref<50000x64xf32, #tpu.memory_space<hbm>> -> memref<1568x64xf32, #tpu.memory_space<hbm>>
        %dma_start3A_69 = arith.constant 0 : i32
        %dma_start3A_70 = tpu.memref_slice %arg9[%mul3A_65, %dma_start3A_69] : memref<25608x64xf32, #tpu.memory_space<vmem_shared>> -> memref<1568x64xf32, #tpu.memory_space<vmem_shared>>
        tpu.enqueue_dma source(%dma_start3A_70 : memref<1568x64xf32, #tpu.memory_space<vmem_shared>>) target(%dma_start3A_68 : memref<1568x64xf32, #tpu.memory_space<hbm>>) target_semaphore(%run_scoped3A : memref<!tpu.dma_semaphore, #tpu.memory_space<semaphore_mem>>)
        %dma_wait3A = arith.constant 0 : i32
        %dma_wait3A_71 = tpu.memref_slice %arg5[%mul3A_67, %dma_wait3A] : memref<50000x64xf32, #tpu.memory_space<hbm>> -> memref<1568x64xf32, #tpu.memory_space<hbm>>
        %dma_wait3A_72 = arith.constant 0 : i32
        %dma_wait3A_73 = tpu.memref_slice %arg9[%mul3A_65, %dma_wait3A_72] : memref<25608x64xf32, #tpu.memory_space<vmem_shared>> -> memref<1568x64xf32, #tpu.memory_space<vmem_shared>>
        tpu.wait_dma2 semaphore(%run_scoped3A : memref<!tpu.dma_semaphore, #tpu.memory_space<semaphore_mem>>) src(%dma_wait3A_73 : memref<1568x64xf32, #tpu.memory_space<vmem_shared>>) dst(%dma_wait3A_71 : memref<1568x64xf32, #tpu.memory_space<hbm>>)
        tpu.yield
      }) : () -> ()
    } else {
    }
    %eq3A_50 = arith.constant 1 : i32
    %eq3A_51 = arith.cmpi eq, %arg0, %eq3A_50 : i32
    %lt3A = arith.constant 15 : i32
    %lt3A_52 = arith.cmpi slt, %arg1, %lt3A : i32
    %and3A = arith.andi %eq3A_51, %lt3A_52 : i1
    %convert_element_type3A_53 = arith.extui %and3A : i1 to i32
    %cond3A_54 = arith.constant 0 : i32
    %cond3A_55 = arith.cmpi ne, %convert_element_type3A_53, %cond3A_54 : i32
    scf.if %cond3A_55 {
      %mul3A_64 = arith.constant 1560 : i32
      %mul3A_65 = arith.muli %arg1, %mul3A_64 : i32
      %mul3A_66 = arith.constant 1560 : i32
      %mul3A_67 = arith.muli %arg1, %mul3A_66 : i32
      %add3A_68 = arith.constant 25088 : i32
      %add3A_69 = arith.addi %add3A_68, %mul3A_67 : i32
      "tpu.region"() ({
        %run_scoped3A = tpu.sem_alloc : memref<!tpu.dma_semaphore, #tpu.memory_space<semaphore_mem>>
        %dma_start3A = arith.constant 0 : i32
        %dma_start3A_70 = tpu.memref_slice %arg5[%add3A_69, %dma_start3A] : memref<50000x64xf32, #tpu.memory_space<hbm>> -> memref<1560x64xf32, #tpu.memory_space<hbm>>
        %dma_start3A_71 = arith.constant 0 : i32
        %dma_start3A_72 = tpu.memref_slice %arg9[%mul3A_65, %dma_start3A_71] : memref<25608x64xf32, #tpu.memory_space<vmem_shared>> -> memref<1560x64xf32, #tpu.memory_space<vmem_shared>>
        tpu.enqueue_dma source(%dma_start3A_72 : memref<1560x64xf32, #tpu.memory_space<vmem_shared>>) target(%dma_start3A_70 : memref<1560x64xf32, #tpu.memory_space<hbm>>) target_semaphore(%run_scoped3A : memref<!tpu.dma_semaphore, #tpu.memory_space<semaphore_mem>>)
        %dma_wait3A = arith.constant 0 : i32
        %dma_wait3A_73 = tpu.memref_slice %arg5[%add3A_69, %dma_wait3A] : memref<50000x64xf32, #tpu.memory_space<hbm>> -> memref<1560x64xf32, #tpu.memory_space<hbm>>
        %dma_wait3A_74 = arith.constant 0 : i32
        %dma_wait3A_75 = tpu.memref_slice %arg9[%mul3A_65, %dma_wait3A_74] : memref<25608x64xf32, #tpu.memory_space<vmem_shared>> -> memref<1560x64xf32, #tpu.memory_space<vmem_shared>>
        tpu.wait_dma2 semaphore(%run_scoped3A : memref<!tpu.dma_semaphore, #tpu.memory_space<semaphore_mem>>) src(%dma_wait3A_75 : memref<1560x64xf32, #tpu.memory_space<vmem_shared>>) dst(%dma_wait3A_73 : memref<1560x64xf32, #tpu.memory_space<hbm>>)
        tpu.yield
      }) : () -> ()
    } else {
    }
    %eq3A_56 = arith.constant 1 : i32
    %eq3A_57 = arith.cmpi eq, %arg0, %eq3A_56 : i32
    %eq3A_58 = arith.constant 15 : i32
    %eq3A_59 = arith.cmpi eq, %arg1, %eq3A_58 : i32
    %and3A_60 = arith.andi %eq3A_57, %eq3A_59 : i1
    %convert_element_type3A_61 = arith.extui %and3A_60 : i1 to i32
    %cond3A_62 = arith.constant 0 : i32
    %cond3A_63 = arith.cmpi ne, %convert_element_type3A_61, %cond3A_62 : i32
    scf.if %cond3A_63 {
      "tpu.region"() ({
        %run_scoped3A = tpu.sem_alloc : memref<!tpu.dma_semaphore, #tpu.memory_space<semaphore_mem>>
        %dma_start3A = arith.constant 48488 : i32
        %dma_start3A_64 = arith.constant 0 : i32
        %dma_start3A_65 = tpu.memref_slice %arg5[%dma_start3A, %dma_start3A_64] : memref<50000x64xf32, #tpu.memory_space<hbm>> -> memref<1512x64xf32, #tpu.memory_space<hbm>>
        %dma_start3A_66 = arith.constant 23400 : i32
        %dma_start3A_67 = arith.constant 0 : i32
        %dma_start3A_68 = tpu.memref_slice %arg9[%dma_start3A_66, %dma_start3A_67] : memref<25608x64xf32, #tpu.memory_space<vmem_shared>> -> memref<1512x64xf32, #tpu.memory_space<vmem_shared>>
        tpu.enqueue_dma source(%dma_start3A_68 : memref<1512x64xf32, #tpu.memory_space<vmem_shared>>) target(%dma_start3A_65 : memref<1512x64xf32, #tpu.memory_space<hbm>>) target_semaphore(%run_scoped3A : memref<!tpu.dma_semaphore, #tpu.memory_space<semaphore_mem>>)
        %dma_wait3A = arith.constant 48488 : i32
        %dma_wait3A_69 = arith.constant 0 : i32
        %dma_wait3A_70 = tpu.memref_slice %arg5[%dma_wait3A, %dma_wait3A_69] : memref<50000x64xf32, #tpu.memory_space<hbm>> -> memref<1512x64xf32, #tpu.memory_space<hbm>>
        %dma_wait3A_71 = arith.constant 23400 : i32
        %dma_wait3A_72 = arith.constant 0 : i32
        %dma_wait3A_73 = tpu.memref_slice %arg9[%dma_wait3A_71, %dma_wait3A_72] : memref<25608x64xf32, #tpu.memory_space<vmem_shared>> -> memref<1512x64xf32, #tpu.memory_space<vmem_shared>>
        tpu.wait_dma2 semaphore(%run_scoped3A : memref<!tpu.dma_semaphore, #tpu.memory_space<semaphore_mem>>) src(%dma_wait3A_73 : memref<1512x64xf32, #tpu.memory_space<vmem_shared>>) dst(%dma_wait3A_70 : memref<1512x64xf32, #tpu.memory_space<hbm>>)
        tpu.yield
      }) : () -> ()
    } else {
    }
    return
  }
}

module attributes {stable_mosaic.version = 14 : i64} {
  func.func @body(%arg0: i32, %arg1: memref<400x128xf32, #tpu.memory_space<vmem>>, %arg2: memref<400x18xf32, #tpu.memory_space<vmem>>, %arg3: memref<400x8xf32, #tpu.memory_space<vmem>>, %arg4: memref<128x128xf32, #tpu.memory_space<vmem>>, %arg5: memref<18x128xf32, #tpu.memory_space<vmem>>, %arg6: memref<8x4xf32, #tpu.memory_space<vmem>>, %arg7: memref<4x128xf32, #tpu.memory_space<vmem>>, %arg8: memref<120x32xf32, #tpu.memory_space<vmem>>, %arg9: memref<32x128xf32, #tpu.memory_space<vmem>>, %arg10: memref<1x128xf32, #tpu.memory_space<vmem>>, %arg11: memref<128x128xf32, #tpu.memory_space<vmem>>, %arg12: memref<1x128xf32, #tpu.memory_space<vmem>>, %arg13: memref<128x64xf32, #tpu.memory_space<vmem>>, %arg14: memref<400x128xf32, #tpu.memory_space<vmem>>, %arg15: memref<400x64xf32, #tpu.memory_space<vmem>>) attributes {dimension_semantics = [#tpu.dimension_semantics<arbitrary>], iteration_bounds = array<i64: 125>, scalar_prefetch = 0 : i64, scratch_operands = 0 : i64, tpu.core_type = #tpu.core_type<tc>, window_params = [{transform_indices = @transform_0, window_bounds = array<i64: 400, 128>}, {transform_indices = @transform_1, window_bounds = array<i64: 400, 18>}, {transform_indices = @transform_2, window_bounds = array<i64: 400, 8>}, {pipeline_mode = #tpu.pipeline_mode<synchronous>, transform_indices = @transform_3, window_bounds = array<i64: 128, 128>}, {pipeline_mode = #tpu.pipeline_mode<synchronous>, transform_indices = @transform_4, window_bounds = array<i64: 18, 128>}, {pipeline_mode = #tpu.pipeline_mode<synchronous>, transform_indices = @transform_5, window_bounds = array<i64: 8, 4>}, {pipeline_mode = #tpu.pipeline_mode<synchronous>, transform_indices = @transform_6, window_bounds = array<i64: 4, 128>}, {pipeline_mode = #tpu.pipeline_mode<synchronous>, transform_indices = @transform_7, window_bounds = array<i64: 120, 32>}, {pipeline_mode = #tpu.pipeline_mode<synchronous>, transform_indices = @transform_8, window_bounds = array<i64: 32, 128>}, {pipeline_mode = #tpu.pipeline_mode<synchronous>, transform_indices = @transform_9, window_bounds = array<i64: 1, 128>}, {pipeline_mode = #tpu.pipeline_mode<synchronous>, transform_indices = @transform_10, window_bounds = array<i64: 128, 128>}, {pipeline_mode = #tpu.pipeline_mode<synchronous>, transform_indices = @transform_11, window_bounds = array<i64: 1, 128>}, {pipeline_mode = #tpu.pipeline_mode<synchronous>, transform_indices = @transform_12, window_bounds = array<i64: 128, 64>}, {transform_indices = @transform_13, window_bounds = array<i64: 400, 128>}, {transform_indices = @transform_14, window_bounds = array<i64: 400, 64>}]} {
    %get3A = arith.constant 0 : index
    %get3A_0 = arith.constant 0 : index
    %get3A_1 = vector.load %arg1[%get3A, %get3A_0] : memref<400x128xf32, #tpu.memory_space<vmem>>, vector<400x128xf32>
    %get3A_2 = arith.constant 0 : index
    %get3A_3 = arith.constant 0 : index
    %get3A_4 = vector.load %arg4[%get3A_2, %get3A_3] : memref<128x128xf32, #tpu.memory_space<vmem>>, vector<128x128xf32>
    %dot_general3A = arith.constant dense<0.000000e+00> : vector<400x128xf32>
    %dot_general3A_5 = tpu.matmul %get3A_1, %get3A_4, %dot_general3A {dimension_numbers = #tpu.dot_dimension_numbers<[1], [0], [0], [1], [0, 0, 1, 1], [], []>, transpose_lhs_hint = false} : vector<400x128xf32>, vector<128x128xf32>, vector<400x128xf32> -> vector<400x128xf32>
    %get3A_6 = arith.constant 0 : index
    %get3A_7 = arith.constant 0 : index
    %get3A_8 = vector.load %arg2[%get3A_6, %get3A_7] : memref<400x18xf32, #tpu.memory_space<vmem>>, vector<400x18xf32>
    %get3A_9 = arith.constant 0 : index
    %get3A_10 = arith.constant 0 : index
    %get3A_11 = vector.load %arg5[%get3A_9, %get3A_10] : memref<18x128xf32, #tpu.memory_space<vmem>>, vector<18x128xf32>
    %dot_general3A_12 = arith.constant dense<0.000000e+00> : vector<400x128xf32>
    %dot_general3A_13 = tpu.matmul %get3A_8, %get3A_11, %dot_general3A_12 {dimension_numbers = #tpu.dot_dimension_numbers<[1], [0], [0], [1], [0, 0, 1, 1], [], []>, transpose_lhs_hint = false} : vector<400x18xf32>, vector<18x128xf32>, vector<400x128xf32> -> vector<400x128xf32>
    %add3A = arith.addf %dot_general3A_5, %dot_general3A_13 : vector<400x128xf32>
    %get3A_14 = arith.constant 0 : index
    %get3A_15 = arith.constant 0 : index
    %get3A_16 = vector.load %arg6[%get3A_14, %get3A_15] : memref<8x4xf32, #tpu.memory_space<vmem>>, vector<8x4xf32>
    %get3A_17 = arith.constant 0 : index
    %get3A_18 = arith.constant 0 : index
    %get3A_19 = vector.load %arg7[%get3A_17, %get3A_18] : memref<4x128xf32, #tpu.memory_space<vmem>>, vector<4x128xf32>
    %dot_general3A_20 = arith.constant dense<0.000000e+00> : vector<8x128xf32>
    %dot_general3A_21 = tpu.matmul %get3A_16, %get3A_19, %dot_general3A_20 {dimension_numbers = #tpu.dot_dimension_numbers<[1], [0], [0], [1], [0, 0, 1, 1], [], []>, transpose_lhs_hint = false} : vector<8x4xf32>, vector<4x128xf32>, vector<8x128xf32> -> vector<8x128xf32>
    %get3A_22 = arith.constant 0 : index
    %get3A_23 = arith.constant 0 : index
    %get3A_24 = vector.load %arg8[%get3A_22, %get3A_23] : memref<120x32xf32, #tpu.memory_space<vmem>>, vector<120x32xf32>
    %get3A_25 = arith.constant 0 : index
    %get3A_26 = arith.constant 0 : index
    %get3A_27 = vector.load %arg9[%get3A_25, %get3A_26] : memref<32x128xf32, #tpu.memory_space<vmem>>, vector<32x128xf32>
    %dot_general3A_28 = arith.constant dense<0.000000e+00> : vector<120x128xf32>
    %dot_general3A_29 = tpu.matmul %get3A_24, %get3A_27, %dot_general3A_28 {dimension_numbers = #tpu.dot_dimension_numbers<[1], [0], [0], [1], [0, 0, 1, 1], [], []>, transpose_lhs_hint = false} : vector<120x32xf32>, vector<32x128xf32>, vector<120x128xf32> -> vector<120x128xf32>
    %get3A_30 = arith.constant 0 : index
    %get3A_31 = arith.constant 0 : index
    %get3A_32 = vector.load %arg3[%get3A_30, %get3A_31] : memref<400x8xf32, #tpu.memory_space<vmem>>, vector<400x8xf32>
    %slice3A = vector.extract_strided_slice %get3A_32 {offsets = [0, 0], sizes = [400, 1], strides = [1, 1]} : vector<400x8xf32> to vector<400x1xf32>
    %convert_element_type3A = arith.fptosi %slice3A : vector<400x1xf32> to vector<400x1xi32>
    %slice3A_33 = vector.extract_strided_slice %get3A_32 {offsets = [0, 1], sizes = [400, 1], strides = [1, 1]} : vector<400x8xf32> to vector<400x1xf32>
    %convert_element_type3A_34 = arith.fptosi %slice3A_33 : vector<400x1xf32> to vector<400x1xi32>
    %iota3A = tpu.iota {dimensions = array<i32: 1>} : vector<400x8xi32>
    %eq3A = vector.broadcast %convert_element_type3A : vector<400x1xi32> to vector<400x8xi32>
    %eq3A_35 = arith.cmpi eq, %iota3A, %eq3A : vector<400x8xi32>
    %convert_element_type3A_36 = arith.extui %eq3A_35 : vector<400x8xi1> to vector<400x8xi32>
    %convert_element_type3A_37 = arith.sitofp %convert_element_type3A_36 : vector<400x8xi32> to vector<400x8xf32>
    %dot_general3A_38 = arith.constant dense<0.000000e+00> : vector<400x128xf32>
    %dot_general3A_39 = tpu.matmul %convert_element_type3A_37, %dot_general3A_21, %dot_general3A_38 {dimension_numbers = #tpu.dot_dimension_numbers<[1], [0], [0], [1], [0, 0, 1, 1], [], []>, transpose_lhs_hint = false} : vector<400x8xf32>, vector<8x128xf32>, vector<400x128xf32> -> vector<400x128xf32>
    %add3A_40 = arith.addf %add3A, %dot_general3A_39 : vector<400x128xf32>
    %iota3A_41 = tpu.iota {dimensions = array<i32: 1>} : vector<400x120xi32>
    %eq3A_42 = vector.broadcast %convert_element_type3A_34 : vector<400x1xi32> to vector<400x120xi32>
    %eq3A_43 = arith.cmpi eq, %iota3A_41, %eq3A_42 : vector<400x120xi32>
    %convert_element_type3A_44 = arith.extui %eq3A_43 : vector<400x120xi1> to vector<400x120xi32>
    %convert_element_type3A_45 = arith.sitofp %convert_element_type3A_44 : vector<400x120xi32> to vector<400x120xf32>
    %dot_general3A_46 = arith.constant dense<0.000000e+00> : vector<400x128xf32>
    %dot_general3A_47 = tpu.matmul %convert_element_type3A_45, %dot_general3A_29, %dot_general3A_46 {dimension_numbers = #tpu.dot_dimension_numbers<[1], [0], [0], [1], [0, 0, 1, 1], [], []>, transpose_lhs_hint = false} : vector<400x120xf32>, vector<120x128xf32>, vector<400x128xf32> -> vector<400x128xf32>
    %add3A_48 = arith.addf %add3A_40, %dot_general3A_47 : vector<400x128xf32>
    %get3A_49 = arith.constant 0 : index
    %get3A_50 = arith.constant 0 : index
    %get3A_51 = vector.load %arg10[%get3A_49, %get3A_50] : memref<1x128xf32, #tpu.memory_space<vmem>>, vector<1x128xf32>
    %add3A_52 = vector.broadcast %get3A_51 : vector<1x128xf32> to vector<400x128xf32>
    %add3A_53 = arith.addf %add3A_48, %add3A_52 : vector<400x128xf32>
    %max3A = arith.constant 0.000000e+00 : f32
    %max3A_54 = vector.broadcast %max3A : f32 to vector<400x128xf32>
    %max3A_55 = arith.maximumf %add3A_53, %max3A_54 : vector<400x128xf32>
    %swap3A = arith.constant 0 : index
    %swap3A_56 = arith.constant 0 : index
    %swap3A_57 = vector.load %arg14[%swap3A, %swap3A_56] : memref<400x128xf32, #tpu.memory_space<vmem>>, vector<400x128xf32>
    tpu.vector_store %arg14[%swap3A, %swap3A_56], %max3A_55 {strides = array<i32>} : memref<400x128xf32, #tpu.memory_space<vmem>>, vector<400x128xf32>,
    %get3A_58 = arith.constant 0 : index
    %get3A_59 = arith.constant 0 : index
    %get3A_60 = vector.load %arg11[%get3A_58, %get3A_59] : memref<128x128xf32, #tpu.memory_space<vmem>>, vector<128x128xf32>
    %dot_general3A_61 = arith.constant dense<0.000000e+00> : vector<400x128xf32>
    %dot_general3A_62 = tpu.matmul %max3A_55, %get3A_60, %dot_general3A_61 {dimension_numbers = #tpu.dot_dimension_numbers<[1], [0], [0], [1], [0, 0, 1, 1], [], []>, transpose_lhs_hint = false} : vector<400x128xf32>, vector<128x128xf32>, vector<400x128xf32> -> vector<400x128xf32>
    %get3A_63 = arith.constant 0 : index
    %get3A_64 = arith.constant 0 : index
    %get3A_65 = vector.load %arg12[%get3A_63, %get3A_64] : memref<1x128xf32, #tpu.memory_space<vmem>>, vector<1x128xf32>
    %add3A_66 = vector.broadcast %get3A_65 : vector<1x128xf32> to vector<400x128xf32>
    %add3A_67 = arith.addf %dot_general3A_62, %add3A_66 : vector<400x128xf32>
    %max3A_68 = arith.constant 0.000000e+00 : f32
    %max3A_69 = vector.broadcast %max3A_68 : f32 to vector<400x128xf32>
    %max3A_70 = arith.maximumf %add3A_67, %max3A_69 : vector<400x128xf32>
    %get3A_71 = arith.constant 0 : index
    %get3A_72 = arith.constant 0 : index
    %get3A_73 = vector.load %arg13[%get3A_71, %get3A_72] : memref<128x64xf32, #tpu.memory_space<vmem>>, vector<128x64xf32>
    %dot_general3A_74 = arith.constant dense<0.000000e+00> : vector<400x64xf32>
    %dot_general3A_75 = tpu.matmul %max3A_70, %get3A_73, %dot_general3A_74 {dimension_numbers = #tpu.dot_dimension_numbers<[1], [0], [0], [1], [0, 0, 1, 1], [], []>, transpose_lhs_hint = false} : vector<400x128xf32>, vector<128x64xf32>, vector<400x64xf32> -> vector<400x64xf32>
    %swap3A_76 = arith.constant 0 : index
    %swap3A_77 = arith.constant 0 : index
    %swap3A_78 = vector.load %arg15[%swap3A_76, %swap3A_77] : memref<400x64xf32, #tpu.memory_space<vmem>>, vector<400x64xf32>
    tpu.vector_store %arg15[%swap3A_76, %swap3A_77], %dot_general3A_75 {strides = array<i32>} : memref<400x64xf32, #tpu.memory_space<vmem>>, vector<400x64xf32>,
    return
  }
  func.func @transform_0(%arg0: i32) -> (i32, i32) {
    %c0_i32 = arith.constant 0 : i32
    %c0_i32_0 = arith.constant 0 : i32
    return %arg0, %c0_i32 : i32, i32
  }
  func.func @transform_1(%arg0: i32) -> (i32, i32) {
    %c0_i32 = arith.constant 0 : i32
    %c0_i32_0 = arith.constant 0 : i32
    return %arg0, %c0_i32 : i32, i32
  }
  func.func @transform_2(%arg0: i32) -> (i32, i32) {
    %c0_i32 = arith.constant 0 : i32
    %c0_i32_0 = arith.constant 0 : i32
    return %arg0, %c0_i32 : i32, i32
  }
  func.func @transform_3(%arg0: i32) -> (i32, i32) {
    %c0_i32 = arith.constant 0 : i32
    %c0_i32_0 = arith.constant 0 : i32
    %c0_i32_1 = arith.constant 0 : i32
    return %c0_i32, %c0_i32_0 : i32, i32
  }
  func.func @transform_4(%arg0: i32) -> (i32, i32) {
    %c0_i32 = arith.constant 0 : i32
    %c0_i32_0 = arith.constant 0 : i32
    %c0_i32_1 = arith.constant 0 : i32
    return %c0_i32, %c0_i32_0 : i32, i32
  }
  func.func @transform_5(%arg0: i32) -> (i32, i32) {
    %c0_i32 = arith.constant 0 : i32
    %c0_i32_0 = arith.constant 0 : i32
    %c0_i32_1 = arith.constant 0 : i32
    return %c0_i32, %c0_i32_0 : i32, i32
  }
  func.func @transform_6(%arg0: i32) -> (i32, i32) {
    %c0_i32 = arith.constant 0 : i32
    %c0_i32_0 = arith.constant 0 : i32
    %c0_i32_1 = arith.constant 0 : i32
    return %c0_i32, %c0_i32_0 : i32, i32
  }
  func.func @transform_7(%arg0: i32) -> (i32, i32) {
    %c0_i32 = arith.constant 0 : i32
    %c0_i32_0 = arith.constant 0 : i32
    %c0_i32_1 = arith.constant 0 : i32
    return %c0_i32, %c0_i32_0 : i32, i32
  }
  func.func @transform_8(%arg0: i32) -> (i32, i32) {
    %c0_i32 = arith.constant 0 : i32
    %c0_i32_0 = arith.constant 0 : i32
    %c0_i32_1 = arith.constant 0 : i32
    return %c0_i32, %c0_i32_0 : i32, i32
  }
  func.func @transform_9(%arg0: i32) -> (i32, i32) {
    %c0_i32 = arith.constant 0 : i32
    %c0_i32_0 = arith.constant 0 : i32
    %c0_i32_1 = arith.constant 0 : i32
    return %c0_i32, %c0_i32_0 : i32, i32
  }
  func.func @transform_10(%arg0: i32) -> (i32, i32) {
    %c0_i32 = arith.constant 0 : i32
    %c0_i32_0 = arith.constant 0 : i32
    %c0_i32_1 = arith.constant 0 : i32
    return %c0_i32, %c0_i32_0 : i32, i32
  }
  func.func @transform_11(%arg0: i32) -> (i32, i32) {
    %c0_i32 = arith.constant 0 : i32
    %c0_i32_0 = arith.constant 0 : i32
    %c0_i32_1 = arith.constant 0 : i32
    return %c0_i32, %c0_i32_0 : i32, i32
  }
  func.func @transform_12(%arg0: i32) -> (i32, i32) {
    %c0_i32 = arith.constant 0 : i32
    %c0_i32_0 = arith.constant 0 : i32
    %c0_i32_1 = arith.constant 0 : i32
    return %c0_i32, %c0_i32_0 : i32, i32
  }
  func.func @transform_13(%arg0: i32) -> (i32, i32) {
    %c0_i32 = arith.constant 0 : i32
    %c0_i32_0 = arith.constant 0 : i32
    return %arg0, %c0_i32 : i32, i32
  }
  func.func @transform_14(%arg0: i32) -> (i32, i32) {
    %c0_i32 = arith.constant 0 : i32
    %c0_i32_0 = arith.constant 0 : i32
    return %arg0, %c0_i32 : i32, i32
  }
}

module attributes {stable_mosaic.version = 14 : i64} {
  func.func @body(%arg0: i32, %arg1: memref<400x64xf32, #tpu.memory_space<vmem>>, %arg2: memref<400x16xf32, #tpu.memory_space<vmem>>, %arg3: memref<400x128xf32, #tpu.memory_space<vmem>>, %arg4: memref<128x64xf32, #tpu.memory_space<vmem>>, %arg5: memref<1x64xf32, #tpu.memory_space<vmem>>, %arg6: memref<64x64xf32, #tpu.memory_space<vmem>>, %arg7: memref<1x64xf32, #tpu.memory_space<vmem>>, %arg8: memref<64x64xf32, #tpu.memory_space<vmem>>, %arg9: memref<400x64xf32, #tpu.memory_space<vmem>>, %arg10: memref<400x64xf32, #tpu.memory_space<vmem>>) attributes {dimension_semantics = [#tpu.dimension_semantics<arbitrary>], iteration_bounds = array<i64: 125>, scalar_prefetch = 0 : i64, scratch_operands = 0 : i64, tpu.core_type = #tpu.core_type<tc>, window_params = [{transform_indices = @transform_0, window_bounds = array<i64: 400, 64>}, {transform_indices = @transform_1, window_bounds = array<i64: 400, 16>}, {transform_indices = @transform_2, window_bounds = array<i64: 400, 128>}, {pipeline_mode = #tpu.pipeline_mode<synchronous>, transform_indices = @transform_3, window_bounds = array<i64: 128, 64>}, {pipeline_mode = #tpu.pipeline_mode<synchronous>, transform_indices = @transform_4, window_bounds = array<i64: 1, 64>}, {pipeline_mode = #tpu.pipeline_mode<synchronous>, transform_indices = @transform_5, window_bounds = array<i64: 64, 64>}, {pipeline_mode = #tpu.pipeline_mode<synchronous>, transform_indices = @transform_6, window_bounds = array<i64: 1, 64>}, {pipeline_mode = #tpu.pipeline_mode<synchronous>, transform_indices = @transform_7, window_bounds = array<i64: 64, 64>}, {transform_indices = @transform_8, window_bounds = array<i64: 400, 64>}, {transform_indices = @transform_9, window_bounds = array<i64: 400, 64>}]} {
    %get3A = arith.constant 0 : index
    %get3A_0 = arith.constant 0 : index
    %get3A_1 = vector.load %arg3[%get3A, %get3A_0] : memref<400x128xf32, #tpu.memory_space<vmem>>, vector<400x128xf32>
    %get3A_2 = arith.constant 0 : index
    %get3A_3 = arith.constant 0 : index
    %get3A_4 = vector.load %arg2[%get3A_2, %get3A_3] : memref<400x16xf32, #tpu.memory_space<vmem>>, vector<400x16xf32>
    %slice3A = vector.extract_strided_slice %get3A_4 {offsets = [0, 0], sizes = [400, 1], strides = [1, 1]} : vector<400x16xf32> to vector<400x1xf32>
    %max3A = arith.constant 1.000000e+00 : f32
    %max3A_5 = vector.broadcast %max3A : f32 to vector<400x1xf32>
    %max3A_6 = arith.maximumf %slice3A, %max3A_5 : vector<400x1xf32>
    %get3A_7 = arith.constant 0 : index
    %get3A_8 = arith.constant 0 : index
    %get3A_9 = vector.load %arg1[%get3A_7, %get3A_8] : memref<400x64xf32, #tpu.memory_space<vmem>>, vector<400x64xf32>
    %div3A = vector.broadcast %max3A_6 : vector<400x1xf32> to vector<400x64xf32>
    %div3A_10 = arith.divf %get3A_9, %div3A : vector<400x64xf32>
    %get3A_11 = arith.constant 0 : index
    %get3A_12 = arith.constant 0 : index
    %get3A_13 = vector.load %arg5[%get3A_11, %get3A_12] : memref<1x64xf32, #tpu.memory_space<vmem>>, vector<1x64xf32>
    %add3A = vector.broadcast %get3A_13 : vector<1x64xf32> to vector<400x64xf32>
    %add3A_14 = arith.addf %div3A_10, %add3A : vector<400x64xf32>
    %get3A_15 = arith.constant 0 : index
    %get3A_16 = arith.constant 0 : index
    %get3A_17 = vector.load %arg4[%get3A_15, %get3A_16] : memref<128x64xf32, #tpu.memory_space<vmem>>, vector<128x64xf32>
    %dot_general3A = arith.constant dense<0.000000e+00> : vector<400x64xf32>
    %dot_general3A_18 = tpu.matmul %get3A_1, %get3A_17, %dot_general3A {dimension_numbers = #tpu.dot_dimension_numbers<[1], [0], [0], [1], [0, 0, 1, 1], [], []>, transpose_lhs_hint = false} : vector<400x128xf32>, vector<128x64xf32>, vector<400x64xf32> -> vector<400x64xf32>
    %add3A_19 = arith.addf %add3A_14, %dot_general3A_18 : vector<400x64xf32>
    %mul3A = arith.mulf %add3A_19, %add3A_19 : vector<400x64xf32>
    %reduce_sum3A = arith.constant dense<0.000000e+00> : vector<400xf32>
    %reduce_sum3A_20 = vector.multi_reduction <add>, %mul3A, %reduce_sum3A [1] : vector<400x64xf32> to vector<400xf32>
    %broadcast_in_dim3A = vector.shape_cast %reduce_sum3A_20 : vector<400xf32> to vector<400x1xf32>
    %sqrt3A = math.sqrt %broadcast_in_dim3A : vector<400x1xf32>
    %max3A_21 = arith.constant 9.99999996E-13 : f32
    %max3A_22 = vector.broadcast %max3A_21 : f32 to vector<400x1xf32>
    %max3A_23 = arith.maximumf %sqrt3A, %max3A_22 : vector<400x1xf32>
    %div3A_24 = vector.broadcast %max3A_23 : vector<400x1xf32> to vector<400x64xf32>
    %div3A_25 = arith.divf %add3A_19, %div3A_24 : vector<400x64xf32>
    %swap3A = arith.constant 0 : index
    %swap3A_26 = arith.constant 0 : index
    %swap3A_27 = vector.load %arg9[%swap3A, %swap3A_26] : memref<400x64xf32, #tpu.memory_space<vmem>>, vector<400x64xf32>
    tpu.vector_store %arg9[%swap3A, %swap3A_26], %div3A_25 {strides = array<i32>} : memref<400x64xf32, #tpu.memory_space<vmem>>, vector<400x64xf32>,
    %get3A_28 = arith.constant 0 : index
    %get3A_29 = arith.constant 0 : index
    %get3A_30 = vector.load %arg6[%get3A_28, %get3A_29] : memref<64x64xf32, #tpu.memory_space<vmem>>, vector<64x64xf32>
    %dot_general3A_31 = arith.constant dense<0.000000e+00> : vector<400x64xf32>
    %dot_general3A_32 = tpu.matmul %div3A_25, %get3A_30, %dot_general3A_31 {dimension_numbers = #tpu.dot_dimension_numbers<[1], [0], [0], [1], [0, 0, 1, 1], [], []>, transpose_lhs_hint = false} : vector<400x64xf32>, vector<64x64xf32>, vector<400x64xf32> -> vector<400x64xf32>
    %get3A_33 = arith.constant 0 : index
    %get3A_34 = arith.constant 0 : index
    %get3A_35 = vector.load %arg7[%get3A_33, %get3A_34] : memref<1x64xf32, #tpu.memory_space<vmem>>, vector<1x64xf32>
    %add3A_36 = vector.broadcast %get3A_35 : vector<1x64xf32> to vector<400x64xf32>
    %add3A_37 = arith.addf %dot_general3A_32, %add3A_36 : vector<400x64xf32>
    %max3A_38 = arith.constant 0.000000e+00 : f32
    %max3A_39 = vector.broadcast %max3A_38 : f32 to vector<400x64xf32>
    %max3A_40 = arith.maximumf %add3A_37, %max3A_39 : vector<400x64xf32>
    %get3A_41 = arith.constant 0 : index
    %get3A_42 = arith.constant 0 : index
    %get3A_43 = vector.load %arg8[%get3A_41, %get3A_42] : memref<64x64xf32, #tpu.memory_space<vmem>>, vector<64x64xf32>
    %dot_general3A_44 = arith.constant dense<0.000000e+00> : vector<400x64xf32>
    %dot_general3A_45 = tpu.matmul %max3A_40, %get3A_43, %dot_general3A_44 {dimension_numbers = #tpu.dot_dimension_numbers<[1], [0], [0], [1], [0, 0, 1, 1], [], []>, transpose_lhs_hint = false} : vector<400x64xf32>, vector<64x64xf32>, vector<400x64xf32> -> vector<400x64xf32>
    %swap3A_46 = arith.constant 0 : index
    %swap3A_47 = arith.constant 0 : index
    %swap3A_48 = vector.load %arg10[%swap3A_46, %swap3A_47] : memref<400x64xf32, #tpu.memory_space<vmem>>, vector<400x64xf32>
    tpu.vector_store %arg10[%swap3A_46, %swap3A_47], %dot_general3A_45 {strides = array<i32>} : memref<400x64xf32, #tpu.memory_space<vmem>>, vector<400x64xf32>,
    return
  }
  func.func @transform_0(%arg0: i32) -> (i32, i32) {
    %c0_i32 = arith.constant 0 : i32
    %c0_i32_0 = arith.constant 0 : i32
    return %arg0, %c0_i32 : i32, i32
  }
  func.func @transform_1(%arg0: i32) -> (i32, i32) {
    %c0_i32 = arith.constant 0 : i32
    %c0_i32_0 = arith.constant 0 : i32
    return %arg0, %c0_i32 : i32, i32
  }
  func.func @transform_2(%arg0: i32) -> (i32, i32) {
    %c0_i32 = arith.constant 0 : i32
    %c0_i32_0 = arith.constant 0 : i32
    return %arg0, %c0_i32 : i32, i32
  }
  func.func @transform_3(%arg0: i32) -> (i32, i32) {
    %c0_i32 = arith.constant 0 : i32
    %c0_i32_0 = arith.constant 0 : i32
    %c0_i32_1 = arith.constant 0 : i32
    return %c0_i32, %c0_i32_0 : i32, i32
  }
  func.func @transform_4(%arg0: i32) -> (i32, i32) {
    %c0_i32 = arith.constant 0 : i32
    %c0_i32_0 = arith.constant 0 : i32
    %c0_i32_1 = arith.constant 0 : i32
    return %c0_i32, %c0_i32_0 : i32, i32
  }
  func.func @transform_5(%arg0: i32) -> (i32, i32) {
    %c0_i32 = arith.constant 0 : i32
    %c0_i32_0 = arith.constant 0 : i32
    %c0_i32_1 = arith.constant 0 : i32
    return %c0_i32, %c0_i32_0 : i32, i32
  }
  func.func @transform_6(%arg0: i32) -> (i32, i32) {
    %c0_i32 = arith.constant 0 : i32
    %c0_i32_0 = arith.constant 0 : i32
    %c0_i32_1 = arith.constant 0 : i32
    return %c0_i32, %c0_i32_0 : i32, i32
  }
  func.func @transform_7(%arg0: i32) -> (i32, i32) {
    %c0_i32 = arith.constant 0 : i32
    %c0_i32_0 = arith.constant 0 : i32
    %c0_i32_1 = arith.constant 0 : i32
    return %c0_i32, %c0_i32_0 : i32, i32
  }
  func.func @transform_8(%arg0: i32) -> (i32, i32) {
    %c0_i32 = arith.constant 0 : i32
    %c0_i32_0 = arith.constant 0 : i32
    return %arg0, %c0_i32 : i32, i32
  }
  func.func @transform_9(%arg0: i32) -> (i32, i32) {
    %c0_i32 = arith.constant 0 : i32
    %c0_i32_0 = arith.constant 0 : i32
    return %arg0, %c0_i32 : i32, i32
  }
}

module attributes {stable_mosaic.version = 14 : i64} {
  func.func @body(%arg0: i32, %arg1: memref<400x64xf32, #tpu.memory_space<vmem>>, %arg2: memref<400x16xf32, #tpu.memory_space<vmem>>, %arg3: memref<400x64xf32, #tpu.memory_space<vmem>>, %arg4: memref<64x64xf32, #tpu.memory_space<vmem>>, %arg5: memref<1x64xf32, #tpu.memory_space<vmem>>, %arg6: memref<64x64xf32, #tpu.memory_space<vmem>>, %arg7: memref<1x64xf32, #tpu.memory_space<vmem>>, %arg8: memref<64x64xf32, #tpu.memory_space<vmem>>, %arg9: memref<400x64xf32, #tpu.memory_space<vmem>>, %arg10: memref<400x64xf32, #tpu.memory_space<vmem>>) attributes {dimension_semantics = [#tpu.dimension_semantics<arbitrary>], iteration_bounds = array<i64: 125>, scalar_prefetch = 0 : i64, scratch_operands = 0 : i64, tpu.core_type = #tpu.core_type<tc>, window_params = [{transform_indices = @transform_0, window_bounds = array<i64: 400, 64>}, {transform_indices = @transform_1, window_bounds = array<i64: 400, 16>}, {transform_indices = @transform_2, window_bounds = array<i64: 400, 64>}, {pipeline_mode = #tpu.pipeline_mode<synchronous>, transform_indices = @transform_3, window_bounds = array<i64: 64, 64>}, {pipeline_mode = #tpu.pipeline_mode<synchronous>, transform_indices = @transform_4, window_bounds = array<i64: 1, 64>}, {pipeline_mode = #tpu.pipeline_mode<synchronous>, transform_indices = @transform_5, window_bounds = array<i64: 64, 64>}, {pipeline_mode = #tpu.pipeline_mode<synchronous>, transform_indices = @transform_6, window_bounds = array<i64: 1, 64>}, {pipeline_mode = #tpu.pipeline_mode<synchronous>, transform_indices = @transform_7, window_bounds = array<i64: 64, 64>}, {transform_indices = @transform_8, window_bounds = array<i64: 400, 64>}, {transform_indices = @transform_9, window_bounds = array<i64: 400, 64>}]} {
    %get3A = arith.constant 0 : index
    %get3A_0 = arith.constant 0 : index
    %get3A_1 = vector.load %arg3[%get3A, %get3A_0] : memref<400x64xf32, #tpu.memory_space<vmem>>, vector<400x64xf32>
    %get3A_2 = arith.constant 0 : index
    %get3A_3 = arith.constant 0 : index
    %get3A_4 = vector.load %arg2[%get3A_2, %get3A_3] : memref<400x16xf32, #tpu.memory_space<vmem>>, vector<400x16xf32>
    %slice3A = vector.extract_strided_slice %get3A_4 {offsets = [0, 0], sizes = [400, 1], strides = [1, 1]} : vector<400x16xf32> to vector<400x1xf32>
    %max3A = arith.constant 1.000000e+00 : f32
    %max3A_5 = vector.broadcast %max3A : f32 to vector<400x1xf32>
    %max3A_6 = arith.maximumf %slice3A, %max3A_5 : vector<400x1xf32>
    %get3A_7 = arith.constant 0 : index
    %get3A_8 = arith.constant 0 : index
    %get3A_9 = vector.load %arg1[%get3A_7, %get3A_8] : memref<400x64xf32, #tpu.memory_space<vmem>>, vector<400x64xf32>
    %div3A = vector.broadcast %max3A_6 : vector<400x1xf32> to vector<400x64xf32>
    %div3A_10 = arith.divf %get3A_9, %div3A : vector<400x64xf32>
    %get3A_11 = arith.constant 0 : index
    %get3A_12 = arith.constant 0 : index
    %get3A_13 = vector.load %arg5[%get3A_11, %get3A_12] : memref<1x64xf32, #tpu.memory_space<vmem>>, vector<1x64xf32>
    %add3A = vector.broadcast %get3A_13 : vector<1x64xf32> to vector<400x64xf32>
    %add3A_14 = arith.addf %div3A_10, %add3A : vector<400x64xf32>
    %get3A_15 = arith.constant 0 : index
    %get3A_16 = arith.constant 0 : index
    %get3A_17 = vector.load %arg4[%get3A_15, %get3A_16] : memref<64x64xf32, #tpu.memory_space<vmem>>, vector<64x64xf32>
    %dot_general3A = arith.constant dense<0.000000e+00> : vector<400x64xf32>
    %dot_general3A_18 = tpu.matmul %get3A_1, %get3A_17, %dot_general3A {dimension_numbers = #tpu.dot_dimension_numbers<[1], [0], [0], [1], [0, 0, 1, 1], [], []>, transpose_lhs_hint = false} : vector<400x64xf32>, vector<64x64xf32>, vector<400x64xf32> -> vector<400x64xf32>
    %add3A_19 = arith.addf %add3A_14, %dot_general3A_18 : vector<400x64xf32>
    %mul3A = arith.mulf %add3A_19, %add3A_19 : vector<400x64xf32>
    %reduce_sum3A = arith.constant dense<0.000000e+00> : vector<400xf32>
    %reduce_sum3A_20 = vector.multi_reduction <add>, %mul3A, %reduce_sum3A [1] : vector<400x64xf32> to vector<400xf32>
    %broadcast_in_dim3A = vector.shape_cast %reduce_sum3A_20 : vector<400xf32> to vector<400x1xf32>
    %sqrt3A = math.sqrt %broadcast_in_dim3A : vector<400x1xf32>
    %max3A_21 = arith.constant 9.99999996E-13 : f32
    %max3A_22 = vector.broadcast %max3A_21 : f32 to vector<400x1xf32>
    %max3A_23 = arith.maximumf %sqrt3A, %max3A_22 : vector<400x1xf32>
    %div3A_24 = vector.broadcast %max3A_23 : vector<400x1xf32> to vector<400x64xf32>
    %div3A_25 = arith.divf %add3A_19, %div3A_24 : vector<400x64xf32>
    %swap3A = arith.constant 0 : index
    %swap3A_26 = arith.constant 0 : index
    %swap3A_27 = vector.load %arg9[%swap3A, %swap3A_26] : memref<400x64xf32, #tpu.memory_space<vmem>>, vector<400x64xf32>
    tpu.vector_store %arg9[%swap3A, %swap3A_26], %div3A_25 {strides = array<i32>} : memref<400x64xf32, #tpu.memory_space<vmem>>, vector<400x64xf32>,
    %get3A_28 = arith.constant 0 : index
    %get3A_29 = arith.constant 0 : index
    %get3A_30 = vector.load %arg6[%get3A_28, %get3A_29] : memref<64x64xf32, #tpu.memory_space<vmem>>, vector<64x64xf32>
    %dot_general3A_31 = arith.constant dense<0.000000e+00> : vector<400x64xf32>
    %dot_general3A_32 = tpu.matmul %div3A_25, %get3A_30, %dot_general3A_31 {dimension_numbers = #tpu.dot_dimension_numbers<[1], [0], [0], [1], [0, 0, 1, 1], [], []>, transpose_lhs_hint = false} : vector<400x64xf32>, vector<64x64xf32>, vector<400x64xf32> -> vector<400x64xf32>
    %get3A_33 = arith.constant 0 : index
    %get3A_34 = arith.constant 0 : index
    %get3A_35 = vector.load %arg7[%get3A_33, %get3A_34] : memref<1x64xf32, #tpu.memory_space<vmem>>, vector<1x64xf32>
    %add3A_36 = vector.broadcast %get3A_35 : vector<1x64xf32> to vector<400x64xf32>
    %add3A_37 = arith.addf %dot_general3A_32, %add3A_36 : vector<400x64xf32>
    %max3A_38 = arith.constant 0.000000e+00 : f32
    %max3A_39 = vector.broadcast %max3A_38 : f32 to vector<400x64xf32>
    %max3A_40 = arith.maximumf %add3A_37, %max3A_39 : vector<400x64xf32>
    %get3A_41 = arith.constant 0 : index
    %get3A_42 = arith.constant 0 : index
    %get3A_43 = vector.load %arg8[%get3A_41, %get3A_42] : memref<64x64xf32, #tpu.memory_space<vmem>>, vector<64x64xf32>
    %dot_general3A_44 = arith.constant dense<0.000000e+00> : vector<400x64xf32>
    %dot_general3A_45 = tpu.matmul %max3A_40, %get3A_43, %dot_general3A_44 {dimension_numbers = #tpu.dot_dimension_numbers<[1], [0], [0], [1], [0, 0, 1, 1], [], []>, transpose_lhs_hint = false} : vector<400x64xf32>, vector<64x64xf32>, vector<400x64xf32> -> vector<400x64xf32>
    %swap3A_46 = arith.constant 0 : index
    %swap3A_47 = arith.constant 0 : index
    %swap3A_48 = vector.load %arg10[%swap3A_46, %swap3A_47] : memref<400x64xf32, #tpu.memory_space<vmem>>, vector<400x64xf32>
    tpu.vector_store %arg10[%swap3A_46, %swap3A_47], %dot_general3A_45 {strides = array<i32>} : memref<400x64xf32, #tpu.memory_space<vmem>>, vector<400x64xf32>,
    return
  }
  func.func @transform_0(%arg0: i32) -> (i32, i32) {
    %c0_i32 = arith.constant 0 : i32
    %c0_i32_0 = arith.constant 0 : i32
    return %arg0, %c0_i32 : i32, i32
  }
  func.func @transform_1(%arg0: i32) -> (i32, i32) {
    %c0_i32 = arith.constant 0 : i32
    %c0_i32_0 = arith.constant 0 : i32
    return %arg0, %c0_i32 : i32, i32
  }
  func.func @transform_2(%arg0: i32) -> (i32, i32) {
    %c0_i32 = arith.constant 0 : i32
    %c0_i32_0 = arith.constant 0 : i32
    return %arg0, %c0_i32 : i32, i32
  }
  func.func @transform_3(%arg0: i32) -> (i32, i32) {
    %c0_i32 = arith.constant 0 : i32
    %c0_i32_0 = arith.constant 0 : i32
    %c0_i32_1 = arith.constant 0 : i32
    return %c0_i32, %c0_i32_0 : i32, i32
  }
  func.func @transform_4(%arg0: i32) -> (i32, i32) {
    %c0_i32 = arith.constant 0 : i32
    %c0_i32_0 = arith.constant 0 : i32
    %c0_i32_1 = arith.constant 0 : i32
    return %c0_i32, %c0_i32_0 : i32, i32
  }
  func.func @transform_5(%arg0: i32) -> (i32, i32) {
    %c0_i32 = arith.constant 0 : i32
    %c0_i32_0 = arith.constant 0 : i32
    %c0_i32_1 = arith.constant 0 : i32
    return %c0_i32, %c0_i32_0 : i32, i32
  }
  func.func @transform_6(%arg0: i32) -> (i32, i32) {
    %c0_i32 = arith.constant 0 : i32
    %c0_i32_0 = arith.constant 0 : i32
    %c0_i32_1 = arith.constant 0 : i32
    return %c0_i32, %c0_i32_0 : i32, i32
  }
  func.func @transform_7(%arg0: i32) -> (i32, i32) {
    %c0_i32 = arith.constant 0 : i32
    %c0_i32_0 = arith.constant 0 : i32
    %c0_i32_1 = arith.constant 0 : i32
    return %c0_i32, %c0_i32_0 : i32, i32
  }
  func.func @transform_8(%arg0: i32) -> (i32, i32) {
    %c0_i32 = arith.constant 0 : i32
    %c0_i32_0 = arith.constant 0 : i32
    return %arg0, %c0_i32 : i32, i32
  }
  func.func @transform_9(%arg0: i32) -> (i32, i32) {
    %c0_i32 = arith.constant 0 : i32
    %c0_i32_0 = arith.constant 0 : i32
    return %arg0, %c0_i32 : i32, i32
  }
}

module attributes {stable_mosaic.version = 14 : i64} {
  func.func @body(%arg0: i32, %arg1: memref<400x64xf32, #tpu.memory_space<vmem>>, %arg2: memref<400x16xf32, #tpu.memory_space<vmem>>, %arg3: memref<400x64xf32, #tpu.memory_space<vmem>>, %arg4: memref<64x64xf32, #tpu.memory_space<vmem>>, %arg5: memref<1x64xf32, #tpu.memory_space<vmem>>, %arg6: memref<400x8xf32, #tpu.memory_space<vmem>>, %arg7: memref<8x128xf32, #tpu.memory_space<vmem>>, %arg8: memref<16x128xf32, #tpu.memory_space<vmem>>, %arg9: memref<16x64xf32, #tpu.memory_space<vmem>>, %arg10: memref<16x64xf32, #tpu.memory_space<vmem>>, %arg11: memref<16x128xf32, #tpu.memory_space<vmem>>) attributes {dimension_semantics = [#tpu.dimension_semantics<arbitrary>], iteration_bounds = array<i64: 125>, scalar_prefetch = 0 : i64, scratch_operands = 3 : i64, tpu.core_type = #tpu.core_type<tc>, window_params = [{transform_indices = @transform_0, window_bounds = array<i64: 400, 64>}, {transform_indices = @transform_1, window_bounds = array<i64: 400, 16>}, {transform_indices = @transform_2, window_bounds = array<i64: 400, 64>}, {pipeline_mode = #tpu.pipeline_mode<synchronous>, transform_indices = @transform_3, window_bounds = array<i64: 64, 64>}, {pipeline_mode = #tpu.pipeline_mode<synchronous>, transform_indices = @transform_4, window_bounds = array<i64: 1, 64>}, {transform_indices = @transform_5, window_bounds = array<i64: 400, 8>}, {pipeline_mode = #tpu.pipeline_mode<synchronous>, transform_indices = @transform_6, window_bounds = array<i64: 8, 128>}, {pipeline_mode = #tpu.pipeline_mode<synchronous>, transform_indices = @transform_7, window_bounds = array<i64: 16, 128>}]} {
    %eq3A = arith.constant 0 : i32
    %eq3A_0 = arith.cmpi eq, %arg0, %eq3A : i32
    %convert_element_type3A = arith.extui %eq3A_0 : i1 to i32
    %cond3A = arith.constant 0 : i32
    %cond3A_1 = arith.cmpi ne, %convert_element_type3A, %cond3A : i32
    scf.if %cond3A_1 {
      %broadcast_in_dim3A_346 = arith.constant -3.400000e+38 : f32
      %broadcast_in_dim3A_347 = vector.broadcast %broadcast_in_dim3A_346 : f32 to vector<16x64xf32>
      %swap3A_348 = arith.constant 0 : index
      %swap3A_349 = arith.constant 0 : index
      %swap3A_350 = vector.load %arg9[%swap3A_348, %swap3A_349] : memref<16x64xf32, #tpu.memory_space<vmem>>, vector<16x64xf32>
      tpu.vector_store %arg9[%swap3A_348, %swap3A_349], %broadcast_in_dim3A_347 {strides = array<i32>} : memref<16x64xf32, #tpu.memory_space<vmem>>, vector<16x64xf32>,
      %broadcast_in_dim3A_351 = arith.constant 0.000000e+00 : f32
      %broadcast_in_dim3A_352 = vector.broadcast %broadcast_in_dim3A_351 : f32 to vector<16x64xf32>
      %swap3A_353 = arith.constant 0 : index
      %swap3A_354 = arith.constant 0 : index
      %swap3A_355 = vector.load %arg10[%swap3A_353, %swap3A_354] : memref<16x64xf32, #tpu.memory_space<vmem>>, vector<16x64xf32>
      tpu.vector_store %arg10[%swap3A_353, %swap3A_354], %broadcast_in_dim3A_352 {strides = array<i32>} : memref<16x64xf32, #tpu.memory_space<vmem>>, vector<16x64xf32>,
      %broadcast_in_dim3A_356 = arith.constant 0.000000e+00 : f32
      %broadcast_in_dim3A_357 = vector.broadcast %broadcast_in_dim3A_356 : f32 to vector<16x128xf32>
      %swap3A_358 = arith.constant 0 : index
      %swap3A_359 = arith.constant 0 : index
      %swap3A_360 = vector.load %arg11[%swap3A_358, %swap3A_359] : memref<16x128xf32, #tpu.memory_space<vmem>>, vector<16x128xf32>
      tpu.vector_store %arg11[%swap3A_358, %swap3A_359], %broadcast_in_dim3A_357 {strides = array<i32>} : memref<16x128xf32, #tpu.memory_space<vmem>>, vector<16x128xf32>,
    } else {
    }
    %get3A = arith.constant 0 : index
    %get3A_2 = arith.constant 0 : index
    %get3A_3 = vector.load %arg3[%get3A, %get3A_2] : memref<400x64xf32, #tpu.memory_space<vmem>>, vector<400x64xf32>
    %get3A_4 = arith.constant 0 : index
    %get3A_5 = arith.constant 0 : index
    %get3A_6 = vector.load %arg2[%get3A_4, %get3A_5] : memref<400x16xf32, #tpu.memory_space<vmem>>, vector<400x16xf32>
    %slice3A = vector.extract_strided_slice %get3A_6 {offsets = [0, 0], sizes = [400, 1], strides = [1, 1]} : vector<400x16xf32> to vector<400x1xf32>
    %max3A = arith.constant 1.000000e+00 : f32
    %max3A_7 = vector.broadcast %max3A : f32 to vector<400x1xf32>
    %max3A_8 = arith.maximumf %slice3A, %max3A_7 : vector<400x1xf32>
    %get3A_9 = arith.constant 0 : index
    %get3A_10 = arith.constant 0 : index
    %get3A_11 = vector.load %arg1[%get3A_9, %get3A_10] : memref<400x64xf32, #tpu.memory_space<vmem>>, vector<400x64xf32>
    %div3A = vector.broadcast %max3A_8 : vector<400x1xf32> to vector<400x64xf32>
    %div3A_12 = arith.divf %get3A_11, %div3A : vector<400x64xf32>
    %get3A_13 = arith.constant 0 : index
    %get3A_14 = arith.constant 0 : index
    %get3A_15 = vector.load %arg5[%get3A_13, %get3A_14] : memref<1x64xf32, #tpu.memory_space<vmem>>, vector<1x64xf32>
    %add3A = vector.broadcast %get3A_15 : vector<1x64xf32> to vector<400x64xf32>
    %add3A_16 = arith.addf %div3A_12, %add3A : vector<400x64xf32>
    %get3A_17 = arith.constant 0 : index
    %get3A_18 = arith.constant 0 : index
    %get3A_19 = vector.load %arg4[%get3A_17, %get3A_18] : memref<64x64xf32, #tpu.memory_space<vmem>>, vector<64x64xf32>
    %dot_general3A = arith.constant dense<0.000000e+00> : vector<400x64xf32>
    %dot_general3A_20 = tpu.matmul %get3A_3, %get3A_19, %dot_general3A {dimension_numbers = #tpu.dot_dimension_numbers<[1], [0], [0], [1], [0, 0, 1, 1], [], []>, transpose_lhs_hint = false} : vector<400x64xf32>, vector<64x64xf32>, vector<400x64xf32> -> vector<400x64xf32>
    %add3A_21 = arith.addf %add3A_16, %dot_general3A_20 : vector<400x64xf32>
    %mul3A = arith.mulf %add3A_21, %add3A_21 : vector<400x64xf32>
    %reduce_sum3A = arith.constant dense<0.000000e+00> : vector<400xf32>
    %reduce_sum3A_22 = vector.multi_reduction <add>, %mul3A, %reduce_sum3A [1] : vector<400x64xf32> to vector<400xf32>
    %broadcast_in_dim3A = vector.shape_cast %reduce_sum3A_22 : vector<400xf32> to vector<400x1xf32>
    %sqrt3A = math.sqrt %broadcast_in_dim3A : vector<400x1xf32>
    %max3A_23 = arith.constant 9.99999996E-13 : f32
    %max3A_24 = vector.broadcast %max3A_23 : f32 to vector<400x1xf32>
    %max3A_25 = arith.maximumf %sqrt3A, %max3A_24 : vector<400x1xf32>
    %div3A_26 = vector.broadcast %max3A_25 : vector<400x1xf32> to vector<400x64xf32>
    %div3A_27 = arith.divf %add3A_21, %div3A_26 : vector<400x64xf32>
    %get3A_28 = arith.constant 0 : index
    %get3A_29 = arith.constant 0 : index
    %get3A_30 = vector.load %arg6[%get3A_28, %get3A_29] : memref<400x8xf32, #tpu.memory_space<vmem>>, vector<400x8xf32>
    %slice3A_31 = vector.extract_strided_slice %get3A_30 {offsets = [0, 2], sizes = [400, 1], strides = [1, 1]} : vector<400x8xf32> to vector<400x1xf32>
    %convert_element_type3A_32 = arith.fptosi %slice3A_31 : vector<400x1xf32> to vector<400x1xi32>
    %iota3A = tpu.iota {dimensions = array<i32: 1>} : vector<400x16xi32>
    %eq3A_33 = vector.broadcast %convert_element_type3A_32 : vector<400x1xi32> to vector<400x16xi32>
    %eq3A_34 = arith.cmpi eq, %iota3A, %eq3A_33 : vector<400x16xi32>
    %convert_element_type3A_35 = arith.extui %eq3A_34 : vector<400x16xi1> to vector<400x16xi32>
    %convert_element_type3A_36 = arith.sitofp %convert_element_type3A_35 : vector<400x16xi32> to vector<400x16xf32>
    %get3A_37 = arith.constant 0 : index
    %get3A_38 = arith.constant 0 : index
    %get3A_39 = vector.load %arg10[%get3A_37, %get3A_38] : memref<16x64xf32, #tpu.memory_space<vmem>>, vector<16x64xf32>
    %dot_general3A_40 = arith.constant dense<0.000000e+00> : vector<16x64xf32>
    %dot_general3A_41 = tpu.matmul %convert_element_type3A_36, %div3A_27, %dot_general3A_40 {dimension_numbers = #tpu.dot_dimension_numbers<[0], [0], [1], [1], [0, 1, 1, 1], [], []>, transpose_lhs_hint = false} : vector<400x16xf32>, vector<400x64xf32>, vector<16x64xf32> -> vector<16x64xf32>
    %add3A_42 = arith.addf %get3A_39, %dot_general3A_41 : vector<16x64xf32>
    %swap3A = arith.constant 0 : index
    %swap3A_43 = arith.constant 0 : index
    %swap3A_44 = vector.load %arg10[%swap3A, %swap3A_43] : memref<16x64xf32, #tpu.memory_space<vmem>>, vector<16x64xf32>
    tpu.vector_store %arg10[%swap3A, %swap3A_43], %add3A_42 {strides = array<i32>} : memref<16x64xf32, #tpu.memory_space<vmem>>, vector<16x64xf32>,
    %get3A_45 = arith.constant 0 : index
    %get3A_46 = arith.constant 0 : index
    %get3A_47 = vector.load %arg11[%get3A_45, %get3A_46] : memref<16x128xf32, #tpu.memory_space<vmem>>, vector<16x128xf32>
    %broadcast_in_dim3A_48 = arith.constant 1.000000e+00 : f32
    %broadcast_in_dim3A_49 = vector.broadcast %broadcast_in_dim3A_48 : f32 to vector<400x128xf32>
    %dot_general3A_50 = arith.constant dense<0.000000e+00> : vector<16x128xf32>
    %dot_general3A_51 = tpu.matmul %convert_element_type3A_36, %broadcast_in_dim3A_49, %dot_general3A_50 {dimension_numbers = #tpu.dot_dimension_numbers<[0], [0], [1], [1], [0, 1, 1, 1], [], []>, transpose_lhs_hint = false} : vector<400x16xf32>, vector<400x128xf32>, vector<16x128xf32> -> vector<16x128xf32>
    %add3A_52 = arith.addf %get3A_47, %dot_general3A_51 : vector<16x128xf32>
    %swap3A_53 = arith.constant 0 : index
    %swap3A_54 = arith.constant 0 : index
    %swap3A_55 = vector.load %arg11[%swap3A_53, %swap3A_54] : memref<16x128xf32, #tpu.memory_space<vmem>>, vector<16x128xf32>
    tpu.vector_store %arg11[%swap3A_53, %swap3A_54], %add3A_52 {strides = array<i32>} : memref<16x128xf32, #tpu.memory_space<vmem>>, vector<16x128xf32>,
    %eq3A_56 = arith.constant 0 : i32
    %eq3A_57 = vector.broadcast %eq3A_56 : i32 to vector<400x1xi32>
    %eq3A_58 = arith.cmpi eq, %convert_element_type3A_32, %eq3A_57 : vector<400x1xi32>
    %jit3A = arith.constant -3.400000e+38 : f32
    %broadcast_in_dim3A_59 = vector.shape_cast %eq3A_58 : vector<400x1xi1> to vector<400x1xi1>
    %broadcast_in_dim3A_60 = vector.broadcast %broadcast_in_dim3A_59 : vector<400x1xi1> to vector<400x64xi1>
    %broadcast_in_dim3A_61 = vector.broadcast %jit3A : f32 to vector<400x64xf32>
    %select_n3A = arith.select %broadcast_in_dim3A_60, %div3A_27, %broadcast_in_dim3A_61 : vector<400x64xi1>, vector<400x64xf32>
    %reduce_max3A = arith.constant dense<0xFF800000> : vector<64xf32>
    %reduce_max3A_62 = vector.multi_reduction <maximumf>, %select_n3A, %reduce_max3A [0] : vector<400x64xf32> to vector<64xf32>
    %broadcast_in_dim3A_63 = vector.shape_cast %reduce_max3A_62 : vector<64xf32> to vector<1x64xf32>
    %get3A_64 = arith.constant 0 : index
    %get3A_65 = arith.constant 0 : index
    %get3A_66 = vector.load %arg9[%get3A_64, %get3A_65] : memref<16x64xf32, #tpu.memory_space<vmem>>, vector<1x64xf32>
    %max3A_67 = arith.maximumf %get3A_66, %broadcast_in_dim3A_63 : vector<1x64xf32>
    %swap3A_68 = arith.constant 0 : index
    %swap3A_69 = arith.constant 0 : index
    %swap3A_70 = vector.load %arg9[%swap3A_68, %swap3A_69] : memref<16x64xf32, #tpu.memory_space<vmem>>, vector<1x64xf32>
    tpu.vector_store %arg9[%swap3A_68, %swap3A_69], %max3A_67 {strides = array<i32>} : memref<16x64xf32, #tpu.memory_space<vmem>>, vector<1x64xf32>,
    %eq3A_71 = arith.constant 1 : i32
    %eq3A_72 = vector.broadcast %eq3A_71 : i32 to vector<400x1xi32>
    %eq3A_73 = arith.cmpi eq, %convert_element_type3A_32, %eq3A_72 : vector<400x1xi32>
    %jit3A_74 = arith.constant -3.400000e+38 : f32
    %broadcast_in_dim3A_75 = vector.shape_cast %eq3A_73 : vector<400x1xi1> to vector<400x1xi1>
    %broadcast_in_dim3A_76 = vector.broadcast %broadcast_in_dim3A_75 : vector<400x1xi1> to vector<400x64xi1>
    %broadcast_in_dim3A_77 = vector.broadcast %jit3A_74 : f32 to vector<400x64xf32>
    %select_n3A_78 = arith.select %broadcast_in_dim3A_76, %div3A_27, %broadcast_in_dim3A_77 : vector<400x64xi1>, vector<400x64xf32>
    %reduce_max3A_79 = arith.constant dense<0xFF800000> : vector<64xf32>
    %reduce_max3A_80 = vector.multi_reduction <maximumf>, %select_n3A_78, %reduce_max3A_79 [0] : vector<400x64xf32> to vector<64xf32>
    %broadcast_in_dim3A_81 = vector.shape_cast %reduce_max3A_80 : vector<64xf32> to vector<1x64xf32>
    %get3A_82 = arith.constant 1 : index
    %get3A_83 = arith.constant 0 : index
    %get3A_84 = vector.load %arg9[%get3A_82, %get3A_83] : memref<16x64xf32, #tpu.memory_space<vmem>>, vector<1x64xf32>
    %max3A_85 = arith.maximumf %get3A_84, %broadcast_in_dim3A_81 : vector<1x64xf32>
    %swap3A_86 = arith.constant 1 : index
    %swap3A_87 = arith.constant 0 : index
    %swap3A_88 = vector.load %arg9[%swap3A_86, %swap3A_87] : memref<16x64xf32, #tpu.memory_space<vmem>>, vector<1x64xf32>
    tpu.vector_store %arg9[%swap3A_86, %swap3A_87], %max3A_85 {strides = array<i32>} : memref<16x64xf32, #tpu.memory_space<vmem>>, vector<1x64xf32>,
    %eq3A_89 = arith.constant 2 : i32
    %eq3A_90 = vector.broadcast %eq3A_89 : i32 to vector<400x1xi32>
    %eq3A_91 = arith.cmpi eq, %convert_element_type3A_32, %eq3A_90 : vector<400x1xi32>
    %jit3A_92 = arith.constant -3.400000e+38 : f32
    %broadcast_in_dim3A_93 = vector.shape_cast %eq3A_91 : vector<400x1xi1> to vector<400x1xi1>
    %broadcast_in_dim3A_94 = vector.broadcast %broadcast_in_dim3A_93 : vector<400x1xi1> to vector<400x64xi1>
    %broadcast_in_dim3A_95 = vector.broadcast %jit3A_92 : f32 to vector<400x64xf32>
    %select_n3A_96 = arith.select %broadcast_in_dim3A_94, %div3A_27, %broadcast_in_dim3A_95 : vector<400x64xi1>, vector<400x64xf32>
    %reduce_max3A_97 = arith.constant dense<0xFF800000> : vector<64xf32>
    %reduce_max3A_98 = vector.multi_reduction <maximumf>, %select_n3A_96, %reduce_max3A_97 [0] : vector<400x64xf32> to vector<64xf32>
    %broadcast_in_dim3A_99 = vector.shape_cast %reduce_max3A_98 : vector<64xf32> to vector<1x64xf32>
    %get3A_100 = arith.constant 2 : index
    %get3A_101 = arith.constant 0 : index
    %get3A_102 = vector.load %arg9[%get3A_100, %get3A_101] : memref<16x64xf32, #tpu.memory_space<vmem>>, vector<1x64xf32>
    %max3A_103 = arith.maximumf %get3A_102, %broadcast_in_dim3A_99 : vector<1x64xf32>
    %swap3A_104 = arith.constant 2 : index
    %swap3A_105 = arith.constant 0 : index
    %swap3A_106 = vector.load %arg9[%swap3A_104, %swap3A_105] : memref<16x64xf32, #tpu.memory_space<vmem>>, vector<1x64xf32>
    tpu.vector_store %arg9[%swap3A_104, %swap3A_105], %max3A_103 {strides = array<i32>} : memref<16x64xf32, #tpu.memory_space<vmem>>, vector<1x64xf32>,
    %eq3A_107 = arith.constant 3 : i32
    %eq3A_108 = vector.broadcast %eq3A_107 : i32 to vector<400x1xi32>
    %eq3A_109 = arith.cmpi eq, %convert_element_type3A_32, %eq3A_108 : vector<400x1xi32>
    %jit3A_110 = arith.constant -3.400000e+38 : f32
    %broadcast_in_dim3A_111 = vector.shape_cast %eq3A_109 : vector<400x1xi1> to vector<400x1xi1>
    %broadcast_in_dim3A_112 = vector.broadcast %broadcast_in_dim3A_111 : vector<400x1xi1> to vector<400x64xi1>
    %broadcast_in_dim3A_113 = vector.broadcast %jit3A_110 : f32 to vector<400x64xf32>
    %select_n3A_114 = arith.select %broadcast_in_dim3A_112, %div3A_27, %broadcast_in_dim3A_113 : vector<400x64xi1>, vector<400x64xf32>
    %reduce_max3A_115 = arith.constant dense<0xFF800000> : vector<64xf32>
    %reduce_max3A_116 = vector.multi_reduction <maximumf>, %select_n3A_114, %reduce_max3A_115 [0] : vector<400x64xf32> to vector<64xf32>
    %broadcast_in_dim3A_117 = vector.shape_cast %reduce_max3A_116 : vector<64xf32> to vector<1x64xf32>
    %get3A_118 = arith.constant 3 : index
    %get3A_119 = arith.constant 0 : index
    %get3A_120 = vector.load %arg9[%get3A_118, %get3A_119] : memref<16x64xf32, #tpu.memory_space<vmem>>, vector<1x64xf32>
    %max3A_121 = arith.maximumf %get3A_120, %broadcast_in_dim3A_117 : vector<1x64xf32>
    %swap3A_122 = arith.constant 3 : index
    %swap3A_123 = arith.constant 0 : index
    %swap3A_124 = vector.load %arg9[%swap3A_122, %swap3A_123] : memref<16x64xf32, #tpu.memory_space<vmem>>, vector<1x64xf32>
    tpu.vector_store %arg9[%swap3A_122, %swap3A_123], %max3A_121 {strides = array<i32>} : memref<16x64xf32, #tpu.memory_space<vmem>>, vector<1x64xf32>,
    %eq3A_125 = arith.constant 4 : i32
    %eq3A_126 = vector.broadcast %eq3A_125 : i32 to vector<400x1xi32>
    %eq3A_127 = arith.cmpi eq, %convert_element_type3A_32, %eq3A_126 : vector<400x1xi32>
    %jit3A_128 = arith.constant -3.400000e+38 : f32
    %broadcast_in_dim3A_129 = vector.shape_cast %eq3A_127 : vector<400x1xi1> to vector<400x1xi1>
    %broadcast_in_dim3A_130 = vector.broadcast %broadcast_in_dim3A_129 : vector<400x1xi1> to vector<400x64xi1>
    %broadcast_in_dim3A_131 = vector.broadcast %jit3A_128 : f32 to vector<400x64xf32>
    %select_n3A_132 = arith.select %broadcast_in_dim3A_130, %div3A_27, %broadcast_in_dim3A_131 : vector<400x64xi1>, vector<400x64xf32>
    %reduce_max3A_133 = arith.constant dense<0xFF800000> : vector<64xf32>
    %reduce_max3A_134 = vector.multi_reduction <maximumf>, %select_n3A_132, %reduce_max3A_133 [0] : vector<400x64xf32> to vector<64xf32>
    %broadcast_in_dim3A_135 = vector.shape_cast %reduce_max3A_134 : vector<64xf32> to vector<1x64xf32>
    %get3A_136 = arith.constant 4 : index
    %get3A_137 = arith.constant 0 : index
    %get3A_138 = vector.load %arg9[%get3A_136, %get3A_137] : memref<16x64xf32, #tpu.memory_space<vmem>>, vector<1x64xf32>
    %max3A_139 = arith.maximumf %get3A_138, %broadcast_in_dim3A_135 : vector<1x64xf32>
    %swap3A_140 = arith.constant 4 : index
    %swap3A_141 = arith.constant 0 : index
    %swap3A_142 = vector.load %arg9[%swap3A_140, %swap3A_141] : memref<16x64xf32, #tpu.memory_space<vmem>>, vector<1x64xf32>
    tpu.vector_store %arg9[%swap3A_140, %swap3A_141], %max3A_139 {strides = array<i32>} : memref<16x64xf32, #tpu.memory_space<vmem>>, vector<1x64xf32>,
    %eq3A_143 = arith.constant 5 : i32
    %eq3A_144 = vector.broadcast %eq3A_143 : i32 to vector<400x1xi32>
    %eq3A_145 = arith.cmpi eq, %convert_element_type3A_32, %eq3A_144 : vector<400x1xi32>
    %jit3A_146 = arith.constant -3.400000e+38 : f32
    %broadcast_in_dim3A_147 = vector.shape_cast %eq3A_145 : vector<400x1xi1> to vector<400x1xi1>
    %broadcast_in_dim3A_148 = vector.broadcast %broadcast_in_dim3A_147 : vector<400x1xi1> to vector<400x64xi1>
    %broadcast_in_dim3A_149 = vector.broadcast %jit3A_146 : f32 to vector<400x64xf32>
    %select_n3A_150 = arith.select %broadcast_in_dim3A_148, %div3A_27, %broadcast_in_dim3A_149 : vector<400x64xi1>, vector<400x64xf32>
    %reduce_max3A_151 = arith.constant dense<0xFF800000> : vector<64xf32>
    %reduce_max3A_152 = vector.multi_reduction <maximumf>, %select_n3A_150, %reduce_max3A_151 [0] : vector<400x64xf32> to vector<64xf32>
    %broadcast_in_dim3A_153 = vector.shape_cast %reduce_max3A_152 : vector<64xf32> to vector<1x64xf32>
    %get3A_154 = arith.constant 5 : index
    %get3A_155 = arith.constant 0 : index
    %get3A_156 = vector.load %arg9[%get3A_154, %get3A_155] : memref<16x64xf32, #tpu.memory_space<vmem>>, vector<1x64xf32>
    %max3A_157 = arith.maximumf %get3A_156, %broadcast_in_dim3A_153 : vector<1x64xf32>
    %swap3A_158 = arith.constant 5 : index
    %swap3A_159 = arith.constant 0 : index
    %swap3A_160 = vector.load %arg9[%swap3A_158, %swap3A_159] : memref<16x64xf32, #tpu.memory_space<vmem>>, vector<1x64xf32>
    tpu.vector_store %arg9[%swap3A_158, %swap3A_159], %max3A_157 {strides = array<i32>} : memref<16x64xf32, #tpu.memory_space<vmem>>, vector<1x64xf32>,
    %eq3A_161 = arith.constant 6 : i32
    %eq3A_162 = vector.broadcast %eq3A_161 : i32 to vector<400x1xi32>
    %eq3A_163 = arith.cmpi eq, %convert_element_type3A_32, %eq3A_162 : vector<400x1xi32>
    %jit3A_164 = arith.constant -3.400000e+38 : f32
    %broadcast_in_dim3A_165 = vector.shape_cast %eq3A_163 : vector<400x1xi1> to vector<400x1xi1>
    %broadcast_in_dim3A_166 = vector.broadcast %broadcast_in_dim3A_165 : vector<400x1xi1> to vector<400x64xi1>
    %broadcast_in_dim3A_167 = vector.broadcast %jit3A_164 : f32 to vector<400x64xf32>
    %select_n3A_168 = arith.select %broadcast_in_dim3A_166, %div3A_27, %broadcast_in_dim3A_167 : vector<400x64xi1>, vector<400x64xf32>
    %reduce_max3A_169 = arith.constant dense<0xFF800000> : vector<64xf32>
    %reduce_max3A_170 = vector.multi_reduction <maximumf>, %select_n3A_168, %reduce_max3A_169 [0] : vector<400x64xf32> to vector<64xf32>
    %broadcast_in_dim3A_171 = vector.shape_cast %reduce_max3A_170 : vector<64xf32> to vector<1x64xf32>
    %get3A_172 = arith.constant 6 : index
    %get3A_173 = arith.constant 0 : index
    %get3A_174 = vector.load %arg9[%get3A_172, %get3A_173] : memref<16x64xf32, #tpu.memory_space<vmem>>, vector<1x64xf32>
    %max3A_175 = arith.maximumf %get3A_174, %broadcast_in_dim3A_171 : vector<1x64xf32>
    %swap3A_176 = arith.constant 6 : index
    %swap3A_177 = arith.constant 0 : index
    %swap3A_178 = vector.load %arg9[%swap3A_176, %swap3A_177] : memref<16x64xf32, #tpu.memory_space<vmem>>, vector<1x64xf32>
    tpu.vector_store %arg9[%swap3A_176, %swap3A_177], %max3A_175 {strides = array<i32>} : memref<16x64xf32, #tpu.memory_space<vmem>>, vector<1x64xf32>,
    %eq3A_179 = arith.constant 7 : i32
    %eq3A_180 = vector.broadcast %eq3A_179 : i32 to vector<400x1xi32>
    %eq3A_181 = arith.cmpi eq, %convert_element_type3A_32, %eq3A_180 : vector<400x1xi32>
    %jit3A_182 = arith.constant -3.400000e+38 : f32
    %broadcast_in_dim3A_183 = vector.shape_cast %eq3A_181 : vector<400x1xi1> to vector<400x1xi1>
    %broadcast_in_dim3A_184 = vector.broadcast %broadcast_in_dim3A_183 : vector<400x1xi1> to vector<400x64xi1>
    %broadcast_in_dim3A_185 = vector.broadcast %jit3A_182 : f32 to vector<400x64xf32>
    %select_n3A_186 = arith.select %broadcast_in_dim3A_184, %div3A_27, %broadcast_in_dim3A_185 : vector<400x64xi1>, vector<400x64xf32>
    %reduce_max3A_187 = arith.constant dense<0xFF800000> : vector<64xf32>
    %reduce_max3A_188 = vector.multi_reduction <maximumf>, %select_n3A_186, %reduce_max3A_187 [0] : vector<400x64xf32> to vector<64xf32>
    %broadcast_in_dim3A_189 = vector.shape_cast %reduce_max3A_188 : vector<64xf32> to vector<1x64xf32>
    %get3A_190 = arith.constant 7 : index
    %get3A_191 = arith.constant 0 : index
    %get3A_192 = vector.load %arg9[%get3A_190, %get3A_191] : memref<16x64xf32, #tpu.memory_space<vmem>>, vector<1x64xf32>
    %max3A_193 = arith.maximumf %get3A_192, %broadcast_in_dim3A_189 : vector<1x64xf32>
    %swap3A_194 = arith.constant 7 : index
    %swap3A_195 = arith.constant 0 : index
    %swap3A_196 = vector.load %arg9[%swap3A_194, %swap3A_195] : memref<16x64xf32, #tpu.memory_space<vmem>>, vector<1x64xf32>
    tpu.vector_store %arg9[%swap3A_194, %swap3A_195], %max3A_193 {strides = array<i32>} : memref<16x64xf32, #tpu.memory_space<vmem>>, vector<1x64xf32>,
    %eq3A_197 = arith.constant 8 : i32
    %eq3A_198 = vector.broadcast %eq3A_197 : i32 to vector<400x1xi32>
    %eq3A_199 = arith.cmpi eq, %convert_element_type3A_32, %eq3A_198 : vector<400x1xi32>
    %jit3A_200 = arith.constant -3.400000e+38 : f32
    %broadcast_in_dim3A_201 = vector.shape_cast %eq3A_199 : vector<400x1xi1> to vector<400x1xi1>
    %broadcast_in_dim3A_202 = vector.broadcast %broadcast_in_dim3A_201 : vector<400x1xi1> to vector<400x64xi1>
    %broadcast_in_dim3A_203 = vector.broadcast %jit3A_200 : f32 to vector<400x64xf32>
    %select_n3A_204 = arith.select %broadcast_in_dim3A_202, %div3A_27, %broadcast_in_dim3A_203 : vector<400x64xi1>, vector<400x64xf32>
    %reduce_max3A_205 = arith.constant dense<0xFF800000> : vector<64xf32>
    %reduce_max3A_206 = vector.multi_reduction <maximumf>, %select_n3A_204, %reduce_max3A_205 [0] : vector<400x64xf32> to vector<64xf32>
    %broadcast_in_dim3A_207 = vector.shape_cast %reduce_max3A_206 : vector<64xf32> to vector<1x64xf32>
    %get3A_208 = arith.constant 8 : index
    %get3A_209 = arith.constant 0 : index
    %get3A_210 = vector.load %arg9[%get3A_208, %get3A_209] : memref<16x64xf32, #tpu.memory_space<vmem>>, vector<1x64xf32>
    %max3A_211 = arith.maximumf %get3A_210, %broadcast_in_dim3A_207 : vector<1x64xf32>
    %swap3A_212 = arith.constant 8 : index
    %swap3A_213 = arith.constant 0 : index
    %swap3A_214 = vector.load %arg9[%swap3A_212, %swap3A_213] : memref<16x64xf32, #tpu.memory_space<vmem>>, vector<1x64xf32>
    tpu.vector_store %arg9[%swap3A_212, %swap3A_213], %max3A_211 {strides = array<i32>} : memref<16x64xf32, #tpu.memory_space<vmem>>, vector<1x64xf32>,
    %eq3A_215 = arith.constant 9 : i32
    %eq3A_216 = vector.broadcast %eq3A_215 : i32 to vector<400x1xi32>
    %eq3A_217 = arith.cmpi eq, %convert_element_type3A_32, %eq3A_216 : vector<400x1xi32>
    %jit3A_218 = arith.constant -3.400000e+38 : f32
    %broadcast_in_dim3A_219 = vector.shape_cast %eq3A_217 : vector<400x1xi1> to vector<400x1xi1>
    %broadcast_in_dim3A_220 = vector.broadcast %broadcast_in_dim3A_219 : vector<400x1xi1> to vector<400x64xi1>
    %broadcast_in_dim3A_221 = vector.broadcast %jit3A_218 : f32 to vector<400x64xf32>
    %select_n3A_222 = arith.select %broadcast_in_dim3A_220, %div3A_27, %broadcast_in_dim3A_221 : vector<400x64xi1>, vector<400x64xf32>
    %reduce_max3A_223 = arith.constant dense<0xFF800000> : vector<64xf32>
    %reduce_max3A_224 = vector.multi_reduction <maximumf>, %select_n3A_222, %reduce_max3A_223 [0] : vector<400x64xf32> to vector<64xf32>
    %broadcast_in_dim3A_225 = vector.shape_cast %reduce_max3A_224 : vector<64xf32> to vector<1x64xf32>
    %get3A_226 = arith.constant 9 : index
    %get3A_227 = arith.constant 0 : index
    %get3A_228 = vector.load %arg9[%get3A_226, %get3A_227] : memref<16x64xf32, #tpu.memory_space<vmem>>, vector<1x64xf32>
    %max3A_229 = arith.maximumf %get3A_228, %broadcast_in_dim3A_225 : vector<1x64xf32>
    %swap3A_230 = arith.constant 9 : index
    %swap3A_231 = arith.constant 0 : index
    %swap3A_232 = vector.load %arg9[%swap3A_230, %swap3A_231] : memref<16x64xf32, #tpu.memory_space<vmem>>, vector<1x64xf32>
    tpu.vector_store %arg9[%swap3A_230, %swap3A_231], %max3A_229 {strides = array<i32>} : memref<16x64xf32, #tpu.memory_space<vmem>>, vector<1x64xf32>,
    %eq3A_233 = arith.constant 10 : i32
    %eq3A_234 = vector.broadcast %eq3A_233 : i32 to vector<400x1xi32>
    %eq3A_235 = arith.cmpi eq, %convert_element_type3A_32, %eq3A_234 : vector<400x1xi32>
    %jit3A_236 = arith.constant -3.400000e+38 : f32
    %broadcast_in_dim3A_237 = vector.shape_cast %eq3A_235 : vector<400x1xi1> to vector<400x1xi1>
    %broadcast_in_dim3A_238 = vector.broadcast %broadcast_in_dim3A_237 : vector<400x1xi1> to vector<400x64xi1>
    %broadcast_in_dim3A_239 = vector.broadcast %jit3A_236 : f32 to vector<400x64xf32>
    %select_n3A_240 = arith.select %broadcast_in_dim3A_238, %div3A_27, %broadcast_in_dim3A_239 : vector<400x64xi1>, vector<400x64xf32>
    %reduce_max3A_241 = arith.constant dense<0xFF800000> : vector<64xf32>
    %reduce_max3A_242 = vector.multi_reduction <maximumf>, %select_n3A_240, %reduce_max3A_241 [0] : vector<400x64xf32> to vector<64xf32>
    %broadcast_in_dim3A_243 = vector.shape_cast %reduce_max3A_242 : vector<64xf32> to vector<1x64xf32>
    %get3A_244 = arith.constant 10 : index
    %get3A_245 = arith.constant 0 : index
    %get3A_246 = vector.load %arg9[%get3A_244, %get3A_245] : memref<16x64xf32, #tpu.memory_space<vmem>>, vector<1x64xf32>
    %max3A_247 = arith.maximumf %get3A_246, %broadcast_in_dim3A_243 : vector<1x64xf32>
    %swap3A_248 = arith.constant 10 : index
    %swap3A_249 = arith.constant 0 : index
    %swap3A_250 = vector.load %arg9[%swap3A_248, %swap3A_249] : memref<16x64xf32, #tpu.memory_space<vmem>>, vector<1x64xf32>
    tpu.vector_store %arg9[%swap3A_248, %swap3A_249], %max3A_247 {strides = array<i32>} : memref<16x64xf32, #tpu.memory_space<vmem>>, vector<1x64xf32>,
    %eq3A_251 = arith.constant 11 : i32
    %eq3A_252 = vector.broadcast %eq3A_251 : i32 to vector<400x1xi32>
    %eq3A_253 = arith.cmpi eq, %convert_element_type3A_32, %eq3A_252 : vector<400x1xi32>
    %jit3A_254 = arith.constant -3.400000e+38 : f32
    %broadcast_in_dim3A_255 = vector.shape_cast %eq3A_253 : vector<400x1xi1> to vector<400x1xi1>
    %broadcast_in_dim3A_256 = vector.broadcast %broadcast_in_dim3A_255 : vector<400x1xi1> to vector<400x64xi1>
    %broadcast_in_dim3A_257 = vector.broadcast %jit3A_254 : f32 to vector<400x64xf32>
    %select_n3A_258 = arith.select %broadcast_in_dim3A_256, %div3A_27, %broadcast_in_dim3A_257 : vector<400x64xi1>, vector<400x64xf32>
    %reduce_max3A_259 = arith.constant dense<0xFF800000> : vector<64xf32>
    %reduce_max3A_260 = vector.multi_reduction <maximumf>, %select_n3A_258, %reduce_max3A_259 [0] : vector<400x64xf32> to vector<64xf32>
    %broadcast_in_dim3A_261 = vector.shape_cast %reduce_max3A_260 : vector<64xf32> to vector<1x64xf32>
    %get3A_262 = arith.constant 11 : index
    %get3A_263 = arith.constant 0 : index
    %get3A_264 = vector.load %arg9[%get3A_262, %get3A_263] : memref<16x64xf32, #tpu.memory_space<vmem>>, vector<1x64xf32>
    %max3A_265 = arith.maximumf %get3A_264, %broadcast_in_dim3A_261 : vector<1x64xf32>
    %swap3A_266 = arith.constant 11 : index
    %swap3A_267 = arith.constant 0 : index
    %swap3A_268 = vector.load %arg9[%swap3A_266, %swap3A_267] : memref<16x64xf32, #tpu.memory_space<vmem>>, vector<1x64xf32>
    tpu.vector_store %arg9[%swap3A_266, %swap3A_267], %max3A_265 {strides = array<i32>} : memref<16x64xf32, #tpu.memory_space<vmem>>, vector<1x64xf32>,
    %eq3A_269 = arith.constant 12 : i32
    %eq3A_270 = vector.broadcast %eq3A_269 : i32 to vector<400x1xi32>
    %eq3A_271 = arith.cmpi eq, %convert_element_type3A_32, %eq3A_270 : vector<400x1xi32>
    %jit3A_272 = arith.constant -3.400000e+38 : f32
    %broadcast_in_dim3A_273 = vector.shape_cast %eq3A_271 : vector<400x1xi1> to vector<400x1xi1>
    %broadcast_in_dim3A_274 = vector.broadcast %broadcast_in_dim3A_273 : vector<400x1xi1> to vector<400x64xi1>
    %broadcast_in_dim3A_275 = vector.broadcast %jit3A_272 : f32 to vector<400x64xf32>
    %select_n3A_276 = arith.select %broadcast_in_dim3A_274, %div3A_27, %broadcast_in_dim3A_275 : vector<400x64xi1>, vector<400x64xf32>
    %reduce_max3A_277 = arith.constant dense<0xFF800000> : vector<64xf32>
    %reduce_max3A_278 = vector.multi_reduction <maximumf>, %select_n3A_276, %reduce_max3A_277 [0] : vector<400x64xf32> to vector<64xf32>
    %broadcast_in_dim3A_279 = vector.shape_cast %reduce_max3A_278 : vector<64xf32> to vector<1x64xf32>
    %get3A_280 = arith.constant 12 : index
    %get3A_281 = arith.constant 0 : index
    %get3A_282 = vector.load %arg9[%get3A_280, %get3A_281] : memref<16x64xf32, #tpu.memory_space<vmem>>, vector<1x64xf32>
    %max3A_283 = arith.maximumf %get3A_282, %broadcast_in_dim3A_279 : vector<1x64xf32>
    %swap3A_284 = arith.constant 12 : index
    %swap3A_285 = arith.constant 0 : index
    %swap3A_286 = vector.load %arg9[%swap3A_284, %swap3A_285] : memref<16x64xf32, #tpu.memory_space<vmem>>, vector<1x64xf32>
    tpu.vector_store %arg9[%swap3A_284, %swap3A_285], %max3A_283 {strides = array<i32>} : memref<16x64xf32, #tpu.memory_space<vmem>>, vector<1x64xf32>,
    %eq3A_287 = arith.constant 13 : i32
    %eq3A_288 = vector.broadcast %eq3A_287 : i32 to vector<400x1xi32>
    %eq3A_289 = arith.cmpi eq, %convert_element_type3A_32, %eq3A_288 : vector<400x1xi32>
    %jit3A_290 = arith.constant -3.400000e+38 : f32
    %broadcast_in_dim3A_291 = vector.shape_cast %eq3A_289 : vector<400x1xi1> to vector<400x1xi1>
    %broadcast_in_dim3A_292 = vector.broadcast %broadcast_in_dim3A_291 : vector<400x1xi1> to vector<400x64xi1>
    %broadcast_in_dim3A_293 = vector.broadcast %jit3A_290 : f32 to vector<400x64xf32>
    %select_n3A_294 = arith.select %broadcast_in_dim3A_292, %div3A_27, %broadcast_in_dim3A_293 : vector<400x64xi1>, vector<400x64xf32>
    %reduce_max3A_295 = arith.constant dense<0xFF800000> : vector<64xf32>
    %reduce_max3A_296 = vector.multi_reduction <maximumf>, %select_n3A_294, %reduce_max3A_295 [0] : vector<400x64xf32> to vector<64xf32>
    %broadcast_in_dim3A_297 = vector.shape_cast %reduce_max3A_296 : vector<64xf32> to vector<1x64xf32>
    %get3A_298 = arith.constant 13 : index
    %get3A_299 = arith.constant 0 : index
    %get3A_300 = vector.load %arg9[%get3A_298, %get3A_299] : memref<16x64xf32, #tpu.memory_space<vmem>>, vector<1x64xf32>
    %max3A_301 = arith.maximumf %get3A_300, %broadcast_in_dim3A_297 : vector<1x64xf32>
    %swap3A_302 = arith.constant 13 : index
    %swap3A_303 = arith.constant 0 : index
    %swap3A_304 = vector.load %arg9[%swap3A_302, %swap3A_303] : memref<16x64xf32, #tpu.memory_space<vmem>>, vector<1x64xf32>
    tpu.vector_store %arg9[%swap3A_302, %swap3A_303], %max3A_301 {strides = array<i32>} : memref<16x64xf32, #tpu.memory_space<vmem>>, vector<1x64xf32>,
    %eq3A_305 = arith.constant 14 : i32
    %eq3A_306 = vector.broadcast %eq3A_305 : i32 to vector<400x1xi32>
    %eq3A_307 = arith.cmpi eq, %convert_element_type3A_32, %eq3A_306 : vector<400x1xi32>
    %jit3A_308 = arith.constant -3.400000e+38 : f32
    %broadcast_in_dim3A_309 = vector.shape_cast %eq3A_307 : vector<400x1xi1> to vector<400x1xi1>
    %broadcast_in_dim3A_310 = vector.broadcast %broadcast_in_dim3A_309 : vector<400x1xi1> to vector<400x64xi1>
    %broadcast_in_dim3A_311 = vector.broadcast %jit3A_308 : f32 to vector<400x64xf32>
    %select_n3A_312 = arith.select %broadcast_in_dim3A_310, %div3A_27, %broadcast_in_dim3A_311 : vector<400x64xi1>, vector<400x64xf32>
    %reduce_max3A_313 = arith.constant dense<0xFF800000> : vector<64xf32>
    %reduce_max3A_314 = vector.multi_reduction <maximumf>, %select_n3A_312, %reduce_max3A_313 [0] : vector<400x64xf32> to vector<64xf32>
    %broadcast_in_dim3A_315 = vector.shape_cast %reduce_max3A_314 : vector<64xf32> to vector<1x64xf32>
    %get3A_316 = arith.constant 14 : index
    %get3A_317 = arith.constant 0 : index
    %get3A_318 = vector.load %arg9[%get3A_316, %get3A_317] : memref<16x64xf32, #tpu.memory_space<vmem>>, vector<1x64xf32>
    %max3A_319 = arith.maximumf %get3A_318, %broadcast_in_dim3A_315 : vector<1x64xf32>
    %swap3A_320 = arith.constant 14 : index
    %swap3A_321 = arith.constant 0 : index
    %swap3A_322 = vector.load %arg9[%swap3A_320, %swap3A_321] : memref<16x64xf32, #tpu.memory_space<vmem>>, vector<1x64xf32>
    tpu.vector_store %arg9[%swap3A_320, %swap3A_321], %max3A_319 {strides = array<i32>} : memref<16x64xf32, #tpu.memory_space<vmem>>, vector<1x64xf32>,
    %eq3A_323 = arith.constant 15 : i32
    %eq3A_324 = vector.broadcast %eq3A_323 : i32 to vector<400x1xi32>
    %eq3A_325 = arith.cmpi eq, %convert_element_type3A_32, %eq3A_324 : vector<400x1xi32>
    %jit3A_326 = arith.constant -3.400000e+38 : f32
    %broadcast_in_dim3A_327 = vector.shape_cast %eq3A_325 : vector<400x1xi1> to vector<400x1xi1>
    %broadcast_in_dim3A_328 = vector.broadcast %broadcast_in_dim3A_327 : vector<400x1xi1> to vector<400x64xi1>
    %broadcast_in_dim3A_329 = vector.broadcast %jit3A_326 : f32 to vector<400x64xf32>
    %select_n3A_330 = arith.select %broadcast_in_dim3A_328, %div3A_27, %broadcast_in_dim3A_329 : vector<400x64xi1>, vector<400x64xf32>
    %reduce_max3A_331 = arith.constant dense<0xFF800000> : vector<64xf32>
    %reduce_max3A_332 = vector.multi_reduction <maximumf>, %select_n3A_330, %reduce_max3A_331 [0] : vector<400x64xf32> to vector<64xf32>
    %broadcast_in_dim3A_333 = vector.shape_cast %reduce_max3A_332 : vector<64xf32> to vector<1x64xf32>
    %get3A_334 = arith.constant 15 : index
    %get3A_335 = arith.constant 0 : index
    %get3A_336 = vector.load %arg9[%get3A_334, %get3A_335] : memref<16x64xf32, #tpu.memory_space<vmem>>, vector<1x64xf32>
    %max3A_337 = arith.maximumf %get3A_336, %broadcast_in_dim3A_333 : vector<1x64xf32>
    %swap3A_338 = arith.constant 15 : index
    %swap3A_339 = arith.constant 0 : index
    %swap3A_340 = vector.load %arg9[%swap3A_338, %swap3A_339] : memref<16x64xf32, #tpu.memory_space<vmem>>, vector<1x64xf32>
    tpu.vector_store %arg9[%swap3A_338, %swap3A_339], %max3A_337 {strides = array<i32>} : memref<16x64xf32, #tpu.memory_space<vmem>>, vector<1x64xf32>,
    %eq3A_341 = arith.constant 124 : i32
    %eq3A_342 = arith.cmpi eq, %arg0, %eq3A_341 : i32
    %convert_element_type3A_343 = arith.extui %eq3A_342 : i1 to i32
    %cond3A_344 = arith.constant 0 : i32
    %cond3A_345 = arith.cmpi ne, %convert_element_type3A_343, %cond3A_344 : i32
    scf.if %cond3A_345 {
      %get3A_346 = arith.constant 0 : index
      %get3A_347 = arith.constant 0 : index
      %get3A_348 = vector.load %arg11[%get3A_346, %get3A_347] : memref<16x128xf32, #tpu.memory_space<vmem>>, vector<16x128xf32>
      %slice3A_349 = vector.extract_strided_slice %get3A_348 {offsets = [0, 0], sizes = [16, 1], strides = [1, 1]} : vector<16x128xf32> to vector<16x1xf32>
      %max3A_350 = arith.constant 1.000000e+00 : f32
      %max3A_351 = vector.broadcast %max3A_350 : f32 to vector<16x1xf32>
      %max3A_352 = arith.maximumf %slice3A_349, %max3A_351 : vector<16x1xf32>
      %get3A_353 = arith.constant 0 : index
      %get3A_354 = arith.constant 0 : index
      %get3A_355 = vector.load %arg9[%get3A_353, %get3A_354] : memref<16x64xf32, #tpu.memory_space<vmem>>, vector<16x64xf32>
      %get3A_356 = arith.constant 0 : index
      %get3A_357 = arith.constant 0 : index
      %get3A_358 = vector.load %arg10[%get3A_356, %get3A_357] : memref<16x64xf32, #tpu.memory_space<vmem>>, vector<16x64xf32>
      %div3A_359 = vector.broadcast %max3A_352 : vector<16x1xf32> to vector<16x64xf32>
      %div3A_360 = arith.divf %get3A_358, %div3A_359 : vector<16x64xf32>
      %add3A_361 = arith.addf %get3A_355, %div3A_360 : vector<16x64xf32>
      %mul3A_362 = arith.mulf %add3A_361, %add3A_361 : vector<16x64xf32>
      %reduce_sum3A_363 = arith.constant dense<0.000000e+00> : vector<16xf32>
      %reduce_sum3A_364 = vector.multi_reduction <add>, %mul3A_362, %reduce_sum3A_363 [1] : vector<16x64xf32> to vector<16xf32>
      %broadcast_in_dim3A_365 = vector.shape_cast %reduce_sum3A_364 : vector<16xf32> to vector<16x1xf32>
      %sqrt3A_366 = math.sqrt %broadcast_in_dim3A_365 : vector<16x1xf32>
      %div3A_367 = vector.broadcast %sqrt3A_366 : vector<16x1xf32> to vector<16x64xf32>
      %div3A_368 = arith.divf %add3A_361, %div3A_367 : vector<16x64xf32>
      %get3A_369 = arith.constant 0 : index
      %get3A_370 = arith.constant 0 : index
      %get3A_371 = vector.load %arg7[%get3A_369, %get3A_370] : memref<8x128xf32, #tpu.memory_space<vmem>>, vector<8x128xf32>
      %slice3A_372 = vector.extract_strided_slice %get3A_371 {offsets = [0, 0], sizes = [1, 64], strides = [1, 1]} : vector<8x128xf32> to vector<1x64xf32>
      %get3A_373 = arith.constant 0 : index
      %get3A_374 = arith.constant 0 : index
      %get3A_375 = vector.load %arg7[%get3A_373, %get3A_374] : memref<8x128xf32, #tpu.memory_space<vmem>>, vector<8x128xf32>
      %slice3A_376 = vector.extract_strided_slice %get3A_375 {offsets = [1, 0], sizes = [1, 1], strides = [1, 1]} : vector<8x128xf32> to vector<1x1xf32>
      %mul3A_377 = vector.broadcast %slice3A_372 : vector<1x64xf32> to vector<16x64xf32>
      %mul3A_378 = arith.mulf %div3A_368, %mul3A_377 : vector<16x64xf32>
      %reduce_sum3A_379 = arith.constant dense<0.000000e+00> : vector<16xf32>
      %reduce_sum3A_380 = vector.multi_reduction <add>, %mul3A_378, %reduce_sum3A_379 [1] : vector<16x64xf32> to vector<16xf32>
      %broadcast_in_dim3A_381 = vector.shape_cast %reduce_sum3A_380 : vector<16xf32> to vector<16x1xf32>
      %add3A_382 = vector.broadcast %slice3A_376 : vector<1x1xf32> to vector<16x1xf32>
      %add3A_383 = arith.addf %broadcast_in_dim3A_381, %add3A_382 : vector<16x1xf32>
      %broadcast_in_dim3A_384 = vector.shape_cast %add3A_383 : vector<16x1xf32> to vector<16x1xf32>
      %broadcast_in_dim3A_385 = vector.broadcast %broadcast_in_dim3A_384 : vector<16x1xf32> to vector<16x128xf32>
      %swap3A_386 = arith.constant 0 : index
      %swap3A_387 = arith.constant 0 : index
      %swap3A_388 = vector.load %arg8[%swap3A_386, %swap3A_387] : memref<16x128xf32, #tpu.memory_space<vmem>>, vector<16x128xf32>
      tpu.vector_store %arg8[%swap3A_386, %swap3A_387], %broadcast_in_dim3A_385 {strides = array<i32>} : memref<16x128xf32, #tpu.memory_space<vmem>>, vector<16x128xf32>,
    } else {
    }
    return
  }
  func.func @transform_0(%arg0: i32) -> (i32, i32) {
    %c0_i32 = arith.constant 0 : i32
    %c0_i32_0 = arith.constant 0 : i32
    return %arg0, %c0_i32 : i32, i32
  }
  func.func @transform_1(%arg0: i32) -> (i32, i32) {
    %c0_i32 = arith.constant 0 : i32
    %c0_i32_0 = arith.constant 0 : i32
    return %arg0, %c0_i32 : i32, i32
  }
  func.func @transform_2(%arg0: i32) -> (i32, i32) {
    %c0_i32 = arith.constant 0 : i32
    %c0_i32_0 = arith.constant 0 : i32
    return %arg0, %c0_i32 : i32, i32
  }
  func.func @transform_3(%arg0: i32) -> (i32, i32) {
    %c0_i32 = arith.constant 0 : i32
    %c0_i32_0 = arith.constant 0 : i32
    %c0_i32_1 = arith.constant 0 : i32
    return %c0_i32, %c0_i32_0 : i32, i32
  }
  func.func @transform_4(%arg0: i32) -> (i32, i32) {
    %c0_i32 = arith.constant 0 : i32
    %c0_i32_0 = arith.constant 0 : i32
    %c0_i32_1 = arith.constant 0 : i32
    return %c0_i32, %c0_i32_0 : i32, i32
  }
  func.func @transform_5(%arg0: i32) -> (i32, i32) {
    %c0_i32 = arith.constant 0 : i32
    %c0_i32_0 = arith.constant 0 : i32
    return %arg0, %c0_i32 : i32, i32
  }
  func.func @transform_6(%arg0: i32) -> (i32, i32) {
    %c0_i32 = arith.constant 0 : i32
    %c0_i32_0 = arith.constant 0 : i32
    %c0_i32_1 = arith.constant 0 : i32
    return %c0_i32, %c0_i32_0 : i32, i32
  }
  func.func @transform_7(%arg0: i32) -> (i32, i32) {
    %c0_i32 = arith.constant 0 : i32
    %c0_i32_0 = arith.constant 0 : i32
    %c0_i32_1 = arith.constant 0 : i32
    return %c0_i32, %c0_i32_0 : i32, i32
  }
}

</mosaic_0001>

<sc_bundles>
// kernel: kernel.10.cloned.1.call-start
scs
__scs_entry_jumppad:
0x0: {  	(pc) =	sbr.rel $0x88, $3  }
0x1: {  	(tag) =	ssettag $0x0;
	lr =	simm.s32 $0x1  }
0x2: {  	[smem:$0x3F87] =	sst lr;
	_ =	strace $0xD0000000  }
0x3: {  	_ = 	snop  }
0x4: {  	_ = 	snop  }
0x5: {  	_ = 	snop  }
0x6: {  	_ = 	snop  }
0x7: {  	_ = 	snop  }
__scs_overlays_trampoline_lowered:
0x8: {  	[smem:$0x3F96] =	sst s0  }
0x9: {  	[smem:$0x3F97] =	sst s1  }
0xa: {  	[smem:$0x3F98] =	sst s2  }
0xb: {  	[smem:$0x3F99] =	sst s3  }
0xc: {  	[smem:$0x3F9A] =	sst s4  }
0xd: {  	[smem:$0x3F9B] =	sst s5  }
0xe: {  	[smem:$0x3F9C] =	sst s6  }
0xf: {  	[smem:$0x3F9D] =	sst s7  }
0x10: {  	[smem:$0x3F9E] =	sst s8  }
0x11: {  	[smem:$0x3F9F] =	sst s9;
	s0 =	simm.s32 @!p0 $0x0  }
0x12: {  	s1 =	sld [smem:$0x3F85];
	s0 =	simm.s32 @p0 $0x1  }
0x13: {  	[smem:$0x3FA0] =	sst s0;
	s0 =	simm.s32 @!p1 $0x0  }
0x14: {  	s2 =	sld [smem:$0x3F84];
	s0 =	simm.s32 @p1 $0x1  }
0x15: {  	[smem:$0x3FA1] =	sst s0;
	s0 =	simm.s32 @!p2 $0x0  }
0x16: {  	s3 =	sld [smem:$0x3FDB];
	s0 =	simm.s32 @p2 $0x1  }
0x17: {  	s4 =	simm.s32 $0x1BF5;
	[smem:$0x3FA3] =	sst s0  }
0x18: {  	s0 =	sld [smem:$0x3F86];
	_ =	swait.ge [sflag:s4], $0x0  }
0x19: {  	s7 =	sld [smem:$0x3F87]  }
0x1a: {  	s8 =	sadd.s32 $0xFFFFE003, lr  }
0x1b: {  	s9 =	sadd.s32 $0xFFFFFEF7, lr;
	s5 =	simm.s32 $0xFFFFFFFF;
	p2 =	slt.u32 s8, $0xFFFFF086  }
0x1c: {  	p1 =	slt.u32 s9, $0xF7A;
	s5 =	simm.s32 @!p2 $0x0  }
0x1d: {  	s5 =	simm.s32 @p1 $0x1;
	p0 =	seq.s32 s7, s2  }
0x1e: {  	s7 =	smul.u32 @!p0 $0xF7A, s2;
	p2 =	seq.s32 @!p0 s5, $0x0  }
0x1f: {  	s9 =	smul.u32 $0xF7A, s1;
	s8 =	simm.s32 @!p0 $0x1BF5;
	p2 =	por !p2, p0  }
0x20: {  	[sflag:s8] =	ssyncset.s32 @!p0 $0xFFFFF086;
	s6 =	sadd.s32 @!p0 s3, s7;
	s7 =	simm.s32 @!p0 $0x108  }
0x21: {  	s3 =	sadd.s32 s3, s9;
	s6 =	sadd.s32 @!p0 $0x88, s6;
	s7 =	simm.s32 @p2 $0x1082  }
0x22: {  	[simem:s7], [sflag:s8] =	dma.local @!p0 [hbm:s6], $0xF7A  }
0x23: {  	s9 =	sor.u32 $0xD0000000, s2;
	s6 =	simm.s32 $0x108;
	_ =	swait.ge @!p0 [sflag:s8], $0x0  }
0x24: {  	s3 =	sadd.s32 $0x88, s3;
	s6 =	simm.s32 @!p1 $0x1082;
	[sflag:s4] =	ssyncset.s32 $0xFFFFF086  }
0x25: {  	[simem:s6], [sflag:s4] =	dma.local [hbm:s3], $0xF7A  }
0x26: {  	[smem:$0x3F87] =	sst s1;
	(tag) =	ssettag s2;
	_ =	strace s9  }
0x27: {  	s1 =	sld [smem:$0x3F97]  }
0x28: {  	s2 =	sld [smem:$0x3F98]  }
0x29: {  	s4 =	sld [smem:$0x3F9A]  }
0x2a: {  	p0 =	seq.s32 s5, $0x0;
	s5 =	sld [smem:$0x3F9B]  }
0x2b: {  	s6 =	sld [smem:$0x3F9C]  }
0x2c: {  	s7 =	sld [smem:$0x3F9D]  }
0x2d: {  	s3 =	simm.s32 $0x108;
	s8 =	sld [smem:$0x3F9E]  }
0x2e: {  	s3 =	simm.s32 @!p0 $0x1082;
	s9 =	sld [smem:$0x3F9F]  }
0x2f: {  	lr =	sadd.s32 s0, s3;
	s0 =	sld [smem:$0x3F96]  }
0x30: {  	s3 =	sld [smem:$0x3F99]  }
0x31: {  	[smem:$0x3FA2] =	sst s10  }
0x32: {  	s10 =	sld [smem:$0x3FA0];
	_ =	sdelay $0x3  }
0x33: {  	p0 =	seq.s32 s10, $0x1;
	s10 =	sld [smem:$0x3FA2];
	_ =	sdelay $0x3  }
0x34: {  	[smem:$0x3FA2] =	sst s10  }
0x35: {  	s10 =	sld [smem:$0x3FA1];
	_ =	sdelay $0x3  }
0x36: {  	p1 =	seq.s32 s10, $0x1;
	s10 =	sld [smem:$0x3FA2];
	_ =	sdelay $0x3  }
0x37: {  	[smem:$0x3FA2] =	sst s10  }
0x38: {  	s10 =	sld [smem:$0x3FA3]  }
0x39: {  	_ = 	snop;
	(pc) =	sbr.ind lr, $3  }
0x3a: {  	_ = 	snop  }
0x3b: {  	_ = 	snop  }
0x3c: {  	p2 =	seq.s32 s10, $0x1;
	s10 =	sld [smem:$0x3FA2]  }
0x3d: {  	_ =	shalt  }
0x3e: {  	_ =	shalt  }
0x3f: {  	_ =	shalt  }
0x40: {  	_ =	shalt  }
0x41: {  	_ =	shalt  }
0x42: {  	_ =	shalt  }
0x43: {  	_ =	shalt  }
0x44: {  	_ =	shalt  }
0x45: {  	_ =	shalt  }
0x46: {  	_ =	shalt  }
0x47: {  	_ =	shalt  }
0x48: {  	_ =	shalt  }
0x49: {  	_ =	shalt  }
0x4a: {  	_ =	shalt  }
0x4b: {  	_ =	shalt  }
0x4c: {  	_ =	shalt  }
0x4d: {  	_ =	shalt  }
0x4e: {  	_ =	shalt  }
0x4f: {  	_ =	shalt  }
0x50: {  	_ =	shalt  }
0x51: {  	_ =	shalt  }
0x52: {  	_ =	shalt  }
0x53: {  	_ =	shalt  }
0x54: {  	_ =	shalt  }
0x55: {  	_ =	shalt  }
0x56: {  	_ =	shalt  }
0x57: {  	_ =	shalt  }
0x58: {  	_ =	shalt  }
0x59: {  	_ =	shalt  }
0x5a: {  	_ =	shalt  }
0x5b: {  	_ =	shalt  }
0x5c: {  	_ =	shalt  }
0x5d: {  	_ =	shalt  }
0x5e: {  	_ =	shalt  }
0x5f: {  	_ =	shalt  }
0x60: {  	_ =	shalt  }
0x61: {  	_ =	shalt  }
0x62: {  	_ =	shalt  }
0x63: {  	_ =	shalt  }
0x64: {  	_ =	shalt  }
0x65: {  	_ =	shalt  }
0x66: {  	_ =	shalt  }
0x67: {  	_ =	shalt  }
0x68: {  	_ =	shalt  }
0x69: {  	_ =	shalt  }
0x6a: {  	_ =	shalt  }
0x6b: {  	_ =	shalt  }
0x6c: {  	_ =	shalt  }
0x6d: {  	_ =	shalt  }
0x6e: {  	_ =	shalt  }
0x6f: {  	_ =	shalt  }
0x70: {  	_ =	shalt  }
0x71: {  	_ =	shalt  }
0x72: {  	_ =	shalt  }
0x73: {  	_ =	shalt  }
0x74: {  	_ =	shalt  }
0x75: {  	_ =	shalt  }
0x76: {  	_ =	shalt  }
0x77: {  	_ =	shalt  }
0x78: {  	_ =	shalt  }
0x79: {  	_ =	shalt  }
0x7a: {  	_ =	shalt  }
0x7b: {  	_ =	shalt  }
0x7c: {  	_ =	shalt  }
0x7d: {  	_ =	shalt  }
0x7e: {  	_ =	shalt  }
0x7f: {  	_ =	shalt  }
0x80: {  	_ =	shalt  }
0x81: {  	_ =	shalt  }
0x82: {  	_ =	shalt  }
0x83: {  	_ =	shalt  }
0x84: {  	_ =	shalt  }
0x85: {  	_ =	shalt  }
0x86: {  	_ =	shalt  }
0x87: {  	_ =	shalt  }
.Lfunc_end0:
.L_simem_size_0:
called_computation_lowered:
.L_overlay_start_0:
0x88: {  	s2 =	sld [smem:$0x3FD9]  }
0x89: {  	s3 =	sld [smem:$0x3FFE];
	_ =	sdelay $0x1  }
0x8a: {  	s1 =	srdreg.scid  }
0x8b: {  	s0 =	sand.u32 $0x1, s1  }
0x8c: {  	s17 =	sshll.u32 s0, $0xA;
	s2 =	sadd.s32 s3, s2  }
0x8d: {  	s2 =	sadd.s32 s2, s17  }
0x8e: {  	[smem:$0x3FAE] =	sst s2  }
0x8f: {  	_ = 	snop  }
0x90: {  	(tm) =	ssettm $0x1  }
0x91: {  	s18 =	sld [smem:$0x3FFB];
	_ =	sdelay $0x3  }
0x92: {  	_ =	strace s18  }
0x93: {  	s2 =	sld [smem:$0x3FFC];
	_ =	sdelay $0x3  }
0x94: {  	_ =	strace s2  }
0x95: {  	s2 =	sld [smem:$0x3FFD];
	_ =	sdelay $0x3  }
0x96: {  	_ =	strace s2  }
0x97: {  	_ =	strace $0x8FFFFFFF  }
0x98: {  	s19 =	sld [smem:$0x3FDB];
	_ =	sdelay $0x1  }
0x99: {  	s20 =	simm.s32 $_scs_section_size  }
0x9a: {  	s4 =	simm.s32 $_size__tile_overlayer_lowered;
	s5 =	simm.s32 $_tile_overlayer_lowered  }
0x9b: {  	s6 =	simm.s32 $0x1BFF;
	s21 =	sshll.u32 s5, $0x1;
	s3 =	sadd.s32 s20, s19  }
0x9c: {  	s22 =	simm.s32 $0x0;
	s4 =	sshll.u32 s4, $0x1;
	s5 =	sadd.s32 s21, s3  }
0x9d: {  	[timem:s22], [sflag:s6] =	dma.local [hbm:s5], s4  }
0x9e: {  	_ =	swait.ge [sflag:s6], s4  }
0x9f: {  	s4 =	ssub.s32 $0x0, s4;
	[sflag:s6] =	ssyncset.done $0x0  }
0xa0: {  	[sflag:s6] =	ssyncadd.s32 s4;
	_ =	sdelay $0x1  }
0xa1: {  	s23 =	simm.s32 $0x1B8B  }
0xa2: {  	_ =	swait.ge [sflag:s23], $0x1  }
0xa3: {  	[sflag:s23] =	ssyncset.done $0x0  }
0xa4: {  	[sflag:s23] =	ssyncadd.s32 $0xFFFFFFFF  }
0xa5: {  	s4 =	sld [smem:$0x0]  }
0xa6: {  	s5 =	sand.u32 $0xFFFFFFFE, s1  }
0xa7: {  	p0 =	sne.s32 s1, s5  }
0xa8: {  	s5 =	sshll.u32 @p0 s5, $0xE  }
0xa9: {  	s5 =	sadd.s32 @p0 $0x11B8D, s5;
	s6 =	sshll.u32 @p0 s4, $0x11  }
0xaa: {  	s5 =	sor.u32 @p0 s6, s5  }
0xab: {  	[sflag:s5] =	ssyncadd.remote.s32 @p0 $0x1;
	_ =	sdelay $0x1  }
0xac: {  	s5 =	simm.s32 @p0 $0x1B8D  }
0xad: {  	_ =	swait.eq @p0 [sflag:s5], $0x1  }
0xae: {  	[sflag:s5] =	ssyncadd.s32 @p0 $0xFFFFFFFF  }
0xaf: {  	s6 =	sshll.u32 @!p0 s1, $0xE  }
0xb0: {  	s6 =	sor.u32 @!p0 $0x4000, s6;
	s5 =	simm.s32 @!p0 $0x1B8D  }
0xb1: {  	s4 =	sshll.u32 @!p0 s4, $0x11;
	s6 =	sadd.s32 @!p0 $0x11B8D, s6;
	_ =	swait.eq @!p0 [sflag:s5], $0x1  }
0xb2: {  	s4 =	sor.u32 @!p0 s4, s6;
	[sflag:s5] =	ssyncadd.s32 @!p0 $0xFFFFFFFF  }
0xb3: {  	s25 =	simm.s32 $0x1B8E;
	s24 =	sld [smem:$0x3FFE];
	[sflag:s4] =	ssyncadd.remote.s32 @!p0 $0x1  }
0xb4: {  	s26 =	simm.s32 $execute0_lowered;
	[smem:$0x3FD2] =	sst s25  }
0xb5: {  	s5 =	sshll.u32 s26, $0x1;
	_ =	strace $0x80000049;
	[dreg:$0x1] =	wrdreg $0xFFFFFFFF  }
0xb6: {  	s28 =	simm.s32 $_size_execute0_lowered;
	s3 =	sadd.s32 s3, s5;
	[dreg:$0x0] =	wrdreg $0x0  }
0xb7: {  	s5 =	sshll.u32 s28, $0x1;
	[dreg:$0x2] =	wrdreg s3  }
0xb8: {  	[dreg:$0x3] =	wrdreg s5  }
0xb9: {  	[dreg:$0x4] =	wrdreg $0xC0  }
0xba: {  	_ =	task [dreg:s22], $0x5FFFF  }
0xbb: {  	[dreg:$0x1] =	wrdreg $0xFFFFFFFF  }
0xbc: {  	[dreg:$0x0] =	wrdreg $0x60  }
0xbd: {  	[dreg:$0x2] =	wrdreg s24  }
0xbe: {  	[dreg:$0x3] =	wrdreg $0x11800  }
0xbf: {  	[dreg:$0x4] =	wrdreg $0x9  }
0xc0: {  	_ =	task.clear_ibuf [dreg:s22], $0x5FFFF;
	_ =	strace $0x90000049  }
0xc1: {  	s29 =	simm.s32 $0x9;
	_ =	strace $0x8000004B  }
0xc2: {  	_ =	swait.ge [sflag:s29], $0x1  }
0xc3: {  	[sflag:s29] =	ssyncadd.s32 $0xFFFFFFFF  }
0xc4: {  	_ =	strace $0x9000004B  }
0xc5: {  	_ =	sfence  }
0xc6: {  	s30 =	sld [smem:$0x0];
	_ =	sdelay $0x2  }
0xc7: {  	s31 =	sshll.u32 s1, $0xD;
	s1 =	sshrl.u32 s1, $0x2  }
0xc8: {  	s4 =	sand.u32 $0x4000, s31;
	s1 =	sadd.s32 s1, s30  }
0xc9: {  	s0 =	sor.u32 s4, s0;
	s1 =	sshll.u32 s1, $0x11  }
0xca: {  	s0 =	sor.u32 s1, s0  }
0xcb: {  	s0 =	sadd.s32 $0x8F2B, s0  }
0xcc: {  	[sflag:s0] =	ssyncadd.remote.s32 $0x1  }
0xcd: {  	_ =	sfence.sel $0xFFFF  }
0xce: {  	[dreg:$0x0] =	wrdreg $0xFFFFFFFF;
	(pc) =	sbr.abs _section_cstart, $3  }
0xcf: {  	[dreg:$0x1] =	wrdreg $0xFFFFFFFF  }
0xd0: {  	_ =	task.clear_ibuf [dreg:s22], $0x2FFFF;
	_ =	strace $0x9FFFFFFF  }
0xd1: {  	(tm) =	ssettm $0x7FFFFFFF  }
tec
execute0_lowered:
.L_overlay_start_1:
0x0: {  	(tag) =	ssettag $0x1  }
0x1: {  	s0 =	rddreg [dreg:$0x0]  }
0x2: {  	s1 =	rddreg [dreg:$0x1];
	s2 =	simm.s32 $0x0;
	s3 =	srdreg.scid  }
0x3: {  	s12 =	simm.s32 $0x6200;
	s29 =	simm.s32 $0x180;
	s30 =	simm.s32 $0x7  }
0x4: {  	s31 =	simm.s32 $0x980;
	[smem:$0x7FF] =	sst s2;
	s4 =	sadd.s32 $0x3E00, s0  }
0x5: {  	s3 =	sand.u32 $0x1, s3;
	_ =	strace $0x8000004A;
	[dreg:$0x3] =	wrdreg s4  }
0x6: {  	s6 =	sadd.s32 $0x1C8000, s0;
	s4 =	stileid.u32;
	s11 =	smul.u32 $0x6200, s3  }
0x7: {  	s9 =	sadd.s32 $0x1E0800, s0;
	s15 =	sadd.s32 $0x64000, s1;
	s14 =	smul.u32 $0x19000, s4  }
0x8: {  	s0 =	sadd.s32 $0x1F82D0, s0;
	s5 =	ssub.s32 $0x2, s3;
	s8 =	smul.u32 $0xC380, s4  }
0x9: {  	p0 =	seq.s32 s3, $0x0;
	[dreg:$0x5] =	wrdreg s15;
	s10 =	smul.u32 $0x1870, s4  }
0xa: {  	p6 =	seq.s32 s3, $0x1;
	[dreg:$0x8] =	wrdreg s0;
	s13 =	smul.u32 $0x6200, s4  }
0xb: {  	s7 =	sshrl.u32 s5, $0x1;
	s12 =	simm.s32 @!p0 $0x6150;
	s19 =	smul.u32 $0x6180, s4  }
0xc: {  	p1 =	sne.s32 s4, $0xF;
	p2 =	seq.s32 s4, $0xF;
	s20 =	smul.u32 $0x18600, s4  }
0xd: {  	s7 =	ssub.s32 s5, s7;
	p1 =	por !p1, !p6;
	p2 =	por !p2, !p6  }
0xe: {  	v0 =	vmov s11;
	v1 =	vmov s12;
	s11 =	simm.s32 $0x5;
	s12 =	simm.s32 $0x6;
	s5 =	sshrl.u32 s14, $0x2  }
0xf: {  	s8 =	sshrl.u32 s8, $0x3;
	s18 =	sshrl.u32 s13, $0x3;
	p0 =	por !p1, !p1  }
0x10: {  	p3 =	por !p2, !p2;
	s22 =	sshrl.u32 s20, $0x2;
	s7 =	smax.u32 s7, $0x1  }
0x11: {  	p2 =	sne.s32 s3, $0x0;
	p1 =	sne.s32 s4, $0x0;
	s3 =	simm.s32 $0x80  }
0x12: {  	s5 =	sadd.s32 s5, s1;
	s16 =	sadd.s32 s6, s8;
	s8 =	sadd.s32 s6, s10  }
0x13: {  	s6 =	sadd.s32 s9, s18;
	s10 =	sshrl.u32 s19, $0x3;
	[dreg:$0xa] =	wrdreg s7  }
0x14: {  	p3 =	por !p3, p0;
	s7 =	simm.s32 $0x100;
	s14 =	sadd.s32 $0x6000, s5  }
0x15: {  	s17 =	sadd.s32 $0x10, s16;
	[dreg:$0x7] =	wrdreg s6;
	s6 =	sadd.s32 s13, s1  }
0x16: {  	s21 =	sadd.s32 s9, s10;
	s10 =	sadd.s32 $0x5B680, s1;
	s23 =	sadd.s32 $0x800, s5  }
0x17: {  	s24 =	sadd.s32 $0x1000, s5;
	s25 =	sadd.s32 $0x1800, s5;
	[dreg:$0x4] =	wrdreg s14  }
0x18: {  	s26 =	sadd.s32 $0x2000, s5;
	s18 =	sadd.s32 $0x2800, s5;
	[dreg:$0x6] =	wrdreg s17  }
0x19: {  	s19 =	sadd.s32 $0x3000, s5;
	s20 =	sadd.s32 $0x3800, s5;
	[dreg:$0xb] =	wrdreg s23  }
0x1a: {  	s28 =	sadd.s32 $0x5800, s5;
	s9 =	simm.s32 $0x3;
	[dreg:$0xc] =	wrdreg s24  }
0x1b: {  	s13 =	simm.s32 $0x0;
	s0 =	sadd.s32 $0xC400, s21;
	[dreg:$0xd] =	wrdreg s25  }
0x1c: {  	[dreg:$0xe] =	wrdreg s26;
	s21 =	sshrl.u32 @!p2 s6, $0x3;
	s24 =	sadd.s32 $0x4000, s5  }
0x1d: {  	s25 =	sadd.s32 $0x4800, s5;
	s26 =	sadd.s32 $0x5000, s5;
	s6 =	simm.s32 $0x2  }
0x1e: {  	[dreg:$0x9] =	wrdreg s0;
	s0 =	sadd.s32 s22, s1;
	s22 =	sshrl.u32 @!p3 s10, $0x3  }
0x1f: {  	v2 =	vimm.f32 $0.0e+00;
	s10 =	simm.s32 $0x4;
	s23 =	sshrl.u32 @p0 s0, $0x3;
	s0 =	simm.s32 $0x1  }
.LBB2_1:
0x20: {  	s14 =	rddreg [dreg:$0x3]  }
0x21: {  	[tilespmem:s29], [sflag:$0x7] =	stream.linear.gather [hbm4b:s14+s2], $0x800, $0x38;
	[tilespmem:$0x7588] =	vst v63  }
0x22: {  	_ =	swait.ge [sflag:s30], $0x800  }
0x23: {  	[sflag:s30] =	ssyncset.done $0x0  }
0x24: {  	s15 =	simm.s32 $0x0;
	s14 =	simm.s32 $0x40;
	[sflag:s30] =	ssyncadd.s32 $0xFFFFF800  }
.LBB2_2:
0x25: {  	p4 =	sne.s32 s14, $0x1FC0;
	[tilespmem:s15+$0x980] =	vst v2;
	s15 =	smov.u32 s14;
	s14 =	sadd.s32 $0x40, s14  }
.Ltmp0:
0x26: {  	(pc) =	sbr.rel @p4 .LBB2_2-.Ltmp0, $2  }
0x27: {  	_ =	sdelay $0x2  }
0x28: {  	s15 =	sshra.s32 s15, $0x2  }
0x29: {  	[tilespmem:s15+$0x980] =	vst v2  }
0x2a: {  	[spmem:s5] =	stream.linear.scatter [tilespmem:s31], [sflag:$0x7], $0x800, $0x38;
	[tilespmem:$0x7588] =	vst v63  }
0x2b: {  	_ =	swait.ge [sflag:s30], $0x800  }
0x2c: {  	[sflag:s30] =	ssyncset.done $0x0  }
0x2d: {  	s14 =	rddreg [dreg:$0xb];
	[sflag:s30] =	ssyncadd.s32 $0xFFFFF800  }
0x2e: {  	[spmem:s14] =	stream.linear.scatter [tilespmem:s31], [sflag:$0x7], $0x800, $0x38;
	[tilespmem:$0x7588] =	vst v63  }
0x2f: {  	_ =	swait.ge [sflag:s30], $0x800  }
0x30: {  	[sflag:s30] =	ssyncset.done $0x0  }
0x31: {  	s15 =	rddreg [dreg:$0xc];
	[sflag:s30] =	ssyncadd.s32 $0xFFFFF800  }
0x32: {  	[spmem:s15] =	stream.linear.scatter [tilespmem:s31], [sflag:$0x7], $0x800, $0x38;
	[tilespmem:$0x7588] =	vst v63  }
0x33: {  	_ =	swait.ge [sflag:s30], $0x800  }
0x34: {  	[sflag:s30] =	ssyncset.done $0x0  }
0x35: {  	s16 =	rddreg [dreg:$0xd];
	[sflag:s30] =	ssyncadd.s32 $0xFFFFF800  }
0x36: {  	[spmem:s16] =	stream.linear.scatter [tilespmem:s31], [sflag:$0x7], $0x800, $0x38;
	[tilespmem:$0x7588] =	vst v63  }
0x37: {  	_ =	swait.ge [sflag:s30], $0x800  }
0x38: {  	[sflag:s30] =	ssyncset.done $0x0  }
0x39: {  	s17 =	rddreg [dreg:$0xe];
	[sflag:s30] =	ssyncadd.s32 $0xFFFFF800  }
0x3a: {  	[spmem:s17] =	stream.linear.scatter [tilespmem:s31], [sflag:$0x7], $0x800, $0x38;
	[tilespmem:$0x7588] =	vst v63  }
0x3b: {  	_ =	swait.ge [sflag:s30], $0x800  }
0x3c: {  	[sflag:s30] =	ssyncset.done $0x0  }
0x3d: {  	[sflag:s30] =	ssyncadd.s32 $0xFFFFF800  }
0x3e: {  	[spmem:s18] =	stream.linear.scatter [tilespmem:s31], [sflag:$0x7], $0x800, $0x38;
	[tilespmem:$0x7588] =	vst v63  }
0x3f: {  	_ =	swait.ge [sflag:s30], $0x800  }
0x40: {  	[sflag:s30] =	ssyncset.done $0x0  }
0x41: {  	[sflag:s30] =	ssyncadd.s32 $0xFFFFF800  }
0x42: {  	[spmem:s19] =	stream.linear.scatter [tilespmem:s31], [sflag:$0x7], $0x800, $0x38;
	[tilespmem:$0x7588] =	vst v63  }
0x43: {  	_ =	swait.ge [sflag:s30], $0x800  }
0x44: {  	[sflag:s30] =	ssyncset.done $0x0  }
0x45: {  	[sflag:s30] =	ssyncadd.s32 $0xFFFFF800  }
0x46: {  	[spmem:s20] =	stream.linear.scatter [tilespmem:s31], [sflag:$0x7], $0x800, $0x38;
	[tilespmem:$0x7588] =	vst v63  }
0x47: {  	_ =	swait.ge [sflag:s30], $0x800  }
0x48: {  	[sflag:s30] =	ssyncset.done $0x0  }
0x49: {  	[sflag:s30] =	ssyncadd.s32 $0xFFFFF800  }
0x4a: {  	[spmem:s24] =	stream.linear.scatter [tilespmem:s31], [sflag:$0x7], $0x800, $0x38;
	[tilespmem:$0x7588] =	vst v63  }
0x4b: {  	_ =	swait.ge [sflag:s30], $0x800  }
0x4c: {  	[sflag:s30] =	ssyncset.done $0x0  }
0x4d: {  	[sflag:s30] =	ssyncadd.s32 $0xFFFFF800  }
0x4e: {  	[spmem:s25] =	stream.linear.scatter [tilespmem:s31], [sflag:$0x7], $0x800, $0x38;
	[tilespmem:$0x7588] =	vst v63  }
0x4f: {  	_ =	swait.ge [sflag:s30], $0x800  }
0x50: {  	[sflag:s30] =	ssyncset.done $0x0  }
0x51: {  	[sflag:s30] =	ssyncadd.s32 $0xFFFFF800  }
0x52: {  	[spmem:s26] =	stream.linear.scatter [tilespmem:s31], [sflag:$0x7], $0x800, $0x38;
	[tilespmem:$0x7588] =	vst v63  }
0x53: {  	_ =	swait.ge [sflag:s30], $0x800  }
0x54: {  	[sflag:s30] =	ssyncset.done $0x0  }
0x55: {  	[sflag:s30] =	ssyncadd.s32 $0xFFFFF800  }
0x56: {  	[spmem:s28] =	stream.linear.scatter [tilespmem:s31], [sflag:$0x7], $0x800, $0x38;
	[tilespmem:$0x7588] =	vst v63  }
0x57: {  	_ =	swait.ge [sflag:s30], $0x800  }
0x58: {  	[sflag:s30] =	ssyncset.done $0x0  }
0x59: {  	s15 =	rddreg [dreg:$0x4];
	[sflag:s30] =	ssyncadd.s32 $0xFFFFF800  }
0x5a: {  	[spmem:s15] =	stream.linear.scatter [tilespmem:s31], [sflag:$0x7], $0x400, $0x38;
	[tilespmem:$0x7588] =	vst v63  }
0x5b: {  	_ =	swait.ge [sflag:s30], $0x400  }
0x5c: {  	[sflag:s30] =	ssyncset.done $0x0  }
0x5d: {  	s14 =	simm.s32 @!p1 $0x980;
	s15 =	rddreg [dreg:$0x5];
	[sflag:s30] =	ssyncadd.s32 $0xFFFFFC00  }
0x5e: {  	[spmem:s15] =	stream.linear.scatter @!p1 [tilespmem:s14], [sflag:$0x7], $0x80, $0x38;
	[tilespmem:$0x7588] =	vst v63  }
0x5f: {  	s14 =	simm.s32 @!p1 $0x7  }
0x60: {  	_ =	swait.ge @!p1 [sflag:s14], $0x80  }
0x61: {  	[sflag:s14] =	ssyncset.done @!p1 $0x0  }
0x62: {  	[sflag:s14] =	ssyncadd.s32 @!p1 $0xFFFFFF80  }
0x63: {  	s16 =	simm.s32 $0x0;
	[bflag:$0x0] =	sbarrier.arrive $0xFFFF  }
0x64: {  	[tilespmem:s16], [sflag:$0x1] =	stream.linear.gather [hbm4b:s8+s16], $0x80, $0x38;
	[tilespmem:$0x7588] =	vst v63  }
0x65: {  	_ =	swait.ge [sflag:s0], $0x80  }
0x66: {  	[sflag:s0] =	ssyncset.done $0x0  }
0x67: {  	[sflag:s0] =	ssyncadd.s32 $0xFFFFFF80  }
0x68: {  	v3 =	vld [tilespmem:$0x0]  }
0x69: {  	v4 =	vld [tilespmem:$0x10]  }
0x6a: {  	v5 =	vld [tilespmem:$0x20]  }
0x6b: {  	v6 =	vld [tilespmem:$0x30]  }
0x6c: {  	v7 =	vld [tilespmem:$0x40]  }
0x6d: {  	v8 =	vld [tilespmem:$0x50];
	_ =	sdelay $0x2  }
0x6e: {  	v3 =	vsub.s32 v3, v0  }
0x6f: {  	v4 =	vsub.s32 v4, v0;
	v5 =	vsub.s32 v5, v0;
	v6 =	vsub.s32 v6, v0  }
0x70: {  	v7 =	vsub.s32 v7, v0;
	v8 =	vsub.s32 v8, v0;
	vm0 =	vgt.s32 v3, $0xFFFFFFFF  }
0x71: {  	vm1 =	vlt.s32 v3, v1;
	vm14 =	vgt.s32 v4, $0xFFFFFFFF;
	vm2 =	vlt.s32 v4, v1  }
0x72: {  	vm3 =	vgt.s32 v5, $0xFFFFFFFF;
	vm4 =	vlt.s32 v5, v1;
	vm6 =	vgt.s32 v6, $0xFFFFFFFF  }
0x73: {  	v9 =	vld [tilespmem:$0x60];
	vm7 =	vlt.s32 v6, v1;
	vm8 =	vgt.s32 v7, $0xFFFFFFFF;
	vm9 =	vlt.s32 v7, v1  }
0x74: {  	v10 =	vld [tilespmem:$0x70];
	vm10 =	vgt.s32 v8, $0xFFFFFFFF;
	vm11 =	vlt.s32 v8, v1;
	vm0 =	vmand vm0, vm1  }
0x75: {  	vm15 =	vmand vm14, vm2;
	vm5 =	vmand vm3, vm4;
	v3 =	vnsel vm0, $0x6400, v3  }
0x76: {  	vm12 =	vmand vm8, vm9;
	v4 =	vnsel vm15, $0x6400, v4;
	vm0 =	vmand vm6, vm7;
	[tilespmem:$0x0] =	vst v3  }
0x77: {  	vm13 =	vmand vm10, vm11;
	v5 =	vnsel vm5, $0x6400, v5;
	[tilespmem:$0x10] =	vst v4;
	v3 =	vnsel vm0, $0x6400, v6  }
0x78: {  	[tilespmem:$0x20] =	vst v5;
	v4 =	vnsel vm12, $0x6400, v7;
	v5 =	vnsel vm13, $0x6400, v8;
	v6 =	vsub.s32 v9, v0  }
0x79: {  	[tilespmem:$0x30] =	vst v3;
	vm14 =	vgt.s32 v6, $0xFFFFFFFF;
	vm15 =	vlt.s32 v6, v1;
	v3 =	vsub.s32 v10, v0  }
0x7a: {  	[tilespmem:$0x40] =	vst v4;
	vm0 =	vmand vm14, vm15;
	vm4 =	vgt.s32 v3, $0xFFFFFFFF;
	vm5 =	vlt.s32 v3, v1  }
0x7b: {  	[tilespmem:$0x50] =	vst v5;
	v4 =	vnsel vm0, $0x6400, v6;
	vm6 =	vmand vm4, vm5  }
0x7c: {  	[tilespmem:$0x60] =	vst v4;
	v3 =	vnsel vm6, $0x6400, v3  }
0x7d: {  	[tilespmem:$0x70] =	vst v3  }
0x7e: {  	[spmem:s1] =	stream.indirect.scatter.add.f32 [tilespmem:s29], [sflag:$0x4], $0x10, s16, s3, $0xb8;
	[tilespmem:$0x7588] =	vst v63  }
0x7f: {  	s17 =	rddreg [dreg:$0x6]  }
0x80: {  	[tilespmem:s3], [sflag:$0x2] =	stream.linear.gather [hbm4b:s17+s16], $0x80, $0x38;
	[tilespmem:$0x7588] =	vst v63  }
0x81: {  	_ =	swait.ge [sflag:s6], $0x80  }
0x82: {  	p4 =	por $0x1, $0x1;
	[sflag:s6] =	ssyncset.done $0x0  }
0x83: {  	s15 =	simm.s32 @!p4 $0x6;
	[sflag:s6] =	ssyncadd.s32 $0xFFFFFF80  }
0x84: {  	_ =	swait.ge @!p4 [sflag:s15], $0x800  }
0x85: {  	s14 =	sadd.s32 $0x0, s8;
	[sflag:s15] =	ssyncset.done @!p4 $0x0  }
0x86: {  	s16 =	sadd.s32 $0x20, s14;
	[sflag:s15] =	ssyncadd.s32 @!p4 $0xFFFFF800  }
0x87: {  	[tilespmem:s7], [sflag:$0x3] =	stream.linear.gather [hbm4b:s16+s2], $0x80, $0x38;
	[tilespmem:$0x7588] =	vst v63  }
0x88: {  	v3 =	vld [tilespmem:$0xE0]  }
0x89: {  	v4 =	vld [tilespmem:$0xB0]  }
0x8a: {  	v5 =	vld [tilespmem:$0xA0]  }
0x8b: {  	v6 =	vld [tilespmem:$0xC0]  }
0x8c: {  	v7 =	vld [tilespmem:$0x80]  }
0x8d: {  	v8 =	vld [tilespmem:$0xD0];
	_ =	sdelay $0x2  }
0x8e: {  	v3 =	vsub.s32 v3, v0  }
0x8f: {  	v4 =	vsub.s32 v4, v0;
	v5 =	vsub.s32 v5, v0;
	v6 =	vsub.s32 v6, v0  }
0x90: {  	v7 =	vsub.s32 v7, v0;
	v8 =	vsub.s32 v8, v0;
	vm7 =	vgt.s32 v3, $0xFFFFFFFF  }
0x91: {  	v9 =	vld [tilespmem:$0xF0];
	vm8 =	vlt.s32 v3, v1;
	vm9 =	vgt.s32 v4, $0xFFFFFFFF;
	vm10 =	vgt.s32 v5, $0xFFFFFFFF  }
0x92: {  	v10 =	vld [tilespmem:$0x90];
	vm11 =	vlt.s32 v4, v1;
	vm13 =	vlt.s32 v5, v1;
	vm2 =	vlt.s32 v6, v1  }
0x93: {  	vm14 =	vgt.s32 v8, $0xFFFFFFFF;
	vm15 =	vlt.s32 v8, v1;
	vm0 =	vmand vm7, vm8  }
0x94: {  	vm12 =	vmand vm9, vm11;
	vm1 =	vmand vm10, vm13;
	vm8 =	vgt.s32 v7, $0xFFFFFFFF  }
0x95: {  	vm9 =	vlt.s32 v7, v1;
	v3 =	vnsel vm0, $0x6400, v3;
	v4 =	vnsel vm12, $0x6400, v4  }
0x96: {  	v5 =	vnsel vm1, $0x6400, v5;
	vm1 =	vmand vm14, vm15;
	vm10 =	vmand vm8, vm9;
	[tilespmem:$0xE0] =	vst v3  }
0x97: {  	v3 =	vsub.s32 v9, v0;
	[tilespmem:$0xB0] =	vst v4;
	v4 =	vsub.s32 v10, v0;
	v8 =	vnsel vm1, $0x6400, v8  }
0x98: {  	[tilespmem:$0xA0] =	vst v5;
	v5 =	vnsel vm10, $0x6400, v7;
	vm11 =	vgt.s32 v4, $0xFFFFFFFF;
	vm12 =	vlt.s32 v4, v1  }
0x99: {  	vm5 =	vlt.s32 v3, v1;
	[tilespmem:$0xD0] =	vst v8;
	vm14 =	vgt.s32 v3, $0xFFFFFFFF;
	vm13 =	vmand vm11, vm12  }
0x9a: {  	vm0 =	vgt.s32 v6, $0xFFFFFFFF;
	[tilespmem:$0x80] =	vst v5;
	vm15 =	vmand vm14, vm5;
	v4 =	vnsel vm13, $0x6400, v4  }
0x9b: {  	vm0 =	vmand vm0, vm2;
	v3 =	vnsel vm15, $0x6400, v3;
	[tilespmem:$0x90] =	vst v4  }
0x9c: {  	v4 =	vnsel vm0, $0x6400, v6;
	[tilespmem:$0xF0] =	vst v3  }
0x9d: {  	[tilespmem:$0xC0] =	vst v4  }
0x9e: {  	[spmem:s1] =	stream.indirect.scatter.add.f32 [tilespmem:s29], [sflag:$0x5], $0x10, s3, s3, $0xb8;
	[tilespmem:$0x7588] =	vst v63  }
0x9f: {  	_ =	swait.ge [sflag:s9], $0x80  }
0xa0: {  	[sflag:s9] =	ssyncset.done $0x0  }
0xa1: {  	[sflag:s9] =	ssyncadd.s32 $0xFFFFFF80  }
0xa2: {  	_ =	swait.ge [sflag:s10], $0x800  }
0xa3: {  	[sflag:s10] =	ssyncset.done $0x0  }
0xa4: {  	s17 =	sadd.s32 $0x30, s14;
	[sflag:s10] =	ssyncadd.s32 $0xFFFFF800  }
0xa5: {  	[tilespmem:s2], [sflag:$0x1] =	stream.linear.gather [hbm4b:s17+s2], $0x80, $0x38;
	[tilespmem:$0x7588] =	vst v63  }
0xa6: {  	v4 =	vld [tilespmem:$0x170]  }
0xa7: {  	v3 =	vld [tilespmem:$0x140]  }
0xa8: {  	v8 =	vld [tilespmem:$0x160]  }
0xa9: {  	v7 =	vld [tilespmem:$0x120]  }
0xaa: {  	v5 =	vld [tilespmem:$0x150]  }
0xab: {  	s15 =	simm.s32 $0x30;
	v6 =	vld [tilespmem:$0x110];
	v4 =	vsub.s32 v4, v0  }
.LBB2_4:
0xac: {  	v9 =	vld [tilespmem:$0x100];
	vm1 =	vlt.s32 v4, v1;
	s16 =	smov.u32 s15;
	s15 =	sadd.s32 $0x30, s15  }
0xad: {  	vm2 =	vgt.s32 v4, $0xFFFFFFFF;
	p4 =	sne.s32 s15, $0x1860;
	v10 =	vld [tilespmem:$0x130];
	v8 =	vsub.s32 v8, v0  }
0xae: {  	vm1 =	vmand vm2, vm1;
	v7 =	vsub.s32 v7, v0;
	vm0 =	vlt.s32 v8, v1  }
0xaf: {  	v3 =	vsub.s32 v3, v0;
	vm2 =	vgt.s32 v7, $0xFFFFFFFF;
	v5 =	vsub.s32 v5, v0  }
0xb0: {  	v4 =	vnsel vm1, $0x6400, v4;
	v6 =	vsub.s32 v6, v0;
	vm3 =	vlt.s32 v5, v1  }
0xb1: {  	vm1 =	vlt.s32 v3, v1;
	vm4 =	vgt.s32 v5, $0xFFFFFFFF;
	v9 =	vsub.s32 v9, v0  }
0xb2: {  	vm3 =	vmand vm4, vm3;
	vm5 =	vlt.s32 v9, v1;
	v10 =	vsub.s32 v10, v0;
	[tilespmem:$0x170] =	vst v4  }
0xb3: {  	vm7 =	vgt.s32 v3, $0xFFFFFFFF;
	vm6 =	vgt.s32 v6, $0xFFFFFFFF;
	vm4 =	vgt.s32 v9, $0xFFFFFFFF  }
0xb4: {  	vm8 =	vlt.s32 v7, v1;
	vm1 =	vmand vm7, vm1;
	vm9 =	vlt.s32 v10, v1  }
0xb5: {  	vm2 =	vmand vm2, vm8;
	vm7 =	vlt.s32 v6, v1;
	vm8 =	vgt.s32 v10, $0xFFFFFFFF  }
0xb6: {  	v3 =	vnsel vm1, $0x6400, v3;
	vm6 =	vmand vm6, vm7;
	vm7 =	vmand vm8, vm9  }
0xb7: {  	vm1 =	vgt.s32 v8, $0xFFFFFFFF;
	v4 =	vnsel vm2, $0x6400, v7;
	v7 =	vnsel vm7, $0x6400, v10;
	[tilespmem:$0x140] =	vst v3  }
0xb8: {  	vm0 =	vmand vm1, vm0;
	vm2 =	vmand vm4, vm5;
	v3 =	vnsel vm3, $0x6400, v5;
	[tilespmem:$0x130] =	vst v7  }
0xb9: {  	v6 =	vnsel vm6, $0x6400, v6;
	v5 =	vnsel vm2, $0x6400, v9;
	[tilespmem:$0x150] =	vst v3;
	v3 =	vnsel vm0, $0x6400, v8  }
0xba: {  	[tilespmem:$0x110] =	vst v6  }
0xbb: {  	[tilespmem:$0x160] =	vst v3  }
0xbc: {  	[tilespmem:$0x100] =	vst v5  }
0xbd: {  	[tilespmem:$0x120] =	vst v4  }
0xbe: {  	[spmem:s1] =	stream.indirect.scatter.add.f32 [tilespmem:s29], [sflag:$0x6], $0x10, s7, s3, $0xb8;
	[tilespmem:$0x7588] =	vst v63  }
0xbf: {  	_ =	swait.ge [sflag:s0], $0x80  }
0xc0: {  	[sflag:s0] =	ssyncset.done $0x0  }
0xc1: {  	[sflag:s0] =	ssyncadd.s32 $0xFFFFFF80  }
0xc2: {  	_ =	swait.ge [sflag:s11], $0x800  }
0xc3: {  	[sflag:s11] =	ssyncset.done $0x0  }
0xc4: {  	s14 =	sadd.s32 $0x40, s14;
	[sflag:s11] =	ssyncadd.s32 $0xFFFFF800  }
0xc5: {  	[tilespmem:s3], [sflag:$0x2] =	stream.linear.gather [hbm4b:s14+s2], $0x80, $0x38;
	[tilespmem:$0x7588] =	vst v63  }
0xc6: {  	v3 =	vld [tilespmem:$0x0]  }
0xc7: {  	v4 =	vld [tilespmem:$0x10]  }
0xc8: {  	v5 =	vld [tilespmem:$0x20]  }
0xc9: {  	v6 =	vld [tilespmem:$0x30]  }
0xca: {  	v7 =	vld [tilespmem:$0x40]  }
0xcb: {  	v3 =	vsub.s32 v3, v0;
	v8 =	vld [tilespmem:$0x50]  }
0xcc: {  	vm0 =	vgt.s32 v3, $0xFFFFFFFF;
	vm1 =	vlt.s32 v3, v1;
	v4 =	vsub.s32 v4, v0;
	v9 =	vld [tilespmem:$0x70]  }
0xcd: {  	vm2 =	vgt.s32 v4, $0xFFFFFFFF;
	vm3 =	vlt.s32 v4, v1;
	v5 =	vsub.s32 v5, v0  }
0xce: {  	vm2 =	vmand vm2, vm3;
	vm3 =	vgt.s32 v5, $0xFFFFFFFF;
	v6 =	vsub.s32 v6, v0  }
0xcf: {  	v4 =	vnsel vm2, $0x6400, v4;
	vm2 =	vgt.s32 v6, $0xFFFFFFFF;
	v7 =	vsub.s32 v7, v0  }
0xd0: {  	[tilespmem:$0x10] =	vst v4;
	vm4 =	vgt.s32 v7, $0xFFFFFFFF;
	vm5 =	vlt.s32 v7, v1;
	v4 =	vsub.s32 v8, v0  }
0xd1: {  	vm4 =	vmand vm4, vm5;
	vm5 =	vgt.s32 v4, $0xFFFFFFFF;
	vm6 =	vlt.s32 v4, v1  }
0xd2: {  	vm7 =	vlt.s32 v6, v1;
	v7 =	vnsel vm4, $0x6400, v7;
	vm4 =	vmand vm5, vm6;
	v8 =	vld [tilespmem:$0x60]  }
0xd3: {  	vm2 =	vmand vm2, vm7;
	vm5 =	vlt.s32 v5, v1;
	[tilespmem:$0x40] =	vst v7;
	v4 =	vnsel vm4, $0x6400, v4  }
0xd4: {  	v6 =	vnsel vm2, $0x6400, v6;
	vm3 =	vmand vm3, vm5;
	[tilespmem:$0x50] =	vst v4;
	v4 =	vsub.s32 v9, v0  }
0xd5: {  	v5 =	vnsel vm3, $0x6400, v5;
	[tilespmem:$0x30] =	vst v6;
	vm2 =	vgt.s32 v4, $0xFFFFFFFF;
	vm3 =	vlt.s32 v4, v1  }
0xd6: {  	vm0 =	vmand vm0, vm1;
	[tilespmem:$0x20] =	vst v5;
	vm1 =	vmand vm2, vm3  }
0xd7: {  	v3 =	vnsel vm0, $0x6400, v3;
	v5 =	vsub.s32 v8, v0;
	v4 =	vnsel vm1, $0x6400, v4  }
0xd8: {  	vm0 =	vgt.s32 v5, $0xFFFFFFFF;
	vm1 =	vlt.s32 v5, v1;
	[tilespmem:$0x70] =	vst v4  }
0xd9: {  	[tilespmem:$0x0] =	vst v3;
	vm0 =	vmand vm0, vm1  }
0xda: {  	v3 =	vnsel vm0, $0x6400, v5  }
0xdb: {  	[tilespmem:$0x60] =	vst v3  }
0xdc: {  	[spmem:s1] =	stream.indirect.scatter.add.f32 [tilespmem:s29], [sflag:$0x4], $0x10, s2, s3, $0xb8;
	[tilespmem:$0x7588] =	vst v63  }
0xdd: {  	_ =	swait.ge [sflag:s6], $0x80  }
0xde: {  	p5 =	seq.s32 s16, $0x0;
	[sflag:s6] =	ssyncset.done $0x0  }
0xdf: {  	s17 =	simm.s32 @!p5 $0x6;
	[sflag:s6] =	ssyncadd.s32 $0xFFFFFF80  }
0xe0: {  	_ =	swait.ge @!p5 [sflag:s17], $0x800  }
0xe1: {  	s14 =	sadd.s32 s16, s8;
	[sflag:s17] =	ssyncset.done @!p5 $0x0  }
0xe2: {  	s16 =	sadd.s32 $0x20, s14;
	[sflag:s17] =	ssyncadd.s32 @!p5 $0xFFFFF800  }
0xe3: {  	[tilespmem:s7], [sflag:$0x3] =	stream.linear.gather [hbm4b:s16+s2], $0x80, $0x38;
	[tilespmem:$0x7588] =	vst v63  }
0xe4: {  	v3 =	vld [tilespmem:$0xE0]  }
0xe5: {  	v4 =	vld [tilespmem:$0xB0]  }
0xe6: {  	v5 =	vld [tilespmem:$0xA0]  }
0xe7: {  	v6 =	vld [tilespmem:$0xD0]  }
0xe8: {  	v7 =	vld [tilespmem:$0xC0]  }
0xe9: {  	v8 =	vld [tilespmem:$0x80];
	v3 =	vsub.s32 v3, v0  }
0xea: {  	v9 =	vld [tilespmem:$0x90];
	v4 =	vsub.s32 v4, v0;
	vm0 =	vgt.s32 v3, $0xFFFFFFFF;
	vm1 =	vlt.s32 v3, v1  }
0xeb: {  	v5 =	vsub.s32 v5, v0;
	vm2 =	vgt.s32 v4, $0xFFFFFFFF;
	vm0 =	vmand vm0, vm1;
	v10 =	vld [tilespmem:$0xF0]  }
0xec: {  	vm3 =	vlt.s32 v4, v1;
	vm1 =	vgt.s32 v5, $0xFFFFFFFF;
	v3 =	vnsel vm0, $0x6400, v3  }
0xed: {  	vm0 =	vmand vm2, vm3;
	v7 =	vsub.s32 v7, v0  }
0xee: {  	vm2 =	vlt.s32 v5, v1;
	v4 =	vnsel vm0, $0x6400, v4;
	vm0 =	vgt.s32 v7, $0xFFFFFFFF  }
0xef: {  	vm1 =	vmand vm1, vm2;
	v8 =	vsub.s32 v8, v0;
	vm2 =	vlt.s32 v7, v1;
	[tilespmem:$0xE0] =	vst v3  }
0xf0: {  	v3 =	vnsel vm1, $0x6400, v5;
	[tilespmem:$0xB0] =	vst v4;
	v4 =	vsub.s32 v6, v0;
	v5 =	vsub.s32 v10, v0  }
0xf1: {  	[tilespmem:$0xA0] =	vst v3;
	vm1 =	vgt.s32 v4, $0xFFFFFFFF;
	vm3 =	vlt.s32 v4, v1;
	vm4 =	vlt.s32 v5, v1  }
0xf2: {  	vm5 =	vgt.s32 v8, $0xFFFFFFFF;
	vm1 =	vmand vm1, vm3;
	vm3 =	vgt.s32 v5, $0xFFFFFFFF  }
0xf3: {  	vm6 =	vlt.s32 v8, v1;
	v3 =	vsub.s32 v9, v0;
	v4 =	vnsel vm1, $0x6400, v4  }
0xf4: {  	vm1 =	vmand vm5, vm6;
	vm5 =	vgt.s32 v3, $0xFFFFFFFF;
	vm6 =	vlt.s32 v3, v1  }
0xf5: {  	vm3 =	vmand vm3, vm4;
	v6 =	vnsel vm1, $0x6400, v8;
	vm1 =	vmand vm5, vm6;
	[tilespmem:$0xD0] =	vst v4  }
0xf6: {  	vm0 =	vmand vm0, vm2;
	v3 =	vnsel vm1, $0x6400, v3;
	v4 =	vnsel vm3, $0x6400, v5;
	[tilespmem:$0x80] =	vst v6  }
0xf7: {  	[tilespmem:$0x90] =	vst v3;
	v3 =	vnsel vm0, $0x6400, v7  }
0xf8: {  	[tilespmem:$0xC0] =	vst v3  }
0xf9: {  	[tilespmem:$0xF0] =	vst v4  }
0xfa: {  	[spmem:s1] =	stream.indirect.scatter.add.f32 [tilespmem:s29], [sflag:$0x5], $0x10, s3, s3, $0xb8;
	[tilespmem:$0x7588] =	vst v63  }
0xfb: {  	_ =	swait.ge [sflag:s9], $0x80  }
0xfc: {  	[sflag:s9] =	ssyncset.done $0x0  }
0xfd: {  	[sflag:s9] =	ssyncadd.s32 $0xFFFFFF80  }
0xfe: {  	_ =	swait.ge [sflag:s10], $0x800  }
0xff: {  	[sflag:s10] =	ssyncset.done $0x0  }
0x100: {  	s16 =	sadd.s32 $0x30, s14;
	[sflag:s10] =	ssyncadd.s32 $0xFFFFF800  }
0x101: {  	[tilespmem:s2], [sflag:$0x1] =	stream.linear.gather [hbm4b:s16+s2], $0x80, $0x38;
	[tilespmem:$0x7588] =	vst v63  }
0x102: {  	v4 =	vld [tilespmem:$0x170]  }
.Ltmp1:
0x103: {  	v3 =	vld [tilespmem:$0x140];
	(pc) =	sbr.rel @p4 .LBB2_4-.Ltmp1, $4  }
0x104: {  	v8 =	vld [tilespmem:$0x160]  }
0x105: {  	v7 =	vld [tilespmem:$0x120]  }
0x106: {  	v5 =	vld [tilespmem:$0x150]  }
0x107: {  	v6 =	vld [tilespmem:$0x110];
	v4 =	vsub.s32 v4, v0  }
0x108: {  	v9 =	vld [tilespmem:$0x100];
	vm0 =	vlt.s32 v4, v1;
	vm1 =	vgt.s32 v4, $0xFFFFFFFF;
	v3 =	vsub.s32 v3, v0  }
0x109: {  	v10 =	vld [tilespmem:$0x130];
	v8 =	vsub.s32 v8, v0;
	vm1 =	vmand vm1, vm0;
	vm10 =	vlt.s32 v3, v1  }
0x10a: {  	vm6 =	vgt.s32 v3, $0xFFFFFFFF;
	v7 =	vsub.s32 v7, v0;
	vm2 =	vlt.s32 v8, v1  }
0x10b: {  	v48 =	vnsel vm1, $0x6400, v4;
	vm1 =	vmand vm6, vm10;
	vm15 =	vgt.s32 v8, $0xFFFFFFFF  }
0x10c: {  	vm9 =	vgt.s32 v7, $0xFFFFFFFF;
	v5 =	vsub.s32 v5, v0;
	v3 =	vnsel vm1, $0x6400, v3  }
0x10d: {  	vm2 =	vmand vm15, vm2;
	v6 =	vsub.s32 v6, v0;
	vm3 =	vlt.s32 v5, v1  }
0x10e: {  	vm4 =	vgt.s32 v5, $0xFFFFFFFF;
	v9 =	vsub.s32 v9, v0;
	v10 =	vsub.s32 v10, v0  }
0x10f: {  	[tilespmem:$0x170] =	vst v48;
	vm3 =	vmand vm4, vm3;
	vm13 =	vgt.s32 v6, $0xFFFFFFFF;
	vm14 =	vlt.s32 v6, v1  }
0x110: {  	[tilespmem:$0x140] =	vst v3;
	vm5 =	vlt.s32 v9, v1;
	vm1 =	vmand vm13, vm14;
	v3 =	vnsel vm3, $0x6400, v5  }
0x111: {  	vm7 =	vlt.s32 v10, v1;
	vm11 =	vgt.s32 v10, $0xFFFFFFFF;
	v50 =	vnsel vm1, $0x6400, v6;
	[tilespmem:$0x150] =	vst v3  }
0x112: {  	vm6 =	vgt.s32 v9, $0xFFFFFFFF;
	vm12 =	vmand vm11, vm7;
	v3 =	vnsel vm2, $0x6400, v8;
	[tilespmem:$0x110] =	vst v50  }
0x113: {  	vm7 =	vlt.s32 v7, v1;
	vm3 =	vmand vm6, vm5;
	v49 =	vnsel vm12, $0x6400, v10;
	[tilespmem:$0x160] =	vst v3  }
0x114: {  	vm0 =	vmand vm9, vm7;
	v51 =	vnsel vm3, $0x6400, v9;
	[tilespmem:$0x130] =	vst v49  }
0x115: {  	v3 =	vnsel vm0, $0x6400, v7;
	[tilespmem:$0x100] =	vst v51  }
0x116: {  	[tilespmem:$0x120] =	vst v3  }
0x117: {  	[spmem:s1] =	stream.indirect.scatter.add.f32 [tilespmem:s29], [sflag:$0x6], $0x10, s7, s3, $0xb8;
	[tilespmem:$0x7588] =	vst v63  }
0x118: {  	_ =	swait.ge [sflag:s0], $0x80  }
0x119: {  	[sflag:s0] =	ssyncset.done $0x0  }
0x11a: {  	[sflag:s0] =	ssyncadd.s32 $0xFFFFFF80  }
0x11b: {  	_ =	swait.ge [sflag:s11], $0x800  }
0x11c: {  	[sflag:s11] =	ssyncset.done $0x0  }
0x11d: {  	s14 =	sadd.s32 $0x40, s14;
	[sflag:s11] =	ssyncadd.s32 $0xFFFFF800  }
0x11e: {  	[tilespmem:s3], [sflag:$0x2] =	stream.linear.gather [hbm4b:s14+s2], $0x80, $0x38;
	[tilespmem:$0x7588] =	vst v63  }
0x11f: {  	v3 =	vld [tilespmem:$0x0]  }
0x120: {  	v52 =	vld [tilespmem:$0x10]  }
0x121: {  	v53 =	vld [tilespmem:$0x20]  }
0x122: {  	v54 =	vld [tilespmem:$0x30]  }
0x123: {  	v55 =	vld [tilespmem:$0x40]  }
0x124: {  	v56 =	vld [tilespmem:$0x50]  }
0x125: {  	v57 =	vld [tilespmem:$0x70]  }
0x126: {  	v58 =	vld [tilespmem:$0x60];
	_ =	sdelay $0x1  }
0x127: {  	v3 =	vsub.s32 v3, v0  }
0x128: {  	v4 =	vsub.s32 v52, v0;
	v5 =	vsub.s32 v53, v0;
	v6 =	vsub.s32 v54, v0  }
0x129: {  	v7 =	vsub.s32 v55, v0;
	v8 =	vsub.s32 v56, v0;
	v60 =	vsub.s32 v57, v0  }
0x12a: {  	v62 =	vsub.s32 v58, v0;
	vm0 =	vgt.s32 v3, $0xFFFFFFFF;
	vm1 =	vlt.s32 v3, v1  }
0x12b: {  	vm8 =	vgt.s32 v4, $0xFFFFFFFF;
	vm9 =	vlt.s32 v4, v1;
	vm3 =	vgt.s32 v5, $0xFFFFFFFF  }
0x12c: {  	vm10 =	vgt.s32 v6, $0xFFFFFFFF;
	vm11 =	vgt.s32 v7, $0xFFFFFFFF;
	vm12 =	vlt.s32 v7, v1  }
0x12d: {  	vm13 =	vgt.s32 v8, $0xFFFFFFFF;
	vm14 =	vlt.s32 v8, v1;
	vm2 =	vmand vm8, vm9  }
0x12e: {  	vm15 =	vlt.s32 v6, v1;
	vm4 =	vmand vm11, vm12;
	v4 =	vnsel vm2, $0x6400, v4  }
0x12f: {  	vm8 =	vmand vm13, vm14;
	vm9 =	vlt.s32 v5, v1;
	v7 =	vnsel vm4, $0x6400, v7;
	[tilespmem:$0x10] =	vst v4  }
0x130: {  	vm11 =	vlt.s32 v60, v1;
	vm0 =	vmand vm0, vm1;
	v59 =	vnsel vm8, $0x6400, v8;
	[tilespmem:$0x40] =	vst v7  }
0x131: {  	vm13 =	vgt.s32 v62, $0xFFFFFFFF;
	vm2 =	vmand vm10, vm15;
	v3 =	vnsel vm0, $0x6400, v3;
	[tilespmem:$0x50] =	vst v59  }
0x132: {  	vm14 =	vlt.s32 v62, v1;
	vm3 =	vmand vm3, vm9;
	v6 =	vnsel vm2, $0x6400, v6;
	[tilespmem:$0x0] =	vst v3  }
0x133: {  	vm10 =	vgt.s32 v60, $0xFFFFFFFF;
	vm15 =	vmand vm13, vm14;
	v61 =	vnsel vm3, $0x6400, v5;
	[tilespmem:$0x30] =	vst v6  }
0x134: {  	vm12 =	vmand vm10, vm11;
	v3 =	vnsel vm15, $0x6400, v62;
	[tilespmem:$0x20] =	vst v61  }
0x135: {  	v63 =	vnsel vm12, $0x6400, v60;
	[tilespmem:$0x60] =	vst v3  }
0x136: {  	[tilespmem:$0x70] =	vst v63  }
0x137: {  	[spmem:s1] =	stream.indirect.scatter.add.f32 [tilespmem:s29], [sflag:$0x4], $0x10, s2, s3, $0xb8;
	[tilespmem:$0x7588] =	vst v63  }
0x138: {  	_ =	swait.ge [sflag:s12], $0x800  }
0x139: {  	[sflag:s12] =	ssyncset.done $0x0  }
0x13a: {  	[sflag:s12] =	ssyncadd.s32 $0xFFFFF800  }
0x13b: {  	_ =	swait.ge [sflag:s10], $0x800  }
0x13c: {  	[sflag:s10] =	ssyncset.done $0x0  }
0x13d: {  	[sflag:s10] =	ssyncadd.s32 $0xFFFFF800  }
0x13e: {  	_ =	swait.ge [sflag:s6], $0x80  }
0x13f: {  	[sflag:s6] =	ssyncset.done $0x0  }
0x140: {  	[sflag:s6] =	ssyncadd.s32 $0xFFFFFF80  }
0x141: {  	s14 =	sshll.u32 @!p2 s4, $0x6;
	[bflag:$0x0] =	sbarrier.arrive $0xFFFF  }
0x142: {  	s14 =	sor.u32 @!p2 $0x1C07, s14;
	s15 =	rddreg [dreg:$0x7]  }
0x143: {  	[hbm:s15], [sflag:s14] =	dma.local @!p2 [spmem:s21], $0xC40  }
0x144: {  	s14 =	simm.s32 @!p2 $0x7  }
0x145: {  	_ =	swait.ge @!p2 [sflag:s14], $0xC40  }
0x146: {  	[sflag:s14] =	ssyncset.done @!p2 $0x0  }
0x147: {  	s15 =	rddreg [dreg:$0x8];
	[sflag:s14] =	ssyncadd.s32 @!p2 $0xFFFFF3C0;
	s14 =	simm.s32 @!p3 $0x1FC7  }
0x148: {  	[hbm:s15], [sflag:s14] =	dma.local @!p3 [spmem:s22], $0xBD0  }
0x149: {  	s14 =	simm.s32 @!p3 $0x7  }
0x14a: {  	_ =	swait.ge @!p3 [sflag:s14], $0xBD0  }
0x14b: {  	s15 =	sshll.u32 @p0 s4, $0x6;
	[sflag:s14] =	ssyncset.done @!p3 $0x0  }
0x14c: {  	[sflag:s14] =	ssyncadd.s32 @!p3 $0xFFFFF430;
	s14 =	sor.u32 @p0 $0x1C07, s15;
	s15 =	rddreg [dreg:$0x9]  }
0x14d: {  	[hbm:s15], [sflag:s14] =	dma.local @p0 [spmem:s23], $0xC30  }
0x14e: {  	s14 =	simm.s32 @p0 $0x7  }
0x14f: {  	_ =	swait.ge @p0 [sflag:s14], $0xC30  }
0x150: {  	s13 =	sadd.s32 $0x1, s13;
	s17 =	rddreg [dreg:$0xa]  }
0x151: {  	p4 =	sne.s32 s13, s17  }
.Ltmp2:
0x152: {  	_ = 	snop;
	(pc) =	sbr.rel @p4 .LBB2_1-.Ltmp2, $3  }
0x153: {  	_ =	sdelay $0x1  }
0x154: {  	[sflag:s14] =	ssyncset.done @p0 $0x0  }
0x155: {  	[sflag:s14] =	ssyncadd.s32 @p0 $0xFFFFF3D0  }
0x156: {  	_ =	sfence.sel $0x180000  }
0x157: {  	[bflag:$0x0] =	sbarrier.arrive $0xFFFF  }
0x158: {  	_ =	strace $0x9000004A  }
0x159: {  	[bflag:$0x2] =	sbarrier.arrive $0xFFFF  }
0x15a: {  	s0 =	rddreg [dreg:$0x2]  }
0x15b: {  	s0 =	sadd.s32 @!p1 $0x100000, s0  }
0x15c: {  	[sflag:s0] =	ssyncadd.tile.s32 @!p1 $0x1;
	_ =	shalt  }
.Lfunc_end2:
_tile_overlayer_lowered:
.L_overlay_start_2:
0x15d: {  	(tag) =	ssettag $0x2  }
0x15e: {  	s0 =	rddreg [dreg:$0x0];
	s2 =	stileid.u32  }
0x15f: {  	s1 =	rddreg [dreg:$0x1];
	p0 =	sne.s32 s2, $0x0  }
0x160: {  	s3 =	rddreg [dreg:$0x2];
	[bflag:$0x3] =	sbarrier.arrive $0xFFFF;
	s2 =	simm.s32 @!p0 $0x1C07  }
0x161: {  	[timem:s3], [sflag:s2] =	dma.local @!p0 [hbm:s0], s1  }
0x162: {  	s0 =	simm.s32 @!p0 $0x7  }
0x163: {  	_ =	swait.ge @!p0 [sflag:s0], s1  }
0x164: {  	s1 =	ssub.s32 @!p0 $0x0, s1;
	[sflag:s0] =	ssyncset.done @!p0 $0x0  }
0x165: {  	[sflag:s0] =	ssyncadd.s32 @!p0 s1  }
0x166: {  	[bflag:$0x3] =	sbarrier.arrive $0xFFFF  }
0x167: {  	_ =	shalt  }

// kernel: kernel.13.cloned.1.call-start
scs
__scs_entry_jumppad:
0x0: {  	(pc) =	sbr.rel $0x88, $3  }
0x1: {  	(tag) =	ssettag $0x0;
	lr =	simm.s32 $0x1  }
0x2: {  	[smem:$0x3F87] =	sst lr;
	_ =	strace $0xD0000000  }
0x3: {  	_ = 	snop  }
0x4: {  	_ = 	snop  }
0x5: {  	_ = 	snop  }
0x6: {  	_ = 	snop  }
0x7: {  	_ = 	snop  }
__scs_overlays_trampoline_lowered:
0x8: {  	[smem:$0x3F96] =	sst s0  }
0x9: {  	[smem:$0x3F97] =	sst s1  }
0xa: {  	[smem:$0x3F98] =	sst s2  }
0xb: {  	[smem:$0x3F99] =	sst s3  }
0xc: {  	[smem:$0x3F9A] =	sst s4  }
0xd: {  	[smem:$0x3F9B] =	sst s5  }
0xe: {  	[smem:$0x3F9C] =	sst s6  }
0xf: {  	[smem:$0x3F9D] =	sst s7  }
0x10: {  	[smem:$0x3F9E] =	sst s8  }
0x11: {  	[smem:$0x3F9F] =	sst s9;
	s0 =	simm.s32 @!p0 $0x0  }
0x12: {  	s1 =	sld [smem:$0x3F85];
	s0 =	simm.s32 @p0 $0x1  }
0x13: {  	[smem:$0x3FA0] =	sst s0;
	s0 =	simm.s32 @!p1 $0x0  }
0x14: {  	s2 =	sld [smem:$0x3F84];
	s0 =	simm.s32 @p1 $0x1  }
0x15: {  	[smem:$0x3FA1] =	sst s0;
	s0 =	simm.s32 @!p2 $0x0  }
0x16: {  	s3 =	sld [smem:$0x3FDB];
	s0 =	simm.s32 @p2 $0x1  }
0x17: {  	s4 =	simm.s32 $0x1BF5;
	[smem:$0x3FA3] =	sst s0  }
0x18: {  	s0 =	sld [smem:$0x3F86];
	_ =	swait.ge [sflag:s4], $0x0  }
0x19: {  	s7 =	sld [smem:$0x3F87]  }
0x1a: {  	s8 =	sadd.s32 $0xFFFFE003, lr  }
0x1b: {  	s9 =	sadd.s32 $0xFFFFFEF7, lr;
	s5 =	simm.s32 $0xFFFFFFFF;
	p2 =	slt.u32 s8, $0xFFFFF086  }
0x1c: {  	p1 =	slt.u32 s9, $0xF7A;
	s5 =	simm.s32 @!p2 $0x0  }
0x1d: {  	s5 =	simm.s32 @p1 $0x1;
	p0 =	seq.s32 s7, s2  }
0x1e: {  	s7 =	smul.u32 @!p0 $0xF7A, s2;
	p2 =	seq.s32 @!p0 s5, $0x0  }
0x1f: {  	s9 =	smul.u32 $0xF7A, s1;
	s8 =	simm.s32 @!p0 $0x1BF5;
	p2 =	por !p2, p0  }
0x20: {  	[sflag:s8] =	ssyncset.s32 @!p0 $0xFFFFF086;
	s6 =	sadd.s32 @!p0 s3, s7;
	s7 =	simm.s32 @!p0 $0x108  }
0x21: {  	s3 =	sadd.s32 s3, s9;
	s6 =	sadd.s32 @!p0 $0x88, s6;
	s7 =	simm.s32 @p2 $0x1082  }
0x22: {  	[simem:s7], [sflag:s8] =	dma.local @!p0 [hbm:s6], $0xF7A  }
0x23: {  	s9 =	sor.u32 $0xD0000000, s2;
	s6 =	simm.s32 $0x108;
	_ =	swait.ge @!p0 [sflag:s8], $0x0  }
0x24: {  	s3 =	sadd.s32 $0x88, s3;
	s6 =	simm.s32 @!p1 $0x1082;
	[sflag:s4] =	ssyncset.s32 $0xFFFFF086  }
0x25: {  	[simem:s6], [sflag:s4] =	dma.local [hbm:s3], $0xF7A  }
0x26: {  	[smem:$0x3F87] =	sst s1;
	(tag) =	ssettag s2;
	_ =	strace s9  }
0x27: {  	s1 =	sld [smem:$0x3F97]  }
0x28: {  	s2 =	sld [smem:$0x3F98]  }
0x29: {  	s4 =	sld [smem:$0x3F9A]  }
0x2a: {  	p0 =	seq.s32 s5, $0x0;
	s5 =	sld [smem:$0x3F9B]  }
0x2b: {  	s6 =	sld [smem:$0x3F9C]  }
0x2c: {  	s7 =	sld [smem:$0x3F9D]  }
0x2d: {  	s3 =	simm.s32 $0x108;
	s8 =	sld [smem:$0x3F9E]  }
0x2e: {  	s3 =	simm.s32 @!p0 $0x1082;
	s9 =	sld [smem:$0x3F9F]  }
0x2f: {  	lr =	sadd.s32 s0, s3;
	s0 =	sld [smem:$0x3F96]  }
0x30: {  	s3 =	sld [smem:$0x3F99]  }
0x31: {  	[smem:$0x3FA2] =	sst s10  }
0x32: {  	s10 =	sld [smem:$0x3FA0];
	_ =	sdelay $0x3  }
0x33: {  	p0 =	seq.s32 s10, $0x1;
	s10 =	sld [smem:$0x3FA2];
	_ =	sdelay $0x3  }
0x34: {  	[smem:$0x3FA2] =	sst s10  }
0x35: {  	s10 =	sld [smem:$0x3FA1];
	_ =	sdelay $0x3  }
0x36: {  	p1 =	seq.s32 s10, $0x1;
	s10 =	sld [smem:$0x3FA2];
	_ =	sdelay $0x3  }
0x37: {  	[smem:$0x3FA2] =	sst s10  }
0x38: {  	s10 =	sld [smem:$0x3FA3]  }
0x39: {  	_ = 	snop;
	(pc) =	sbr.ind lr, $3  }
0x3a: {  	_ = 	snop  }
0x3b: {  	_ = 	snop  }
0x3c: {  	p2 =	seq.s32 s10, $0x1;
	s10 =	sld [smem:$0x3FA2]  }
0x3d: {  	_ =	shalt  }
0x3e: {  	_ =	shalt  }
0x3f: {  	_ =	shalt  }
0x40: {  	_ =	shalt  }
0x41: {  	_ =	shalt  }
0x42: {  	_ =	shalt  }
0x43: {  	_ =	shalt  }
0x44: {  	_ =	shalt  }
0x45: {  	_ =	shalt  }
0x46: {  	_ =	shalt  }
0x47: {  	_ =	shalt  }
0x48: {  	_ =	shalt  }
0x49: {  	_ =	shalt  }
0x4a: {  	_ =	shalt  }
0x4b: {  	_ =	shalt  }
0x4c: {  	_ =	shalt  }
0x4d: {  	_ =	shalt  }
0x4e: {  	_ =	shalt  }
0x4f: {  	_ =	shalt  }
0x50: {  	_ =	shalt  }
0x51: {  	_ =	shalt  }
0x52: {  	_ =	shalt  }
0x53: {  	_ =	shalt  }
0x54: {  	_ =	shalt  }
0x55: {  	_ =	shalt  }
0x56: {  	_ =	shalt  }
0x57: {  	_ =	shalt  }
0x58: {  	_ =	shalt  }
0x59: {  	_ =	shalt  }
0x5a: {  	_ =	shalt  }
0x5b: {  	_ =	shalt  }
0x5c: {  	_ =	shalt  }
0x5d: {  	_ =	shalt  }
0x5e: {  	_ =	shalt  }
0x5f: {  	_ =	shalt  }
0x60: {  	_ =	shalt  }
0x61: {  	_ =	shalt  }
0x62: {  	_ =	shalt  }
0x63: {  	_ =	shalt  }
0x64: {  	_ =	shalt  }
0x65: {  	_ =	shalt  }
0x66: {  	_ =	shalt  }
0x67: {  	_ =	shalt  }
0x68: {  	_ =	shalt  }
0x69: {  	_ =	shalt  }
0x6a: {  	_ =	shalt  }
0x6b: {  	_ =	shalt  }
0x6c: {  	_ =	shalt  }
0x6d: {  	_ =	shalt  }
0x6e: {  	_ =	shalt  }
0x6f: {  	_ =	shalt  }
0x70: {  	_ =	shalt  }
0x71: {  	_ =	shalt  }
0x72: {  	_ =	shalt  }
0x73: {  	_ =	shalt  }
0x74: {  	_ =	shalt  }
0x75: {  	_ =	shalt  }
0x76: {  	_ =	shalt  }
0x77: {  	_ =	shalt  }
0x78: {  	_ =	shalt  }
0x79: {  	_ =	shalt  }
0x7a: {  	_ =	shalt  }
0x7b: {  	_ =	shalt  }
0x7c: {  	_ =	shalt  }
0x7d: {  	_ =	shalt  }
0x7e: {  	_ =	shalt  }
0x7f: {  	_ =	shalt  }
0x80: {  	_ =	shalt  }
0x81: {  	_ =	shalt  }
0x82: {  	_ =	shalt  }
0x83: {  	_ =	shalt  }
0x84: {  	_ =	shalt  }
0x85: {  	_ =	shalt  }
0x86: {  	_ =	shalt  }
0x87: {  	_ =	shalt  }
.Lfunc_end0:
.L_simem_size_0:
called_computation.1_lowered:
.L_overlay_start_0:
0x88: {  	s2 =	sld [smem:$0x3FD9]  }
0x89: {  	s3 =	sld [smem:$0x3FFE];
	_ =	sdelay $0x1  }
0x8a: {  	s1 =	srdreg.scid  }
0x8b: {  	s0 =	sand.u32 $0x1, s1  }
0x8c: {  	s16 =	sshll.u32 s0, $0xA;
	s2 =	sadd.s32 s3, s2  }
0x8d: {  	s2 =	sadd.s32 s2, s16  }
0x8e: {  	[smem:$0x3FAE] =	sst s2  }
0x8f: {  	_ = 	snop  }
0x90: {  	(tm) =	ssettm $0x1  }
0x91: {  	s17 =	sld [smem:$0x3FFB];
	_ =	sdelay $0x3  }
0x92: {  	_ =	strace s17  }
0x93: {  	s2 =	sld [smem:$0x3FFC];
	_ =	sdelay $0x3  }
0x94: {  	_ =	strace s2  }
0x95: {  	s2 =	sld [smem:$0x3FFD];
	_ =	sdelay $0x3  }
0x96: {  	_ =	strace s2  }
0x97: {  	_ =	strace $0x8FFFFFFF  }
0x98: {  	s18 =	sld [smem:$0x3FDB];
	_ =	sdelay $0x1  }
0x99: {  	s19 =	simm.s32 $_scs_section_size  }
0x9a: {  	s4 =	simm.s32 $_size__tile_overlayer_lowered;
	s5 =	simm.s32 $_tile_overlayer_lowered  }
0x9b: {  	s22 =	simm.s32 $0x1BFF;
	s21 =	sshll.u32 s5, $0x1;
	s2 =	sadd.s32 s19, s18  }
0x9c: {  	s6 =	simm.s32 $0x0;
	s20 =	sshll.u32 s4, $0x1;
	s4 =	sadd.s32 s21, s2  }
0x9d: {  	[timem:s6], [sflag:s22] =	dma.local [hbm:s4], s20  }
0x9e: {  	_ =	swait.ge [sflag:s22], s20  }
0x9f: {  	s3 =	ssub.s32 $0x0, s20;
	[sflag:s22] =	ssyncset.done $0x0  }
0xa0: {  	[sflag:s22] =	ssyncadd.s32 s3;
	_ =	sdelay $0x1  }
0xa1: {  	s23 =	simm.s32 $0x1B8B  }
0xa2: {  	_ =	swait.ge [sflag:s23], $0x1  }
0xa3: {  	[sflag:s23] =	ssyncset.done $0x0  }
0xa4: {  	s25 =	simm.s32 $0x1B8E;
	s24 =	sld [smem:$0x3FFE];
	[sflag:s23] =	ssyncadd.s32 $0xFFFFFFFF  }
0xa5: {  	s26 =	simm.s32 $execute0_lowered;
	[smem:$0x3FD2] =	sst s25  }
0xa6: {  	s4 =	sshll.u32 s26, $0x1;
	_ =	strace $0x80000046;
	[dreg:$0x1] =	wrdreg $0xFFFFFFFF  }
0xa7: {  	s28 =	simm.s32 $_size_execute0_lowered;
	s2 =	sadd.s32 s2, s4;
	[dreg:$0x0] =	wrdreg $0x0  }
0xa8: {  	s4 =	sshll.u32 s28, $0x1;
	[dreg:$0x2] =	wrdreg s2  }
0xa9: {  	[dreg:$0x3] =	wrdreg s4  }
0xaa: {  	[dreg:$0x4] =	wrdreg $0xC0  }
0xab: {  	_ =	task [dreg:s6], $0x5FFFF  }
0xac: {  	[dreg:$0x1] =	wrdreg $0xFFFFFFFF  }
0xad: {  	[dreg:$0x0] =	wrdreg $0x60  }
0xae: {  	[dreg:$0x2] =	wrdreg s24  }
0xaf: {  	[dreg:$0x3] =	wrdreg $0x42000  }
0xb0: {  	[dreg:$0x4] =	wrdreg $0xA  }
0xb1: {  	_ =	task.clear_ibuf [dreg:s6], $0x5FFFF;
	_ =	strace $0x90000046  }
0xb2: {  	s29 =	simm.s32 $0xA;
	_ =	strace $0x80000048  }
0xb3: {  	_ =	swait.ge [sflag:s29], $0x1  }
0xb4: {  	[sflag:s29] =	ssyncadd.s32 $0xFFFFFFFF  }
0xb5: {  	_ =	strace $0x90000048  }
0xb6: {  	_ =	sfence  }
0xb7: {  	s30 =	sld [smem:$0x0];
	_ =	sdelay $0x2  }
0xb8: {  	s31 =	sshll.u32 s1, $0xD;
	s1 =	sshrl.u32 s1, $0x2  }
0xb9: {  	s3 =	sand.u32 $0x4000, s31;
	s1 =	sadd.s32 s1, s30  }
0xba: {  	s0 =	sor.u32 s3, s0;
	s1 =	sshll.u32 s1, $0x11  }
0xbb: {  	s0 =	sor.u32 s1, s0  }
0xbc: {  	s0 =	sadd.s32 $0x8F2B, s0  }
0xbd: {  	[sflag:s0] =	ssyncadd.remote.s32 $0x1  }
0xbe: {  	_ =	sfence.sel $0xFFFF  }
0xbf: {  	[dreg:$0x0] =	wrdreg $0xFFFFFFFF;
	(pc) =	sbr.abs _section_cstart, $3  }
0xc0: {  	[dreg:$0x1] =	wrdreg $0xFFFFFFFF  }
0xc1: {  	_ =	task.clear_ibuf [dreg:s6], $0x2FFFF;
	_ =	strace $0x9FFFFFFF  }
0xc2: {  	(tm) =	ssettm $0x7FFFFFFF  }
0xc3: {  	_ =	shalt  }
tec
execute0_lowered:
.L_overlay_start_1:
0x0: {  	(tag) =	ssettag $0x1  }
0x1: {  	s14 =	rddreg [dreg:$0x0]  }
0x2: {  	s1 =	rddreg [dreg:$0x1]  }
0x3: {  	s0 =	rddreg [dreg:$0x2];
	s2 =	simm.s32 $0x0  }
0x4: {  	s3 =	stileid.u32;
	s4 =	srdreg.scid;
	s25 =	simm.s32 $0x6200  }
0x5: {  	s22 =	simm.s32 $0x100;
	s23 =	simm.s32 $0x1;
	s5 =	smul.u32 $0x1880, s3  }
0x6: {  	[smem:$0x7FF] =	sst s2;
	s19 =	sand.u32 $0x1, s4;
	s7 =	smul.u32 $0x64000, s3  }
0x7: {  	s4 =	sadd.s32 $0xD3800, s14;
	s15 =	sadd.s32 $0x166400, s14;
	s17 =	smul.u32 $0x18800, s3  }
0x8: {  	s12 =	sadd.s32 $0x190000, s1;
	p6 =	sne.s32 s3, $0xF;
	s20 =	smul.u32 $0x18600, s3  }
0x9: {  	p2 =	seq.s32 s3, $0xF;
	s30 =	smul.u32 $0x61800, s3;
	_ =	strace $0x80000047  }
0xa: {  	s6 =	ssub.s32 $0x2, s19;
	s24 =	smul.u32 $0x6200, s19;
	p0 =	seq.s32 s19, $0x0  }
0xb: {  	p1 =	seq.s32 s19, $0x1;
	s18 =	sadd.s32 s5, s14;
	s26 =	sshrl.u32 s6, $0x1  }
0xc: {  	s28 =	sshrl.u32 s7, $0x2;
	s25 =	simm.s32 @!p0 $0x6150;
	s13 =	sshrl.u32 s17, $0x3  }
0xd: {  	p0 =	por !p6, !p1;
	s21 =	sadd.s32 s17, s1;
	p1 =	por !p2, !p1  }
0xe: {  	s29 =	sshrl.u32 s20, $0x3;
	s14 =	sadd.s32 $0x1C4F40, s14;
	s31 =	sshrl.u32 s30, $0x2  }
0xf: {  	p2 =	sne.s32 s19, $0x0;
	s19 =	simm.s32 $0x200;
	s20 =	simm.s32 $0x2  }
0x10: {  	s16 =	ssub.s32 s6, s26;
	s5 =	sadd.s32 s28, s1;
	s13 =	sadd.s32 s15, s13  }
0x11: {  	p0 =	por !p0, !p0;
	p3 =	por !p1, !p1;
	s15 =	sadd.s32 s15, s29  }
0x12: {  	s26 =	sadd.s32 $0x16DA00, s1;
	s28 =	sadd.s32 s31, s1;
	s17 =	sadd.s32 $0x135400, s18  }
0x13: {  	s18 =	sadd.s32 $0x14DC00, s18;
	p1 =	sne.s32 s3, $0x0;
	s21 =	sshrl.u32 @!p2 s21, $0x3  }
0x14: {  	s6 =	sadd.s32 $0x4000, s5;
	s7 =	sadd.s32 $0x8000, s5;
	s8 =	sadd.s32 $0xC000, s5  }
0x15: {  	s9 =	sadd.s32 $0x10000, s5;
	s10 =	sadd.s32 $0x14000, s5;
	s11 =	sadd.s32 $0x18000, s5  }
0x16: {  	s15 =	sadd.s32 $0x31000, s15;
	s16 =	smax.u32 s16, $0x1;
	p3 =	por !p3, p0  }
0x17: {  	v2 =	vimm.f32 $0.0e+00;
	v0 =	vmov s24;
	v1 =	vmov s25;
	s25 =	sshrl.u32 @p0 s28, $0x3;
	s24 =	sshrl.u32 @!p3 s26, $0x3;
	s26 =	simm.s32 $0x0  }
.LBB2_1:
0x18: {  	s29 =	simm.s32 $0x100;
	s28 =	simm.s32 $0x0  }
.LBB2_2:
0x19: {  	p4 =	sne.s32 s29, $0xFF00;
	[tilespmem:s28+$0x230] =	vst v2;
	s30 =	smov.u32 s29;
	s29 =	sadd.s32 $0x100, s29  }
.Ltmp0:
0x1a: {  	[tilespmem:s28+$0x220] =	vst v2;
	(pc) =	sbr.rel @p4 .LBB2_2-.Ltmp0, $3  }
0x1b: {  	[tilespmem:s28+$0x200] =	vst v2  }
0x1c: {  	[tilespmem:s28+$0x210] =	vst v2;
	_ =	sdelay $0x1  }
0x1d: {  	s28 =	sshra.s32 s30, $0x2  }
0x1e: {  	[tilespmem:s28+$0x230] =	vst v2  }
0x1f: {  	[tilespmem:s28+$0x220] =	vst v2  }
0x20: {  	[tilespmem:s28+$0x200] =	vst v2  }
0x21: {  	[tilespmem:s28+$0x210] =	vst v2  }
0x22: {  	[spmem:s5] =	stream.linear.scatter [tilespmem:s19], [sflag:$0x2], $0x4000, $0x38;
	[tilespmem:$0x1D220] =	vst v63  }
0x23: {  	_ =	swait.ge [sflag:s20], $0x4000  }
0x24: {  	[sflag:s20] =	ssyncset.done $0x0  }
0x25: {  	[sflag:s20] =	ssyncadd.s32 $0xFFFFC000  }
0x26: {  	[spmem:s6] =	stream.linear.scatter [tilespmem:s19], [sflag:$0x2], $0x4000, $0x38;
	[tilespmem:$0x1D220] =	vst v63  }
0x27: {  	_ =	swait.ge [sflag:s20], $0x4000  }
0x28: {  	[sflag:s20] =	ssyncset.done $0x0  }
0x29: {  	[sflag:s20] =	ssyncadd.s32 $0xFFFFC000  }
0x2a: {  	[spmem:s7] =	stream.linear.scatter [tilespmem:s19], [sflag:$0x2], $0x4000, $0x38;
	[tilespmem:$0x1D220] =	vst v63  }
0x2b: {  	_ =	swait.ge [sflag:s20], $0x4000  }
0x2c: {  	[sflag:s20] =	ssyncset.done $0x0  }
0x2d: {  	[sflag:s20] =	ssyncadd.s32 $0xFFFFC000  }
0x2e: {  	[spmem:s8] =	stream.linear.scatter [tilespmem:s19], [sflag:$0x2], $0x4000, $0x38;
	[tilespmem:$0x1D220] =	vst v63  }
0x2f: {  	_ =	swait.ge [sflag:s20], $0x4000  }
0x30: {  	[sflag:s20] =	ssyncset.done $0x0  }
0x31: {  	[sflag:s20] =	ssyncadd.s32 $0xFFFFC000  }
0x32: {  	[spmem:s9] =	stream.linear.scatter [tilespmem:s19], [sflag:$0x2], $0x4000, $0x38;
	[tilespmem:$0x1D220] =	vst v63  }
0x33: {  	_ =	swait.ge [sflag:s20], $0x4000  }
0x34: {  	[sflag:s20] =	ssyncset.done $0x0  }
0x35: {  	[sflag:s20] =	ssyncadd.s32 $0xFFFFC000  }
0x36: {  	[spmem:s10] =	stream.linear.scatter [tilespmem:s19], [sflag:$0x2], $0x4000, $0x38;
	[tilespmem:$0x1D220] =	vst v63  }
0x37: {  	_ =	swait.ge [sflag:s20], $0x4000  }
0x38: {  	[sflag:s20] =	ssyncset.done $0x0  }
0x39: {  	[sflag:s20] =	ssyncadd.s32 $0xFFFFC000  }
0x3a: {  	[spmem:s11] =	stream.linear.scatter [tilespmem:s19], [sflag:$0x2], $0x1000, $0x38;
	[tilespmem:$0x1D220] =	vst v63  }
0x3b: {  	_ =	swait.ge [sflag:s20], $0x1000  }
0x3c: {  	[sflag:s20] =	ssyncset.done $0x0  }
0x3d: {  	s28 =	simm.s32 @!p1 $0x200;
	[sflag:s20] =	ssyncadd.s32 $0xFFFFF000  }
0x3e: {  	[spmem:s12] =	stream.linear.scatter @!p1 [tilespmem:s28], [sflag:$0x2], $0x200, $0x38;
	[tilespmem:$0x1D220] =	vst v63  }
0x3f: {  	s28 =	simm.s32 @!p1 $0x2  }
0x40: {  	_ =	swait.ge @!p1 [sflag:s28], $0x200  }
0x41: {  	[sflag:s28] =	ssyncset.done @!p1 $0x0  }
0x42: {  	[sflag:s28] =	ssyncadd.s32 @!p1 $0xFFFFFE00  }
0x43: {  	s28 =	sadd.s32 $0x0, s18;
	[bflag:$0x0] =	sbarrier.arrive $0xFFFF  }
0x44: {  	[tilespmem:s2], [sflag:$0x2] =	stream.linear.gather [hbm4b:s28+s2], $0x100, $0x38;
	[tilespmem:$0x1D220] =	vst v63  }
0x45: {  	_ =	swait.ge [sflag:s20], $0x100  }
0x46: {  	[sflag:s20] =	ssyncset.done $0x0  }
0x47: {  	s28 =	sadd.s32 $0x0, s17;
	[sflag:s20] =	ssyncadd.s32 $0xFFFFFF00  }
0x48: {  	[tilespmem:s22], [sflag:$0x2] =	stream.linear.gather [hbm4b:s28+s2], $0x100, $0x38;
	[tilespmem:$0x1D220] =	vst v63  }
0x49: {  	_ =	swait.ge [sflag:s20], $0x100  }
0x4a: {  	[sflag:s20] =	ssyncset.done $0x0  }
0x4b: {  	[sflag:s20] =	ssyncadd.s32 $0xFFFFFF00  }
0x4c: {  	v3 =	vld [tilespmem:$0x1F0]  }
0x4d: {  	v4 =	vld [tilespmem:$0x1B0]  }
0x4e: {  	v5 =	vld [tilespmem:$0x150]  }
0x4f: {  	v6 =	vld [tilespmem:$0x100]  }
0x50: {  	v7 =	vld [tilespmem:$0x130];
	_ =	sdelay $0x3  }
0x51: {  	v9 =	vld [tilespmem:$0x110];
	v8 =	vsub.s32 v3, v0;
	v4 =	vsub.s32 v4, v0;
	v3 =	vsub.s32 v5, v0  }
0x52: {  	v12 =	vld [tilespmem:$0x140];
	v13 =	vsub.s32 v6, v0;
	v16 =	vsub.s32 v7, v0;
	vm0 =	vgt.s32 v8, $0xFFFFFFFF  }
0x53: {  	v14 =	vld [tilespmem:$0x120];
	vm1 =	vlt.s32 v8, v1;
	vm2 =	vgt.s32 v4, $0xFFFFFFFF;
	vm3 =	vlt.s32 v4, v1  }
0x54: {  	v15 =	vld [tilespmem:$0x160];
	vm4 =	vlt.s32 v13, v1;
	vm2 =	vmand vm2, vm3;
	vm0 =	vmand vm0, vm1  }
0x55: {  	v10 =	vld [tilespmem:$0x180];
	vm1 =	vgt.s32 v3, $0xFFFFFFFF;
	vm3 =	vlt.s32 v3, v1;
	v6 =	vnsel vm2, $0x6400, v4  }
0x56: {  	v11 =	vld [tilespmem:$0x190];
	vm2 =	vgt.s32 v13, $0xFFFFFFFF;
	v8 =	vnsel vm0, $0x6400, v8;
	vm0 =	vmand vm1, vm3  }
0x57: {  	v5 =	vld [tilespmem:$0x170];
	v4 =	vsub.s32 v9, v0;
	vm3 =	vlt.s32 v16, v1;
	vm1 =	vmand vm2, vm4  }
0x58: {  	v7 =	vld [tilespmem:$0x1C0];
	vm2 =	vgt.s32 v16, $0xFFFFFFFF;
	[tilespmem:$0x1B0] =	vst v6;
	vm4 =	vlt.s32 v4, v1;
	v9 =	vnsel vm1, $0x6400, v13  }
0x59: {  	[tilespmem:$0x1F0] =	vst v8;
	vm1 =	vgt.s32 v4, $0xFFFFFFFF;
	vm2 =	vmand vm2, vm3;
	v13 =	vsub.s32 v12, v0;
	v12 =	vld [tilespmem:$0x1D0]  }
0x5a: {  	v6 =	vld [tilespmem:$0x1A0];
	[tilespmem:$0x100] =	vst v9;
	vm1 =	vmand vm1, vm4;
	v16 =	vnsel vm2, $0x6400, v16;
	vm2 =	vgt.s32 v13, $0xFFFFFFFF  }
0x5b: {  	s28 =	simm.s32 $0x20;
	v8 =	vld [tilespmem:$0x1E0];
	v9 =	vsub.s32 v14, v0;
	vm3 =	vlt.s32 v13, v1;
	v14 =	vsub.s32 v15, v0;
	[tilespmem:$0x130] =	vst v16  }
.LBB2_4:
0x5c: {  	p4 =	sne.s32 s28, $0x1860;
	vm2 =	vmand vm2, vm3;
	vm3 =	vgt.s32 v14, $0xFFFFFFFF;
	v10 =	vsub.s32 v10, v0;
	s29 =	smov.u32 s28;
	s28 =	sadd.s32 $0x20, s28  }
0x5d: {  	v11 =	vsub.s32 v11, v0;
	v13 =	vnsel vm2, $0x6400, v13;
	vm2 =	vlt.s32 v14, v1  }
0x5e: {  	vm4 =	vlt.s32 v9, v1;
	[tilespmem:$0x140] =	vst v13;
	vm2 =	vmand vm3, vm2;
	v12 =	vsub.s32 v12, v0  }
0x5f: {  	vm3 =	vgt.s32 v9, $0xFFFFFFFF;
	v13 =	vnsel vm2, $0x6400, v14;
	vm2 =	vgt.s32 v12, $0xFFFFFFFF  }
0x60: {  	v5 =	vsub.s32 v5, v0;
	vm4 =	vmand vm3, vm4;
	vm3 =	vlt.s32 v12, v1;
	[tilespmem:$0x160] =	vst v13  }
0x61: {  	v3 =	vnsel vm0, $0x6400, v3;
	vm0 =	vgt.s32 v5, $0xFFFFFFFF;
	vm5 =	vlt.s32 v11, v1  }
0x62: {  	vm6 =	vlt.s32 v10, v1;
	[tilespmem:$0x150] =	vst v3;
	v3 =	vsub.s32 v6, v0;
	v6 =	vsub.s32 v7, v0  }
0x63: {  	vm7 =	vlt.s32 v5, v1;
	vm8 =	vgt.s32 v10, $0xFFFFFFFF;
	v7 =	vsub.s32 v8, v0  }
0x64: {  	v8 =	vnsel vm4, $0x6400, v9;
	vm4 =	vgt.s32 v3, $0xFFFFFFFF;
	vm9 =	vlt.s32 v3, v1  }
0x65: {  	vm10 =	vlt.s32 v6, v1;
	vm4 =	vmand vm4, vm9;
	vm9 =	vgt.s32 v6, $0xFFFFFFFF  }
0x66: {  	v4 =	vnsel vm1, $0x6400, v4;
	vm1 =	vgt.s32 v11, $0xFFFFFFFF;
	vm9 =	vmand vm9, vm10;
	[tilespmem:$0x120] =	vst v8  }
0x67: {  	vm1 =	vmand vm1, vm5;
	v3 =	vnsel vm4, $0x6400, v3;
	[tilespmem:$0x110] =	vst v4;
	v4 =	vnsel vm9, $0x6400, v6  }
0x68: {  	vm4 =	vmand vm8, vm6;
	v6 =	vnsel vm1, $0x6400, v11;
	vm1 =	vmand vm2, vm3;
	[tilespmem:$0x1C0] =	vst v4  }
0x69: {  	vm0 =	vmand vm0, vm7;
	v4 =	vnsel vm4, $0x6400, v10;
	[tilespmem:$0x190] =	vst v6;
	v6 =	vnsel vm1, $0x6400, v12  }
0x6a: {  	v5 =	vnsel vm0, $0x6400, v5;
	vm0 =	vgt.s32 v7, $0xFFFFFFFF;
	vm1 =	vlt.s32 v7, v1;
	[tilespmem:$0x180] =	vst v4  }
0x6b: {  	vm0 =	vmand vm0, vm1;
	[tilespmem:$0x1D0] =	vst v6  }
0x6c: {  	v4 =	vnsel vm0, $0x6400, v7;
	[tilespmem:$0x170] =	vst v5  }
0x6d: {  	[tilespmem:$0x1E0] =	vst v4  }
0x6e: {  	[tilespmem:$0x1A0] =	vst v3  }
0x6f: {  	[tilespmem:s19], [sflag:$0x1] =	stream.indirect.gather [hbm4b:s4+s22], $0x40, s2, s22, $0xb8;
	[tilespmem:$0x1D220] =	vst v63  }
0x70: {  	_ =	swait.ge [sflag:s23], $0x4000  }
0x71: {  	[sflag:s23] =	ssyncset.done $0x0  }
0x72: {  	[sflag:s23] =	ssyncadd.s32 $0xFFFFC000  }
0x73: {  	[spmem:s1] =	stream.indirect.scatter.add.f32 [tilespmem:s19], [sflag:$0x2], $0x40, s22, s22, $0xb8;
	[tilespmem:$0x1D220] =	vst v63  }
0x74: {  	_ =	swait.ge [sflag:s20], $0x4000  }
0x75: {  	[sflag:s20] =	ssyncset.done $0x0  }
0x76: {  	s30 =	sadd.s32 s29, s18;
	[sflag:s20] =	ssyncadd.s32 $0xFFFFC000  }
0x77: {  	[tilespmem:s2], [sflag:$0x2] =	stream.linear.gather [hbm4b:s30+s2], $0x100, $0x38;
	[tilespmem:$0x1D220] =	vst v63  }
0x78: {  	_ =	swait.ge [sflag:s20], $0x100  }
0x79: {  	[sflag:s20] =	ssyncset.done $0x0  }
0x7a: {  	s29 =	sadd.s32 s29, s17;
	[sflag:s20] =	ssyncadd.s32 $0xFFFFFF00  }
0x7b: {  	[tilespmem:s22], [sflag:$0x2] =	stream.linear.gather [hbm4b:s29+s2], $0x100, $0x38;
	[tilespmem:$0x1D220] =	vst v63  }
0x7c: {  	_ =	swait.ge [sflag:s20], $0x100  }
0x7d: {  	[sflag:s20] =	ssyncset.done $0x0  }
0x7e: {  	[sflag:s20] =	ssyncadd.s32 $0xFFFFFF00  }
0x7f: {  	v3 =	vld [tilespmem:$0x1F0]  }
0x80: {  	v4 =	vld [tilespmem:$0x1B0]  }
0x81: {  	v6 =	vld [tilespmem:$0x130]  }
0x82: {  	v5 =	vld [tilespmem:$0x150]  }
0x83: {  	v7 =	vld [tilespmem:$0x100]  }
0x84: {  	v8 =	vld [tilespmem:$0x110];
	v9 =	vsub.s32 v3, v0  }
0x85: {  	v12 =	vld [tilespmem:$0x140];
	v4 =	vsub.s32 v4, v0;
	vm0 =	vgt.s32 v9, $0xFFFFFFFF;
	vm1 =	vlt.s32 v9, v1  }
0x86: {  	v14 =	vld [tilespmem:$0x120];
	vm2 =	vgt.s32 v4, $0xFFFFFFFF;
	vm3 =	vlt.s32 v4, v1  }
0x87: {  	vm0 =	vmand vm0, vm1;
	v3 =	vsub.s32 v5, v0;
	v15 =	vld [tilespmem:$0x160];
	vm2 =	vmand vm2, vm3  }
0x88: {  	v7 =	vsub.s32 v7, v0;
	vm1 =	vgt.s32 v3, $0xFFFFFFFF;
	v5 =	vld [tilespmem:$0x170];
	v4 =	vnsel vm2, $0x6400, v4  }
0x89: {  	vm3 =	vlt.s32 v3, v1;
	vm2 =	vgt.s32 v7, $0xFFFFFFFF;
	v10 =	vld [tilespmem:$0x180];
	[tilespmem:$0x1B0] =	vst v4;
	v4 =	vnsel vm0, $0x6400, v9  }
0x8a: {  	vm4 =	vlt.s32 v7, v1;
	v9 =	vsub.s32 v6, v0;
	vm0 =	vmand vm1, vm3;
	v11 =	vld [tilespmem:$0x190];
	[tilespmem:$0x1F0] =	vst v4  }
.Ltmp1:
0x8b: {  	vm1 =	vmand vm2, vm4;
	v4 =	vsub.s32 v8, v0;
	vm2 =	vgt.s32 v9, $0xFFFFFFFF;
	v6 =	vld [tilespmem:$0x1A0];
	(pc) =	sbr.rel @p4 .LBB2_4-.Ltmp1, $4  }
0x8c: {  	vm3 =	vlt.s32 v9, v1;
	v8 =	vnsel vm1, $0x6400, v7;
	vm1 =	vgt.s32 v4, $0xFFFFFFFF;
	v7 =	vld [tilespmem:$0x1C0]  }
0x8d: {  	v13 =	vsub.s32 v12, v0;
	vm4 =	vlt.s32 v4, v1;
	vm2 =	vmand vm2, vm3;
	v12 =	vld [tilespmem:$0x1D0]  }
0x8e: {  	vm1 =	vmand vm1, vm4;
	v16 =	vnsel vm2, $0x6400, v9;
	vm2 =	vgt.s32 v13, $0xFFFFFFFF;
	[tilespmem:$0x100] =	vst v8;
	v8 =	vld [tilespmem:$0x1E0]  }
0x8f: {  	vm3 =	vlt.s32 v13, v1;
	v9 =	vsub.s32 v14, v0;
	v14 =	vsub.s32 v15, v0;
	[tilespmem:$0x130] =	vst v16  }
0x90: {  	vm2 =	vmand vm2, vm3;
	vm9 =	vgt.s32 v14, $0xFFFFFFFF  }
0x91: {  	v10 =	vsub.s32 v10, v0;
	vm10 =	vlt.s32 v14, v1;
	v11 =	vsub.s32 v11, v0  }
0x92: {  	vm4 =	vlt.s32 v9, v1;
	vm11 =	vgt.s32 v9, $0xFFFFFFFF;
	v5 =	vsub.s32 v5, v0  }
0x93: {  	v3 =	vnsel vm0, $0x6400, v3;
	v6 =	vsub.s32 v6, v0;
	v4 =	vnsel vm1, $0x6400, v4  }
0x94: {  	v13 =	vnsel vm2, $0x6400, v13;
	vm2 =	vmand vm9, vm10;
	vm3 =	vmand vm11, vm4  }
0x95: {  	vm12 =	vgt.s32 v5, $0xFFFFFFFF;
	vm5 =	vlt.s32 v11, v1;
	vm6 =	vlt.s32 v10, v1  }
0x96: {  	v7 =	vsub.s32 v7, v0;
	vm7 =	vlt.s32 v5, v1;
	vm8 =	vgt.s32 v10, $0xFFFFFFFF;
	[tilespmem:$0x150] =	vst v3  }
0x97: {  	vm14 =	vgt.s32 v11, $0xFFFFFFFF;
	[tilespmem:$0x110] =	vst v4;
	vm15 =	vgt.s32 v6, $0xFFFFFFFF;
	v12 =	vsub.s32 v12, v0  }
0x98: {  	v57 =	vnsel vm2, $0x6400, v14;
	[tilespmem:$0x140] =	vst v13;
	v3 =	vnsel vm3, $0x6400, v9;
	vm13 =	vgt.s32 v7, $0xFFFFFFFF  }
0x99: {  	vm9 =	vlt.s32 v7, v1;
	vm1 =	vmand vm14, vm5;
	vm0 =	vmand vm12, vm7;
	[tilespmem:$0x160] =	vst v57  }
0x9a: {  	vm2 =	vgt.s32 v12, $0xFFFFFFFF;
	vm4 =	vlt.s32 v12, v1;
	[tilespmem:$0x120] =	vst v3;
	v59 =	vnsel vm1, $0x6400, v11  }
0x9b: {  	vm3 =	vmand vm13, vm9;
	v3 =	vsub.s32 v8, v0;
	v62 =	vnsel vm0, $0x6400, v5;
	[tilespmem:$0x190] =	vst v59  }
0x9c: {  	vm9 =	vmand vm8, vm6;
	vm13 =	vlt.s32 v6, v1;
	v58 =	vnsel vm3, $0x6400, v7;
	[tilespmem:$0x170] =	vst v62  }
0x9d: {  	vm10 =	vmand vm2, vm4;
	v60 =	vnsel vm9, $0x6400, v10;
	vm11 =	vgt.s32 v3, $0xFFFFFFFF;
	[tilespmem:$0x1C0] =	vst v58  }
0x9e: {  	vm12 =	vlt.s32 v3, v1;
	vm15 =	vmand vm15, vm13;
	v61 =	vnsel vm10, $0x6400, v12;
	[tilespmem:$0x180] =	vst v60  }
0x9f: {  	vm14 =	vmand vm11, vm12;
	v63 =	vnsel vm15, $0x6400, v6;
	[tilespmem:$0x1D0] =	vst v61  }
0xa0: {  	v3 =	vnsel vm14, $0x6400, v3;
	[tilespmem:$0x1A0] =	vst v63  }
0xa1: {  	[tilespmem:$0x1E0] =	vst v3  }
0xa2: {  	[tilespmem:s19], [sflag:$0x1] =	stream.indirect.gather [hbm4b:s4+s22], $0x40, s2, s22, $0xb8;
	[tilespmem:$0x1D220] =	vst v63  }
0xa3: {  	_ =	swait.ge [sflag:s23], $0x4000  }
0xa4: {  	[sflag:s23] =	ssyncset.done $0x0  }
0xa5: {  	[sflag:s23] =	ssyncadd.s32 $0xFFFFC000  }
0xa6: {  	[spmem:s1] =	stream.indirect.scatter.add.f32 [tilespmem:s19], [sflag:$0x2], $0x40, s22, s22, $0xb8;
	[tilespmem:$0x1D220] =	vst v63  }
0xa7: {  	_ =	swait.ge [sflag:s20], $0x4000  }
0xa8: {  	[sflag:s20] =	ssyncset.done $0x0  }
0xa9: {  	s28 =	sshll.u32 @!p2 s3, $0x6;
	[sflag:s20] =	ssyncadd.s32 $0xFFFFC000  }
0xaa: {  	s28 =	sor.u32 @!p2 $0x1C02, s28;
	[bflag:$0x0] =	sbarrier.arrive $0xFFFF  }
0xab: {  	[hbm:s13], [sflag:s28] =	dma.local @!p2 [spmem:s21], $0x3100  }
0xac: {  	s28 =	simm.s32 @!p2 $0x2  }
0xad: {  	_ =	swait.ge @!p2 [sflag:s28], $0x3100  }
0xae: {  	[sflag:s28] =	ssyncset.done @!p2 $0x0  }
0xaf: {  	[sflag:s28] =	ssyncadd.s32 @!p2 $0xFFFFCF00;
	s28 =	simm.s32 @!p3 $0x1FC2  }
0xb0: {  	[hbm:s14], [sflag:s28] =	dma.local @!p3 [spmem:s24], $0x2F40  }
0xb1: {  	s28 =	simm.s32 @!p3 $0x2  }
0xb2: {  	_ =	swait.ge @!p3 [sflag:s28], $0x2F40  }
0xb3: {  	s29 =	sshll.u32 @p0 s3, $0x6;
	s26 =	sadd.s32 $0x1, s26;
	[sflag:s28] =	ssyncset.done @!p3 $0x0  }
0xb4: {  	p4 =	sne.s32 s26, s16;
	[sflag:s28] =	ssyncadd.s32 @!p3 $0xFFFFD0C0;
	s28 =	sor.u32 @p0 $0x1C02, s29  }
0xb5: {  	[hbm:s15], [sflag:s28] =	dma.local @p0 [spmem:s25], $0x30C0  }
.Ltmp2:
0xb6: {  	_ = 	snop;
	(pc) =	sbr.rel @p4 .LBB2_1-.Ltmp2, $4  }
0xb7: {  	s28 =	simm.s32 @p0 $0x2  }
0xb8: {  	_ =	swait.ge @p0 [sflag:s28], $0x30C0  }
0xb9: {  	[sflag:s28] =	ssyncset.done @p0 $0x0  }
0xba: {  	[sflag:s28] =	ssyncadd.s32 @p0 $0xFFFFCF40  }
0xbb: {  	_ =	sfence.sel $0x180000  }
0xbc: {  	[bflag:$0x0] =	sbarrier.arrive $0xFFFF  }
0xbd: {  	_ =	strace $0x90000047  }
0xbe: {  	s0 =	sadd.s32 @!p1 $0x100000, s0;
	[bflag:$0x2] =	sbarrier.arrive $0xFFFF  }
0xbf: {  	[sflag:s0] =	ssyncadd.tile.s32 @!p1 $0x1;
	_ =	shalt  }
.Lfunc_end2:
_tile_overlayer_lowered:
.L_overlay_start_2:
0xc0: {  	(tag) =	ssettag $0x2  }
0xc1: {  	s0 =	rddreg [dreg:$0x0];
	s2 =	stileid.u32  }
0xc2: {  	s1 =	rddreg [dreg:$0x1];
	p0 =	sne.s32 s2, $0x0  }
0xc3: {  	s3 =	rddreg [dreg:$0x2];
	[bflag:$0x3] =	sbarrier.arrive $0xFFFF;
	s2 =	simm.s32 @!p0 $0x1C02  }
0xc4: {  	[timem:s3], [sflag:s2] =	dma.local @!p0 [hbm:s0], s1  }
0xc5: {  	s0 =	simm.s32 @!p0 $0x2  }
0xc6: {  	_ =	swait.ge @!p0 [sflag:s0], s1  }
0xc7: {  	s1 =	ssub.s32 @!p0 $0x0, s1;
	[sflag:s0] =	ssyncset.done @!p0 $0x0  }
0xc8: {  	[sflag:s0] =	ssyncadd.s32 @!p0 s1  }
0xc9: {  	[bflag:$0x3] =	sbarrier.arrive $0xFFFF  }
0xca: {  	_ =	shalt  }

// kernel: kernel.16.cloned.1.call-start
scs
__scs_entry_jumppad:
0x0: {  	(pc) =	sbr.rel $0x88, $3  }
0x1: {  	(tag) =	ssettag $0x0;
	lr =	simm.s32 $0x1  }
0x2: {  	[smem:$0x3F87] =	sst lr;
	_ =	strace $0xD0000000  }
0x3: {  	_ = 	snop  }
0x4: {  	_ = 	snop  }
0x5: {  	_ = 	snop  }
0x6: {  	_ = 	snop  }
0x7: {  	_ = 	snop  }
__scs_overlays_trampoline_lowered:
0x8: {  	[smem:$0x3F96] =	sst s0  }
0x9: {  	[smem:$0x3F97] =	sst s1  }
0xa: {  	[smem:$0x3F98] =	sst s2  }
0xb: {  	[smem:$0x3F99] =	sst s3  }
0xc: {  	[smem:$0x3F9A] =	sst s4  }
0xd: {  	[smem:$0x3F9B] =	sst s5  }
0xe: {  	[smem:$0x3F9C] =	sst s6  }
0xf: {  	[smem:$0x3F9D] =	sst s7  }
0x10: {  	[smem:$0x3F9E] =	sst s8  }
0x11: {  	[smem:$0x3F9F] =	sst s9;
	s0 =	simm.s32 @!p0 $0x0  }
0x12: {  	s1 =	sld [smem:$0x3F85];
	s0 =	simm.s32 @p0 $0x1  }
0x13: {  	[smem:$0x3FA0] =	sst s0;
	s0 =	simm.s32 @!p1 $0x0  }
0x14: {  	s2 =	sld [smem:$0x3F84];
	s0 =	simm.s32 @p1 $0x1  }
0x15: {  	[smem:$0x3FA1] =	sst s0;
	s0 =	simm.s32 @!p2 $0x0  }
0x16: {  	s3 =	sld [smem:$0x3FDB];
	s0 =	simm.s32 @p2 $0x1  }
0x17: {  	s4 =	simm.s32 $0x1BF5;
	[smem:$0x3FA3] =	sst s0  }
0x18: {  	s0 =	sld [smem:$0x3F86];
	_ =	swait.ge [sflag:s4], $0x0  }
0x19: {  	s7 =	sld [smem:$0x3F87]  }
0x1a: {  	s8 =	sadd.s32 $0xFFFFE003, lr  }
0x1b: {  	s9 =	sadd.s32 $0xFFFFFEF7, lr;
	s5 =	simm.s32 $0xFFFFFFFF;
	p2 =	slt.u32 s8, $0xFFFFF086  }
0x1c: {  	p1 =	slt.u32 s9, $0xF7A;
	s5 =	simm.s32 @!p2 $0x0  }
0x1d: {  	s5 =	simm.s32 @p1 $0x1;
	p0 =	seq.s32 s7, s2  }
0x1e: {  	s7 =	smul.u32 @!p0 $0xF7A, s2;
	p2 =	seq.s32 @!p0 s5, $0x0  }
0x1f: {  	s9 =	smul.u32 $0xF7A, s1;
	s8 =	simm.s32 @!p0 $0x1BF5;
	p2 =	por !p2, p0  }
0x20: {  	[sflag:s8] =	ssyncset.s32 @!p0 $0xFFFFF086;
	s6 =	sadd.s32 @!p0 s3, s7;
	s7 =	simm.s32 @!p0 $0x108  }
0x21: {  	s3 =	sadd.s32 s3, s9;
	s6 =	sadd.s32 @!p0 $0x88, s6;
	s7 =	simm.s32 @p2 $0x1082  }
0x22: {  	[simem:s7], [sflag:s8] =	dma.local @!p0 [hbm:s6], $0xF7A  }
0x23: {  	s9 =	sor.u32 $0xD0000000, s2;
	s6 =	simm.s32 $0x108;
	_ =	swait.ge @!p0 [sflag:s8], $0x0  }
0x24: {  	s3 =	sadd.s32 $0x88, s3;
	s6 =	simm.s32 @!p1 $0x1082;
	[sflag:s4] =	ssyncset.s32 $0xFFFFF086  }
0x25: {  	[simem:s6], [sflag:s4] =	dma.local [hbm:s3], $0xF7A  }
0x26: {  	[smem:$0x3F87] =	sst s1;
	(tag) =	ssettag s2;
	_ =	strace s9  }
0x27: {  	s1 =	sld [smem:$0x3F97]  }
0x28: {  	s2 =	sld [smem:$0x3F98]  }
0x29: {  	s4 =	sld [smem:$0x3F9A]  }
0x2a: {  	p0 =	seq.s32 s5, $0x0;
	s5 =	sld [smem:$0x3F9B]  }
0x2b: {  	s6 =	sld [smem:$0x3F9C]  }
0x2c: {  	s7 =	sld [smem:$0x3F9D]  }
0x2d: {  	s3 =	simm.s32 $0x108;
	s8 =	sld [smem:$0x3F9E]  }
0x2e: {  	s3 =	simm.s32 @!p0 $0x1082;
	s9 =	sld [smem:$0x3F9F]  }
0x2f: {  	lr =	sadd.s32 s0, s3;
	s0 =	sld [smem:$0x3F96]  }
0x30: {  	s3 =	sld [smem:$0x3F99]  }
0x31: {  	[smem:$0x3FA2] =	sst s10  }
0x32: {  	s10 =	sld [smem:$0x3FA0];
	_ =	sdelay $0x3  }
0x33: {  	p0 =	seq.s32 s10, $0x1;
	s10 =	sld [smem:$0x3FA2];
	_ =	sdelay $0x3  }
0x34: {  	[smem:$0x3FA2] =	sst s10  }
0x35: {  	s10 =	sld [smem:$0x3FA1];
	_ =	sdelay $0x3  }
0x36: {  	p1 =	seq.s32 s10, $0x1;
	s10 =	sld [smem:$0x3FA2];
	_ =	sdelay $0x3  }
0x37: {  	[smem:$0x3FA2] =	sst s10  }
0x38: {  	s10 =	sld [smem:$0x3FA3]  }
0x39: {  	_ = 	snop;
	(pc) =	sbr.ind lr, $3  }
0x3a: {  	_ = 	snop  }
0x3b: {  	_ = 	snop  }
0x3c: {  	p2 =	seq.s32 s10, $0x1;
	s10 =	sld [smem:$0x3FA2]  }
0x3d: {  	_ =	shalt  }
0x3e: {  	_ =	shalt  }
0x3f: {  	_ =	shalt  }
0x40: {  	_ =	shalt  }
0x41: {  	_ =	shalt  }
0x42: {  	_ =	shalt  }
0x43: {  	_ =	shalt  }
0x44: {  	_ =	shalt  }
0x45: {  	_ =	shalt  }
0x46: {  	_ =	shalt  }
0x47: {  	_ =	shalt  }
0x48: {  	_ =	shalt  }
0x49: {  	_ =	shalt  }
0x4a: {  	_ =	shalt  }
0x4b: {  	_ =	shalt  }
0x4c: {  	_ =	shalt  }
0x4d: {  	_ =	shalt  }
0x4e: {  	_ =	shalt  }
0x4f: {  	_ =	shalt  }
0x50: {  	_ =	shalt  }
0x51: {  	_ =	shalt  }
0x52: {  	_ =	shalt  }
0x53: {  	_ =	shalt  }
0x54: {  	_ =	shalt  }
0x55: {  	_ =	shalt  }
0x56: {  	_ =	shalt  }
0x57: {  	_ =	shalt  }
0x58: {  	_ =	shalt  }
0x59: {  	_ =	shalt  }
0x5a: {  	_ =	shalt  }
0x5b: {  	_ =	shalt  }
0x5c: {  	_ =	shalt  }
0x5d: {  	_ =	shalt  }
0x5e: {  	_ =	shalt  }
0x5f: {  	_ =	shalt  }
0x60: {  	_ =	shalt  }
0x61: {  	_ =	shalt  }
0x62: {  	_ =	shalt  }
0x63: {  	_ =	shalt  }
0x64: {  	_ =	shalt  }
0x65: {  	_ =	shalt  }
0x66: {  	_ =	shalt  }
0x67: {  	_ =	shalt  }
0x68: {  	_ =	shalt  }
0x69: {  	_ =	shalt  }
0x6a: {  	_ =	shalt  }
0x6b: {  	_ =	shalt  }
0x6c: {  	_ =	shalt  }
0x6d: {  	_ =	shalt  }
0x6e: {  	_ =	shalt  }
0x6f: {  	_ =	shalt  }
0x70: {  	_ =	shalt  }
0x71: {  	_ =	shalt  }
0x72: {  	_ =	shalt  }
0x73: {  	_ =	shalt  }
0x74: {  	_ =	shalt  }
0x75: {  	_ =	shalt  }
0x76: {  	_ =	shalt  }
0x77: {  	_ =	shalt  }
0x78: {  	_ =	shalt  }
0x79: {  	_ =	shalt  }
0x7a: {  	_ =	shalt  }
0x7b: {  	_ =	shalt  }
0x7c: {  	_ =	shalt  }
0x7d: {  	_ =	shalt  }
0x7e: {  	_ =	shalt  }
0x7f: {  	_ =	shalt  }
0x80: {  	_ =	shalt  }
0x81: {  	_ =	shalt  }
0x82: {  	_ =	shalt  }
0x83: {  	_ =	shalt  }
0x84: {  	_ =	shalt  }
0x85: {  	_ =	shalt  }
0x86: {  	_ =	shalt  }
0x87: {  	_ =	shalt  }
.Lfunc_end0:
.L_simem_size_0:
called_computation.2_lowered:
.L_overlay_start_0:
0x88: {  	s2 =	sld [smem:$0x3FD9]  }
0x89: {  	s3 =	sld [smem:$0x3FFE];
	_ =	sdelay $0x1  }
0x8a: {  	s1 =	srdreg.scid  }
0x8b: {  	s0 =	sand.u32 $0x1, s1  }
0x8c: {  	s16 =	sshll.u32 s0, $0xA;
	s2 =	sadd.s32 s3, s2  }
0x8d: {  	s2 =	sadd.s32 s2, s16  }
0x8e: {  	[smem:$0x3FAE] =	sst s2  }
0x8f: {  	_ = 	snop  }
0x90: {  	(tm) =	ssettm $0x1  }
0x91: {  	s17 =	sld [smem:$0x3FFB];
	_ =	sdelay $0x3  }
0x92: {  	_ =	strace s17  }
0x93: {  	s2 =	sld [smem:$0x3FFC];
	_ =	sdelay $0x3  }
0x94: {  	_ =	strace s2  }
0x95: {  	s2 =	sld [smem:$0x3FFD];
	_ =	sdelay $0x3  }
0x96: {  	_ =	strace s2  }
0x97: {  	_ =	strace $0x8FFFFFFF  }
0x98: {  	s18 =	sld [smem:$0x3FDB];
	_ =	sdelay $0x1  }
0x99: {  	s19 =	simm.s32 $_scs_section_size  }
0x9a: {  	s4 =	simm.s32 $_size__tile_overlayer_lowered;
	s5 =	simm.s32 $_tile_overlayer_lowered  }
0x9b: {  	s22 =	simm.s32 $0x1BFF;
	s21 =	sshll.u32 s5, $0x1;
	s2 =	sadd.s32 s19, s18  }
0x9c: {  	s6 =	simm.s32 $0x0;
	s20 =	sshll.u32 s4, $0x1;
	s4 =	sadd.s32 s21, s2  }
0x9d: {  	[timem:s6], [sflag:s22] =	dma.local [hbm:s4], s20  }
0x9e: {  	_ =	swait.ge [sflag:s22], s20  }
0x9f: {  	s3 =	ssub.s32 $0x0, s20;
	[sflag:s22] =	ssyncset.done $0x0  }
0xa0: {  	[sflag:s22] =	ssyncadd.s32 s3;
	_ =	sdelay $0x1  }
0xa1: {  	s23 =	simm.s32 $0x1B8B  }
0xa2: {  	_ =	swait.ge [sflag:s23], $0x1  }
0xa3: {  	[sflag:s23] =	ssyncset.done $0x0  }
0xa4: {  	s25 =	simm.s32 $0x1B8E;
	s24 =	sld [smem:$0x3FFE];
	[sflag:s23] =	ssyncadd.s32 $0xFFFFFFFF  }
0xa5: {  	s26 =	simm.s32 $execute0_lowered;
	[smem:$0x3FD2] =	sst s25  }
0xa6: {  	s4 =	sshll.u32 s26, $0x1;
	_ =	strace $0x8000004C;
	[dreg:$0x1] =	wrdreg $0xFFFFFFFF  }
0xa7: {  	s28 =	simm.s32 $_size_execute0_lowered;
	s2 =	sadd.s32 s2, s4;
	[dreg:$0x0] =	wrdreg $0x0  }
0xa8: {  	s4 =	sshll.u32 s28, $0x1;
	[dreg:$0x2] =	wrdreg s2  }
0xa9: {  	[dreg:$0x3] =	wrdreg s4  }
0xaa: {  	[dreg:$0x4] =	wrdreg $0xC0  }
0xab: {  	_ =	task [dreg:s6], $0x5FFFF  }
0xac: {  	[dreg:$0x1] =	wrdreg $0xFFFFFFFF  }
0xad: {  	[dreg:$0x0] =	wrdreg $0x60  }
0xae: {  	[dreg:$0x2] =	wrdreg s24  }
0xaf: {  	[dreg:$0x3] =	wrdreg $0x42000  }
0xb0: {  	[dreg:$0x4] =	wrdreg $0x9  }
0xb1: {  	_ =	task.clear_ibuf [dreg:s6], $0x5FFFF;
	_ =	strace $0x9000004C  }
0xb2: {  	s29 =	simm.s32 $0x9;
	_ =	strace $0x8000004E  }
0xb3: {  	_ =	swait.ge [sflag:s29], $0x1  }
0xb4: {  	[sflag:s29] =	ssyncadd.s32 $0xFFFFFFFF  }
0xb5: {  	_ =	strace $0x9000004E  }
0xb6: {  	_ =	sfence  }
0xb7: {  	s30 =	sld [smem:$0x0];
	_ =	sdelay $0x2  }
0xb8: {  	s31 =	sshll.u32 s1, $0xD;
	s1 =	sshrl.u32 s1, $0x2  }
0xb9: {  	s3 =	sand.u32 $0x4000, s31;
	s1 =	sadd.s32 s1, s30  }
0xba: {  	s0 =	sor.u32 s3, s0;
	s1 =	sshll.u32 s1, $0x11  }
0xbb: {  	s0 =	sor.u32 s1, s0  }
0xbc: {  	s0 =	sadd.s32 $0x8F2B, s0  }
0xbd: {  	[sflag:s0] =	ssyncadd.remote.s32 $0x1  }
0xbe: {  	_ =	sfence.sel $0xFFFF  }
0xbf: {  	[dreg:$0x0] =	wrdreg $0xFFFFFFFF;
	(pc) =	sbr.abs _section_cstart, $3  }
0xc0: {  	[dreg:$0x1] =	wrdreg $0xFFFFFFFF  }
0xc1: {  	_ =	task.clear_ibuf [dreg:s6], $0x2FFFF;
	_ =	strace $0x9FFFFFFF  }
0xc2: {  	(tm) =	ssettm $0x7FFFFFFF  }
0xc3: {  	_ =	shalt  }
tec
execute0_lowered:
.L_overlay_start_1:
0x0: {  	(tag) =	ssettag $0x1  }
0x1: {  	s14 =	rddreg [dreg:$0x0]  }
0x2: {  	s1 =	rddreg [dreg:$0x1]  }
0x3: {  	s0 =	rddreg [dreg:$0x2];
	s2 =	simm.s32 $0x0  }
0x4: {  	s3 =	stileid.u32;
	s4 =	srdreg.scid;
	s25 =	simm.s32 $0x6200  }
0x5: {  	s22 =	simm.s32 $0x100;
	s23 =	simm.s32 $0x1;
	s5 =	smul.u32 $0x1880, s3  }
0x6: {  	[smem:$0x7FF] =	sst s2;
	s19 =	sand.u32 $0x1, s4;
	s7 =	smul.u32 $0x64000, s3  }
0x7: {  	s4 =	sadd.s32 $0xD3800, s14;
	s15 =	sadd.s32 $0x4A4600, s14;
	s17 =	smul.u32 $0x18800, s3  }
0x8: {  	s12 =	sadd.s32 $0x190000, s1;
	p6 =	sne.s32 s3, $0xF;
	s20 =	smul.u32 $0x18600, s3  }
0x9: {  	p2 =	seq.s32 s3, $0xF;
	s30 =	smul.u32 $0x61800, s3;
	_ =	strace $0x8000004D  }
0xa: {  	s6 =	ssub.s32 $0x2, s19;
	s24 =	smul.u32 $0x6200, s19;
	p0 =	seq.s32 s19, $0x0  }
0xb: {  	p1 =	seq.s32 s19, $0x1;
	s18 =	sadd.s32 s5, s14;
	s26 =	sshrl.u32 s6, $0x1  }
0xc: {  	s28 =	sshrl.u32 s7, $0x2;
	s25 =	simm.s32 @!p0 $0x6150;
	s13 =	sshrl.u32 s17, $0x3  }
0xd: {  	p0 =	por !p6, !p1;
	s21 =	sadd.s32 s17, s1;
	p1 =	por !p2, !p1  }
0xe: {  	s29 =	sshrl.u32 s20, $0x3;
	s14 =	sadd.s32 $0x503140, s14;
	s31 =	sshrl.u32 s30, $0x2  }
0xf: {  	p2 =	sne.s32 s19, $0x0;
	s19 =	simm.s32 $0x200;
	s20 =	simm.s32 $0x2  }
0x10: {  	s16 =	ssub.s32 s6, s26;
	s5 =	sadd.s32 s28, s1;
	s13 =	sadd.s32 s15, s13  }
0x11: {  	p0 =	por !p0, !p0;
	p3 =	por !p1, !p1;
	s15 =	sadd.s32 s15, s29  }
0x12: {  	s26 =	sadd.s32 $0x16DA00, s1;
	s28 =	sadd.s32 s31, s1;
	s17 =	sadd.s32 $0x135400, s18  }
0x13: {  	s18 =	sadd.s32 $0x14DC00, s18;
	p1 =	sne.s32 s3, $0x0;
	s21 =	sshrl.u32 @!p2 s21, $0x3  }
0x14: {  	s6 =	sadd.s32 $0x4000, s5;
	s7 =	sadd.s32 $0x8000, s5;
	s8 =	sadd.s32 $0xC000, s5  }
0x15: {  	s9 =	sadd.s32 $0x10000, s5;
	s10 =	sadd.s32 $0x14000, s5;
	s11 =	sadd.s32 $0x18000, s5  }
0x16: {  	s15 =	sadd.s32 $0x31000, s15;
	s16 =	smax.u32 s16, $0x1;
	p3 =	por !p3, p0  }
0x17: {  	v2 =	vimm.f32 $0.0e+00;
	v0 =	vmov s24;
	v1 =	vmov s25;
	s25 =	sshrl.u32 @p0 s28, $0x3;
	s24 =	sshrl.u32 @!p3 s26, $0x3;
	s26 =	simm.s32 $0x0  }
.LBB2_1:
0x18: {  	s29 =	simm.s32 $0x100;
	s28 =	simm.s32 $0x0  }
.LBB2_2:
0x19: {  	p4 =	sne.s32 s29, $0xFF00;
	[tilespmem:s28+$0x230] =	vst v2;
	s30 =	smov.u32 s29;
	s29 =	sadd.s32 $0x100, s29  }
.Ltmp0:
0x1a: {  	[tilespmem:s28+$0x220] =	vst v2;
	(pc) =	sbr.rel @p4 .LBB2_2-.Ltmp0, $3  }
0x1b: {  	[tilespmem:s28+$0x200] =	vst v2  }
0x1c: {  	[tilespmem:s28+$0x210] =	vst v2;
	_ =	sdelay $0x1  }
0x1d: {  	s28 =	sshra.s32 s30, $0x2  }
0x1e: {  	[tilespmem:s28+$0x230] =	vst v2  }
0x1f: {  	[tilespmem:s28+$0x220] =	vst v2  }
0x20: {  	[tilespmem:s28+$0x200] =	vst v2  }
0x21: {  	[tilespmem:s28+$0x210] =	vst v2  }
0x22: {  	[spmem:s5] =	stream.linear.scatter [tilespmem:s19], [sflag:$0x2], $0x4000, $0x38;
	[tilespmem:$0x1D220] =	vst v63  }
0x23: {  	_ =	swait.ge [sflag:s20], $0x4000  }
0x24: {  	[sflag:s20] =	ssyncset.done $0x0  }
0x25: {  	[sflag:s20] =	ssyncadd.s32 $0xFFFFC000  }
0x26: {  	[spmem:s6] =	stream.linear.scatter [tilespmem:s19], [sflag:$0x2], $0x4000, $0x38;
	[tilespmem:$0x1D220] =	vst v63  }
0x27: {  	_ =	swait.ge [sflag:s20], $0x4000  }
0x28: {  	[sflag:s20] =	ssyncset.done $0x0  }
0x29: {  	[sflag:s20] =	ssyncadd.s32 $0xFFFFC000  }
0x2a: {  	[spmem:s7] =	stream.linear.scatter [tilespmem:s19], [sflag:$0x2], $0x4000, $0x38;
	[tilespmem:$0x1D220] =	vst v63  }
0x2b: {  	_ =	swait.ge [sflag:s20], $0x4000  }
0x2c: {  	[sflag:s20] =	ssyncset.done $0x0  }
0x2d: {  	[sflag:s20] =	ssyncadd.s32 $0xFFFFC000  }
0x2e: {  	[spmem:s8] =	stream.linear.scatter [tilespmem:s19], [sflag:$0x2], $0x4000, $0x38;
	[tilespmem:$0x1D220] =	vst v63  }
0x2f: {  	_ =	swait.ge [sflag:s20], $0x4000  }
0x30: {  	[sflag:s20] =	ssyncset.done $0x0  }
0x31: {  	[sflag:s20] =	ssyncadd.s32 $0xFFFFC000  }
0x32: {  	[spmem:s9] =	stream.linear.scatter [tilespmem:s19], [sflag:$0x2], $0x4000, $0x38;
	[tilespmem:$0x1D220] =	vst v63  }
0x33: {  	_ =	swait.ge [sflag:s20], $0x4000  }
0x34: {  	[sflag:s20] =	ssyncset.done $0x0  }
0x35: {  	[sflag:s20] =	ssyncadd.s32 $0xFFFFC000  }
0x36: {  	[spmem:s10] =	stream.linear.scatter [tilespmem:s19], [sflag:$0x2], $0x4000, $0x38;
	[tilespmem:$0x1D220] =	vst v63  }
0x37: {  	_ =	swait.ge [sflag:s20], $0x4000  }
0x38: {  	[sflag:s20] =	ssyncset.done $0x0  }
0x39: {  	[sflag:s20] =	ssyncadd.s32 $0xFFFFC000  }
0x3a: {  	[spmem:s11] =	stream.linear.scatter [tilespmem:s19], [sflag:$0x2], $0x1000, $0x38;
	[tilespmem:$0x1D220] =	vst v63  }
0x3b: {  	_ =	swait.ge [sflag:s20], $0x1000  }
0x3c: {  	[sflag:s20] =	ssyncset.done $0x0  }
0x3d: {  	s28 =	simm.s32 @!p1 $0x200;
	[sflag:s20] =	ssyncadd.s32 $0xFFFFF000  }
0x3e: {  	[spmem:s12] =	stream.linear.scatter @!p1 [tilespmem:s28], [sflag:$0x2], $0x200, $0x38;
	[tilespmem:$0x1D220] =	vst v63  }
0x3f: {  	s28 =	simm.s32 @!p1 $0x2  }
0x40: {  	_ =	swait.ge @!p1 [sflag:s28], $0x200  }
0x41: {  	[sflag:s28] =	ssyncset.done @!p1 $0x0  }
0x42: {  	[sflag:s28] =	ssyncadd.s32 @!p1 $0xFFFFFE00  }
0x43: {  	s28 =	sadd.s32 $0x0, s18;
	[bflag:$0x0] =	sbarrier.arrive $0xFFFF  }
0x44: {  	[tilespmem:s2], [sflag:$0x2] =	stream.linear.gather [hbm4b:s28+s2], $0x100, $0x38;
	[tilespmem:$0x1D220] =	vst v63  }
0x45: {  	_ =	swait.ge [sflag:s20], $0x100  }
0x46: {  	[sflag:s20] =	ssyncset.done $0x0  }
0x47: {  	s28 =	sadd.s32 $0x0, s17;
	[sflag:s20] =	ssyncadd.s32 $0xFFFFFF00  }
0x48: {  	[tilespmem:s22], [sflag:$0x2] =	stream.linear.gather [hbm4b:s28+s2], $0x100, $0x38;
	[tilespmem:$0x1D220] =	vst v63  }
0x49: {  	_ =	swait.ge [sflag:s20], $0x100  }
0x4a: {  	[sflag:s20] =	ssyncset.done $0x0  }
0x4b: {  	[sflag:s20] =	ssyncadd.s32 $0xFFFFFF00  }
0x4c: {  	v3 =	vld [tilespmem:$0x1F0]  }
0x4d: {  	v4 =	vld [tilespmem:$0x1B0]  }
0x4e: {  	v5 =	vld [tilespmem:$0x150]  }
0x4f: {  	v6 =	vld [tilespmem:$0x100]  }
0x50: {  	v7 =	vld [tilespmem:$0x130];
	_ =	sdelay $0x3  }
0x51: {  	v9 =	vld [tilespmem:$0x110];
	v8 =	vsub.s32 v3, v0;
	v4 =	vsub.s32 v4, v0;
	v3 =	vsub.s32 v5, v0  }
0x52: {  	v12 =	vld [tilespmem:$0x140];
	v13 =	vsub.s32 v6, v0;
	v16 =	vsub.s32 v7, v0;
	vm0 =	vgt.s32 v8, $0xFFFFFFFF  }
0x53: {  	v14 =	vld [tilespmem:$0x120];
	vm1 =	vlt.s32 v8, v1;
	vm2 =	vgt.s32 v4, $0xFFFFFFFF;
	vm3 =	vlt.s32 v4, v1  }
0x54: {  	v15 =	vld [tilespmem:$0x160];
	vm4 =	vlt.s32 v13, v1;
	vm2 =	vmand vm2, vm3;
	vm0 =	vmand vm0, vm1  }
0x55: {  	v10 =	vld [tilespmem:$0x180];
	vm1 =	vgt.s32 v3, $0xFFFFFFFF;
	vm3 =	vlt.s32 v3, v1;
	v6 =	vnsel vm2, $0x6400, v4  }
0x56: {  	v11 =	vld [tilespmem:$0x190];
	vm2 =	vgt.s32 v13, $0xFFFFFFFF;
	v8 =	vnsel vm0, $0x6400, v8;
	vm0 =	vmand vm1, vm3  }
0x57: {  	v5 =	vld [tilespmem:$0x170];
	v4 =	vsub.s32 v9, v0;
	vm3 =	vlt.s32 v16, v1;
	vm1 =	vmand vm2, vm4  }
0x58: {  	v7 =	vld [tilespmem:$0x1C0];
	vm2 =	vgt.s32 v16, $0xFFFFFFFF;
	[tilespmem:$0x1B0] =	vst v6;
	vm4 =	vlt.s32 v4, v1;
	v9 =	vnsel vm1, $0x6400, v13  }
0x59: {  	[tilespmem:$0x1F0] =	vst v8;
	vm1 =	vgt.s32 v4, $0xFFFFFFFF;
	vm2 =	vmand vm2, vm3;
	v13 =	vsub.s32 v12, v0;
	v12 =	vld [tilespmem:$0x1D0]  }
0x5a: {  	v6 =	vld [tilespmem:$0x1A0];
	[tilespmem:$0x100] =	vst v9;
	vm1 =	vmand vm1, vm4;
	v16 =	vnsel vm2, $0x6400, v16;
	vm2 =	vgt.s32 v13, $0xFFFFFFFF  }
0x5b: {  	s28 =	simm.s32 $0x20;
	v8 =	vld [tilespmem:$0x1E0];
	v9 =	vsub.s32 v14, v0;
	vm3 =	vlt.s32 v13, v1;
	v14 =	vsub.s32 v15, v0;
	[tilespmem:$0x130] =	vst v16  }
.LBB2_4:
0x5c: {  	p4 =	sne.s32 s28, $0x1860;
	vm2 =	vmand vm2, vm3;
	vm3 =	vgt.s32 v14, $0xFFFFFFFF;
	v10 =	vsub.s32 v10, v0;
	s29 =	smov.u32 s28;
	s28 =	sadd.s32 $0x20, s28  }
0x5d: {  	v11 =	vsub.s32 v11, v0;
	v13 =	vnsel vm2, $0x6400, v13;
	vm2 =	vlt.s32 v14, v1  }
0x5e: {  	vm4 =	vlt.s32 v9, v1;
	[tilespmem:$0x140] =	vst v13;
	vm2 =	vmand vm3, vm2;
	v12 =	vsub.s32 v12, v0  }
0x5f: {  	vm3 =	vgt.s32 v9, $0xFFFFFFFF;
	v13 =	vnsel vm2, $0x6400, v14;
	vm2 =	vgt.s32 v12, $0xFFFFFFFF  }
0x60: {  	v5 =	vsub.s32 v5, v0;
	vm4 =	vmand vm3, vm4;
	vm3 =	vlt.s32 v12, v1;
	[tilespmem:$0x160] =	vst v13  }
0x61: {  	v3 =	vnsel vm0, $0x6400, v3;
	vm0 =	vgt.s32 v5, $0xFFFFFFFF;
	vm5 =	vlt.s32 v11, v1  }
0x62: {  	vm6 =	vlt.s32 v10, v1;
	[tilespmem:$0x150] =	vst v3;
	v3 =	vsub.s32 v6, v0;
	v6 =	vsub.s32 v7, v0  }
0x63: {  	vm7 =	vlt.s32 v5, v1;
	vm8 =	vgt.s32 v10, $0xFFFFFFFF;
	v7 =	vsub.s32 v8, v0  }
0x64: {  	v8 =	vnsel vm4, $0x6400, v9;
	vm4 =	vgt.s32 v3, $0xFFFFFFFF;
	vm9 =	vlt.s32 v3, v1  }
0x65: {  	vm10 =	vlt.s32 v6, v1;
	vm4 =	vmand vm4, vm9;
	vm9 =	vgt.s32 v6, $0xFFFFFFFF  }
0x66: {  	v4 =	vnsel vm1, $0x6400, v4;
	vm1 =	vgt.s32 v11, $0xFFFFFFFF;
	vm9 =	vmand vm9, vm10;
	[tilespmem:$0x120] =	vst v8  }
0x67: {  	vm1 =	vmand vm1, vm5;
	v3 =	vnsel vm4, $0x6400, v3;
	[tilespmem:$0x110] =	vst v4;
	v4 =	vnsel vm9, $0x6400, v6  }
0x68: {  	vm4 =	vmand vm8, vm6;
	v6 =	vnsel vm1, $0x6400, v11;
	vm1 =	vmand vm2, vm3;
	[tilespmem:$0x1C0] =	vst v4  }
0x69: {  	vm0 =	vmand vm0, vm7;
	v4 =	vnsel vm4, $0x6400, v10;
	[tilespmem:$0x190] =	vst v6;
	v6 =	vnsel vm1, $0x6400, v12  }
0x6a: {  	v5 =	vnsel vm0, $0x6400, v5;
	vm0 =	vgt.s32 v7, $0xFFFFFFFF;
	vm1 =	vlt.s32 v7, v1;
	[tilespmem:$0x180] =	vst v4  }
0x6b: {  	vm0 =	vmand vm0, vm1;
	[tilespmem:$0x1D0] =	vst v6  }
0x6c: {  	v4 =	vnsel vm0, $0x6400, v7;
	[tilespmem:$0x170] =	vst v5  }
0x6d: {  	[tilespmem:$0x1E0] =	vst v4  }
0x6e: {  	[tilespmem:$0x1A0] =	vst v3  }
0x6f: {  	[tilespmem:s19], [sflag:$0x1] =	stream.indirect.gather [hbm4b:s4+s22], $0x40, s2, s22, $0xb8;
	[tilespmem:$0x1D220] =	vst v63  }
0x70: {  	_ =	swait.ge [sflag:s23], $0x4000  }
0x71: {  	[sflag:s23] =	ssyncset.done $0x0  }
0x72: {  	[sflag:s23] =	ssyncadd.s32 $0xFFFFC000  }
0x73: {  	[spmem:s1] =	stream.indirect.scatter.add.f32 [tilespmem:s19], [sflag:$0x2], $0x40, s22, s22, $0xb8;
	[tilespmem:$0x1D220] =	vst v63  }
0x74: {  	_ =	swait.ge [sflag:s20], $0x4000  }
0x75: {  	[sflag:s20] =	ssyncset.done $0x0  }
0x76: {  	s30 =	sadd.s32 s29, s18;
	[sflag:s20] =	ssyncadd.s32 $0xFFFFC000  }
0x77: {  	[tilespmem:s2], [sflag:$0x2] =	stream.linear.gather [hbm4b:s30+s2], $0x100, $0x38;
	[tilespmem:$0x1D220] =	vst v63  }
0x78: {  	_ =	swait.ge [sflag:s20], $0x100  }
0x79: {  	[sflag:s20] =	ssyncset.done $0x0  }
0x7a: {  	s29 =	sadd.s32 s29, s17;
	[sflag:s20] =	ssyncadd.s32 $0xFFFFFF00  }
0x7b: {  	[tilespmem:s22], [sflag:$0x2] =	stream.linear.gather [hbm4b:s29+s2], $0x100, $0x38;
	[tilespmem:$0x1D220] =	vst v63  }
0x7c: {  	_ =	swait.ge [sflag:s20], $0x100  }
0x7d: {  	[sflag:s20] =	ssyncset.done $0x0  }
0x7e: {  	[sflag:s20] =	ssyncadd.s32 $0xFFFFFF00  }
0x7f: {  	v3 =	vld [tilespmem:$0x1F0]  }
0x80: {  	v4 =	vld [tilespmem:$0x1B0]  }
0x81: {  	v6 =	vld [tilespmem:$0x130]  }
0x82: {  	v5 =	vld [tilespmem:$0x150]  }
0x83: {  	v7 =	vld [tilespmem:$0x100]  }
0x84: {  	v8 =	vld [tilespmem:$0x110];
	v9 =	vsub.s32 v3, v0  }
0x85: {  	v12 =	vld [tilespmem:$0x140];
	v4 =	vsub.s32 v4, v0;
	vm0 =	vgt.s32 v9, $0xFFFFFFFF;
	vm1 =	vlt.s32 v9, v1  }
0x86: {  	v14 =	vld [tilespmem:$0x120];
	vm2 =	vgt.s32 v4, $0xFFFFFFFF;
	vm3 =	vlt.s32 v4, v1  }
0x87: {  	vm0 =	vmand vm0, vm1;
	v3 =	vsub.s32 v5, v0;
	v15 =	vld [tilespmem:$0x160];
	vm2 =	vmand vm2, vm3  }
0x88: {  	v7 =	vsub.s32 v7, v0;
	vm1 =	vgt.s32 v3, $0xFFFFFFFF;
	v5 =	vld [tilespmem:$0x170];
	v4 =	vnsel vm2, $0x6400, v4  }
0x89: {  	vm3 =	vlt.s32 v3, v1;
	vm2 =	vgt.s32 v7, $0xFFFFFFFF;
	v10 =	vld [tilespmem:$0x180];
	[tilespmem:$0x1B0] =	vst v4;
	v4 =	vnsel vm0, $0x6400, v9  }
0x8a: {  	vm4 =	vlt.s32 v7, v1;
	v9 =	vsub.s32 v6, v0;
	vm0 =	vmand vm1, vm3;
	v11 =	vld [tilespmem:$0x190];
	[tilespmem:$0x1F0] =	vst v4  }
.Ltmp1:
0x8b: {  	vm1 =	vmand vm2, vm4;
	v4 =	vsub.s32 v8, v0;
	vm2 =	vgt.s32 v9, $0xFFFFFFFF;
	v6 =	vld [tilespmem:$0x1A0];
	(pc) =	sbr.rel @p4 .LBB2_4-.Ltmp1, $4  }
0x8c: {  	vm3 =	vlt.s32 v9, v1;
	v8 =	vnsel vm1, $0x6400, v7;
	vm1 =	vgt.s32 v4, $0xFFFFFFFF;
	v7 =	vld [tilespmem:$0x1C0]  }
0x8d: {  	v13 =	vsub.s32 v12, v0;
	vm4 =	vlt.s32 v4, v1;
	vm2 =	vmand vm2, vm3;
	v12 =	vld [tilespmem:$0x1D0]  }
0x8e: {  	vm1 =	vmand vm1, vm4;
	v16 =	vnsel vm2, $0x6400, v9;
	vm2 =	vgt.s32 v13, $0xFFFFFFFF;
	[tilespmem:$0x100] =	vst v8;
	v8 =	vld [tilespmem:$0x1E0]  }
0x8f: {  	vm3 =	vlt.s32 v13, v1;
	v9 =	vsub.s32 v14, v0;
	v14 =	vsub.s32 v15, v0;
	[tilespmem:$0x130] =	vst v16  }
0x90: {  	vm2 =	vmand vm2, vm3;
	vm9 =	vgt.s32 v14, $0xFFFFFFFF  }
0x91: {  	v10 =	vsub.s32 v10, v0;
	vm10 =	vlt.s32 v14, v1;
	v11 =	vsub.s32 v11, v0  }
0x92: {  	vm4 =	vlt.s32 v9, v1;
	vm11 =	vgt.s32 v9, $0xFFFFFFFF;
	v5 =	vsub.s32 v5, v0  }
0x93: {  	v3 =	vnsel vm0, $0x6400, v3;
	v6 =	vsub.s32 v6, v0;
	v4 =	vnsel vm1, $0x6400, v4  }
0x94: {  	v13 =	vnsel vm2, $0x6400, v13;
	vm2 =	vmand vm9, vm10;
	vm3 =	vmand vm11, vm4  }
0x95: {  	vm12 =	vgt.s32 v5, $0xFFFFFFFF;
	vm5 =	vlt.s32 v11, v1;
	vm6 =	vlt.s32 v10, v1  }
0x96: {  	v7 =	vsub.s32 v7, v0;
	vm7 =	vlt.s32 v5, v1;
	vm8 =	vgt.s32 v10, $0xFFFFFFFF;
	[tilespmem:$0x150] =	vst v3  }
0x97: {  	vm14 =	vgt.s32 v11, $0xFFFFFFFF;
	[tilespmem:$0x110] =	vst v4;
	vm15 =	vgt.s32 v6, $0xFFFFFFFF;
	v12 =	vsub.s32 v12, v0  }
0x98: {  	v57 =	vnsel vm2, $0x6400, v14;
	[tilespmem:$0x140] =	vst v13;
	v3 =	vnsel vm3, $0x6400, v9;
	vm13 =	vgt.s32 v7, $0xFFFFFFFF  }
0x99: {  	vm9 =	vlt.s32 v7, v1;
	vm1 =	vmand vm14, vm5;
	vm0 =	vmand vm12, vm7;
	[tilespmem:$0x160] =	vst v57  }
0x9a: {  	vm2 =	vgt.s32 v12, $0xFFFFFFFF;
	vm4 =	vlt.s32 v12, v1;
	[tilespmem:$0x120] =	vst v3;
	v59 =	vnsel vm1, $0x6400, v11  }
0x9b: {  	vm3 =	vmand vm13, vm9;
	v3 =	vsub.s32 v8, v0;
	v62 =	vnsel vm0, $0x6400, v5;
	[tilespmem:$0x190] =	vst v59  }
0x9c: {  	vm9 =	vmand vm8, vm6;
	vm13 =	vlt.s32 v6, v1;
	v58 =	vnsel vm3, $0x6400, v7;
	[tilespmem:$0x170] =	vst v62  }
0x9d: {  	vm10 =	vmand vm2, vm4;
	v60 =	vnsel vm9, $0x6400, v10;
	vm11 =	vgt.s32 v3, $0xFFFFFFFF;
	[tilespmem:$0x1C0] =	vst v58  }
0x9e: {  	vm12 =	vlt.s32 v3, v1;
	vm15 =	vmand vm15, vm13;
	v61 =	vnsel vm10, $0x6400, v12;
	[tilespmem:$0x180] =	vst v60  }
0x9f: {  	vm14 =	vmand vm11, vm12;
	v63 =	vnsel vm15, $0x6400, v6;
	[tilespmem:$0x1D0] =	vst v61  }
0xa0: {  	v3 =	vnsel vm14, $0x6400, v3;
	[tilespmem:$0x1A0] =	vst v63  }
0xa1: {  	[tilespmem:$0x1E0] =	vst v3  }
0xa2: {  	[tilespmem:s19], [sflag:$0x1] =	stream.indirect.gather [hbm4b:s4+s22], $0x40, s2, s22, $0xb8;
	[tilespmem:$0x1D220] =	vst v63  }
0xa3: {  	_ =	swait.ge [sflag:s23], $0x4000  }
0xa4: {  	[sflag:s23] =	ssyncset.done $0x0  }
0xa5: {  	[sflag:s23] =	ssyncadd.s32 $0xFFFFC000  }
0xa6: {  	[spmem:s1] =	stream.indirect.scatter.add.f32 [tilespmem:s19], [sflag:$0x2], $0x40, s22, s22, $0xb8;
	[tilespmem:$0x1D220] =	vst v63  }
0xa7: {  	_ =	swait.ge [sflag:s20], $0x4000  }
0xa8: {  	[sflag:s20] =	ssyncset.done $0x0  }
0xa9: {  	s28 =	sshll.u32 @!p2 s3, $0x6;
	[sflag:s20] =	ssyncadd.s32 $0xFFFFC000  }
0xaa: {  	s28 =	sor.u32 @!p2 $0x1C02, s28;
	[bflag:$0x0] =	sbarrier.arrive $0xFFFF  }
0xab: {  	[hbm:s13], [sflag:s28] =	dma.local @!p2 [spmem:s21], $0x3100  }
0xac: {  	s28 =	simm.s32 @!p2 $0x2  }
0xad: {  	_ =	swait.ge @!p2 [sflag:s28], $0x3100  }
0xae: {  	[sflag:s28] =	ssyncset.done @!p2 $0x0  }
0xaf: {  	[sflag:s28] =	ssyncadd.s32 @!p2 $0xFFFFCF00;
	s28 =	simm.s32 @!p3 $0x1FC2  }
0xb0: {  	[hbm:s14], [sflag:s28] =	dma.local @!p3 [spmem:s24], $0x2F40  }
0xb1: {  	s28 =	simm.s32 @!p3 $0x2  }
0xb2: {  	_ =	swait.ge @!p3 [sflag:s28], $0x2F40  }
0xb3: {  	s29 =	sshll.u32 @p0 s3, $0x6;
	s26 =	sadd.s32 $0x1, s26;
	[sflag:s28] =	ssyncset.done @!p3 $0x0  }
0xb4: {  	p4 =	sne.s32 s26, s16;
	[sflag:s28] =	ssyncadd.s32 @!p3 $0xFFFFD0C0;
	s28 =	sor.u32 @p0 $0x1C02, s29  }
0xb5: {  	[hbm:s15], [sflag:s28] =	dma.local @p0 [spmem:s25], $0x30C0  }
.Ltmp2:
0xb6: {  	_ = 	snop;
	(pc) =	sbr.rel @p4 .LBB2_1-.Ltmp2, $4  }
0xb7: {  	s28 =	simm.s32 @p0 $0x2  }
0xb8: {  	_ =	swait.ge @p0 [sflag:s28], $0x30C0  }
0xb9: {  	[sflag:s28] =	ssyncset.done @p0 $0x0  }
0xba: {  	[sflag:s28] =	ssyncadd.s32 @p0 $0xFFFFCF40  }
0xbb: {  	_ =	sfence.sel $0x180000  }
0xbc: {  	[bflag:$0x0] =	sbarrier.arrive $0xFFFF  }
0xbd: {  	_ =	strace $0x9000004D  }
0xbe: {  	s0 =	sadd.s32 @!p1 $0x100000, s0;
	[bflag:$0x2] =	sbarrier.arrive $0xFFFF  }
0xbf: {  	[sflag:s0] =	ssyncadd.tile.s32 @!p1 $0x1;
	_ =	shalt  }
.Lfunc_end2:
_tile_overlayer_lowered:
.L_overlay_start_2:
0xc0: {  	(tag) =	ssettag $0x2  }
0xc1: {  	s0 =	rddreg [dreg:$0x0];
	s2 =	stileid.u32  }
0xc2: {  	s1 =	rddreg [dreg:$0x1];
	p0 =	sne.s32 s2, $0x0  }
0xc3: {  	s3 =	rddreg [dreg:$0x2];
	[bflag:$0x3] =	sbarrier.arrive $0xFFFF;
	s2 =	simm.s32 @!p0 $0x1C02  }
0xc4: {  	[timem:s3], [sflag:s2] =	dma.local @!p0 [hbm:s0], s1  }
0xc5: {  	s0 =	simm.s32 @!p0 $0x2  }
0xc6: {  	_ =	swait.ge @!p0 [sflag:s0], s1  }
0xc7: {  	s1 =	ssub.s32 @!p0 $0x0, s1;
	[sflag:s0] =	ssyncset.done @!p0 $0x0  }
0xc8: {  	[sflag:s0] =	ssyncadd.s32 @!p0 s1  }
0xc9: {  	[bflag:$0x3] =	sbarrier.arrive $0xFFFF  }
0xca: {  	_ =	shalt  }

// kernel: kernel.19.cloned.1.call-start
scs
__scs_entry_jumppad:
0x0: {  	(pc) =	sbr.rel $0x88, $3  }
0x1: {  	(tag) =	ssettag $0x0;
	lr =	simm.s32 $0x1  }
0x2: {  	[smem:$0x3F87] =	sst lr;
	_ =	strace $0xD0000000  }
0x3: {  	_ = 	snop  }
0x4: {  	_ = 	snop  }
0x5: {  	_ = 	snop  }
0x6: {  	_ = 	snop  }
0x7: {  	_ = 	snop  }
__scs_overlays_trampoline_lowered:
0x8: {  	[smem:$0x3F96] =	sst s0  }
0x9: {  	[smem:$0x3F97] =	sst s1  }
0xa: {  	[smem:$0x3F98] =	sst s2  }
0xb: {  	[smem:$0x3F99] =	sst s3  }
0xc: {  	[smem:$0x3F9A] =	sst s4  }
0xd: {  	[smem:$0x3F9B] =	sst s5  }
0xe: {  	[smem:$0x3F9C] =	sst s6  }
0xf: {  	[smem:$0x3F9D] =	sst s7  }
0x10: {  	[smem:$0x3F9E] =	sst s8  }
0x11: {  	[smem:$0x3F9F] =	sst s9;
	s0 =	simm.s32 @!p0 $0x0  }
0x12: {  	s1 =	sld [smem:$0x3F85];
	s0 =	simm.s32 @p0 $0x1  }
0x13: {  	[smem:$0x3FA0] =	sst s0;
	s0 =	simm.s32 @!p1 $0x0  }
0x14: {  	s2 =	sld [smem:$0x3F84];
	s0 =	simm.s32 @p1 $0x1  }
0x15: {  	[smem:$0x3FA1] =	sst s0;
	s0 =	simm.s32 @!p2 $0x0  }
0x16: {  	s3 =	sld [smem:$0x3FDB];
	s0 =	simm.s32 @p2 $0x1  }
0x17: {  	s4 =	simm.s32 $0x1BF5;
	[smem:$0x3FA3] =	sst s0  }
0x18: {  	s0 =	sld [smem:$0x3F86];
	_ =	swait.ge [sflag:s4], $0x0  }
0x19: {  	s7 =	sld [smem:$0x3F87]  }
0x1a: {  	s8 =	sadd.s32 $0xFFFFE003, lr  }
0x1b: {  	s9 =	sadd.s32 $0xFFFFFEF7, lr;
	s5 =	simm.s32 $0xFFFFFFFF;
	p2 =	slt.u32 s8, $0xFFFFF086  }
0x1c: {  	p1 =	slt.u32 s9, $0xF7A;
	s5 =	simm.s32 @!p2 $0x0  }
0x1d: {  	s5 =	simm.s32 @p1 $0x1;
	p0 =	seq.s32 s7, s2  }
0x1e: {  	s7 =	smul.u32 @!p0 $0xF7A, s2;
	p2 =	seq.s32 @!p0 s5, $0x0  }
0x1f: {  	s9 =	smul.u32 $0xF7A, s1;
	s8 =	simm.s32 @!p0 $0x1BF5;
	p2 =	por !p2, p0  }
0x20: {  	[sflag:s8] =	ssyncset.s32 @!p0 $0xFFFFF086;
	s6 =	sadd.s32 @!p0 s3, s7;
	s7 =	simm.s32 @!p0 $0x108  }
0x21: {  	s3 =	sadd.s32 s3, s9;
	s6 =	sadd.s32 @!p0 $0x88, s6;
	s7 =	simm.s32 @p2 $0x1082  }
0x22: {  	[simem:s7], [sflag:s8] =	dma.local @!p0 [hbm:s6], $0xF7A  }
0x23: {  	s9 =	sor.u32 $0xD0000000, s2;
	s6 =	simm.s32 $0x108;
	_ =	swait.ge @!p0 [sflag:s8], $0x0  }
0x24: {  	s3 =	sadd.s32 $0x88, s3;
	s6 =	simm.s32 @!p1 $0x1082;
	[sflag:s4] =	ssyncset.s32 $0xFFFFF086  }
0x25: {  	[simem:s6], [sflag:s4] =	dma.local [hbm:s3], $0xF7A  }
0x26: {  	[smem:$0x3F87] =	sst s1;
	(tag) =	ssettag s2;
	_ =	strace s9  }
0x27: {  	s1 =	sld [smem:$0x3F97]  }
0x28: {  	s2 =	sld [smem:$0x3F98]  }
0x29: {  	s4 =	sld [smem:$0x3F9A]  }
0x2a: {  	p0 =	seq.s32 s5, $0x0;
	s5 =	sld [smem:$0x3F9B]  }
0x2b: {  	s6 =	sld [smem:$0x3F9C]  }
0x2c: {  	s7 =	sld [smem:$0x3F9D]  }
0x2d: {  	s3 =	simm.s32 $0x108;
	s8 =	sld [smem:$0x3F9E]  }
0x2e: {  	s3 =	simm.s32 @!p0 $0x1082;
	s9 =	sld [smem:$0x3F9F]  }
0x2f: {  	lr =	sadd.s32 s0, s3;
	s0 =	sld [smem:$0x3F96]  }
0x30: {  	s3 =	sld [smem:$0x3F99]  }
0x31: {  	[smem:$0x3FA2] =	sst s10  }
0x32: {  	s10 =	sld [smem:$0x3FA0];
	_ =	sdelay $0x3  }
0x33: {  	p0 =	seq.s32 s10, $0x1;
	s10 =	sld [smem:$0x3FA2];
	_ =	sdelay $0x3  }
0x34: {  	[smem:$0x3FA2] =	sst s10  }
0x35: {  	s10 =	sld [smem:$0x3FA1];
	_ =	sdelay $0x3  }
0x36: {  	p1 =	seq.s32 s10, $0x1;
	s10 =	sld [smem:$0x3FA2];
	_ =	sdelay $0x3  }
0x37: {  	[smem:$0x3FA2] =	sst s10  }
0x38: {  	s10 =	sld [smem:$0x3FA3]  }
0x39: {  	_ = 	snop;
	(pc) =	sbr.ind lr, $3  }
0x3a: {  	_ = 	snop  }
0x3b: {  	_ = 	snop  }
0x3c: {  	p2 =	seq.s32 s10, $0x1;
	s10 =	sld [smem:$0x3FA2]  }
0x3d: {  	_ =	shalt  }
0x3e: {  	_ =	shalt  }
0x3f: {  	_ =	shalt  }
0x40: {  	_ =	shalt  }
0x41: {  	_ =	shalt  }
0x42: {  	_ =	shalt  }
0x43: {  	_ =	shalt  }
0x44: {  	_ =	shalt  }
0x45: {  	_ =	shalt  }
0x46: {  	_ =	shalt  }
0x47: {  	_ =	shalt  }
0x48: {  	_ =	shalt  }
0x49: {  	_ =	shalt  }
0x4a: {  	_ =	shalt  }
0x4b: {  	_ =	shalt  }
0x4c: {  	_ =	shalt  }
0x4d: {  	_ =	shalt  }
0x4e: {  	_ =	shalt  }
0x4f: {  	_ =	shalt  }
0x50: {  	_ =	shalt  }
0x51: {  	_ =	shalt  }
0x52: {  	_ =	shalt  }
0x53: {  	_ =	shalt  }
0x54: {  	_ =	shalt  }
0x55: {  	_ =	shalt  }
0x56: {  	_ =	shalt  }
0x57: {  	_ =	shalt  }
0x58: {  	_ =	shalt  }
0x59: {  	_ =	shalt  }
0x5a: {  	_ =	shalt  }
0x5b: {  	_ =	shalt  }
0x5c: {  	_ =	shalt  }
0x5d: {  	_ =	shalt  }
0x5e: {  	_ =	shalt  }
0x5f: {  	_ =	shalt  }
0x60: {  	_ =	shalt  }
0x61: {  	_ =	shalt  }
0x62: {  	_ =	shalt  }
0x63: {  	_ =	shalt  }
0x64: {  	_ =	shalt  }
0x65: {  	_ =	shalt  }
0x66: {  	_ =	shalt  }
0x67: {  	_ =	shalt  }
0x68: {  	_ =	shalt  }
0x69: {  	_ =	shalt  }
0x6a: {  	_ =	shalt  }
0x6b: {  	_ =	shalt  }
0x6c: {  	_ =	shalt  }
0x6d: {  	_ =	shalt  }
0x6e: {  	_ =	shalt  }
0x6f: {  	_ =	shalt  }
0x70: {  	_ =	shalt  }
0x71: {  	_ =	shalt  }
0x72: {  	_ =	shalt  }
0x73: {  	_ =	shalt  }
0x74: {  	_ =	shalt  }
0x75: {  	_ =	shalt  }
0x76: {  	_ =	shalt  }
0x77: {  	_ =	shalt  }
0x78: {  	_ =	shalt  }
0x79: {  	_ =	shalt  }
0x7a: {  	_ =	shalt  }
0x7b: {  	_ =	shalt  }
0x7c: {  	_ =	shalt  }
0x7d: {  	_ =	shalt  }
0x7e: {  	_ =	shalt  }
0x7f: {  	_ =	shalt  }
0x80: {  	_ =	shalt  }
0x81: {  	_ =	shalt  }
0x82: {  	_ =	shalt  }
0x83: {  	_ =	shalt  }
0x84: {  	_ =	shalt  }
0x85: {  	_ =	shalt  }
0x86: {  	_ =	shalt  }
0x87: {  	_ =	shalt  }
.Lfunc_end0:
.L_simem_size_0:
called_computation.3_lowered:
.L_overlay_start_0:
0x88: {  	s2 =	sld [smem:$0x3FD9]  }
0x89: {  	s3 =	sld [smem:$0x3FFE];
	_ =	sdelay $0x1  }
0x8a: {  	s1 =	srdreg.scid  }
0x8b: {  	s0 =	sand.u32 $0x1, s1  }
0x8c: {  	s16 =	sshll.u32 s0, $0xA;
	s2 =	sadd.s32 s3, s2  }
0x8d: {  	s2 =	sadd.s32 s2, s16  }
0x8e: {  	[smem:$0x3FAE] =	sst s2  }
0x8f: {  	_ = 	snop  }
0x90: {  	(tm) =	ssettm $0x1  }
0x91: {  	s17 =	sld [smem:$0x3FFB];
	_ =	sdelay $0x3  }
0x92: {  	_ =	strace s17  }
0x93: {  	s2 =	sld [smem:$0x3FFC];
	_ =	sdelay $0x3  }
0x94: {  	_ =	strace s2  }
0x95: {  	s2 =	sld [smem:$0x3FFD];
	_ =	sdelay $0x3  }
0x96: {  	_ =	strace s2  }
0x97: {  	_ =	strace $0x8FFFFFFF  }
0x98: {  	s18 =	sld [smem:$0x3FDB];
	_ =	sdelay $0x1  }
0x99: {  	s19 =	simm.s32 $_scs_section_size  }
0x9a: {  	s4 =	simm.s32 $_size__tile_overlayer_lowered;
	s5 =	simm.s32 $_tile_overlayer_lowered  }
0x9b: {  	s22 =	simm.s32 $0x1BFF;
	s21 =	sshll.u32 s5, $0x1;
	s2 =	sadd.s32 s19, s18  }
0x9c: {  	s6 =	simm.s32 $0x0;
	s20 =	sshll.u32 s4, $0x1;
	s4 =	sadd.s32 s21, s2  }
0x9d: {  	[timem:s6], [sflag:s22] =	dma.local [hbm:s4], s20  }
0x9e: {  	_ =	swait.ge [sflag:s22], s20  }
0x9f: {  	s3 =	ssub.s32 $0x0, s20;
	[sflag:s22] =	ssyncset.done $0x0  }
0xa0: {  	[sflag:s22] =	ssyncadd.s32 s3;
	_ =	sdelay $0x1  }
0xa1: {  	s23 =	simm.s32 $0x1B8B  }
0xa2: {  	_ =	swait.ge [sflag:s23], $0x1  }
0xa3: {  	[sflag:s23] =	ssyncset.done $0x0  }
0xa4: {  	s25 =	simm.s32 $0x1B8E;
	s24 =	sld [smem:$0x3FFE];
	[sflag:s23] =	ssyncadd.s32 $0xFFFFFFFF  }
0xa5: {  	s26 =	simm.s32 $execute0_lowered;
	[smem:$0x3FD2] =	sst s25  }
0xa6: {  	s4 =	sshll.u32 s26, $0x1;
	_ =	strace $0x8000004F;
	[dreg:$0x1] =	wrdreg $0xFFFFFFFF  }
0xa7: {  	s28 =	simm.s32 $_size_execute0_lowered;
	s2 =	sadd.s32 s2, s4;
	[dreg:$0x0] =	wrdreg $0x0  }
0xa8: {  	s4 =	sshll.u32 s28, $0x1;
	[dreg:$0x2] =	wrdreg s2  }
0xa9: {  	[dreg:$0x3] =	wrdreg s4  }
0xaa: {  	[dreg:$0x4] =	wrdreg $0xC0  }
0xab: {  	_ =	task [dreg:s6], $0x5FFFF  }
0xac: {  	[dreg:$0x1] =	wrdreg $0xFFFFFFFF  }
0xad: {  	[dreg:$0x0] =	wrdreg $0x60  }
0xae: {  	[dreg:$0x2] =	wrdreg s24  }
0xaf: {  	[dreg:$0x3] =	wrdreg $0x42000  }
0xb0: {  	[dreg:$0x4] =	wrdreg $0x9  }
0xb1: {  	_ =	task.clear_ibuf [dreg:s6], $0x5FFFF;
	_ =	strace $0x9000004F  }
0xb2: {  	s29 =	simm.s32 $0x9;
	_ =	strace $0x80000051  }
0xb3: {  	_ =	swait.ge [sflag:s29], $0x1  }
0xb4: {  	[sflag:s29] =	ssyncadd.s32 $0xFFFFFFFF  }
0xb5: {  	_ =	strace $0x90000051  }
0xb6: {  	_ =	sfence  }
0xb7: {  	s30 =	sld [smem:$0x0];
	_ =	sdelay $0x2  }
0xb8: {  	s31 =	sshll.u32 s1, $0xD;
	s1 =	sshrl.u32 s1, $0x2  }
0xb9: {  	s3 =	sand.u32 $0x4000, s31;
	s1 =	sadd.s32 s1, s30  }
0xba: {  	s0 =	sor.u32 s3, s0;
	s1 =	sshll.u32 s1, $0x11  }
0xbb: {  	s0 =	sor.u32 s1, s0  }
0xbc: {  	s0 =	sadd.s32 $0x8F2B, s0  }
0xbd: {  	[sflag:s0] =	ssyncadd.remote.s32 $0x1  }
0xbe: {  	_ =	sfence.sel $0xFFFF  }
0xbf: {  	[dreg:$0x0] =	wrdreg $0xFFFFFFFF;
	(pc) =	sbr.abs _section_cstart, $3  }
0xc0: {  	[dreg:$0x1] =	wrdreg $0xFFFFFFFF  }
0xc1: {  	_ =	task.clear_ibuf [dreg:s6], $0x2FFFF;
	_ =	strace $0x9FFFFFFF  }
0xc2: {  	(tm) =	ssettm $0x7FFFFFFF  }
0xc3: {  	_ =	shalt  }
tec
execute0_lowered:
.L_overlay_start_1:
0x0: {  	(tag) =	ssettag $0x1  }
0x1: {  	s14 =	rddreg [dreg:$0x0]  }
0x2: {  	s1 =	rddreg [dreg:$0x1]  }
0x3: {  	s0 =	rddreg [dreg:$0x2];
	s2 =	simm.s32 $0x0  }
0x4: {  	s3 =	stileid.u32;
	s4 =	srdreg.scid;
	s25 =	simm.s32 $0x6200  }
0x5: {  	s22 =	simm.s32 $0x100;
	s23 =	simm.s32 $0x1;
	s5 =	smul.u32 $0x1880, s3  }
0x6: {  	[smem:$0x7FF] =	sst s2;
	s19 =	sand.u32 $0x1, s4;
	s7 =	smul.u32 $0x64000, s3  }
0x7: {  	s4 =	sadd.s32 $0xD3800, s14;
	s15 =	sadd.s32 $0x166400, s14;
	s17 =	smul.u32 $0x18800, s3  }
0x8: {  	s12 =	sadd.s32 $0x190000, s1;
	p6 =	sne.s32 s3, $0xF;
	s20 =	smul.u32 $0x18600, s3  }
0x9: {  	p2 =	seq.s32 s3, $0xF;
	s30 =	smul.u32 $0x61800, s3;
	_ =	strace $0x80000050  }
0xa: {  	s6 =	ssub.s32 $0x2, s19;
	s24 =	smul.u32 $0x6200, s19;
	p0 =	seq.s32 s19, $0x0  }
0xb: {  	p1 =	seq.s32 s19, $0x1;
	s18 =	sadd.s32 s5, s14;
	s26 =	sshrl.u32 s6, $0x1  }
0xc: {  	s28 =	sshrl.u32 s7, $0x2;
	s25 =	simm.s32 @!p0 $0x6150;
	s13 =	sshrl.u32 s17, $0x3  }
0xd: {  	p0 =	por !p6, !p1;
	s21 =	sadd.s32 s17, s1;
	p1 =	por !p2, !p1  }
0xe: {  	s29 =	sshrl.u32 s20, $0x3;
	s14 =	sadd.s32 $0x1C4F40, s14;
	s31 =	sshrl.u32 s30, $0x2  }
0xf: {  	p2 =	sne.s32 s19, $0x0;
	s19 =	simm.s32 $0x200;
	s20 =	simm.s32 $0x2  }
0x10: {  	s16 =	ssub.s32 s6, s26;
	s5 =	sadd.s32 s28, s1;
	s13 =	sadd.s32 s15, s13  }
0x11: {  	p0 =	por !p0, !p0;
	p3 =	por !p1, !p1;
	s15 =	sadd.s32 s15, s29  }
0x12: {  	s26 =	sadd.s32 $0x16DA00, s1;
	s28 =	sadd.s32 s31, s1;
	s17 =	sadd.s32 $0x135400, s18  }
0x13: {  	s18 =	sadd.s32 $0x14DC00, s18;
	p1 =	sne.s32 s3, $0x0;
	s21 =	sshrl.u32 @!p2 s21, $0x3  }
0x14: {  	s6 =	sadd.s32 $0x4000, s5;
	s7 =	sadd.s32 $0x8000, s5;
	s8 =	sadd.s32 $0xC000, s5  }
0x15: {  	s9 =	sadd.s32 $0x10000, s5;
	s10 =	sadd.s32 $0x14000, s5;
	s11 =	sadd.s32 $0x18000, s5  }
0x16: {  	s15 =	sadd.s32 $0x31000, s15;
	s16 =	smax.u32 s16, $0x1;
	p3 =	por !p3, p0  }
0x17: {  	v2 =	vimm.f32 $0.0e+00;
	v0 =	vmov s24;
	v1 =	vmov s25;
	s25 =	sshrl.u32 @p0 s28, $0x3;
	s24 =	sshrl.u32 @!p3 s26, $0x3;
	s26 =	simm.s32 $0x0  }
.LBB2_1:
0x18: {  	s29 =	simm.s32 $0x100;
	s28 =	simm.s32 $0x0  }
.LBB2_2:
0x19: {  	p4 =	sne.s32 s29, $0xFF00;
	[tilespmem:s28+$0x230] =	vst v2;
	s30 =	smov.u32 s29;
	s29 =	sadd.s32 $0x100, s29  }
.Ltmp0:
0x1a: {  	[tilespmem:s28+$0x220] =	vst v2;
	(pc) =	sbr.rel @p4 .LBB2_2-.Ltmp0, $3  }
0x1b: {  	[tilespmem:s28+$0x200] =	vst v2  }
0x1c: {  	[tilespmem:s28+$0x210] =	vst v2;
	_ =	sdelay $0x1  }
0x1d: {  	s28 =	sshra.s32 s30, $0x2  }
0x1e: {  	[tilespmem:s28+$0x230] =	vst v2  }
0x1f: {  	[tilespmem:s28+$0x220] =	vst v2  }
0x20: {  	[tilespmem:s28+$0x200] =	vst v2  }
0x21: {  	[tilespmem:s28+$0x210] =	vst v2  }
0x22: {  	[spmem:s5] =	stream.linear.scatter [tilespmem:s19], [sflag:$0x2], $0x4000, $0x38;
	[tilespmem:$0x1D220] =	vst v63  }
0x23: {  	_ =	swait.ge [sflag:s20], $0x4000  }
0x24: {  	[sflag:s20] =	ssyncset.done $0x0  }
0x25: {  	[sflag:s20] =	ssyncadd.s32 $0xFFFFC000  }
0x26: {  	[spmem:s6] =	stream.linear.scatter [tilespmem:s19], [sflag:$0x2], $0x4000, $0x38;
	[tilespmem:$0x1D220] =	vst v63  }
0x27: {  	_ =	swait.ge [sflag:s20], $0x4000  }
0x28: {  	[sflag:s20] =	ssyncset.done $0x0  }
0x29: {  	[sflag:s20] =	ssyncadd.s32 $0xFFFFC000  }
0x2a: {  	[spmem:s7] =	stream.linear.scatter [tilespmem:s19], [sflag:$0x2], $0x4000, $0x38;
	[tilespmem:$0x1D220] =	vst v63  }
0x2b: {  	_ =	swait.ge [sflag:s20], $0x4000  }
0x2c: {  	[sflag:s20] =	ssyncset.done $0x0  }
0x2d: {  	[sflag:s20] =	ssyncadd.s32 $0xFFFFC000  }
0x2e: {  	[spmem:s8] =	stream.linear.scatter [tilespmem:s19], [sflag:$0x2], $0x4000, $0x38;
	[tilespmem:$0x1D220] =	vst v63  }
0x2f: {  	_ =	swait.ge [sflag:s20], $0x4000  }
0x30: {  	[sflag:s20] =	ssyncset.done $0x0  }
0x31: {  	[sflag:s20] =	ssyncadd.s32 $0xFFFFC000  }
0x32: {  	[spmem:s9] =	stream.linear.scatter [tilespmem:s19], [sflag:$0x2], $0x4000, $0x38;
	[tilespmem:$0x1D220] =	vst v63  }
0x33: {  	_ =	swait.ge [sflag:s20], $0x4000  }
0x34: {  	[sflag:s20] =	ssyncset.done $0x0  }
0x35: {  	[sflag:s20] =	ssyncadd.s32 $0xFFFFC000  }
0x36: {  	[spmem:s10] =	stream.linear.scatter [tilespmem:s19], [sflag:$0x2], $0x4000, $0x38;
	[tilespmem:$0x1D220] =	vst v63  }
0x37: {  	_ =	swait.ge [sflag:s20], $0x4000  }
0x38: {  	[sflag:s20] =	ssyncset.done $0x0  }
0x39: {  	[sflag:s20] =	ssyncadd.s32 $0xFFFFC000  }
0x3a: {  	[spmem:s11] =	stream.linear.scatter [tilespmem:s19], [sflag:$0x2], $0x1000, $0x38;
	[tilespmem:$0x1D220] =	vst v63  }
0x3b: {  	_ =	swait.ge [sflag:s20], $0x1000  }
0x3c: {  	[sflag:s20] =	ssyncset.done $0x0  }
0x3d: {  	s28 =	simm.s32 @!p1 $0x200;
	[sflag:s20] =	ssyncadd.s32 $0xFFFFF000  }
0x3e: {  	[spmem:s12] =	stream.linear.scatter @!p1 [tilespmem:s28], [sflag:$0x2], $0x200, $0x38;
	[tilespmem:$0x1D220] =	vst v63  }
0x3f: {  	s28 =	simm.s32 @!p1 $0x2  }
0x40: {  	_ =	swait.ge @!p1 [sflag:s28], $0x200  }
0x41: {  	[sflag:s28] =	ssyncset.done @!p1 $0x0  }
0x42: {  	[sflag:s28] =	ssyncadd.s32 @!p1 $0xFFFFFE00  }
0x43: {  	s28 =	sadd.s32 $0x0, s18;
	[bflag:$0x0] =	sbarrier.arrive $0xFFFF  }
0x44: {  	[tilespmem:s2], [sflag:$0x2] =	stream.linear.gather [hbm4b:s28+s2], $0x100, $0x38;
	[tilespmem:$0x1D220] =	vst v63  }
0x45: {  	_ =	swait.ge [sflag:s20], $0x100  }
0x46: {  	[sflag:s20] =	ssyncset.done $0x0  }
0x47: {  	s28 =	sadd.s32 $0x0, s17;
	[sflag:s20] =	ssyncadd.s32 $0xFFFFFF00  }
0x48: {  	[tilespmem:s22], [sflag:$0x2] =	stream.linear.gather [hbm4b:s28+s2], $0x100, $0x38;
	[tilespmem:$0x1D220] =	vst v63  }
0x49: {  	_ =	swait.ge [sflag:s20], $0x100  }
0x4a: {  	[sflag:s20] =	ssyncset.done $0x0  }
0x4b: {  	[sflag:s20] =	ssyncadd.s32 $0xFFFFFF00  }
0x4c: {  	v3 =	vld [tilespmem:$0x1F0]  }
0x4d: {  	v4 =	vld [tilespmem:$0x1B0]  }
0x4e: {  	v5 =	vld [tilespmem:$0x150]  }
0x4f: {  	v6 =	vld [tilespmem:$0x100]  }
0x50: {  	v7 =	vld [tilespmem:$0x130];
	_ =	sdelay $0x3  }
0x51: {  	v9 =	vld [tilespmem:$0x110];
	v8 =	vsub.s32 v3, v0;
	v4 =	vsub.s32 v4, v0;
	v3 =	vsub.s32 v5, v0  }
0x52: {  	v12 =	vld [tilespmem:$0x140];
	v13 =	vsub.s32 v6, v0;
	v16 =	vsub.s32 v7, v0;
	vm0 =	vgt.s32 v8, $0xFFFFFFFF  }
0x53: {  	v14 =	vld [tilespmem:$0x120];
	vm1 =	vlt.s32 v8, v1;
	vm2 =	vgt.s32 v4, $0xFFFFFFFF;
	vm3 =	vlt.s32 v4, v1  }
0x54: {  	v15 =	vld [tilespmem:$0x160];
	vm4 =	vlt.s32 v13, v1;
	vm2 =	vmand vm2, vm3;
	vm0 =	vmand vm0, vm1  }
0x55: {  	v10 =	vld [tilespmem:$0x180];
	vm1 =	vgt.s32 v3, $0xFFFFFFFF;
	vm3 =	vlt.s32 v3, v1;
	v6 =	vnsel vm2, $0x6400, v4  }
0x56: {  	v11 =	vld [tilespmem:$0x190];
	vm2 =	vgt.s32 v13, $0xFFFFFFFF;
	v8 =	vnsel vm0, $0x6400, v8;
	vm0 =	vmand vm1, vm3  }
0x57: {  	v5 =	vld [tilespmem:$0x170];
	v4 =	vsub.s32 v9, v0;
	vm3 =	vlt.s32 v16, v1;
	vm1 =	vmand vm2, vm4  }
0x58: {  	v7 =	vld [tilespmem:$0x1C0];
	vm2 =	vgt.s32 v16, $0xFFFFFFFF;
	[tilespmem:$0x1B0] =	vst v6;
	vm4 =	vlt.s32 v4, v1;
	v9 =	vnsel vm1, $0x6400, v13  }
0x59: {  	[tilespmem:$0x1F0] =	vst v8;
	vm1 =	vgt.s32 v4, $0xFFFFFFFF;
	vm2 =	vmand vm2, vm3;
	v13 =	vsub.s32 v12, v0;
	v12 =	vld [tilespmem:$0x1D0]  }
0x5a: {  	v6 =	vld [tilespmem:$0x1A0];
	[tilespmem:$0x100] =	vst v9;
	vm1 =	vmand vm1, vm4;
	v16 =	vnsel vm2, $0x6400, v16;
	vm2 =	vgt.s32 v13, $0xFFFFFFFF  }
0x5b: {  	s28 =	simm.s32 $0x20;
	v8 =	vld [tilespmem:$0x1E0];
	v9 =	vsub.s32 v14, v0;
	vm3 =	vlt.s32 v13, v1;
	v14 =	vsub.s32 v15, v0;
	[tilespmem:$0x130] =	vst v16  }
.LBB2_4:
0x5c: {  	p4 =	sne.s32 s28, $0x1860;
	vm2 =	vmand vm2, vm3;
	vm3 =	vgt.s32 v14, $0xFFFFFFFF;
	v10 =	vsub.s32 v10, v0;
	s29 =	smov.u32 s28;
	s28 =	sadd.s32 $0x20, s28  }
0x5d: {  	v11 =	vsub.s32 v11, v0;
	v13 =	vnsel vm2, $0x6400, v13;
	vm2 =	vlt.s32 v14, v1  }
0x5e: {  	vm4 =	vlt.s32 v9, v1;
	[tilespmem:$0x140] =	vst v13;
	vm2 =	vmand vm3, vm2;
	v12 =	vsub.s32 v12, v0  }
0x5f: {  	vm3 =	vgt.s32 v9, $0xFFFFFFFF;
	v13 =	vnsel vm2, $0x6400, v14;
	vm2 =	vgt.s32 v12, $0xFFFFFFFF  }
0x60: {  	v5 =	vsub.s32 v5, v0;
	vm4 =	vmand vm3, vm4;
	vm3 =	vlt.s32 v12, v1;
	[tilespmem:$0x160] =	vst v13  }
0x61: {  	v3 =	vnsel vm0, $0x6400, v3;
	vm0 =	vgt.s32 v5, $0xFFFFFFFF;
	vm5 =	vlt.s32 v11, v1  }
0x62: {  	vm6 =	vlt.s32 v10, v1;
	[tilespmem:$0x150] =	vst v3;
	v3 =	vsub.s32 v6, v0;
	v6 =	vsub.s32 v7, v0  }
0x63: {  	vm7 =	vlt.s32 v5, v1;
	vm8 =	vgt.s32 v10, $0xFFFFFFFF;
	v7 =	vsub.s32 v8, v0  }
0x64: {  	v8 =	vnsel vm4, $0x6400, v9;
	vm4 =	vgt.s32 v3, $0xFFFFFFFF;
	vm9 =	vlt.s32 v3, v1  }
0x65: {  	vm10 =	vlt.s32 v6, v1;
	vm4 =	vmand vm4, vm9;
	vm9 =	vgt.s32 v6, $0xFFFFFFFF  }
0x66: {  	v4 =	vnsel vm1, $0x6400, v4;
	vm1 =	vgt.s32 v11, $0xFFFFFFFF;
	vm9 =	vmand vm9, vm10;
	[tilespmem:$0x120] =	vst v8  }
0x67: {  	vm1 =	vmand vm1, vm5;
	v3 =	vnsel vm4, $0x6400, v3;
	[tilespmem:$0x110] =	vst v4;
	v4 =	vnsel vm9, $0x6400, v6  }
0x68: {  	vm4 =	vmand vm8, vm6;
	v6 =	vnsel vm1, $0x6400, v11;
	vm1 =	vmand vm2, vm3;
	[tilespmem:$0x1C0] =	vst v4  }
0x69: {  	vm0 =	vmand vm0, vm7;
	v4 =	vnsel vm4, $0x6400, v10;
	[tilespmem:$0x190] =	vst v6;
	v6 =	vnsel vm1, $0x6400, v12  }
0x6a: {  	v5 =	vnsel vm0, $0x6400, v5;
	vm0 =	vgt.s32 v7, $0xFFFFFFFF;
	vm1 =	vlt.s32 v7, v1;
	[tilespmem:$0x180] =	vst v4  }
0x6b: {  	vm0 =	vmand vm0, vm1;
	[tilespmem:$0x1D0] =	vst v6  }
0x6c: {  	v4 =	vnsel vm0, $0x6400, v7;
	[tilespmem:$0x170] =	vst v5  }
0x6d: {  	[tilespmem:$0x1E0] =	vst v4  }
0x6e: {  	[tilespmem:$0x1A0] =	vst v3  }
0x6f: {  	[tilespmem:s19], [sflag:$0x1] =	stream.indirect.gather [hbm4b:s4+s22], $0x40, s2, s22, $0xb8;
	[tilespmem:$0x1D220] =	vst v63  }
0x70: {  	_ =	swait.ge [sflag:s23], $0x4000  }
0x71: {  	[sflag:s23] =	ssyncset.done $0x0  }
0x72: {  	[sflag:s23] =	ssyncadd.s32 $0xFFFFC000  }
0x73: {  	[spmem:s1] =	stream.indirect.scatter.add.f32 [tilespmem:s19], [sflag:$0x2], $0x40, s22, s22, $0xb8;
	[tilespmem:$0x1D220] =	vst v63  }
0x74: {  	_ =	swait.ge [sflag:s20], $0x4000  }
0x75: {  	[sflag:s20] =	ssyncset.done $0x0  }
0x76: {  	s30 =	sadd.s32 s29, s18;
	[sflag:s20] =	ssyncadd.s32 $0xFFFFC000  }
0x77: {  	[tilespmem:s2], [sflag:$0x2] =	stream.linear.gather [hbm4b:s30+s2], $0x100, $0x38;
	[tilespmem:$0x1D220] =	vst v63  }
0x78: {  	_ =	swait.ge [sflag:s20], $0x100  }
0x79: {  	[sflag:s20] =	ssyncset.done $0x0  }
0x7a: {  	s29 =	sadd.s32 s29, s17;
	[sflag:s20] =	ssyncadd.s32 $0xFFFFFF00  }
0x7b: {  	[tilespmem:s22], [sflag:$0x2] =	stream.linear.gather [hbm4b:s29+s2], $0x100, $0x38;
	[tilespmem:$0x1D220] =	vst v63  }
0x7c: {  	_ =	swait.ge [sflag:s20], $0x100  }
0x7d: {  	[sflag:s20] =	ssyncset.done $0x0  }
0x7e: {  	[sflag:s20] =	ssyncadd.s32 $0xFFFFFF00  }
0x7f: {  	v3 =	vld [tilespmem:$0x1F0]  }
0x80: {  	v4 =	vld [tilespmem:$0x1B0]  }
0x81: {  	v6 =	vld [tilespmem:$0x130]  }
0x82: {  	v5 =	vld [tilespmem:$0x150]  }
0x83: {  	v7 =	vld [tilespmem:$0x100]  }
0x84: {  	v8 =	vld [tilespmem:$0x110];
	v9 =	vsub.s32 v3, v0  }
0x85: {  	v12 =	vld [tilespmem:$0x140];
	v4 =	vsub.s32 v4, v0;
	vm0 =	vgt.s32 v9, $0xFFFFFFFF;
	vm1 =	vlt.s32 v9, v1  }
0x86: {  	v14 =	vld [tilespmem:$0x120];
	vm2 =	vgt.s32 v4, $0xFFFFFFFF;
	vm3 =	vlt.s32 v4, v1  }
0x87: {  	vm0 =	vmand vm0, vm1;
	v3 =	vsub.s32 v5, v0;
	v15 =	vld [tilespmem:$0x160];
	vm2 =	vmand vm2, vm3  }
0x88: {  	v7 =	vsub.s32 v7, v0;
	vm1 =	vgt.s32 v3, $0xFFFFFFFF;
	v5 =	vld [tilespmem:$0x170];
	v4 =	vnsel vm2, $0x6400, v4  }
0x89: {  	vm3 =	vlt.s32 v3, v1;
	vm2 =	vgt.s32 v7, $0xFFFFFFFF;
	v10 =	vld [tilespmem:$0x180];
	[tilespmem:$0x1B0] =	vst v4;
	v4 =	vnsel vm0, $0x6400, v9  }
0x8a: {  	vm4 =	vlt.s32 v7, v1;
	v9 =	vsub.s32 v6, v0;
	vm0 =	vmand vm1, vm3;
	v11 =	vld [tilespmem:$0x190];
	[tilespmem:$0x1F0] =	vst v4  }
.Ltmp1:
0x8b: {  	vm1 =	vmand vm2, vm4;
	v4 =	vsub.s32 v8, v0;
	vm2 =	vgt.s32 v9, $0xFFFFFFFF;
	v6 =	vld [tilespmem:$0x1A0];
	(pc) =	sbr.rel @p4 .LBB2_4-.Ltmp1, $4  }
0x8c: {  	vm3 =	vlt.s32 v9, v1;
	v8 =	vnsel vm1, $0x6400, v7;
	vm1 =	vgt.s32 v4, $0xFFFFFFFF;
	v7 =	vld [tilespmem:$0x1C0]  }
0x8d: {  	v13 =	vsub.s32 v12, v0;
	vm4 =	vlt.s32 v4, v1;
	vm2 =	vmand vm2, vm3;
	v12 =	vld [tilespmem:$0x1D0]  }
0x8e: {  	vm1 =	vmand vm1, vm4;
	v16 =	vnsel vm2, $0x6400, v9;
	vm2 =	vgt.s32 v13, $0xFFFFFFFF;
	[tilespmem:$0x100] =	vst v8;
	v8 =	vld [tilespmem:$0x1E0]  }
0x8f: {  	vm3 =	vlt.s32 v13, v1;
	v9 =	vsub.s32 v14, v0;
	v14 =	vsub.s32 v15, v0;
	[tilespmem:$0x130] =	vst v16  }
0x90: {  	vm2 =	vmand vm2, vm3;
	vm9 =	vgt.s32 v14, $0xFFFFFFFF  }
0x91: {  	v10 =	vsub.s32 v10, v0;
	vm10 =	vlt.s32 v14, v1;
	v11 =	vsub.s32 v11, v0  }
0x92: {  	vm4 =	vlt.s32 v9, v1;
	vm11 =	vgt.s32 v9, $0xFFFFFFFF;
	v5 =	vsub.s32 v5, v0  }
0x93: {  	v3 =	vnsel vm0, $0x6400, v3;
	v6 =	vsub.s32 v6, v0;
	v4 =	vnsel vm1, $0x6400, v4  }
0x94: {  	v13 =	vnsel vm2, $0x6400, v13;
	vm2 =	vmand vm9, vm10;
	vm3 =	vmand vm11, vm4  }
0x95: {  	vm12 =	vgt.s32 v5, $0xFFFFFFFF;
	vm5 =	vlt.s32 v11, v1;
	vm6 =	vlt.s32 v10, v1  }
0x96: {  	v7 =	vsub.s32 v7, v0;
	vm7 =	vlt.s32 v5, v1;
	vm8 =	vgt.s32 v10, $0xFFFFFFFF;
	[tilespmem:$0x150] =	vst v3  }
0x97: {  	vm14 =	vgt.s32 v11, $0xFFFFFFFF;
	[tilespmem:$0x110] =	vst v4;
	vm15 =	vgt.s32 v6, $0xFFFFFFFF;
	v12 =	vsub.s32 v12, v0  }
0x98: {  	v57 =	vnsel vm2, $0x6400, v14;
	[tilespmem:$0x140] =	vst v13;
	v3 =	vnsel vm3, $0x6400, v9;
	vm13 =	vgt.s32 v7, $0xFFFFFFFF  }
0x99: {  	vm9 =	vlt.s32 v7, v1;
	vm1 =	vmand vm14, vm5;
	vm0 =	vmand vm12, vm7;
	[tilespmem:$0x160] =	vst v57  }
0x9a: {  	vm2 =	vgt.s32 v12, $0xFFFFFFFF;
	vm4 =	vlt.s32 v12, v1;
	[tilespmem:$0x120] =	vst v3;
	v59 =	vnsel vm1, $0x6400, v11  }
0x9b: {  	vm3 =	vmand vm13, vm9;
	v3 =	vsub.s32 v8, v0;
	v62 =	vnsel vm0, $0x6400, v5;
	[tilespmem:$0x190] =	vst v59  }
0x9c: {  	vm9 =	vmand vm8, vm6;
	vm13 =	vlt.s32 v6, v1;
	v58 =	vnsel vm3, $0x6400, v7;
	[tilespmem:$0x170] =	vst v62  }
0x9d: {  	vm10 =	vmand vm2, vm4;
	v60 =	vnsel vm9, $0x6400, v10;
	vm11 =	vgt.s32 v3, $0xFFFFFFFF;
	[tilespmem:$0x1C0] =	vst v58  }
0x9e: {  	vm12 =	vlt.s32 v3, v1;
	vm15 =	vmand vm15, vm13;
	v61 =	vnsel vm10, $0x6400, v12;
	[tilespmem:$0x180] =	vst v60  }
0x9f: {  	vm14 =	vmand vm11, vm12;
	v63 =	vnsel vm15, $0x6400, v6;
	[tilespmem:$0x1D0] =	vst v61  }
0xa0: {  	v3 =	vnsel vm14, $0x6400, v3;
	[tilespmem:$0x1A0] =	vst v63  }
0xa1: {  	[tilespmem:$0x1E0] =	vst v3  }
0xa2: {  	[tilespmem:s19], [sflag:$0x1] =	stream.indirect.gather [hbm4b:s4+s22], $0x40, s2, s22, $0xb8;
	[tilespmem:$0x1D220] =	vst v63  }
0xa3: {  	_ =	swait.ge [sflag:s23], $0x4000  }
0xa4: {  	[sflag:s23] =	ssyncset.done $0x0  }
0xa5: {  	[sflag:s23] =	ssyncadd.s32 $0xFFFFC000  }
0xa6: {  	[spmem:s1] =	stream.indirect.scatter.add.f32 [tilespmem:s19], [sflag:$0x2], $0x40, s22, s22, $0xb8;
	[tilespmem:$0x1D220] =	vst v63  }
0xa7: {  	_ =	swait.ge [sflag:s20], $0x4000  }
0xa8: {  	[sflag:s20] =	ssyncset.done $0x0  }
0xa9: {  	s28 =	sshll.u32 @!p2 s3, $0x6;
	[sflag:s20] =	ssyncadd.s32 $0xFFFFC000  }
0xaa: {  	s28 =	sor.u32 @!p2 $0x1C02, s28;
	[bflag:$0x0] =	sbarrier.arrive $0xFFFF  }
0xab: {  	[hbm:s13], [sflag:s28] =	dma.local @!p2 [spmem:s21], $0x3100  }
0xac: {  	s28 =	simm.s32 @!p2 $0x2  }
0xad: {  	_ =	swait.ge @!p2 [sflag:s28], $0x3100  }
0xae: {  	[sflag:s28] =	ssyncset.done @!p2 $0x0  }
0xaf: {  	[sflag:s28] =	ssyncadd.s32 @!p2 $0xFFFFCF00;
	s28 =	simm.s32 @!p3 $0x1FC2  }
0xb0: {  	[hbm:s14], [sflag:s28] =	dma.local @!p3 [spmem:s24], $0x2F40  }
0xb1: {  	s28 =	simm.s32 @!p3 $0x2  }
0xb2: {  	_ =	swait.ge @!p3 [sflag:s28], $0x2F40  }
0xb3: {  	s29 =	sshll.u32 @p0 s3, $0x6;
	s26 =	sadd.s32 $0x1, s26;
	[sflag:s28] =	ssyncset.done @!p3 $0x0  }
0xb4: {  	p4 =	sne.s32 s26, s16;
	[sflag:s28] =	ssyncadd.s32 @!p3 $0xFFFFD0C0;
	s28 =	sor.u32 @p0 $0x1C02, s29  }
0xb5: {  	[hbm:s15], [sflag:s28] =	dma.local @p0 [spmem:s25], $0x30C0  }
.Ltmp2:
0xb6: {  	_ = 	snop;
	(pc) =	sbr.rel @p4 .LBB2_1-.Ltmp2, $4  }
0xb7: {  	s28 =	simm.s32 @p0 $0x2  }
0xb8: {  	_ =	swait.ge @p0 [sflag:s28], $0x30C0  }
0xb9: {  	[sflag:s28] =	ssyncset.done @p0 $0x0  }
0xba: {  	[sflag:s28] =	ssyncadd.s32 @p0 $0xFFFFCF40  }
0xbb: {  	_ =	sfence.sel $0x180000  }
0xbc: {  	[bflag:$0x0] =	sbarrier.arrive $0xFFFF  }
0xbd: {  	_ =	strace $0x90000050  }
0xbe: {  	s0 =	sadd.s32 @!p1 $0x100000, s0;
	[bflag:$0x2] =	sbarrier.arrive $0xFFFF  }
0xbf: {  	[sflag:s0] =	ssyncadd.tile.s32 @!p1 $0x1;
	_ =	shalt  }
.Lfunc_end2:
_tile_overlayer_lowered:
.L_overlay_start_2:
0xc0: {  	(tag) =	ssettag $0x2  }
0xc1: {  	s0 =	rddreg [dreg:$0x0];
	s2 =	stileid.u32  }
0xc2: {  	s1 =	rddreg [dreg:$0x1];
	p0 =	sne.s32 s2, $0x0  }
0xc3: {  	s3 =	rddreg [dreg:$0x2];
	[bflag:$0x3] =	sbarrier.arrive $0xFFFF;
	s2 =	simm.s32 @!p0 $0x1C02  }
0xc4: {  	[timem:s3], [sflag:s2] =	dma.local @!p0 [hbm:s0], s1  }
0xc5: {  	s0 =	simm.s32 @!p0 $0x2  }
0xc6: {  	_ =	swait.ge @!p0 [sflag:s0], s1  }
0xc7: {  	s1 =	ssub.s32 @!p0 $0x0, s1;
	[sflag:s0] =	ssyncset.done @!p0 $0x0  }
0xc8: {  	[sflag:s0] =	ssyncadd.s32 @!p0 s1  }
0xc9: {  	[bflag:$0x3] =	sbarrier.arrive $0xFFFF  }
0xca: {  	_ =	shalt  }

</sc_bundles>
